<compile_context>
chip_gen: v7x
topology: tpu7x:2x2x1
jax: 0.10.2.dev20260603
libtpu: 0.0.44.dev20260713+nightly
codegen_flags: <defaults>
</compile_context>

<pallas_src>
import functools

import jax
import jax.numpy as jnp
from jax import lax
from jax.experimental import pallas as pl
from jax.experimental.pallas import tpu as pltpu
from jax.experimental.pallas import tpu_sc as plsc

HIDDEN = 2048
NUM_EXPERTS = 64
TOP_K = 8
TOKENS = 16384

MM_BLK = 512
RING = 4
NC, NS, L = 2, 16, 16
NW = NC * NS
CHUNK_SIZES = (4096, 4096, 4096, 4096)


def _make_mm_body(start, size):
    nblk = size // MM_BLK

    def body(x_hbm, w_ref, logits_ref, xbuf, sems):
        def dma(i):
            return pltpu.make_async_copy(
                x_hbm.at[pl.ds(start + i * MM_BLK, MM_BLK)],
                xbuf.at[i % RING], sems.at[i % RING])

        for i in range(min(RING - 1, nblk)):
            dma(i).start()
        w = w_ref[...]
        for i in range(nblk):
            dma(i).wait()
            if i + RING - 1 < nblk:
                dma(i + RING - 1).start()
            logits_ref[:, pl.ds(i * MM_BLK, MM_BLK)] = jax.lax.dot_general(
                w, xbuf[i % RING],
                dimension_numbers=(((1,), (1,)), ((), ())),
                preferred_element_type=jnp.float32)

    return body


def _tc_logits_t_chunk(hidden_states, gate_weight, start, size):
    return pl.pallas_call(
        _make_mm_body(start, size),
        in_specs=[
            pl.BlockSpec(memory_space=pl.ANY),
            pl.BlockSpec((NUM_EXPERTS, HIDDEN), lambda: (0, 0)),
        ],
        out_specs=pl.BlockSpec((NUM_EXPERTS, size), lambda: (0, 0)),
        out_shape=jax.ShapeDtypeStruct((NUM_EXPERTS, size), jnp.float32),
        scratch_shapes=[
            pltpu.VMEM((RING, MM_BLK, HIDDEN), jnp.float32),
            pltpu.SemaphoreType.DMA((RING,)),
        ],
    )(hidden_states, gate_weight)


def _merge(ak, av, bk, bv, descending):
    take_a = (ak > bk) | ((ak == bk) & (av < bv))
    mk = jnp.where(take_a, ak, bk)
    mv = jnp.where(take_a, av, bv)
    return plsc.sort_key_val(mk, mv, descending=descending)


def _make_sc_route(cols):
    c_per_w = cols // NW
    mesh = plsc.VectorSubcoreMesh(core_axis_name="c", subcore_axis_name="s")

    @functools.partial(
        pl.kernel,
        mesh=mesh,
        out_type=[
            jax.ShapeDtypeStruct((TOP_K, cols), jnp.int32),
            jax.ShapeDtypeStruct((TOP_K, cols), jnp.float32),
        ],
        scratch_types=[
            pltpu.VMEM((NUM_EXPERTS, c_per_w + 1), jnp.float32),
            pltpu.VMEM((TOP_K, c_per_w + 1), jnp.int32),
            pltpu.VMEM((TOP_K, c_per_w + 1), jnp.float32),
        ],
        compiler_params=pltpu.CompilerParams(needs_layout_passes=False),
    )
    def sc_topk(logits_hbm, ids_hbm, wts_hbm, lg_v, ids_v, wts_v):
        wid = lax.axis_index("s") * NC + lax.axis_index("c")
        base = wid * c_per_w
        pltpu.sync_copy(logits_hbm.at[:, pl.ds(base, c_per_w)],
                        lg_v.at[:, pl.ds(0, c_per_w)])

        lane = lax.iota(jnp.int32, L)
        lane8 = lane < TOP_K

        @plsc.parallel_loop(0, c_per_w, unroll=4)
        def tok_body(t):
            tcol = jnp.full((L,), 0, jnp.int32) + t
            sorted_kv = []
            for c in range(NUM_EXPERTS // L):
                k = plsc.load_gather(lg_v, [lane + c * L, tcol])
                sorted_kv.append(plsc.sort_key_val(
                    k, lane + c * L, descending=(c % 2 == 0)))
            t01 = _merge(*sorted_kv[0], *sorted_kv[1], descending=True)
            t23 = _merge(*sorted_kv[2], *sorted_kv[3], descending=False)
            fk, fv = _merge(*t01, *t23, descending=True)
            e = jnp.exp(fk)
            e8 = jnp.where(lane8, e, 0.0)
            w = e8 / jnp.sum(e8)
            plsc.store_scatter(ids_v, [lane, tcol], fv, mask=lane8)
            plsc.store_scatter(wts_v, [lane, tcol], w, mask=lane8)

        pltpu.sync_copy(ids_v.at[:, pl.ds(0, c_per_w)],
                        ids_hbm.at[:, pl.ds(base, c_per_w)])
        pltpu.sync_copy(wts_v.at[:, pl.ds(0, c_per_w)],
                        wts_hbm.at[:, pl.ds(base, c_per_w)])

    return sc_topk


_sc_route_by_size = {s: _make_sc_route(s) for s in sorted(set(CHUNK_SIZES))}


@jax.jit
def kernel(hidden_states, gate_weight):
    lg_chunks, id_chunks, wt_chunks = [], [], []
    start = 0
    for size in CHUNK_SIZES:
        lg_t = _tc_logits_t_chunk(hidden_states, gate_weight, start, size)
        ids_t, wts_t = _sc_route_by_size[size](lg_t)
        lg_chunks.append(lg_t)
        id_chunks.append(ids_t)
        wt_chunks.append(wts_t)
        start += size
    logits = jnp.concatenate(lg_chunks, axis=1).T
    ids = jnp.concatenate(id_chunks, axis=1).T
    wts = jnp.concatenate(wt_chunks, axis=1).T
    return ids, wts, logits

# --- scband reference (transcript-rebuilt; emitter-appended) ---
"""Pipeline reference for scband-mo-erouter-80676665688766 (READ-ONLY COPY).

The authoritative reference and input builder live on the scoring server;
editing this copy changes nothing except your own understanding.
"""

import jax, jax.numpy as jnp
import numpy as np

HIDDEN = 2048
NUM_EXPERTS = 64
TOP_K = 8
TOKENS = 16384


def setup_inputs(seed: int = 0) -> dict:
    key = jax.random.key(seed)
    k1, k2 = jax.random.split(key)
    hidden_states = jax.random.normal(k1, (TOKENS, HIDDEN), dtype=jnp.float32)
    # nn.Linear(hidden, num_experts, bias=False) weight: [num_experts, hidden]
    bound = 1.0 / np.sqrt(HIDDEN)
    gate_weight = jax.random.uniform(k2, (NUM_EXPERTS, HIDDEN), dtype=jnp.float32, minval=-bound, maxval=bound)
    return {"hidden_states": hidden_states, "gate_weight": gate_weight}


def reference(hidden_states, gate_weight):
    # logits = self.gate(hidden_states)  -> x @ W.T
    logits = hidden_states @ gate_weight.T
    # topk_logits, topk_ids = logits.topk(self.top_k, dim=-1)
    topk_logits, topk_ids = jax.lax.top_k(logits, TOP_K)
    # weights = F.softmax(topk_logits, dim=-1)
    weights = jax.nn.softmax(topk_logits, axis=-1)
    return (topk_ids, weights, logits)

if __name__ == "__main__":
    import jax
    _d = setup_inputs()
    print(jax.jit(kernel)(*tuple(_d.values())))

</pallas_src>

<mosaic_0001>
#map = affine_map<(d0, d1) -> (0, 0)>
module attributes {stable_mosaic.version = 14 : i64} {
  func.func @sc_topk(%arg0: i32, %arg1: i32, %arg2: memref<64x4096xf32, #tpu.memory_space<hbm>>, %arg3: memref<8x4096xi32, #tpu.memory_space<hbm>>, %arg4: memref<8x4096xf32, #tpu.memory_space<hbm>>, %arg5: memref<64x129xf32, #tpu.memory_space<vmem>>, %arg6: memref<8x129xi32, #tpu.memory_space<vmem>>, %arg7: memref<8x129xf32, #tpu.memory_space<vmem>>) attributes {dimension_semantics = [#tpu.dimension_semantics<core_parallel>, #tpu.dimension_semantics<subcore_parallel>], iteration_bounds = array<i64: 2, 16>, scalar_prefetch = 0 : i64, scratch_operands = 3 : i64, tpu.core_type = #tpu.core_type<sc_vector_subcore>, window_params = [{transform_indices = #map}, {transform_indices = #map}, {transform_indices = #map}]} {
    %mul3A = arith.constant 2 : i32
    %mul3A_0 = arith.muli %arg1, %mul3A : i32
    %add3A = arith.addi %mul3A_0, %arg0 : i32
    %mul3A_1 = arith.constant 128 : i32
    %mul3A_2 = arith.muli %add3A, %mul3A_1 : i32
    "tpu.region"() ({
      %run_scoped3A = tpu.sem_alloc : memref<!tpu.dma_semaphore, #tpu.memory_space<semaphore_mem>>
      %dma_start3A = arith.constant 0 : i32
      %dma_start3A_7 = arith.constant 0 : i32
      %dma_start3A_8 = tpu.memref_slice %arg5[%dma_start3A, %dma_start3A_7] : memref<64x129xf32, #tpu.memory_space<vmem>> -> memref<64x128xf32, #tpu.memory_space<vmem>>
      %dma_start3A_9 = arith.constant 0 : i32
      %dma_start3A_10 = tpu.memref_slice %arg2[%dma_start3A_9, %mul3A_2] : memref<64x4096xf32, #tpu.memory_space<hbm>> -> memref<64x128xf32, #tpu.memory_space<hbm>>
      %dma_start3A_11 = arith.constant 0 : i32
      %dma_start3A_12 = arith.constant 0 : i32
      %dma_start3A_13 = tpu.memref_slice %arg5[%dma_start3A_11, %dma_start3A_12] : memref<64x129xf32, #tpu.memory_space<vmem>> -> memref<64x128xf32, #tpu.memory_space<vmem>>
      %dma_start3A_14 = arith.constant 0 : i32
      %dma_start3A_15 = tpu.memref_slice %arg2[%dma_start3A_14, %mul3A_2] : memref<64x4096xf32, #tpu.memory_space<hbm>> -> memref<64x128xf32, #tpu.memory_space<hbm>>
      tpu.enqueue_dma source(%dma_start3A_15 : memref<64x128xf32, #tpu.memory_space<hbm>>) target(%dma_start3A_13 : memref<64x128xf32, #tpu.memory_space<vmem>>) target_semaphore(%run_scoped3A : memref<!tpu.dma_semaphore, #tpu.memory_space<semaphore_mem>>)
      %dma_wait3A = arith.constant 0 : i32
      %dma_wait3A_16 = arith.constant 0 : i32
      %dma_wait3A_17 = tpu.memref_slice %arg5[%dma_wait3A, %dma_wait3A_16] : memref<64x129xf32, #tpu.memory_space<vmem>> -> memref<64x128xf32, #tpu.memory_space<vmem>>
      %dma_wait3A_18 = arith.constant 0 : i32
      %dma_wait3A_19 = tpu.memref_slice %arg2[%dma_wait3A_18, %mul3A_2] : memref<64x4096xf32, #tpu.memory_space<hbm>> -> memref<64x128xf32, #tpu.memory_space<hbm>>
      %dma_wait3A_20 = arith.constant 0 : i32
      %dma_wait3A_21 = arith.constant 0 : i32
      %dma_wait3A_22 = tpu.memref_slice %arg5[%dma_wait3A_20, %dma_wait3A_21] : memref<64x129xf32, #tpu.memory_space<vmem>> -> memref<64x128xf32, #tpu.memory_space<vmem>>
      %dma_wait3A_23 = arith.constant 0 : i32
      %dma_wait3A_24 = tpu.memref_slice %arg2[%dma_wait3A_23, %mul3A_2] : memref<64x4096xf32, #tpu.memory_space<hbm>> -> memref<64x128xf32, #tpu.memory_space<hbm>>
      tpu.wait_dma2 semaphore(%run_scoped3A : memref<!tpu.dma_semaphore, #tpu.memory_space<semaphore_mem>>) src(%dma_wait3A_24 : memref<64x128xf32, #tpu.memory_space<hbm>>) dst(%dma_wait3A_22 : memref<64x128xf32, #tpu.memory_space<vmem>>)
      tpu.yield
    }) : () -> ()
    %iota3A = tpu.iota {dimensions = array<i32: 0>} : vector<16xi32>
    %lt3A = arith.constant 8 : i32
    %lt3A_3 = vector.broadcast %lt3A : i32 to vector<16xi32>
    %lt3A_4 = arith.cmpi slt, %iota3A, %lt3A_3 : vector<16xi32>
    %parallel_loop3A = arith.constant 0 : i32
    %parallel_loop3A_5 = arith.constant 128 : i32
    %parallel_loop3A_6 = arith.constant 1 : i32
    scf.for %parallel_loop3A_7 = %parallel_loop3A to %parallel_loop3A_5 step %parallel_loop3A_6  : i32 {
      %parallel_loop3A_8 = arith.constant 0 : i32
      %parallel_loop3A_9 = vector.broadcast %parallel_loop3A_8 : i32 to vector<16xi32>
      %parallel_loop3A_10 = vector.broadcast %parallel_loop3A_7 : i32 to vector<16xi32>
      %parallel_loop3A_11 = arith.addi %parallel_loop3A_9, %parallel_loop3A_10 : vector<16xi32>
      %parallel_loop3A_12 = arith.constant 0 : i32
      %parallel_loop3A_13 = vector.broadcast %parallel_loop3A_12 : i32 to vector<16xi32>
      %parallel_loop3A_14 = arith.addi %iota3A, %parallel_loop3A_13 : vector<16xi32>
      %parallel_loop3A_15 = tpu.vector_load_idx %arg5[%parallel_loop3A_14, %parallel_loop3A_11] : memref<64x129xf32, #tpu.memory_space<vmem>>[vector<16xi32>, vector<16xi32>], vector<16xf32>,
      %parallel_loop3A_16 = arith.constant 0 : i32
      %parallel_loop3A_17 = vector.broadcast %parallel_loop3A_16 : i32 to vector<16xi32>
      %parallel_loop3A_18 = arith.addi %iota3A, %parallel_loop3A_17 : vector<16xi32>
      %parallel_loop3A_19 = arith.constant dense<true> : vector<16xi1>
      %parallel_loop3A_20, %parallel_loop3A_21, %parallel_loop3A_22 = tpu.sort %parallel_loop3A_15, %parallel_loop3A_18 masked %parallel_loop3A_19 {descending = true} : (vector<16xf32>, vector<16xi32>, vector<16xi1>) -> (vector<16xi1>, vector<16xf32>, vector<16xi32>)
      %parallel_loop3A_23 = arith.constant 16 : i32
      %parallel_loop3A_24 = vector.broadcast %parallel_loop3A_23 : i32 to vector<16xi32>
      %parallel_loop3A_25 = arith.addi %iota3A, %parallel_loop3A_24 : vector<16xi32>
      %parallel_loop3A_26 = tpu.vector_load_idx %arg5[%parallel_loop3A_25, %parallel_loop3A_11] : memref<64x129xf32, #tpu.memory_space<vmem>>[vector<16xi32>, vector<16xi32>], vector<16xf32>,
      %parallel_loop3A_27 = arith.constant 16 : i32
      %parallel_loop3A_28 = vector.broadcast %parallel_loop3A_27 : i32 to vector<16xi32>
      %parallel_loop3A_29 = arith.addi %iota3A, %parallel_loop3A_28 : vector<16xi32>
      %parallel_loop3A_30 = arith.constant dense<true> : vector<16xi1>
      %parallel_loop3A_31, %parallel_loop3A_32, %parallel_loop3A_33 = tpu.sort %parallel_loop3A_26, %parallel_loop3A_29 masked %parallel_loop3A_30 : (vector<16xf32>, vector<16xi32>, vector<16xi1>) -> (vector<16xi1>, vector<16xf32>, vector<16xi32>)
      %parallel_loop3A_34 = arith.constant 32 : i32
      %parallel_loop3A_35 = vector.broadcast %parallel_loop3A_34 : i32 to vector<16xi32>
      %parallel_loop3A_36 = arith.addi %iota3A, %parallel_loop3A_35 : vector<16xi32>
      %parallel_loop3A_37 = tpu.vector_load_idx %arg5[%parallel_loop3A_36, %parallel_loop3A_11] : memref<64x129xf32, #tpu.memory_space<vmem>>[vector<16xi32>, vector<16xi32>], vector<16xf32>,
      %parallel_loop3A_38 = arith.constant 32 : i32
      %parallel_loop3A_39 = vector.broadcast %parallel_loop3A_38 : i32 to vector<16xi32>
      %parallel_loop3A_40 = arith.addi %iota3A, %parallel_loop3A_39 : vector<16xi32>
      %parallel_loop3A_41 = arith.constant dense<true> : vector<16xi1>
      %parallel_loop3A_42, %parallel_loop3A_43, %parallel_loop3A_44 = tpu.sort %parallel_loop3A_37, %parallel_loop3A_40 masked %parallel_loop3A_41 {descending = true} : (vector<16xf32>, vector<16xi32>, vector<16xi1>) -> (vector<16xi1>, vector<16xf32>, vector<16xi32>)
      %parallel_loop3A_45 = arith.constant 48 : i32
      %parallel_loop3A_46 = vector.broadcast %parallel_loop3A_45 : i32 to vector<16xi32>
      %parallel_loop3A_47 = arith.addi %iota3A, %parallel_loop3A_46 : vector<16xi32>
      %parallel_loop3A_48 = tpu.vector_load_idx %arg5[%parallel_loop3A_47, %parallel_loop3A_11] : memref<64x129xf32, #tpu.memory_space<vmem>>[vector<16xi32>, vector<16xi32>], vector<16xf32>,
      %parallel_loop3A_49 = arith.constant 48 : i32
      %parallel_loop3A_50 = vector.broadcast %parallel_loop3A_49 : i32 to vector<16xi32>
      %parallel_loop3A_51 = arith.addi %iota3A, %parallel_loop3A_50 : vector<16xi32>
      %parallel_loop3A_52 = arith.constant dense<true> : vector<16xi1>
      %parallel_loop3A_53, %parallel_loop3A_54, %parallel_loop3A_55 = tpu.sort %parallel_loop3A_48, %parallel_loop3A_51 masked %parallel_loop3A_52 : (vector<16xf32>, vector<16xi32>, vector<16xi1>) -> (vector<16xi1>, vector<16xf32>, vector<16xi32>)
      %parallel_loop3A_56 = arith.cmpf ogt, %parallel_loop3A_21, %parallel_loop3A_32 : vector<16xf32>
      %parallel_loop3A_57 = arith.cmpf oeq, %parallel_loop3A_21, %parallel_loop3A_32 : vector<16xf32>
      %parallel_loop3A_58 = arith.cmpi slt, %parallel_loop3A_22, %parallel_loop3A_33 : vector<16xi32>
      %parallel_loop3A_59 = arith.andi %parallel_loop3A_57, %parallel_loop3A_58 : vector<16xi1>
      %parallel_loop3A_60 = arith.ori %parallel_loop3A_56, %parallel_loop3A_59 : vector<16xi1>
      %parallel_loop3A_61 = arith.select %parallel_loop3A_60, %parallel_loop3A_21, %parallel_loop3A_32 : vector<16xi1>, vector<16xf32>
      %parallel_loop3A_62 = arith.select %parallel_loop3A_60, %parallel_loop3A_22, %parallel_loop3A_33 : vector<16xi1>, vector<16xi32>
      %parallel_loop3A_63 = arith.constant dense<true> : vector<16xi1>
      %parallel_loop3A_64, %parallel_loop3A_65, %parallel_loop3A_66 = tpu.sort %parallel_loop3A_61, %parallel_loop3A_62 masked %parallel_loop3A_63 {descending = true} : (vector<16xf32>, vector<16xi32>, vector<16xi1>) -> (vector<16xi1>, vector<16xf32>, vector<16xi32>)
      %parallel_loop3A_67 = arith.cmpf ogt, %parallel_loop3A_43, %parallel_loop3A_54 : vector<16xf32>
      %parallel_loop3A_68 = arith.cmpf oeq, %parallel_loop3A_43, %parallel_loop3A_54 : vector<16xf32>
      %parallel_loop3A_69 = arith.cmpi slt, %parallel_loop3A_44, %parallel_loop3A_55 : vector<16xi32>
      %parallel_loop3A_70 = arith.andi %parallel_loop3A_68, %parallel_loop3A_69 : vector<16xi1>
      %parallel_loop3A_71 = arith.ori %parallel_loop3A_67, %parallel_loop3A_70 : vector<16xi1>
      %parallel_loop3A_72 = arith.select %parallel_loop3A_71, %parallel_loop3A_43, %parallel_loop3A_54 : vector<16xi1>, vector<16xf32>
      %parallel_loop3A_73 = arith.select %parallel_loop3A_71, %parallel_loop3A_44, %parallel_loop3A_55 : vector<16xi1>, vector<16xi32>
      %parallel_loop3A_74 = arith.constant dense<true> : vector<16xi1>
      %parallel_loop3A_75, %parallel_loop3A_76, %parallel_loop3A_77 = tpu.sort %parallel_loop3A_72, %parallel_loop3A_73 masked %parallel_loop3A_74 : (vector<16xf32>, vector<16xi32>, vector<16xi1>) -> (vector<16xi1>, vector<16xf32>, vector<16xi32>)
      %parallel_loop3A_78 = arith.cmpf ogt, %parallel_loop3A_65, %parallel_loop3A_76 : vector<16xf32>
      %parallel_loop3A_79 = arith.cmpf oeq, %parallel_loop3A_65, %parallel_loop3A_76 : vector<16xf32>
      %parallel_loop3A_80 = arith.cmpi slt, %parallel_loop3A_66, %parallel_loop3A_77 : vector<16xi32>
      %parallel_loop3A_81 = arith.andi %parallel_loop3A_79, %parallel_loop3A_80 : vector<16xi1>
      %parallel_loop3A_82 = arith.ori %parallel_loop3A_78, %parallel_loop3A_81 : vector<16xi1>
      %parallel_loop3A_83 = arith.select %parallel_loop3A_82, %parallel_loop3A_65, %parallel_loop3A_76 : vector<16xi1>, vector<16xf32>
      %parallel_loop3A_84 = arith.select %parallel_loop3A_82, %parallel_loop3A_66, %parallel_loop3A_77 : vector<16xi1>, vector<16xi32>
      %parallel_loop3A_85 = arith.constant dense<true> : vector<16xi1>
      %parallel_loop3A_86, %parallel_loop3A_87, %parallel_loop3A_88 = tpu.sort %parallel_loop3A_83, %parallel_loop3A_84 masked %parallel_loop3A_85 {descending = true} : (vector<16xf32>, vector<16xi32>, vector<16xi1>) -> (vector<16xi1>, vector<16xf32>, vector<16xi32>)
      %parallel_loop3A_89 = math.exp %parallel_loop3A_87 : vector<16xf32>
      %parallel_loop3A_90 = arith.constant 0.000000e+00 : f32
      %parallel_loop3A_91 = vector.broadcast %parallel_loop3A_90 : f32 to vector<16xf32>
      %parallel_loop3A_92 = arith.select %lt3A_4, %parallel_loop3A_89, %parallel_loop3A_91 : vector<16xi1>, vector<16xf32>
      %parallel_loop3A_93 = arith.constant true
      %parallel_loop3A_94 = vector.broadcast %parallel_loop3A_93 : i1 to vector<16xi1>
      %parallel_loop3A_95 = tpu.scan <sum>, %parallel_loop3A_92 masked %parallel_loop3A_94 : vector<16xf32>, vector<16xi1> -> vector<16xf32>
      %parallel_loop3A_96 = vector.extract %parallel_loop3A_95[15] : f32 from vector<16xf32>
      %parallel_loop3A_97 = vector.broadcast %parallel_loop3A_96 : f32 to vector<16xf32>
      %parallel_loop3A_98 = arith.divf %parallel_loop3A_92, %parallel_loop3A_97 : vector<16xf32>
      tpu.vector_store_idx %arg6[%iota3A, %parallel_loop3A_11], %parallel_loop3A_88 masked %lt3A_4 : memref<8x129xi32, #tpu.memory_space<vmem>>[vector<16xi32>, vector<16xi32>], vector<16xi32>, vector<16xi1>
      tpu.vector_store_idx %arg7[%iota3A, %parallel_loop3A_11], %parallel_loop3A_98 masked %lt3A_4 : memref<8x129xf32, #tpu.memory_space<vmem>>[vector<16xi32>, vector<16xi32>], vector<16xf32>, vector<16xi1>
    } {sc.loop_unroll_factor = 4 : i64, sc.parallel_access}
    "tpu.region"() ({
      %run_scoped3A = tpu.sem_alloc : memref<!tpu.dma_semaphore, #tpu.memory_space<semaphore_mem>>
      %dma_start3A = arith.constant 0 : i32
      %dma_start3A_7 = arith.constant 0 : i32
      %dma_start3A_8 = tpu.memref_slice %arg6[%dma_start3A, %dma_start3A_7] : memref<8x129xi32, #tpu.memory_space<vmem>> -> memref<8x128xi32, #tpu.memory_space<vmem>>
      %dma_start3A_9 = arith.constant 0 : i32
      %dma_start3A_10 = tpu.memref_slice %arg3[%dma_start3A_9, %mul3A_2] : memref<8x4096xi32, #tpu.memory_space<hbm>> -> memref<8x128xi32, #tpu.memory_space<hbm>>
      %dma_start3A_11 = arith.constant 0 : i32
      %dma_start3A_12 = tpu.memref_slice %arg3[%dma_start3A_11, %mul3A_2] : memref<8x4096xi32, #tpu.memory_space<hbm>> -> memref<8x128xi32, #tpu.memory_space<hbm>>
      %dma_start3A_13 = arith.constant 0 : i32
      %dma_start3A_14 = arith.constant 0 : i32
      %dma_start3A_15 = tpu.memref_slice %arg6[%dma_start3A_13, %dma_start3A_14] : memref<8x129xi32, #tpu.memory_space<vmem>> -> memref<8x128xi32, #tpu.memory_space<vmem>>
      tpu.enqueue_dma source(%dma_start3A_15 : memref<8x128xi32, #tpu.memory_space<vmem>>) target(%dma_start3A_12 : memref<8x128xi32, #tpu.memory_space<hbm>>) target_semaphore(%run_scoped3A : memref<!tpu.dma_semaphore, #tpu.memory_space<semaphore_mem>>)
      %dma_wait3A = arith.constant 0 : i32
      %dma_wait3A_16 = arith.constant 0 : i32
      %dma_wait3A_17 = tpu.memref_slice %arg6[%dma_wait3A, %dma_wait3A_16] : memref<8x129xi32, #tpu.memory_space<vmem>> -> memref<8x128xi32, #tpu.memory_space<vmem>>
      %dma_wait3A_18 = arith.constant 0 : i32
      %dma_wait3A_19 = tpu.memref_slice %arg3[%dma_wait3A_18, %mul3A_2] : memref<8x4096xi32, #tpu.memory_space<hbm>> -> memref<8x128xi32, #tpu.memory_space<hbm>>
      %dma_wait3A_20 = arith.constant 0 : i32
      %dma_wait3A_21 = tpu.memref_slice %arg3[%dma_wait3A_20, %mul3A_2] : memref<8x4096xi32, #tpu.memory_space<hbm>> -> memref<8x128xi32, #tpu.memory_space<hbm>>
      %dma_wait3A_22 = arith.constant 0 : i32
      %dma_wait3A_23 = arith.constant 0 : i32
      %dma_wait3A_24 = tpu.memref_slice %arg6[%dma_wait3A_22, %dma_wait3A_23] : memref<8x129xi32, #tpu.memory_space<vmem>> -> memref<8x128xi32, #tpu.memory_space<vmem>>
      tpu.wait_dma2 semaphore(%run_scoped3A : memref<!tpu.dma_semaphore, #tpu.memory_space<semaphore_mem>>) src(%dma_wait3A_24 : memref<8x128xi32, #tpu.memory_space<vmem>>) dst(%dma_wait3A_21 : memref<8x128xi32, #tpu.memory_space<hbm>>)
      tpu.yield
    }) : () -> ()
    "tpu.region"() ({
      %run_scoped3A = tpu.sem_alloc : memref<!tpu.dma_semaphore, #tpu.memory_space<semaphore_mem>>
      %dma_start3A = arith.constant 0 : i32
      %dma_start3A_7 = arith.constant 0 : i32
      %dma_start3A_8 = tpu.memref_slice %arg7[%dma_start3A, %dma_start3A_7] : memref<8x129xf32, #tpu.memory_space<vmem>> -> memref<8x128xf32, #tpu.memory_space<vmem>>
      %dma_start3A_9 = arith.constant 0 : i32
      %dma_start3A_10 = tpu.memref_slice %arg4[%dma_start3A_9, %mul3A_2] : memref<8x4096xf32, #tpu.memory_space<hbm>> -> memref<8x128xf32, #tpu.memory_space<hbm>>
      %dma_start3A_11 = arith.constant 0 : i32
      %dma_start3A_12 = tpu.memref_slice %arg4[%dma_start3A_11, %mul3A_2] : memref<8x4096xf32, #tpu.memory_space<hbm>> -> memref<8x128xf32, #tpu.memory_space<hbm>>
      %dma_start3A_13 = arith.constant 0 : i32
      %dma_start3A_14 = arith.constant 0 : i32
      %dma_start3A_15 = tpu.memref_slice %arg7[%dma_start3A_13, %dma_start3A_14] : memref<8x129xf32, #tpu.memory_space<vmem>> -> memref<8x128xf32, #tpu.memory_space<vmem>>
      tpu.enqueue_dma source(%dma_start3A_15 : memref<8x128xf32, #tpu.memory_space<vmem>>) target(%dma_start3A_12 : memref<8x128xf32, #tpu.memory_space<hbm>>) target_semaphore(%run_scoped3A : memref<!tpu.dma_semaphore, #tpu.memory_space<semaphore_mem>>)
      %dma_wait3A = arith.constant 0 : i32
      %dma_wait3A_16 = arith.constant 0 : i32
      %dma_wait3A_17 = tpu.memref_slice %arg7[%dma_wait3A, %dma_wait3A_16] : memref<8x129xf32, #tpu.memory_space<vmem>> -> memref<8x128xf32, #tpu.memory_space<vmem>>
      %dma_wait3A_18 = arith.constant 0 : i32
      %dma_wait3A_19 = tpu.memref_slice %arg4[%dma_wait3A_18, %mul3A_2] : memref<8x4096xf32, #tpu.memory_space<hbm>> -> memref<8x128xf32, #tpu.memory_space<hbm>>
      %dma_wait3A_20 = arith.constant 0 : i32
      %dma_wait3A_21 = tpu.memref_slice %arg4[%dma_wait3A_20, %mul3A_2] : memref<8x4096xf32, #tpu.memory_space<hbm>> -> memref<8x128xf32, #tpu.memory_space<hbm>>
      %dma_wait3A_22 = arith.constant 0 : i32
      %dma_wait3A_23 = arith.constant 0 : i32
      %dma_wait3A_24 = tpu.memref_slice %arg7[%dma_wait3A_22, %dma_wait3A_23] : memref<8x129xf32, #tpu.memory_space<vmem>> -> memref<8x128xf32, #tpu.memory_space<vmem>>
      tpu.wait_dma2 semaphore(%run_scoped3A : memref<!tpu.dma_semaphore, #tpu.memory_space<semaphore_mem>>) src(%dma_wait3A_24 : memref<8x128xf32, #tpu.memory_space<vmem>>) dst(%dma_wait3A_21 : memref<8x128xf32, #tpu.memory_space<hbm>>)
      tpu.yield
    }) : () -> ()
    return
  }
}

#map = affine_map<(d0, d1) -> (0, 0)>
module attributes {stable_mosaic.version = 14 : i64} {
  func.func @sc_topk(%arg0: i32, %arg1: i32, %arg2: memref<64x4096xf32, #tpu.memory_space<hbm>>, %arg3: memref<8x4096xi32, #tpu.memory_space<hbm>>, %arg4: memref<8x4096xf32, #tpu.memory_space<hbm>>, %arg5: memref<64x129xf32, #tpu.memory_space<vmem>>, %arg6: memref<8x129xi32, #tpu.memory_space<vmem>>, %arg7: memref<8x129xf32, #tpu.memory_space<vmem>>) attributes {dimension_semantics = [#tpu.dimension_semantics<core_parallel>, #tpu.dimension_semantics<subcore_parallel>], iteration_bounds = array<i64: 2, 16>, scalar_prefetch = 0 : i64, scratch_operands = 3 : i64, tpu.core_type = #tpu.core_type<sc_vector_subcore>, window_params = [{transform_indices = #map}, {transform_indices = #map}, {transform_indices = #map}]} {
    %mul3A = arith.constant 2 : i32
    %mul3A_0 = arith.muli %arg1, %mul3A : i32
    %add3A = arith.addi %mul3A_0, %arg0 : i32
    %mul3A_1 = arith.constant 128 : i32
    %mul3A_2 = arith.muli %add3A, %mul3A_1 : i32
    "tpu.region"() ({
      %run_scoped3A = tpu.sem_alloc : memref<!tpu.dma_semaphore, #tpu.memory_space<semaphore_mem>>
      %dma_start3A = arith.constant 0 : i32
      %dma_start3A_7 = arith.constant 0 : i32
      %dma_start3A_8 = tpu.memref_slice %arg5[%dma_start3A, %dma_start3A_7] : memref<64x129xf32, #tpu.memory_space<vmem>> -> memref<64x128xf32, #tpu.memory_space<vmem>>
      %dma_start3A_9 = arith.constant 0 : i32
      %dma_start3A_10 = tpu.memref_slice %arg2[%dma_start3A_9, %mul3A_2] : memref<64x4096xf32, #tpu.memory_space<hbm>> -> memref<64x128xf32, #tpu.memory_space<hbm>>
      %dma_start3A_11 = arith.constant 0 : i32
      %dma_start3A_12 = arith.constant 0 : i32
      %dma_start3A_13 = tpu.memref_slice %arg5[%dma_start3A_11, %dma_start3A_12] : memref<64x129xf32, #tpu.memory_space<vmem>> -> memref<64x128xf32, #tpu.memory_space<vmem>>
      %dma_start3A_14 = arith.constant 0 : i32
      %dma_start3A_15 = tpu.memref_slice %arg2[%dma_start3A_14, %mul3A_2] : memref<64x4096xf32, #tpu.memory_space<hbm>> -> memref<64x128xf32, #tpu.memory_space<hbm>>
      tpu.enqueue_dma source(%dma_start3A_15 : memref<64x128xf32, #tpu.memory_space<hbm>>) target(%dma_start3A_13 : memref<64x128xf32, #tpu.memory_space<vmem>>) target_semaphore(%run_scoped3A : memref<!tpu.dma_semaphore, #tpu.memory_space<semaphore_mem>>)
      %dma_wait3A = arith.constant 0 : i32
      %dma_wait3A_16 = arith.constant 0 : i32
      %dma_wait3A_17 = tpu.memref_slice %arg5[%dma_wait3A, %dma_wait3A_16] : memref<64x129xf32, #tpu.memory_space<vmem>> -> memref<64x128xf32, #tpu.memory_space<vmem>>
      %dma_wait3A_18 = arith.constant 0 : i32
      %dma_wait3A_19 = tpu.memref_slice %arg2[%dma_wait3A_18, %mul3A_2] : memref<64x4096xf32, #tpu.memory_space<hbm>> -> memref<64x128xf32, #tpu.memory_space<hbm>>
      %dma_wait3A_20 = arith.constant 0 : i32
      %dma_wait3A_21 = arith.constant 0 : i32
      %dma_wait3A_22 = tpu.memref_slice %arg5[%dma_wait3A_20, %dma_wait3A_21] : memref<64x129xf32, #tpu.memory_space<vmem>> -> memref<64x128xf32, #tpu.memory_space<vmem>>
      %dma_wait3A_23 = arith.constant 0 : i32
      %dma_wait3A_24 = tpu.memref_slice %arg2[%dma_wait3A_23, %mul3A_2] : memref<64x4096xf32, #tpu.memory_space<hbm>> -> memref<64x128xf32, #tpu.memory_space<hbm>>
      tpu.wait_dma2 semaphore(%run_scoped3A : memref<!tpu.dma_semaphore, #tpu.memory_space<semaphore_mem>>) src(%dma_wait3A_24 : memref<64x128xf32, #tpu.memory_space<hbm>>) dst(%dma_wait3A_22 : memref<64x128xf32, #tpu.memory_space<vmem>>)
      tpu.yield
    }) : () -> ()
    %iota3A = tpu.iota {dimensions = array<i32: 0>} : vector<16xi32>
    %lt3A = arith.constant 8 : i32
    %lt3A_3 = vector.broadcast %lt3A : i32 to vector<16xi32>
    %lt3A_4 = arith.cmpi slt, %iota3A, %lt3A_3 : vector<16xi32>
    %parallel_loop3A = arith.constant 0 : i32
    %parallel_loop3A_5 = arith.constant 128 : i32
    %parallel_loop3A_6 = arith.constant 1 : i32
    scf.for %parallel_loop3A_7 = %parallel_loop3A to %parallel_loop3A_5 step %parallel_loop3A_6  : i32 {
      %parallel_loop3A_8 = arith.constant 0 : i32
      %parallel_loop3A_9 = vector.broadcast %parallel_loop3A_8 : i32 to vector<16xi32>
      %parallel_loop3A_10 = vector.broadcast %parallel_loop3A_7 : i32 to vector<16xi32>
      %parallel_loop3A_11 = arith.addi %parallel_loop3A_9, %parallel_loop3A_10 : vector<16xi32>
      %parallel_loop3A_12 = arith.constant 0 : i32
      %parallel_loop3A_13 = vector.broadcast %parallel_loop3A_12 : i32 to vector<16xi32>
      %parallel_loop3A_14 = arith.addi %iota3A, %parallel_loop3A_13 : vector<16xi32>
      %parallel_loop3A_15 = tpu.vector_load_idx %arg5[%parallel_loop3A_14, %parallel_loop3A_11] : memref<64x129xf32, #tpu.memory_space<vmem>>[vector<16xi32>, vector<16xi32>], vector<16xf32>,
      %parallel_loop3A_16 = arith.constant 0 : i32
      %parallel_loop3A_17 = vector.broadcast %parallel_loop3A_16 : i32 to vector<16xi32>
      %parallel_loop3A_18 = arith.addi %iota3A, %parallel_loop3A_17 : vector<16xi32>
      %parallel_loop3A_19 = arith.constant dense<true> : vector<16xi1>
      %parallel_loop3A_20, %parallel_loop3A_21, %parallel_loop3A_22 = tpu.sort %parallel_loop3A_15, %parallel_loop3A_18 masked %parallel_loop3A_19 {descending = true} : (vector<16xf32>, vector<16xi32>, vector<16xi1>) -> (vector<16xi1>, vector<16xf32>, vector<16xi32>)
      %parallel_loop3A_23 = arith.constant 16 : i32
      %parallel_loop3A_24 = vector.broadcast %parallel_loop3A_23 : i32 to vector<16xi32>
      %parallel_loop3A_25 = arith.addi %iota3A, %parallel_loop3A_24 : vector<16xi32>
      %parallel_loop3A_26 = tpu.vector_load_idx %arg5[%parallel_loop3A_25, %parallel_loop3A_11] : memref<64x129xf32, #tpu.memory_space<vmem>>[vector<16xi32>, vector<16xi32>], vector<16xf32>,
      %parallel_loop3A_27 = arith.constant 16 : i32
      %parallel_loop3A_28 = vector.broadcast %parallel_loop3A_27 : i32 to vector<16xi32>
      %parallel_loop3A_29 = arith.addi %iota3A, %parallel_loop3A_28 : vector<16xi32>
      %parallel_loop3A_30 = arith.constant dense<true> : vector<16xi1>
      %parallel_loop3A_31, %parallel_loop3A_32, %parallel_loop3A_33 = tpu.sort %parallel_loop3A_26, %parallel_loop3A_29 masked %parallel_loop3A_30 : (vector<16xf32>, vector<16xi32>, vector<16xi1>) -> (vector<16xi1>, vector<16xf32>, vector<16xi32>)
      %parallel_loop3A_34 = arith.constant 32 : i32
      %parallel_loop3A_35 = vector.broadcast %parallel_loop3A_34 : i32 to vector<16xi32>
      %parallel_loop3A_36 = arith.addi %iota3A, %parallel_loop3A_35 : vector<16xi32>
      %parallel_loop3A_37 = tpu.vector_load_idx %arg5[%parallel_loop3A_36, %parallel_loop3A_11] : memref<64x129xf32, #tpu.memory_space<vmem>>[vector<16xi32>, vector<16xi32>], vector<16xf32>,
      %parallel_loop3A_38 = arith.constant 32 : i32
      %parallel_loop3A_39 = vector.broadcast %parallel_loop3A_38 : i32 to vector<16xi32>
      %parallel_loop3A_40 = arith.addi %iota3A, %parallel_loop3A_39 : vector<16xi32>
      %parallel_loop3A_41 = arith.constant dense<true> : vector<16xi1>
      %parallel_loop3A_42, %parallel_loop3A_43, %parallel_loop3A_44 = tpu.sort %parallel_loop3A_37, %parallel_loop3A_40 masked %parallel_loop3A_41 {descending = true} : (vector<16xf32>, vector<16xi32>, vector<16xi1>) -> (vector<16xi1>, vector<16xf32>, vector<16xi32>)
      %parallel_loop3A_45 = arith.constant 48 : i32
      %parallel_loop3A_46 = vector.broadcast %parallel_loop3A_45 : i32 to vector<16xi32>
      %parallel_loop3A_47 = arith.addi %iota3A, %parallel_loop3A_46 : vector<16xi32>
      %parallel_loop3A_48 = tpu.vector_load_idx %arg5[%parallel_loop3A_47, %parallel_loop3A_11] : memref<64x129xf32, #tpu.memory_space<vmem>>[vector<16xi32>, vector<16xi32>], vector<16xf32>,
      %parallel_loop3A_49 = arith.constant 48 : i32
      %parallel_loop3A_50 = vector.broadcast %parallel_loop3A_49 : i32 to vector<16xi32>
      %parallel_loop3A_51 = arith.addi %iota3A, %parallel_loop3A_50 : vector<16xi32>
      %parallel_loop3A_52 = arith.constant dense<true> : vector<16xi1>
      %parallel_loop3A_53, %parallel_loop3A_54, %parallel_loop3A_55 = tpu.sort %parallel_loop3A_48, %parallel_loop3A_51 masked %parallel_loop3A_52 : (vector<16xf32>, vector<16xi32>, vector<16xi1>) -> (vector<16xi1>, vector<16xf32>, vector<16xi32>)
      %parallel_loop3A_56 = arith.cmpf ogt, %parallel_loop3A_21, %parallel_loop3A_32 : vector<16xf32>
      %parallel_loop3A_57 = arith.cmpf oeq, %parallel_loop3A_21, %parallel_loop3A_32 : vector<16xf32>
      %parallel_loop3A_58 = arith.cmpi slt, %parallel_loop3A_22, %parallel_loop3A_33 : vector<16xi32>
      %parallel_loop3A_59 = arith.andi %parallel_loop3A_57, %parallel_loop3A_58 : vector<16xi1>
      %parallel_loop3A_60 = arith.ori %parallel_loop3A_56, %parallel_loop3A_59 : vector<16xi1>
      %parallel_loop3A_61 = arith.select %parallel_loop3A_60, %parallel_loop3A_21, %parallel_loop3A_32 : vector<16xi1>, vector<16xf32>
      %parallel_loop3A_62 = arith.select %parallel_loop3A_60, %parallel_loop3A_22, %parallel_loop3A_33 : vector<16xi1>, vector<16xi32>
      %parallel_loop3A_63 = arith.constant dense<true> : vector<16xi1>
      %parallel_loop3A_64, %parallel_loop3A_65, %parallel_loop3A_66 = tpu.sort %parallel_loop3A_61, %parallel_loop3A_62 masked %parallel_loop3A_63 {descending = true} : (vector<16xf32>, vector<16xi32>, vector<16xi1>) -> (vector<16xi1>, vector<16xf32>, vector<16xi32>)
      %parallel_loop3A_67 = arith.cmpf ogt, %parallel_loop3A_43, %parallel_loop3A_54 : vector<16xf32>
      %parallel_loop3A_68 = arith.cmpf oeq, %parallel_loop3A_43, %parallel_loop3A_54 : vector<16xf32>
      %parallel_loop3A_69 = arith.cmpi slt, %parallel_loop3A_44, %parallel_loop3A_55 : vector<16xi32>
      %parallel_loop3A_70 = arith.andi %parallel_loop3A_68, %parallel_loop3A_69 : vector<16xi1>
      %parallel_loop3A_71 = arith.ori %parallel_loop3A_67, %parallel_loop3A_70 : vector<16xi1>
      %parallel_loop3A_72 = arith.select %parallel_loop3A_71, %parallel_loop3A_43, %parallel_loop3A_54 : vector<16xi1>, vector<16xf32>
      %parallel_loop3A_73 = arith.select %parallel_loop3A_71, %parallel_loop3A_44, %parallel_loop3A_55 : vector<16xi1>, vector<16xi32>
      %parallel_loop3A_74 = arith.constant dense<true> : vector<16xi1>
      %parallel_loop3A_75, %parallel_loop3A_76, %parallel_loop3A_77 = tpu.sort %parallel_loop3A_72, %parallel_loop3A_73 masked %parallel_loop3A_74 : (vector<16xf32>, vector<16xi32>, vector<16xi1>) -> (vector<16xi1>, vector<16xf32>, vector<16xi32>)
      %parallel_loop3A_78 = arith.cmpf ogt, %parallel_loop3A_65, %parallel_loop3A_76 : vector<16xf32>
      %parallel_loop3A_79 = arith.cmpf oeq, %parallel_loop3A_65, %parallel_loop3A_76 : vector<16xf32>
      %parallel_loop3A_80 = arith.cmpi slt, %parallel_loop3A_66, %parallel_loop3A_77 : vector<16xi32>
      %parallel_loop3A_81 = arith.andi %parallel_loop3A_79, %parallel_loop3A_80 : vector<16xi1>
      %parallel_loop3A_82 = arith.ori %parallel_loop3A_78, %parallel_loop3A_81 : vector<16xi1>
      %parallel_loop3A_83 = arith.select %parallel_loop3A_82, %parallel_loop3A_65, %parallel_loop3A_76 : vector<16xi1>, vector<16xf32>
      %parallel_loop3A_84 = arith.select %parallel_loop3A_82, %parallel_loop3A_66, %parallel_loop3A_77 : vector<16xi1>, vector<16xi32>
      %parallel_loop3A_85 = arith.constant dense<true> : vector<16xi1>
      %parallel_loop3A_86, %parallel_loop3A_87, %parallel_loop3A_88 = tpu.sort %parallel_loop3A_83, %parallel_loop3A_84 masked %parallel_loop3A_85 {descending = true} : (vector<16xf32>, vector<16xi32>, vector<16xi1>) -> (vector<16xi1>, vector<16xf32>, vector<16xi32>)
      %parallel_loop3A_89 = math.exp %parallel_loop3A_87 : vector<16xf32>
      %parallel_loop3A_90 = arith.constant 0.000000e+00 : f32
      %parallel_loop3A_91 = vector.broadcast %parallel_loop3A_90 : f32 to vector<16xf32>
      %parallel_loop3A_92 = arith.select %lt3A_4, %parallel_loop3A_89, %parallel_loop3A_91 : vector<16xi1>, vector<16xf32>
      %parallel_loop3A_93 = arith.constant true
      %parallel_loop3A_94 = vector.broadcast %parallel_loop3A_93 : i1 to vector<16xi1>
      %parallel_loop3A_95 = tpu.scan <sum>, %parallel_loop3A_92 masked %parallel_loop3A_94 : vector<16xf32>, vector<16xi1> -> vector<16xf32>
      %parallel_loop3A_96 = vector.extract %parallel_loop3A_95[15] : f32 from vector<16xf32>
      %parallel_loop3A_97 = vector.broadcast %parallel_loop3A_96 : f32 to vector<16xf32>
      %parallel_loop3A_98 = arith.divf %parallel_loop3A_92, %parallel_loop3A_97 : vector<16xf32>
      tpu.vector_store_idx %arg6[%iota3A, %parallel_loop3A_11], %parallel_loop3A_88 masked %lt3A_4 : memref<8x129xi32, #tpu.memory_space<vmem>>[vector<16xi32>, vector<16xi32>], vector<16xi32>, vector<16xi1>
      tpu.vector_store_idx %arg7[%iota3A, %parallel_loop3A_11], %parallel_loop3A_98 masked %lt3A_4 : memref<8x129xf32, #tpu.memory_space<vmem>>[vector<16xi32>, vector<16xi32>], vector<16xf32>, vector<16xi1>
    } {sc.loop_unroll_factor = 4 : i64, sc.parallel_access}
    "tpu.region"() ({
      %run_scoped3A = tpu.sem_alloc : memref<!tpu.dma_semaphore, #tpu.memory_space<semaphore_mem>>
      %dma_start3A = arith.constant 0 : i32
      %dma_start3A_7 = arith.constant 0 : i32
      %dma_start3A_8 = tpu.memref_slice %arg6[%dma_start3A, %dma_start3A_7] : memref<8x129xi32, #tpu.memory_space<vmem>> -> memref<8x128xi32, #tpu.memory_space<vmem>>
      %dma_start3A_9 = arith.constant 0 : i32
      %dma_start3A_10 = tpu.memref_slice %arg3[%dma_start3A_9, %mul3A_2] : memref<8x4096xi32, #tpu.memory_space<hbm>> -> memref<8x128xi32, #tpu.memory_space<hbm>>
      %dma_start3A_11 = arith.constant 0 : i32
      %dma_start3A_12 = tpu.memref_slice %arg3[%dma_start3A_11, %mul3A_2] : memref<8x4096xi32, #tpu.memory_space<hbm>> -> memref<8x128xi32, #tpu.memory_space<hbm>>
      %dma_start3A_13 = arith.constant 0 : i32
      %dma_start3A_14 = arith.constant 0 : i32
      %dma_start3A_15 = tpu.memref_slice %arg6[%dma_start3A_13, %dma_start3A_14] : memref<8x129xi32, #tpu.memory_space<vmem>> -> memref<8x128xi32, #tpu.memory_space<vmem>>
      tpu.enqueue_dma source(%dma_start3A_15 : memref<8x128xi32, #tpu.memory_space<vmem>>) target(%dma_start3A_12 : memref<8x128xi32, #tpu.memory_space<hbm>>) target_semaphore(%run_scoped3A : memref<!tpu.dma_semaphore, #tpu.memory_space<semaphore_mem>>)
      %dma_wait3A = arith.constant 0 : i32
      %dma_wait3A_16 = arith.constant 0 : i32
      %dma_wait3A_17 = tpu.memref_slice %arg6[%dma_wait3A, %dma_wait3A_16] : memref<8x129xi32, #tpu.memory_space<vmem>> -> memref<8x128xi32, #tpu.memory_space<vmem>>
      %dma_wait3A_18 = arith.constant 0 : i32
      %dma_wait3A_19 = tpu.memref_slice %arg3[%dma_wait3A_18, %mul3A_2] : memref<8x4096xi32, #tpu.memory_space<hbm>> -> memref<8x128xi32, #tpu.memory_space<hbm>>
      %dma_wait3A_20 = arith.constant 0 : i32
      %dma_wait3A_21 = tpu.memref_slice %arg3[%dma_wait3A_20, %mul3A_2] : memref<8x4096xi32, #tpu.memory_space<hbm>> -> memref<8x128xi32, #tpu.memory_space<hbm>>
      %dma_wait3A_22 = arith.constant 0 : i32
      %dma_wait3A_23 = arith.constant 0 : i32
      %dma_wait3A_24 = tpu.memref_slice %arg6[%dma_wait3A_22, %dma_wait3A_23] : memref<8x129xi32, #tpu.memory_space<vmem>> -> memref<8x128xi32, #tpu.memory_space<vmem>>
      tpu.wait_dma2 semaphore(%run_scoped3A : memref<!tpu.dma_semaphore, #tpu.memory_space<semaphore_mem>>) src(%dma_wait3A_24 : memref<8x128xi32, #tpu.memory_space<vmem>>) dst(%dma_wait3A_21 : memref<8x128xi32, #tpu.memory_space<hbm>>)
      tpu.yield
    }) : () -> ()
    "tpu.region"() ({
      %run_scoped3A = tpu.sem_alloc : memref<!tpu.dma_semaphore, #tpu.memory_space<semaphore_mem>>
      %dma_start3A = arith.constant 0 : i32
      %dma_start3A_7 = arith.constant 0 : i32
      %dma_start3A_8 = tpu.memref_slice %arg7[%dma_start3A, %dma_start3A_7] : memref<8x129xf32, #tpu.memory_space<vmem>> -> memref<8x128xf32, #tpu.memory_space<vmem>>
      %dma_start3A_9 = arith.constant 0 : i32
      %dma_start3A_10 = tpu.memref_slice %arg4[%dma_start3A_9, %mul3A_2] : memref<8x4096xf32, #tpu.memory_space<hbm>> -> memref<8x128xf32, #tpu.memory_space<hbm>>
      %dma_start3A_11 = arith.constant 0 : i32
      %dma_start3A_12 = tpu.memref_slice %arg4[%dma_start3A_11, %mul3A_2] : memref<8x4096xf32, #tpu.memory_space<hbm>> -> memref<8x128xf32, #tpu.memory_space<hbm>>
      %dma_start3A_13 = arith.constant 0 : i32
      %dma_start3A_14 = arith.constant 0 : i32
      %dma_start3A_15 = tpu.memref_slice %arg7[%dma_start3A_13, %dma_start3A_14] : memref<8x129xf32, #tpu.memory_space<vmem>> -> memref<8x128xf32, #tpu.memory_space<vmem>>
      tpu.enqueue_dma source(%dma_start3A_15 : memref<8x128xf32, #tpu.memory_space<vmem>>) target(%dma_start3A_12 : memref<8x128xf32, #tpu.memory_space<hbm>>) target_semaphore(%run_scoped3A : memref<!tpu.dma_semaphore, #tpu.memory_space<semaphore_mem>>)
      %dma_wait3A = arith.constant 0 : i32
      %dma_wait3A_16 = arith.constant 0 : i32
      %dma_wait3A_17 = tpu.memref_slice %arg7[%dma_wait3A, %dma_wait3A_16] : memref<8x129xf32, #tpu.memory_space<vmem>> -> memref<8x128xf32, #tpu.memory_space<vmem>>
      %dma_wait3A_18 = arith.constant 0 : i32
      %dma_wait3A_19 = tpu.memref_slice %arg4[%dma_wait3A_18, %mul3A_2] : memref<8x4096xf32, #tpu.memory_space<hbm>> -> memref<8x128xf32, #tpu.memory_space<hbm>>
      %dma_wait3A_20 = arith.constant 0 : i32
      %dma_wait3A_21 = tpu.memref_slice %arg4[%dma_wait3A_20, %mul3A_2] : memref<8x4096xf32, #tpu.memory_space<hbm>> -> memref<8x128xf32, #tpu.memory_space<hbm>>
      %dma_wait3A_22 = arith.constant 0 : i32
      %dma_wait3A_23 = arith.constant 0 : i32
      %dma_wait3A_24 = tpu.memref_slice %arg7[%dma_wait3A_22, %dma_wait3A_23] : memref<8x129xf32, #tpu.memory_space<vmem>> -> memref<8x128xf32, #tpu.memory_space<vmem>>
      tpu.wait_dma2 semaphore(%run_scoped3A : memref<!tpu.dma_semaphore, #tpu.memory_space<semaphore_mem>>) src(%dma_wait3A_24 : memref<8x128xf32, #tpu.memory_space<vmem>>) dst(%dma_wait3A_21 : memref<8x128xf32, #tpu.memory_space<hbm>>)
      tpu.yield
    }) : () -> ()
    return
  }
}

#map = affine_map<(d0, d1) -> (0, 0)>
module attributes {stable_mosaic.version = 14 : i64} {
  func.func @sc_topk(%arg0: i32, %arg1: i32, %arg2: memref<64x4096xf32, #tpu.memory_space<hbm>>, %arg3: memref<8x4096xi32, #tpu.memory_space<hbm>>, %arg4: memref<8x4096xf32, #tpu.memory_space<hbm>>, %arg5: memref<64x129xf32, #tpu.memory_space<vmem>>, %arg6: memref<8x129xi32, #tpu.memory_space<vmem>>, %arg7: memref<8x129xf32, #tpu.memory_space<vmem>>) attributes {dimension_semantics = [#tpu.dimension_semantics<core_parallel>, #tpu.dimension_semantics<subcore_parallel>], iteration_bounds = array<i64: 2, 16>, scalar_prefetch = 0 : i64, scratch_operands = 3 : i64, tpu.core_type = #tpu.core_type<sc_vector_subcore>, window_params = [{transform_indices = #map}, {transform_indices = #map}, {transform_indices = #map}]} {
    %mul3A = arith.constant 2 : i32
    %mul3A_0 = arith.muli %arg1, %mul3A : i32
    %add3A = arith.addi %mul3A_0, %arg0 : i32
    %mul3A_1 = arith.constant 128 : i32
    %mul3A_2 = arith.muli %add3A, %mul3A_1 : i32
    "tpu.region"() ({
      %run_scoped3A = tpu.sem_alloc : memref<!tpu.dma_semaphore, #tpu.memory_space<semaphore_mem>>
      %dma_start3A = arith.constant 0 : i32
      %dma_start3A_7 = arith.constant 0 : i32
      %dma_start3A_8 = tpu.memref_slice %arg5[%dma_start3A, %dma_start3A_7] : memref<64x129xf32, #tpu.memory_space<vmem>> -> memref<64x128xf32, #tpu.memory_space<vmem>>
      %dma_start3A_9 = arith.constant 0 : i32
      %dma_start3A_10 = tpu.memref_slice %arg2[%dma_start3A_9, %mul3A_2] : memref<64x4096xf32, #tpu.memory_space<hbm>> -> memref<64x128xf32, #tpu.memory_space<hbm>>
      %dma_start3A_11 = arith.constant 0 : i32
      %dma_start3A_12 = arith.constant 0 : i32
      %dma_start3A_13 = tpu.memref_slice %arg5[%dma_start3A_11, %dma_start3A_12] : memref<64x129xf32, #tpu.memory_space<vmem>> -> memref<64x128xf32, #tpu.memory_space<vmem>>
      %dma_start3A_14 = arith.constant 0 : i32
      %dma_start3A_15 = tpu.memref_slice %arg2[%dma_start3A_14, %mul3A_2] : memref<64x4096xf32, #tpu.memory_space<hbm>> -> memref<64x128xf32, #tpu.memory_space<hbm>>
      tpu.enqueue_dma source(%dma_start3A_15 : memref<64x128xf32, #tpu.memory_space<hbm>>) target(%dma_start3A_13 : memref<64x128xf32, #tpu.memory_space<vmem>>) target_semaphore(%run_scoped3A : memref<!tpu.dma_semaphore, #tpu.memory_space<semaphore_mem>>)
      %dma_wait3A = arith.constant 0 : i32
      %dma_wait3A_16 = arith.constant 0 : i32
      %dma_wait3A_17 = tpu.memref_slice %arg5[%dma_wait3A, %dma_wait3A_16] : memref<64x129xf32, #tpu.memory_space<vmem>> -> memref<64x128xf32, #tpu.memory_space<vmem>>
      %dma_wait3A_18 = arith.constant 0 : i32
      %dma_wait3A_19 = tpu.memref_slice %arg2[%dma_wait3A_18, %mul3A_2] : memref<64x4096xf32, #tpu.memory_space<hbm>> -> memref<64x128xf32, #tpu.memory_space<hbm>>
      %dma_wait3A_20 = arith.constant 0 : i32
      %dma_wait3A_21 = arith.constant 0 : i32
      %dma_wait3A_22 = tpu.memref_slice %arg5[%dma_wait3A_20, %dma_wait3A_21] : memref<64x129xf32, #tpu.memory_space<vmem>> -> memref<64x128xf32, #tpu.memory_space<vmem>>
      %dma_wait3A_23 = arith.constant 0 : i32
      %dma_wait3A_24 = tpu.memref_slice %arg2[%dma_wait3A_23, %mul3A_2] : memref<64x4096xf32, #tpu.memory_space<hbm>> -> memref<64x128xf32, #tpu.memory_space<hbm>>
      tpu.wait_dma2 semaphore(%run_scoped3A : memref<!tpu.dma_semaphore, #tpu.memory_space<semaphore_mem>>) src(%dma_wait3A_24 : memref<64x128xf32, #tpu.memory_space<hbm>>) dst(%dma_wait3A_22 : memref<64x128xf32, #tpu.memory_space<vmem>>)
      tpu.yield
    }) : () -> ()
    %iota3A = tpu.iota {dimensions = array<i32: 0>} : vector<16xi32>
    %lt3A = arith.constant 8 : i32
    %lt3A_3 = vector.broadcast %lt3A : i32 to vector<16xi32>
    %lt3A_4 = arith.cmpi slt, %iota3A, %lt3A_3 : vector<16xi32>
    %parallel_loop3A = arith.constant 0 : i32
    %parallel_loop3A_5 = arith.constant 128 : i32
    %parallel_loop3A_6 = arith.constant 1 : i32
    scf.for %parallel_loop3A_7 = %parallel_loop3A to %parallel_loop3A_5 step %parallel_loop3A_6  : i32 {
      %parallel_loop3A_8 = arith.constant 0 : i32
      %parallel_loop3A_9 = vector.broadcast %parallel_loop3A_8 : i32 to vector<16xi32>
      %parallel_loop3A_10 = vector.broadcast %parallel_loop3A_7 : i32 to vector<16xi32>
      %parallel_loop3A_11 = arith.addi %parallel_loop3A_9, %parallel_loop3A_10 : vector<16xi32>
      %parallel_loop3A_12 = arith.constant 0 : i32
      %parallel_loop3A_13 = vector.broadcast %parallel_loop3A_12 : i32 to vector<16xi32>
      %parallel_loop3A_14 = arith.addi %iota3A, %parallel_loop3A_13 : vector<16xi32>
      %parallel_loop3A_15 = tpu.vector_load_idx %arg5[%parallel_loop3A_14, %parallel_loop3A_11] : memref<64x129xf32, #tpu.memory_space<vmem>>[vector<16xi32>, vector<16xi32>], vector<16xf32>,
      %parallel_loop3A_16 = arith.constant 0 : i32
      %parallel_loop3A_17 = vector.broadcast %parallel_loop3A_16 : i32 to vector<16xi32>
      %parallel_loop3A_18 = arith.addi %iota3A, %parallel_loop3A_17 : vector<16xi32>
      %parallel_loop3A_19 = arith.constant dense<true> : vector<16xi1>
      %parallel_loop3A_20, %parallel_loop3A_21, %parallel_loop3A_22 = tpu.sort %parallel_loop3A_15, %parallel_loop3A_18 masked %parallel_loop3A_19 {descending = true} : (vector<16xf32>, vector<16xi32>, vector<16xi1>) -> (vector<16xi1>, vector<16xf32>, vector<16xi32>)
      %parallel_loop3A_23 = arith.constant 16 : i32
      %parallel_loop3A_24 = vector.broadcast %parallel_loop3A_23 : i32 to vector<16xi32>
      %parallel_loop3A_25 = arith.addi %iota3A, %parallel_loop3A_24 : vector<16xi32>
      %parallel_loop3A_26 = tpu.vector_load_idx %arg5[%parallel_loop3A_25, %parallel_loop3A_11] : memref<64x129xf32, #tpu.memory_space<vmem>>[vector<16xi32>, vector<16xi32>], vector<16xf32>,
      %parallel_loop3A_27 = arith.constant 16 : i32
      %parallel_loop3A_28 = vector.broadcast %parallel_loop3A_27 : i32 to vector<16xi32>
      %parallel_loop3A_29 = arith.addi %iota3A, %parallel_loop3A_28 : vector<16xi32>
      %parallel_loop3A_30 = arith.constant dense<true> : vector<16xi1>
      %parallel_loop3A_31, %parallel_loop3A_32, %parallel_loop3A_33 = tpu.sort %parallel_loop3A_26, %parallel_loop3A_29 masked %parallel_loop3A_30 : (vector<16xf32>, vector<16xi32>, vector<16xi1>) -> (vector<16xi1>, vector<16xf32>, vector<16xi32>)
      %parallel_loop3A_34 = arith.constant 32 : i32
      %parallel_loop3A_35 = vector.broadcast %parallel_loop3A_34 : i32 to vector<16xi32>
      %parallel_loop3A_36 = arith.addi %iota3A, %parallel_loop3A_35 : vector<16xi32>
      %parallel_loop3A_37 = tpu.vector_load_idx %arg5[%parallel_loop3A_36, %parallel_loop3A_11] : memref<64x129xf32, #tpu.memory_space<vmem>>[vector<16xi32>, vector<16xi32>], vector<16xf32>,
      %parallel_loop3A_38 = arith.constant 32 : i32
      %parallel_loop3A_39 = vector.broadcast %parallel_loop3A_38 : i32 to vector<16xi32>
      %parallel_loop3A_40 = arith.addi %iota3A, %parallel_loop3A_39 : vector<16xi32>
      %parallel_loop3A_41 = arith.constant dense<true> : vector<16xi1>
      %parallel_loop3A_42, %parallel_loop3A_43, %parallel_loop3A_44 = tpu.sort %parallel_loop3A_37, %parallel_loop3A_40 masked %parallel_loop3A_41 {descending = true} : (vector<16xf32>, vector<16xi32>, vector<16xi1>) -> (vector<16xi1>, vector<16xf32>, vector<16xi32>)
      %parallel_loop3A_45 = arith.constant 48 : i32
      %parallel_loop3A_46 = vector.broadcast %parallel_loop3A_45 : i32 to vector<16xi32>
      %parallel_loop3A_47 = arith.addi %iota3A, %parallel_loop3A_46 : vector<16xi32>
      %parallel_loop3A_48 = tpu.vector_load_idx %arg5[%parallel_loop3A_47, %parallel_loop3A_11] : memref<64x129xf32, #tpu.memory_space<vmem>>[vector<16xi32>, vector<16xi32>], vector<16xf32>,
      %parallel_loop3A_49 = arith.constant 48 : i32
      %parallel_loop3A_50 = vector.broadcast %parallel_loop3A_49 : i32 to vector<16xi32>
      %parallel_loop3A_51 = arith.addi %iota3A, %parallel_loop3A_50 : vector<16xi32>
      %parallel_loop3A_52 = arith.constant dense<true> : vector<16xi1>
      %parallel_loop3A_53, %parallel_loop3A_54, %parallel_loop3A_55 = tpu.sort %parallel_loop3A_48, %parallel_loop3A_51 masked %parallel_loop3A_52 : (vector<16xf32>, vector<16xi32>, vector<16xi1>) -> (vector<16xi1>, vector<16xf32>, vector<16xi32>)
      %parallel_loop3A_56 = arith.cmpf ogt, %parallel_loop3A_21, %parallel_loop3A_32 : vector<16xf32>
      %parallel_loop3A_57 = arith.cmpf oeq, %parallel_loop3A_21, %parallel_loop3A_32 : vector<16xf32>
      %parallel_loop3A_58 = arith.cmpi slt, %parallel_loop3A_22, %parallel_loop3A_33 : vector<16xi32>
      %parallel_loop3A_59 = arith.andi %parallel_loop3A_57, %parallel_loop3A_58 : vector<16xi1>
      %parallel_loop3A_60 = arith.ori %parallel_loop3A_56, %parallel_loop3A_59 : vector<16xi1>
      %parallel_loop3A_61 = arith.select %parallel_loop3A_60, %parallel_loop3A_21, %parallel_loop3A_32 : vector<16xi1>, vector<16xf32>
      %parallel_loop3A_62 = arith.select %parallel_loop3A_60, %parallel_loop3A_22, %parallel_loop3A_33 : vector<16xi1>, vector<16xi32>
      %parallel_loop3A_63 = arith.constant dense<true> : vector<16xi1>
      %parallel_loop3A_64, %parallel_loop3A_65, %parallel_loop3A_66 = tpu.sort %parallel_loop3A_61, %parallel_loop3A_62 masked %parallel_loop3A_63 {descending = true} : (vector<16xf32>, vector<16xi32>, vector<16xi1>) -> (vector<16xi1>, vector<16xf32>, vector<16xi32>)
      %parallel_loop3A_67 = arith.cmpf ogt, %parallel_loop3A_43, %parallel_loop3A_54 : vector<16xf32>
      %parallel_loop3A_68 = arith.cmpf oeq, %parallel_loop3A_43, %parallel_loop3A_54 : vector<16xf32>
      %parallel_loop3A_69 = arith.cmpi slt, %parallel_loop3A_44, %parallel_loop3A_55 : vector<16xi32>
      %parallel_loop3A_70 = arith.andi %parallel_loop3A_68, %parallel_loop3A_69 : vector<16xi1>
      %parallel_loop3A_71 = arith.ori %parallel_loop3A_67, %parallel_loop3A_70 : vector<16xi1>
      %parallel_loop3A_72 = arith.select %parallel_loop3A_71, %parallel_loop3A_43, %parallel_loop3A_54 : vector<16xi1>, vector<16xf32>
      %parallel_loop3A_73 = arith.select %parallel_loop3A_71, %parallel_loop3A_44, %parallel_loop3A_55 : vector<16xi1>, vector<16xi32>
      %parallel_loop3A_74 = arith.constant dense<true> : vector<16xi1>
      %parallel_loop3A_75, %parallel_loop3A_76, %parallel_loop3A_77 = tpu.sort %parallel_loop3A_72, %parallel_loop3A_73 masked %parallel_loop3A_74 : (vector<16xf32>, vector<16xi32>, vector<16xi1>) -> (vector<16xi1>, vector<16xf32>, vector<16xi32>)
      %parallel_loop3A_78 = arith.cmpf ogt, %parallel_loop3A_65, %parallel_loop3A_76 : vector<16xf32>
      %parallel_loop3A_79 = arith.cmpf oeq, %parallel_loop3A_65, %parallel_loop3A_76 : vector<16xf32>
      %parallel_loop3A_80 = arith.cmpi slt, %parallel_loop3A_66, %parallel_loop3A_77 : vector<16xi32>
      %parallel_loop3A_81 = arith.andi %parallel_loop3A_79, %parallel_loop3A_80 : vector<16xi1>
      %parallel_loop3A_82 = arith.ori %parallel_loop3A_78, %parallel_loop3A_81 : vector<16xi1>
      %parallel_loop3A_83 = arith.select %parallel_loop3A_82, %parallel_loop3A_65, %parallel_loop3A_76 : vector<16xi1>, vector<16xf32>
      %parallel_loop3A_84 = arith.select %parallel_loop3A_82, %parallel_loop3A_66, %parallel_loop3A_77 : vector<16xi1>, vector<16xi32>
      %parallel_loop3A_85 = arith.constant dense<true> : vector<16xi1>
      %parallel_loop3A_86, %parallel_loop3A_87, %parallel_loop3A_88 = tpu.sort %parallel_loop3A_83, %parallel_loop3A_84 masked %parallel_loop3A_85 {descending = true} : (vector<16xf32>, vector<16xi32>, vector<16xi1>) -> (vector<16xi1>, vector<16xf32>, vector<16xi32>)
      %parallel_loop3A_89 = math.exp %parallel_loop3A_87 : vector<16xf32>
      %parallel_loop3A_90 = arith.constant 0.000000e+00 : f32
      %parallel_loop3A_91 = vector.broadcast %parallel_loop3A_90 : f32 to vector<16xf32>
      %parallel_loop3A_92 = arith.select %lt3A_4, %parallel_loop3A_89, %parallel_loop3A_91 : vector<16xi1>, vector<16xf32>
      %parallel_loop3A_93 = arith.constant true
      %parallel_loop3A_94 = vector.broadcast %parallel_loop3A_93 : i1 to vector<16xi1>
      %parallel_loop3A_95 = tpu.scan <sum>, %parallel_loop3A_92 masked %parallel_loop3A_94 : vector<16xf32>, vector<16xi1> -> vector<16xf32>
      %parallel_loop3A_96 = vector.extract %parallel_loop3A_95[15] : f32 from vector<16xf32>
      %parallel_loop3A_97 = vector.broadcast %parallel_loop3A_96 : f32 to vector<16xf32>
      %parallel_loop3A_98 = arith.divf %parallel_loop3A_92, %parallel_loop3A_97 : vector<16xf32>
      tpu.vector_store_idx %arg6[%iota3A, %parallel_loop3A_11], %parallel_loop3A_88 masked %lt3A_4 : memref<8x129xi32, #tpu.memory_space<vmem>>[vector<16xi32>, vector<16xi32>], vector<16xi32>, vector<16xi1>
      tpu.vector_store_idx %arg7[%iota3A, %parallel_loop3A_11], %parallel_loop3A_98 masked %lt3A_4 : memref<8x129xf32, #tpu.memory_space<vmem>>[vector<16xi32>, vector<16xi32>], vector<16xf32>, vector<16xi1>
    } {sc.loop_unroll_factor = 4 : i64, sc.parallel_access}
    "tpu.region"() ({
      %run_scoped3A = tpu.sem_alloc : memref<!tpu.dma_semaphore, #tpu.memory_space<semaphore_mem>>
      %dma_start3A = arith.constant 0 : i32
      %dma_start3A_7 = arith.constant 0 : i32
      %dma_start3A_8 = tpu.memref_slice %arg6[%dma_start3A, %dma_start3A_7] : memref<8x129xi32, #tpu.memory_space<vmem>> -> memref<8x128xi32, #tpu.memory_space<vmem>>
      %dma_start3A_9 = arith.constant 0 : i32
      %dma_start3A_10 = tpu.memref_slice %arg3[%dma_start3A_9, %mul3A_2] : memref<8x4096xi32, #tpu.memory_space<hbm>> -> memref<8x128xi32, #tpu.memory_space<hbm>>
      %dma_start3A_11 = arith.constant 0 : i32
      %dma_start3A_12 = tpu.memref_slice %arg3[%dma_start3A_11, %mul3A_2] : memref<8x4096xi32, #tpu.memory_space<hbm>> -> memref<8x128xi32, #tpu.memory_space<hbm>>
      %dma_start3A_13 = arith.constant 0 : i32
      %dma_start3A_14 = arith.constant 0 : i32
      %dma_start3A_15 = tpu.memref_slice %arg6[%dma_start3A_13, %dma_start3A_14] : memref<8x129xi32, #tpu.memory_space<vmem>> -> memref<8x128xi32, #tpu.memory_space<vmem>>
      tpu.enqueue_dma source(%dma_start3A_15 : memref<8x128xi32, #tpu.memory_space<vmem>>) target(%dma_start3A_12 : memref<8x128xi32, #tpu.memory_space<hbm>>) target_semaphore(%run_scoped3A : memref<!tpu.dma_semaphore, #tpu.memory_space<semaphore_mem>>)
      %dma_wait3A = arith.constant 0 : i32
      %dma_wait3A_16 = arith.constant 0 : i32
      %dma_wait3A_17 = tpu.memref_slice %arg6[%dma_wait3A, %dma_wait3A_16] : memref<8x129xi32, #tpu.memory_space<vmem>> -> memref<8x128xi32, #tpu.memory_space<vmem>>
      %dma_wait3A_18 = arith.constant 0 : i32
      %dma_wait3A_19 = tpu.memref_slice %arg3[%dma_wait3A_18, %mul3A_2] : memref<8x4096xi32, #tpu.memory_space<hbm>> -> memref<8x128xi32, #tpu.memory_space<hbm>>
      %dma_wait3A_20 = arith.constant 0 : i32
      %dma_wait3A_21 = tpu.memref_slice %arg3[%dma_wait3A_20, %mul3A_2] : memref<8x4096xi32, #tpu.memory_space<hbm>> -> memref<8x128xi32, #tpu.memory_space<hbm>>
      %dma_wait3A_22 = arith.constant 0 : i32
      %dma_wait3A_23 = arith.constant 0 : i32
      %dma_wait3A_24 = tpu.memref_slice %arg6[%dma_wait3A_22, %dma_wait3A_23] : memref<8x129xi32, #tpu.memory_space<vmem>> -> memref<8x128xi32, #tpu.memory_space<vmem>>
      tpu.wait_dma2 semaphore(%run_scoped3A : memref<!tpu.dma_semaphore, #tpu.memory_space<semaphore_mem>>) src(%dma_wait3A_24 : memref<8x128xi32, #tpu.memory_space<vmem>>) dst(%dma_wait3A_21 : memref<8x128xi32, #tpu.memory_space<hbm>>)
      tpu.yield
    }) : () -> ()
    "tpu.region"() ({
      %run_scoped3A = tpu.sem_alloc : memref<!tpu.dma_semaphore, #tpu.memory_space<semaphore_mem>>
      %dma_start3A = arith.constant 0 : i32
      %dma_start3A_7 = arith.constant 0 : i32
      %dma_start3A_8 = tpu.memref_slice %arg7[%dma_start3A, %dma_start3A_7] : memref<8x129xf32, #tpu.memory_space<vmem>> -> memref<8x128xf32, #tpu.memory_space<vmem>>
      %dma_start3A_9 = arith.constant 0 : i32
      %dma_start3A_10 = tpu.memref_slice %arg4[%dma_start3A_9, %mul3A_2] : memref<8x4096xf32, #tpu.memory_space<hbm>> -> memref<8x128xf32, #tpu.memory_space<hbm>>
      %dma_start3A_11 = arith.constant 0 : i32
      %dma_start3A_12 = tpu.memref_slice %arg4[%dma_start3A_11, %mul3A_2] : memref<8x4096xf32, #tpu.memory_space<hbm>> -> memref<8x128xf32, #tpu.memory_space<hbm>>
      %dma_start3A_13 = arith.constant 0 : i32
      %dma_start3A_14 = arith.constant 0 : i32
      %dma_start3A_15 = tpu.memref_slice %arg7[%dma_start3A_13, %dma_start3A_14] : memref<8x129xf32, #tpu.memory_space<vmem>> -> memref<8x128xf32, #tpu.memory_space<vmem>>
      tpu.enqueue_dma source(%dma_start3A_15 : memref<8x128xf32, #tpu.memory_space<vmem>>) target(%dma_start3A_12 : memref<8x128xf32, #tpu.memory_space<hbm>>) target_semaphore(%run_scoped3A : memref<!tpu.dma_semaphore, #tpu.memory_space<semaphore_mem>>)
      %dma_wait3A = arith.constant 0 : i32
      %dma_wait3A_16 = arith.constant 0 : i32
      %dma_wait3A_17 = tpu.memref_slice %arg7[%dma_wait3A, %dma_wait3A_16] : memref<8x129xf32, #tpu.memory_space<vmem>> -> memref<8x128xf32, #tpu.memory_space<vmem>>
      %dma_wait3A_18 = arith.constant 0 : i32
      %dma_wait3A_19 = tpu.memref_slice %arg4[%dma_wait3A_18, %mul3A_2] : memref<8x4096xf32, #tpu.memory_space<hbm>> -> memref<8x128xf32, #tpu.memory_space<hbm>>
      %dma_wait3A_20 = arith.constant 0 : i32
      %dma_wait3A_21 = tpu.memref_slice %arg4[%dma_wait3A_20, %mul3A_2] : memref<8x4096xf32, #tpu.memory_space<hbm>> -> memref<8x128xf32, #tpu.memory_space<hbm>>
      %dma_wait3A_22 = arith.constant 0 : i32
      %dma_wait3A_23 = arith.constant 0 : i32
      %dma_wait3A_24 = tpu.memref_slice %arg7[%dma_wait3A_22, %dma_wait3A_23] : memref<8x129xf32, #tpu.memory_space<vmem>> -> memref<8x128xf32, #tpu.memory_space<vmem>>
      tpu.wait_dma2 semaphore(%run_scoped3A : memref<!tpu.dma_semaphore, #tpu.memory_space<semaphore_mem>>) src(%dma_wait3A_24 : memref<8x128xf32, #tpu.memory_space<vmem>>) dst(%dma_wait3A_21 : memref<8x128xf32, #tpu.memory_space<hbm>>)
      tpu.yield
    }) : () -> ()
    return
  }
}

#map = affine_map<(d0, d1) -> (0, 0)>
module attributes {stable_mosaic.version = 14 : i64} {
  func.func @sc_topk(%arg0: i32, %arg1: i32, %arg2: memref<64x4096xf32, #tpu.memory_space<hbm>>, %arg3: memref<8x4096xi32, #tpu.memory_space<hbm>>, %arg4: memref<8x4096xf32, #tpu.memory_space<hbm>>, %arg5: memref<64x129xf32, #tpu.memory_space<vmem>>, %arg6: memref<8x129xi32, #tpu.memory_space<vmem>>, %arg7: memref<8x129xf32, #tpu.memory_space<vmem>>) attributes {dimension_semantics = [#tpu.dimension_semantics<core_parallel>, #tpu.dimension_semantics<subcore_parallel>], iteration_bounds = array<i64: 2, 16>, scalar_prefetch = 0 : i64, scratch_operands = 3 : i64, tpu.core_type = #tpu.core_type<sc_vector_subcore>, window_params = [{transform_indices = #map}, {transform_indices = #map}, {transform_indices = #map}]} {
    %mul3A = arith.constant 2 : i32
    %mul3A_0 = arith.muli %arg1, %mul3A : i32
    %add3A = arith.addi %mul3A_0, %arg0 : i32
    %mul3A_1 = arith.constant 128 : i32
    %mul3A_2 = arith.muli %add3A, %mul3A_1 : i32
    "tpu.region"() ({
      %run_scoped3A = tpu.sem_alloc : memref<!tpu.dma_semaphore, #tpu.memory_space<semaphore_mem>>
      %dma_start3A = arith.constant 0 : i32
      %dma_start3A_7 = arith.constant 0 : i32
      %dma_start3A_8 = tpu.memref_slice %arg5[%dma_start3A, %dma_start3A_7] : memref<64x129xf32, #tpu.memory_space<vmem>> -> memref<64x128xf32, #tpu.memory_space<vmem>>
      %dma_start3A_9 = arith.constant 0 : i32
      %dma_start3A_10 = tpu.memref_slice %arg2[%dma_start3A_9, %mul3A_2] : memref<64x4096xf32, #tpu.memory_space<hbm>> -> memref<64x128xf32, #tpu.memory_space<hbm>>
      %dma_start3A_11 = arith.constant 0 : i32
      %dma_start3A_12 = arith.constant 0 : i32
      %dma_start3A_13 = tpu.memref_slice %arg5[%dma_start3A_11, %dma_start3A_12] : memref<64x129xf32, #tpu.memory_space<vmem>> -> memref<64x128xf32, #tpu.memory_space<vmem>>
      %dma_start3A_14 = arith.constant 0 : i32
      %dma_start3A_15 = tpu.memref_slice %arg2[%dma_start3A_14, %mul3A_2] : memref<64x4096xf32, #tpu.memory_space<hbm>> -> memref<64x128xf32, #tpu.memory_space<hbm>>
      tpu.enqueue_dma source(%dma_start3A_15 : memref<64x128xf32, #tpu.memory_space<hbm>>) target(%dma_start3A_13 : memref<64x128xf32, #tpu.memory_space<vmem>>) target_semaphore(%run_scoped3A : memref<!tpu.dma_semaphore, #tpu.memory_space<semaphore_mem>>)
      %dma_wait3A = arith.constant 0 : i32
      %dma_wait3A_16 = arith.constant 0 : i32
      %dma_wait3A_17 = tpu.memref_slice %arg5[%dma_wait3A, %dma_wait3A_16] : memref<64x129xf32, #tpu.memory_space<vmem>> -> memref<64x128xf32, #tpu.memory_space<vmem>>
      %dma_wait3A_18 = arith.constant 0 : i32
      %dma_wait3A_19 = tpu.memref_slice %arg2[%dma_wait3A_18, %mul3A_2] : memref<64x4096xf32, #tpu.memory_space<hbm>> -> memref<64x128xf32, #tpu.memory_space<hbm>>
      %dma_wait3A_20 = arith.constant 0 : i32
      %dma_wait3A_21 = arith.constant 0 : i32
      %dma_wait3A_22 = tpu.memref_slice %arg5[%dma_wait3A_20, %dma_wait3A_21] : memref<64x129xf32, #tpu.memory_space<vmem>> -> memref<64x128xf32, #tpu.memory_space<vmem>>
      %dma_wait3A_23 = arith.constant 0 : i32
      %dma_wait3A_24 = tpu.memref_slice %arg2[%dma_wait3A_23, %mul3A_2] : memref<64x4096xf32, #tpu.memory_space<hbm>> -> memref<64x128xf32, #tpu.memory_space<hbm>>
      tpu.wait_dma2 semaphore(%run_scoped3A : memref<!tpu.dma_semaphore, #tpu.memory_space<semaphore_mem>>) src(%dma_wait3A_24 : memref<64x128xf32, #tpu.memory_space<hbm>>) dst(%dma_wait3A_22 : memref<64x128xf32, #tpu.memory_space<vmem>>)
      tpu.yield
    }) : () -> ()
    %iota3A = tpu.iota {dimensions = array<i32: 0>} : vector<16xi32>
    %lt3A = arith.constant 8 : i32
    %lt3A_3 = vector.broadcast %lt3A : i32 to vector<16xi32>
    %lt3A_4 = arith.cmpi slt, %iota3A, %lt3A_3 : vector<16xi32>
    %parallel_loop3A = arith.constant 0 : i32
    %parallel_loop3A_5 = arith.constant 128 : i32
    %parallel_loop3A_6 = arith.constant 1 : i32
    scf.for %parallel_loop3A_7 = %parallel_loop3A to %parallel_loop3A_5 step %parallel_loop3A_6  : i32 {
      %parallel_loop3A_8 = arith.constant 0 : i32
      %parallel_loop3A_9 = vector.broadcast %parallel_loop3A_8 : i32 to vector<16xi32>
      %parallel_loop3A_10 = vector.broadcast %parallel_loop3A_7 : i32 to vector<16xi32>
      %parallel_loop3A_11 = arith.addi %parallel_loop3A_9, %parallel_loop3A_10 : vector<16xi32>
      %parallel_loop3A_12 = arith.constant 0 : i32
      %parallel_loop3A_13 = vector.broadcast %parallel_loop3A_12 : i32 to vector<16xi32>
      %parallel_loop3A_14 = arith.addi %iota3A, %parallel_loop3A_13 : vector<16xi32>
      %parallel_loop3A_15 = tpu.vector_load_idx %arg5[%parallel_loop3A_14, %parallel_loop3A_11] : memref<64x129xf32, #tpu.memory_space<vmem>>[vector<16xi32>, vector<16xi32>], vector<16xf32>,
      %parallel_loop3A_16 = arith.constant 0 : i32
      %parallel_loop3A_17 = vector.broadcast %parallel_loop3A_16 : i32 to vector<16xi32>
      %parallel_loop3A_18 = arith.addi %iota3A, %parallel_loop3A_17 : vector<16xi32>
      %parallel_loop3A_19 = arith.constant dense<true> : vector<16xi1>
      %parallel_loop3A_20, %parallel_loop3A_21, %parallel_loop3A_22 = tpu.sort %parallel_loop3A_15, %parallel_loop3A_18 masked %parallel_loop3A_19 {descending = true} : (vector<16xf32>, vector<16xi32>, vector<16xi1>) -> (vector<16xi1>, vector<16xf32>, vector<16xi32>)
      %parallel_loop3A_23 = arith.constant 16 : i32
      %parallel_loop3A_24 = vector.broadcast %parallel_loop3A_23 : i32 to vector<16xi32>
      %parallel_loop3A_25 = arith.addi %iota3A, %parallel_loop3A_24 : vector<16xi32>
      %parallel_loop3A_26 = tpu.vector_load_idx %arg5[%parallel_loop3A_25, %parallel_loop3A_11] : memref<64x129xf32, #tpu.memory_space<vmem>>[vector<16xi32>, vector<16xi32>], vector<16xf32>,
      %parallel_loop3A_27 = arith.constant 16 : i32
      %parallel_loop3A_28 = vector.broadcast %parallel_loop3A_27 : i32 to vector<16xi32>
      %parallel_loop3A_29 = arith.addi %iota3A, %parallel_loop3A_28 : vector<16xi32>
      %parallel_loop3A_30 = arith.constant dense<true> : vector<16xi1>
      %parallel_loop3A_31, %parallel_loop3A_32, %parallel_loop3A_33 = tpu.sort %parallel_loop3A_26, %parallel_loop3A_29 masked %parallel_loop3A_30 : (vector<16xf32>, vector<16xi32>, vector<16xi1>) -> (vector<16xi1>, vector<16xf32>, vector<16xi32>)
      %parallel_loop3A_34 = arith.constant 32 : i32
      %parallel_loop3A_35 = vector.broadcast %parallel_loop3A_34 : i32 to vector<16xi32>
      %parallel_loop3A_36 = arith.addi %iota3A, %parallel_loop3A_35 : vector<16xi32>
      %parallel_loop3A_37 = tpu.vector_load_idx %arg5[%parallel_loop3A_36, %parallel_loop3A_11] : memref<64x129xf32, #tpu.memory_space<vmem>>[vector<16xi32>, vector<16xi32>], vector<16xf32>,
      %parallel_loop3A_38 = arith.constant 32 : i32
      %parallel_loop3A_39 = vector.broadcast %parallel_loop3A_38 : i32 to vector<16xi32>
      %parallel_loop3A_40 = arith.addi %iota3A, %parallel_loop3A_39 : vector<16xi32>
      %parallel_loop3A_41 = arith.constant dense<true> : vector<16xi1>
      %parallel_loop3A_42, %parallel_loop3A_43, %parallel_loop3A_44 = tpu.sort %parallel_loop3A_37, %parallel_loop3A_40 masked %parallel_loop3A_41 {descending = true} : (vector<16xf32>, vector<16xi32>, vector<16xi1>) -> (vector<16xi1>, vector<16xf32>, vector<16xi32>)
      %parallel_loop3A_45 = arith.constant 48 : i32
      %parallel_loop3A_46 = vector.broadcast %parallel_loop3A_45 : i32 to vector<16xi32>
      %parallel_loop3A_47 = arith.addi %iota3A, %parallel_loop3A_46 : vector<16xi32>
      %parallel_loop3A_48 = tpu.vector_load_idx %arg5[%parallel_loop3A_47, %parallel_loop3A_11] : memref<64x129xf32, #tpu.memory_space<vmem>>[vector<16xi32>, vector<16xi32>], vector<16xf32>,
      %parallel_loop3A_49 = arith.constant 48 : i32
      %parallel_loop3A_50 = vector.broadcast %parallel_loop3A_49 : i32 to vector<16xi32>
      %parallel_loop3A_51 = arith.addi %iota3A, %parallel_loop3A_50 : vector<16xi32>
      %parallel_loop3A_52 = arith.constant dense<true> : vector<16xi1>
      %parallel_loop3A_53, %parallel_loop3A_54, %parallel_loop3A_55 = tpu.sort %parallel_loop3A_48, %parallel_loop3A_51 masked %parallel_loop3A_52 : (vector<16xf32>, vector<16xi32>, vector<16xi1>) -> (vector<16xi1>, vector<16xf32>, vector<16xi32>)
      %parallel_loop3A_56 = arith.cmpf ogt, %parallel_loop3A_21, %parallel_loop3A_32 : vector<16xf32>
      %parallel_loop3A_57 = arith.cmpf oeq, %parallel_loop3A_21, %parallel_loop3A_32 : vector<16xf32>
      %parallel_loop3A_58 = arith.cmpi slt, %parallel_loop3A_22, %parallel_loop3A_33 : vector<16xi32>
      %parallel_loop3A_59 = arith.andi %parallel_loop3A_57, %parallel_loop3A_58 : vector<16xi1>
      %parallel_loop3A_60 = arith.ori %parallel_loop3A_56, %parallel_loop3A_59 : vector<16xi1>
      %parallel_loop3A_61 = arith.select %parallel_loop3A_60, %parallel_loop3A_21, %parallel_loop3A_32 : vector<16xi1>, vector<16xf32>
      %parallel_loop3A_62 = arith.select %parallel_loop3A_60, %parallel_loop3A_22, %parallel_loop3A_33 : vector<16xi1>, vector<16xi32>
      %parallel_loop3A_63 = arith.constant dense<true> : vector<16xi1>
      %parallel_loop3A_64, %parallel_loop3A_65, %parallel_loop3A_66 = tpu.sort %parallel_loop3A_61, %parallel_loop3A_62 masked %parallel_loop3A_63 {descending = true} : (vector<16xf32>, vector<16xi32>, vector<16xi1>) -> (vector<16xi1>, vector<16xf32>, vector<16xi32>)
      %parallel_loop3A_67 = arith.cmpf ogt, %parallel_loop3A_43, %parallel_loop3A_54 : vector<16xf32>
      %parallel_loop3A_68 = arith.cmpf oeq, %parallel_loop3A_43, %parallel_loop3A_54 : vector<16xf32>
      %parallel_loop3A_69 = arith.cmpi slt, %parallel_loop3A_44, %parallel_loop3A_55 : vector<16xi32>
      %parallel_loop3A_70 = arith.andi %parallel_loop3A_68, %parallel_loop3A_69 : vector<16xi1>
      %parallel_loop3A_71 = arith.ori %parallel_loop3A_67, %parallel_loop3A_70 : vector<16xi1>
      %parallel_loop3A_72 = arith.select %parallel_loop3A_71, %parallel_loop3A_43, %parallel_loop3A_54 : vector<16xi1>, vector<16xf32>
      %parallel_loop3A_73 = arith.select %parallel_loop3A_71, %parallel_loop3A_44, %parallel_loop3A_55 : vector<16xi1>, vector<16xi32>
      %parallel_loop3A_74 = arith.constant dense<true> : vector<16xi1>
      %parallel_loop3A_75, %parallel_loop3A_76, %parallel_loop3A_77 = tpu.sort %parallel_loop3A_72, %parallel_loop3A_73 masked %parallel_loop3A_74 : (vector<16xf32>, vector<16xi32>, vector<16xi1>) -> (vector<16xi1>, vector<16xf32>, vector<16xi32>)
      %parallel_loop3A_78 = arith.cmpf ogt, %parallel_loop3A_65, %parallel_loop3A_76 : vector<16xf32>
      %parallel_loop3A_79 = arith.cmpf oeq, %parallel_loop3A_65, %parallel_loop3A_76 : vector<16xf32>
      %parallel_loop3A_80 = arith.cmpi slt, %parallel_loop3A_66, %parallel_loop3A_77 : vector<16xi32>
      %parallel_loop3A_81 = arith.andi %parallel_loop3A_79, %parallel_loop3A_80 : vector<16xi1>
      %parallel_loop3A_82 = arith.ori %parallel_loop3A_78, %parallel_loop3A_81 : vector<16xi1>
      %parallel_loop3A_83 = arith.select %parallel_loop3A_82, %parallel_loop3A_65, %parallel_loop3A_76 : vector<16xi1>, vector<16xf32>
      %parallel_loop3A_84 = arith.select %parallel_loop3A_82, %parallel_loop3A_66, %parallel_loop3A_77 : vector<16xi1>, vector<16xi32>
      %parallel_loop3A_85 = arith.constant dense<true> : vector<16xi1>
      %parallel_loop3A_86, %parallel_loop3A_87, %parallel_loop3A_88 = tpu.sort %parallel_loop3A_83, %parallel_loop3A_84 masked %parallel_loop3A_85 {descending = true} : (vector<16xf32>, vector<16xi32>, vector<16xi1>) -> (vector<16xi1>, vector<16xf32>, vector<16xi32>)
      %parallel_loop3A_89 = math.exp %parallel_loop3A_87 : vector<16xf32>
      %parallel_loop3A_90 = arith.constant 0.000000e+00 : f32
      %parallel_loop3A_91 = vector.broadcast %parallel_loop3A_90 : f32 to vector<16xf32>
      %parallel_loop3A_92 = arith.select %lt3A_4, %parallel_loop3A_89, %parallel_loop3A_91 : vector<16xi1>, vector<16xf32>
      %parallel_loop3A_93 = arith.constant true
      %parallel_loop3A_94 = vector.broadcast %parallel_loop3A_93 : i1 to vector<16xi1>
      %parallel_loop3A_95 = tpu.scan <sum>, %parallel_loop3A_92 masked %parallel_loop3A_94 : vector<16xf32>, vector<16xi1> -> vector<16xf32>
      %parallel_loop3A_96 = vector.extract %parallel_loop3A_95[15] : f32 from vector<16xf32>
      %parallel_loop3A_97 = vector.broadcast %parallel_loop3A_96 : f32 to vector<16xf32>
      %parallel_loop3A_98 = arith.divf %parallel_loop3A_92, %parallel_loop3A_97 : vector<16xf32>
      tpu.vector_store_idx %arg6[%iota3A, %parallel_loop3A_11], %parallel_loop3A_88 masked %lt3A_4 : memref<8x129xi32, #tpu.memory_space<vmem>>[vector<16xi32>, vector<16xi32>], vector<16xi32>, vector<16xi1>
      tpu.vector_store_idx %arg7[%iota3A, %parallel_loop3A_11], %parallel_loop3A_98 masked %lt3A_4 : memref<8x129xf32, #tpu.memory_space<vmem>>[vector<16xi32>, vector<16xi32>], vector<16xf32>, vector<16xi1>
    } {sc.loop_unroll_factor = 4 : i64, sc.parallel_access}
    "tpu.region"() ({
      %run_scoped3A = tpu.sem_alloc : memref<!tpu.dma_semaphore, #tpu.memory_space<semaphore_mem>>
      %dma_start3A = arith.constant 0 : i32
      %dma_start3A_7 = arith.constant 0 : i32
      %dma_start3A_8 = tpu.memref_slice %arg6[%dma_start3A, %dma_start3A_7] : memref<8x129xi32, #tpu.memory_space<vmem>> -> memref<8x128xi32, #tpu.memory_space<vmem>>
      %dma_start3A_9 = arith.constant 0 : i32
      %dma_start3A_10 = tpu.memref_slice %arg3[%dma_start3A_9, %mul3A_2] : memref<8x4096xi32, #tpu.memory_space<hbm>> -> memref<8x128xi32, #tpu.memory_space<hbm>>
      %dma_start3A_11 = arith.constant 0 : i32
      %dma_start3A_12 = tpu.memref_slice %arg3[%dma_start3A_11, %mul3A_2] : memref<8x4096xi32, #tpu.memory_space<hbm>> -> memref<8x128xi32, #tpu.memory_space<hbm>>
      %dma_start3A_13 = arith.constant 0 : i32
      %dma_start3A_14 = arith.constant 0 : i32
      %dma_start3A_15 = tpu.memref_slice %arg6[%dma_start3A_13, %dma_start3A_14] : memref<8x129xi32, #tpu.memory_space<vmem>> -> memref<8x128xi32, #tpu.memory_space<vmem>>
      tpu.enqueue_dma source(%dma_start3A_15 : memref<8x128xi32, #tpu.memory_space<vmem>>) target(%dma_start3A_12 : memref<8x128xi32, #tpu.memory_space<hbm>>) target_semaphore(%run_scoped3A : memref<!tpu.dma_semaphore, #tpu.memory_space<semaphore_mem>>)
      %dma_wait3A = arith.constant 0 : i32
      %dma_wait3A_16 = arith.constant 0 : i32
      %dma_wait3A_17 = tpu.memref_slice %arg6[%dma_wait3A, %dma_wait3A_16] : memref<8x129xi32, #tpu.memory_space<vmem>> -> memref<8x128xi32, #tpu.memory_space<vmem>>
      %dma_wait3A_18 = arith.constant 0 : i32
      %dma_wait3A_19 = tpu.memref_slice %arg3[%dma_wait3A_18, %mul3A_2] : memref<8x4096xi32, #tpu.memory_space<hbm>> -> memref<8x128xi32, #tpu.memory_space<hbm>>
      %dma_wait3A_20 = arith.constant 0 : i32
      %dma_wait3A_21 = tpu.memref_slice %arg3[%dma_wait3A_20, %mul3A_2] : memref<8x4096xi32, #tpu.memory_space<hbm>> -> memref<8x128xi32, #tpu.memory_space<hbm>>
      %dma_wait3A_22 = arith.constant 0 : i32
      %dma_wait3A_23 = arith.constant 0 : i32
      %dma_wait3A_24 = tpu.memref_slice %arg6[%dma_wait3A_22, %dma_wait3A_23] : memref<8x129xi32, #tpu.memory_space<vmem>> -> memref<8x128xi32, #tpu.memory_space<vmem>>
      tpu.wait_dma2 semaphore(%run_scoped3A : memref<!tpu.dma_semaphore, #tpu.memory_space<semaphore_mem>>) src(%dma_wait3A_24 : memref<8x128xi32, #tpu.memory_space<vmem>>) dst(%dma_wait3A_21 : memref<8x128xi32, #tpu.memory_space<hbm>>)
      tpu.yield
    }) : () -> ()
    "tpu.region"() ({
      %run_scoped3A = tpu.sem_alloc : memref<!tpu.dma_semaphore, #tpu.memory_space<semaphore_mem>>
      %dma_start3A = arith.constant 0 : i32
      %dma_start3A_7 = arith.constant 0 : i32
      %dma_start3A_8 = tpu.memref_slice %arg7[%dma_start3A, %dma_start3A_7] : memref<8x129xf32, #tpu.memory_space<vmem>> -> memref<8x128xf32, #tpu.memory_space<vmem>>
      %dma_start3A_9 = arith.constant 0 : i32
      %dma_start3A_10 = tpu.memref_slice %arg4[%dma_start3A_9, %mul3A_2] : memref<8x4096xf32, #tpu.memory_space<hbm>> -> memref<8x128xf32, #tpu.memory_space<hbm>>
      %dma_start3A_11 = arith.constant 0 : i32
      %dma_start3A_12 = tpu.memref_slice %arg4[%dma_start3A_11, %mul3A_2] : memref<8x4096xf32, #tpu.memory_space<hbm>> -> memref<8x128xf32, #tpu.memory_space<hbm>>
      %dma_start3A_13 = arith.constant 0 : i32
      %dma_start3A_14 = arith.constant 0 : i32
      %dma_start3A_15 = tpu.memref_slice %arg7[%dma_start3A_13, %dma_start3A_14] : memref<8x129xf32, #tpu.memory_space<vmem>> -> memref<8x128xf32, #tpu.memory_space<vmem>>
      tpu.enqueue_dma source(%dma_start3A_15 : memref<8x128xf32, #tpu.memory_space<vmem>>) target(%dma_start3A_12 : memref<8x128xf32, #tpu.memory_space<hbm>>) target_semaphore(%run_scoped3A : memref<!tpu.dma_semaphore, #tpu.memory_space<semaphore_mem>>)
      %dma_wait3A = arith.constant 0 : i32
      %dma_wait3A_16 = arith.constant 0 : i32
      %dma_wait3A_17 = tpu.memref_slice %arg7[%dma_wait3A, %dma_wait3A_16] : memref<8x129xf32, #tpu.memory_space<vmem>> -> memref<8x128xf32, #tpu.memory_space<vmem>>
      %dma_wait3A_18 = arith.constant 0 : i32
      %dma_wait3A_19 = tpu.memref_slice %arg4[%dma_wait3A_18, %mul3A_2] : memref<8x4096xf32, #tpu.memory_space<hbm>> -> memref<8x128xf32, #tpu.memory_space<hbm>>
      %dma_wait3A_20 = arith.constant 0 : i32
      %dma_wait3A_21 = tpu.memref_slice %arg4[%dma_wait3A_20, %mul3A_2] : memref<8x4096xf32, #tpu.memory_space<hbm>> -> memref<8x128xf32, #tpu.memory_space<hbm>>
      %dma_wait3A_22 = arith.constant 0 : i32
      %dma_wait3A_23 = arith.constant 0 : i32
      %dma_wait3A_24 = tpu.memref_slice %arg7[%dma_wait3A_22, %dma_wait3A_23] : memref<8x129xf32, #tpu.memory_space<vmem>> -> memref<8x128xf32, #tpu.memory_space<vmem>>
      tpu.wait_dma2 semaphore(%run_scoped3A : memref<!tpu.dma_semaphore, #tpu.memory_space<semaphore_mem>>) src(%dma_wait3A_24 : memref<8x128xf32, #tpu.memory_space<vmem>>) dst(%dma_wait3A_21 : memref<8x128xf32, #tpu.memory_space<hbm>>)
      tpu.yield
    }) : () -> ()
    return
  }
}

module attributes {stable_mosaic.version = 14 : i64} {
  func.func @body(%arg0: memref<16384x2048xf32, #tpu.memory_space<any>>, %arg1: memref<64x2048xf32, #tpu.memory_space<vmem>>, %arg2: memref<64x4096xf32, #tpu.memory_space<vmem>>, %arg3: memref<4x512x2048xf32, #tpu.memory_space<vmem>>, %arg4: memref<4x!tpu.dma_semaphore, #tpu.memory_space<semaphore_mem>>) attributes {dimension_semantics = [], scalar_prefetch = 0 : i64, scratch_operands = 2 : i64, tpu.core_type = #tpu.core_type<tc>} {
    %dma_start3A = arith.constant 0 : i32
    %dma_start3A_0 = arith.constant 0 : i32
    %dma_start3A_1 = tpu.memref_slice %arg4[%dma_start3A_0] : memref<4x!tpu.dma_semaphore, #tpu.memory_space<semaphore_mem>> -> memref<1x!tpu.dma_semaphore, #tpu.memory_space<semaphore_mem>>
    %dma_start3A_2 = tpu.memref_squeeze %dma_start3A_1 : memref<1x!tpu.dma_semaphore, #tpu.memory_space<semaphore_mem>> -> memref<!tpu.dma_semaphore, #tpu.memory_space<semaphore_mem>>
    %dma_start3A_3 = arith.constant 0 : i32
    %dma_start3A_4 = arith.constant 0 : i32
    %dma_start3A_5 = tpu.memref_slice %arg3[%dma_start3A, %dma_start3A_3, %dma_start3A_4] : memref<4x512x2048xf32, #tpu.memory_space<vmem>> -> memref<1x512x2048xf32, #tpu.memory_space<vmem>>
    %dma_start3A_6 = tpu.memref_squeeze %dma_start3A_5 : memref<1x512x2048xf32, #tpu.memory_space<vmem>> -> memref<512x2048xf32, #tpu.memory_space<vmem>>
    %dma_start3A_7 = arith.constant 4096 : i32
    %dma_start3A_8 = arith.constant 0 : i32
    %dma_start3A_9 = tpu.memref_slice %arg0[%dma_start3A_7, %dma_start3A_8] : memref<16384x2048xf32, #tpu.memory_space<any>> -> memref<512x2048xf32, #tpu.memory_space<any>>
    tpu.enqueue_dma source(%dma_start3A_9 : memref<512x2048xf32, #tpu.memory_space<any>>) target(%dma_start3A_6 : memref<512x2048xf32, #tpu.memory_space<vmem>>) target_semaphore(%dma_start3A_2 : memref<!tpu.dma_semaphore, #tpu.memory_space<semaphore_mem>>)
    %dma_start3A_10 = arith.constant 1 : i32
    %dma_start3A_11 = arith.constant 1 : i32
    %dma_start3A_12 = tpu.memref_slice %arg4[%dma_start3A_11] : memref<4x!tpu.dma_semaphore, #tpu.memory_space<semaphore_mem>> -> memref<1x!tpu.dma_semaphore, #tpu.memory_space<semaphore_mem>>
    %dma_start3A_13 = tpu.memref_squeeze %dma_start3A_12 : memref<1x!tpu.dma_semaphore, #tpu.memory_space<semaphore_mem>> -> memref<!tpu.dma_semaphore, #tpu.memory_space<semaphore_mem>>
    %dma_start3A_14 = arith.constant 0 : i32
    %dma_start3A_15 = arith.constant 0 : i32
    %dma_start3A_16 = tpu.memref_slice %arg3[%dma_start3A_10, %dma_start3A_14, %dma_start3A_15] : memref<4x512x2048xf32, #tpu.memory_space<vmem>> -> memref<1x512x2048xf32, #tpu.memory_space<vmem>>
    %dma_start3A_17 = tpu.memref_squeeze %dma_start3A_16 : memref<1x512x2048xf32, #tpu.memory_space<vmem>> -> memref<512x2048xf32, #tpu.memory_space<vmem>>
    %dma_start3A_18 = arith.constant 4608 : i32
    %dma_start3A_19 = arith.constant 0 : i32
    %dma_start3A_20 = tpu.memref_slice %arg0[%dma_start3A_18, %dma_start3A_19] : memref<16384x2048xf32, #tpu.memory_space<any>> -> memref<512x2048xf32, #tpu.memory_space<any>>
    tpu.enqueue_dma source(%dma_start3A_20 : memref<512x2048xf32, #tpu.memory_space<any>>) target(%dma_start3A_17 : memref<512x2048xf32, #tpu.memory_space<vmem>>) target_semaphore(%dma_start3A_13 : memref<!tpu.dma_semaphore, #tpu.memory_space<semaphore_mem>>)
    %dma_start3A_21 = arith.constant 2 : i32
    %dma_start3A_22 = arith.constant 2 : i32
    %dma_start3A_23 = tpu.memref_slice %arg4[%dma_start3A_22] : memref<4x!tpu.dma_semaphore, #tpu.memory_space<semaphore_mem>> -> memref<1x!tpu.dma_semaphore, #tpu.memory_space<semaphore_mem>>
    %dma_start3A_24 = tpu.memref_squeeze %dma_start3A_23 : memref<1x!tpu.dma_semaphore, #tpu.memory_space<semaphore_mem>> -> memref<!tpu.dma_semaphore, #tpu.memory_space<semaphore_mem>>
    %dma_start3A_25 = arith.constant 0 : i32
    %dma_start3A_26 = arith.constant 0 : i32
    %dma_start3A_27 = tpu.memref_slice %arg3[%dma_start3A_21, %dma_start3A_25, %dma_start3A_26] : memref<4x512x2048xf32, #tpu.memory_space<vmem>> -> memref<1x512x2048xf32, #tpu.memory_space<vmem>>
    %dma_start3A_28 = tpu.memref_squeeze %dma_start3A_27 : memref<1x512x2048xf32, #tpu.memory_space<vmem>> -> memref<512x2048xf32, #tpu.memory_space<vmem>>
    %dma_start3A_29 = arith.constant 5120 : i32
    %dma_start3A_30 = arith.constant 0 : i32
    %dma_start3A_31 = tpu.memref_slice %arg0[%dma_start3A_29, %dma_start3A_30] : memref<16384x2048xf32, #tpu.memory_space<any>> -> memref<512x2048xf32, #tpu.memory_space<any>>
    tpu.enqueue_dma source(%dma_start3A_31 : memref<512x2048xf32, #tpu.memory_space<any>>) target(%dma_start3A_28 : memref<512x2048xf32, #tpu.memory_space<vmem>>) target_semaphore(%dma_start3A_24 : memref<!tpu.dma_semaphore, #tpu.memory_space<semaphore_mem>>)
    %get3A = arith.constant 0 : index
    %get3A_32 = arith.constant 0 : index
    %get3A_33 = vector.load %arg1[%get3A, %get3A_32] : memref<64x2048xf32, #tpu.memory_space<vmem>>, vector<64x2048xf32>
    %dma_wait3A = arith.constant 0 : i32
    %dma_wait3A_34 = arith.constant 0 : i32
    %dma_wait3A_35 = tpu.memref_slice %arg4[%dma_wait3A_34] : memref<4x!tpu.dma_semaphore, #tpu.memory_space<semaphore_mem>> -> memref<1x!tpu.dma_semaphore, #tpu.memory_space<semaphore_mem>>
    %dma_wait3A_36 = tpu.memref_squeeze %dma_wait3A_35 : memref<1x!tpu.dma_semaphore, #tpu.memory_space<semaphore_mem>> -> memref<!tpu.dma_semaphore, #tpu.memory_space<semaphore_mem>>
    %dma_wait3A_37 = arith.constant 0 : i32
    %dma_wait3A_38 = arith.constant 0 : i32
    %dma_wait3A_39 = tpu.memref_slice %arg3[%dma_wait3A, %dma_wait3A_37, %dma_wait3A_38] : memref<4x512x2048xf32, #tpu.memory_space<vmem>> -> memref<1x512x2048xf32, #tpu.memory_space<vmem>>
    %dma_wait3A_40 = tpu.memref_squeeze %dma_wait3A_39 : memref<1x512x2048xf32, #tpu.memory_space<vmem>> -> memref<512x2048xf32, #tpu.memory_space<vmem>>
    %dma_wait3A_41 = arith.constant 4096 : i32
    %dma_wait3A_42 = arith.constant 0 : i32
    %dma_wait3A_43 = tpu.memref_slice %arg0[%dma_wait3A_41, %dma_wait3A_42] : memref<16384x2048xf32, #tpu.memory_space<any>> -> memref<512x2048xf32, #tpu.memory_space<any>>
    tpu.wait_dma2 semaphore(%dma_wait3A_36 : memref<!tpu.dma_semaphore, #tpu.memory_space<semaphore_mem>>) src(%dma_wait3A_43 : memref<512x2048xf32, #tpu.memory_space<any>>) dst(%dma_wait3A_40 : memref<512x2048xf32, #tpu.memory_space<vmem>>)
    %dma_start3A_44 = arith.constant 3 : i32
    %dma_start3A_45 = arith.constant 3 : i32
    %dma_start3A_46 = tpu.memref_slice %arg4[%dma_start3A_45] : memref<4x!tpu.dma_semaphore, #tpu.memory_space<semaphore_mem>> -> memref<1x!tpu.dma_semaphore, #tpu.memory_space<semaphore_mem>>
    %dma_start3A_47 = tpu.memref_squeeze %dma_start3A_46 : memref<1x!tpu.dma_semaphore, #tpu.memory_space<semaphore_mem>> -> memref<!tpu.dma_semaphore, #tpu.memory_space<semaphore_mem>>
    %dma_start3A_48 = arith.constant 0 : i32
    %dma_start3A_49 = arith.constant 0 : i32
    %dma_start3A_50 = tpu.memref_slice %arg3[%dma_start3A_44, %dma_start3A_48, %dma_start3A_49] : memref<4x512x2048xf32, #tpu.memory_space<vmem>> -> memref<1x512x2048xf32, #tpu.memory_space<vmem>>
    %dma_start3A_51 = tpu.memref_squeeze %dma_start3A_50 : memref<1x512x2048xf32, #tpu.memory_space<vmem>> -> memref<512x2048xf32, #tpu.memory_space<vmem>>
    %dma_start3A_52 = arith.constant 5632 : i32
    %dma_start3A_53 = arith.constant 0 : i32
    %dma_start3A_54 = tpu.memref_slice %arg0[%dma_start3A_52, %dma_start3A_53] : memref<16384x2048xf32, #tpu.memory_space<any>> -> memref<512x2048xf32, #tpu.memory_space<any>>
    tpu.enqueue_dma source(%dma_start3A_54 : memref<512x2048xf32, #tpu.memory_space<any>>) target(%dma_start3A_51 : memref<512x2048xf32, #tpu.memory_space<vmem>>) target_semaphore(%dma_start3A_47 : memref<!tpu.dma_semaphore, #tpu.memory_space<semaphore_mem>>)
    %get3A_55 = arith.constant 0 : index
    %get3A_56 = arith.constant 0 : index
    %get3A_57 = arith.constant 0 : index
    %get3A_58 = vector.load %arg3[%get3A_55, %get3A_56, %get3A_57] : memref<4x512x2048xf32, #tpu.memory_space<vmem>>, vector<1x512x2048xf32>
    %get3A_59 = vector.shape_cast %get3A_58 : vector<1x512x2048xf32> to vector<512x2048xf32>
    %dot_general3A = arith.constant dense<0.000000e+00> : vector<64x512xf32>
    %dot_general3A_60 = tpu.matmul %get3A_33, %get3A_59, %dot_general3A {dimension_numbers = #tpu.dot_dimension_numbers<[1], [1], [0], [0], [0, 0, 1, 0], [], []>, transpose_lhs_hint = false} : vector<64x2048xf32>, vector<512x2048xf32>, vector<64x512xf32> -> vector<64x512xf32>
    %swap3A = arith.constant 0 : index
    %swap3A_61 = arith.constant 0 : index
    %swap3A_62 = vector.load %arg2[%swap3A, %swap3A_61] : memref<64x4096xf32, #tpu.memory_space<vmem>>, vector<64x512xf32>
    tpu.vector_store %arg2[%swap3A, %swap3A_61], %dot_general3A_60 {strides = array<i32>} : memref<64x4096xf32, #tpu.memory_space<vmem>>, vector<64x512xf32>,
    %dma_wait3A_63 = arith.constant 1 : i32
    %dma_wait3A_64 = arith.constant 1 : i32
    %dma_wait3A_65 = tpu.memref_slice %arg4[%dma_wait3A_64] : memref<4x!tpu.dma_semaphore, #tpu.memory_space<semaphore_mem>> -> memref<1x!tpu.dma_semaphore, #tpu.memory_space<semaphore_mem>>
    %dma_wait3A_66 = tpu.memref_squeeze %dma_wait3A_65 : memref<1x!tpu.dma_semaphore, #tpu.memory_space<semaphore_mem>> -> memref<!tpu.dma_semaphore, #tpu.memory_space<semaphore_mem>>
    %dma_wait3A_67 = arith.constant 0 : i32
    %dma_wait3A_68 = arith.constant 0 : i32
    %dma_wait3A_69 = tpu.memref_slice %arg3[%dma_wait3A_63, %dma_wait3A_67, %dma_wait3A_68] : memref<4x512x2048xf32, #tpu.memory_space<vmem>> -> memref<1x512x2048xf32, #tpu.memory_space<vmem>>
    %dma_wait3A_70 = tpu.memref_squeeze %dma_wait3A_69 : memref<1x512x2048xf32, #tpu.memory_space<vmem>> -> memref<512x2048xf32, #tpu.memory_space<vmem>>
    %dma_wait3A_71 = arith.constant 4608 : i32
    %dma_wait3A_72 = arith.constant 0 : i32
    %dma_wait3A_73 = tpu.memref_slice %arg0[%dma_wait3A_71, %dma_wait3A_72] : memref<16384x2048xf32, #tpu.memory_space<any>> -> memref<512x2048xf32, #tpu.memory_space<any>>
    tpu.wait_dma2 semaphore(%dma_wait3A_66 : memref<!tpu.dma_semaphore, #tpu.memory_space<semaphore_mem>>) src(%dma_wait3A_73 : memref<512x2048xf32, #tpu.memory_space<any>>) dst(%dma_wait3A_70 : memref<512x2048xf32, #tpu.memory_space<vmem>>)
    %dma_start3A_74 = arith.constant 0 : i32
    %dma_start3A_75 = arith.constant 0 : i32
    %dma_start3A_76 = tpu.memref_slice %arg4[%dma_start3A_75] : memref<4x!tpu.dma_semaphore, #tpu.memory_space<semaphore_mem>> -> memref<1x!tpu.dma_semaphore, #tpu.memory_space<semaphore_mem>>
    %dma_start3A_77 = tpu.memref_squeeze %dma_start3A_76 : memref<1x!tpu.dma_semaphore, #tpu.memory_space<semaphore_mem>> -> memref<!tpu.dma_semaphore, #tpu.memory_space<semaphore_mem>>
    %dma_start3A_78 = arith.constant 0 : i32
    %dma_start3A_79 = arith.constant 0 : i32
    %dma_start3A_80 = tpu.memref_slice %arg3[%dma_start3A_74, %dma_start3A_78, %dma_start3A_79] : memref<4x512x2048xf32, #tpu.memory_space<vmem>> -> memref<1x512x2048xf32, #tpu.memory_space<vmem>>
    %dma_start3A_81 = tpu.memref_squeeze %dma_start3A_80 : memref<1x512x2048xf32, #tpu.memory_space<vmem>> -> memref<512x2048xf32, #tpu.memory_space<vmem>>
    %dma_start3A_82 = arith.constant 6144 : i32
    %dma_start3A_83 = arith.constant 0 : i32
    %dma_start3A_84 = tpu.memref_slice %arg0[%dma_start3A_82, %dma_start3A_83] : memref<16384x2048xf32, #tpu.memory_space<any>> -> memref<512x2048xf32, #tpu.memory_space<any>>
    tpu.enqueue_dma source(%dma_start3A_84 : memref<512x2048xf32, #tpu.memory_space<any>>) target(%dma_start3A_81 : memref<512x2048xf32, #tpu.memory_space<vmem>>) target_semaphore(%dma_start3A_77 : memref<!tpu.dma_semaphore, #tpu.memory_space<semaphore_mem>>)
    %get3A_85 = arith.constant 1 : index
    %get3A_86 = arith.constant 0 : index
    %get3A_87 = arith.constant 0 : index
    %get3A_88 = vector.load %arg3[%get3A_85, %get3A_86, %get3A_87] : memref<4x512x2048xf32, #tpu.memory_space<vmem>>, vector<1x512x2048xf32>
    %get3A_89 = vector.shape_cast %get3A_88 : vector<1x512x2048xf32> to vector<512x2048xf32>
    %dot_general3A_90 = arith.constant dense<0.000000e+00> : vector<64x512xf32>
    %dot_general3A_91 = tpu.matmul %get3A_33, %get3A_89, %dot_general3A_90 {dimension_numbers = #tpu.dot_dimension_numbers<[1], [1], [0], [0], [0, 0, 1, 0], [], []>, transpose_lhs_hint = false} : vector<64x2048xf32>, vector<512x2048xf32>, vector<64x512xf32> -> vector<64x512xf32>
    %swap3A_92 = arith.constant 0 : index
    %swap3A_93 = arith.constant 512 : index
    %swap3A_94 = vector.load %arg2[%swap3A_92, %swap3A_93] : memref<64x4096xf32, #tpu.memory_space<vmem>>, vector<64x512xf32>
    tpu.vector_store %arg2[%swap3A_92, %swap3A_93], %dot_general3A_91 {strides = array<i32>} : memref<64x4096xf32, #tpu.memory_space<vmem>>, vector<64x512xf32>,
    %dma_wait3A_95 = arith.constant 2 : i32
    %dma_wait3A_96 = arith.constant 2 : i32
    %dma_wait3A_97 = tpu.memref_slice %arg4[%dma_wait3A_96] : memref<4x!tpu.dma_semaphore, #tpu.memory_space<semaphore_mem>> -> memref<1x!tpu.dma_semaphore, #tpu.memory_space<semaphore_mem>>
    %dma_wait3A_98 = tpu.memref_squeeze %dma_wait3A_97 : memref<1x!tpu.dma_semaphore, #tpu.memory_space<semaphore_mem>> -> memref<!tpu.dma_semaphore, #tpu.memory_space<semaphore_mem>>
    %dma_wait3A_99 = arith.constant 0 : i32
    %dma_wait3A_100 = arith.constant 0 : i32
    %dma_wait3A_101 = tpu.memref_slice %arg3[%dma_wait3A_95, %dma_wait3A_99, %dma_wait3A_100] : memref<4x512x2048xf32, #tpu.memory_space<vmem>> -> memref<1x512x2048xf32, #tpu.memory_space<vmem>>
    %dma_wait3A_102 = tpu.memref_squeeze %dma_wait3A_101 : memref<1x512x2048xf32, #tpu.memory_space<vmem>> -> memref<512x2048xf32, #tpu.memory_space<vmem>>
    %dma_wait3A_103 = arith.constant 5120 : i32
    %dma_wait3A_104 = arith.constant 0 : i32
    %dma_wait3A_105 = tpu.memref_slice %arg0[%dma_wait3A_103, %dma_wait3A_104] : memref<16384x2048xf32, #tpu.memory_space<any>> -> memref<512x2048xf32, #tpu.memory_space<any>>
    tpu.wait_dma2 semaphore(%dma_wait3A_98 : memref<!tpu.dma_semaphore, #tpu.memory_space<semaphore_mem>>) src(%dma_wait3A_105 : memref<512x2048xf32, #tpu.memory_space<any>>) dst(%dma_wait3A_102 : memref<512x2048xf32, #tpu.memory_space<vmem>>)
    %dma_start3A_106 = arith.constant 1 : i32
    %dma_start3A_107 = arith.constant 1 : i32
    %dma_start3A_108 = tpu.memref_slice %arg4[%dma_start3A_107] : memref<4x!tpu.dma_semaphore, #tpu.memory_space<semaphore_mem>> -> memref<1x!tpu.dma_semaphore, #tpu.memory_space<semaphore_mem>>
    %dma_start3A_109 = tpu.memref_squeeze %dma_start3A_108 : memref<1x!tpu.dma_semaphore, #tpu.memory_space<semaphore_mem>> -> memref<!tpu.dma_semaphore, #tpu.memory_space<semaphore_mem>>
    %dma_start3A_110 = arith.constant 0 : i32
    %dma_start3A_111 = arith.constant 0 : i32
    %dma_start3A_112 = tpu.memref_slice %arg3[%dma_start3A_106, %dma_start3A_110, %dma_start3A_111] : memref<4x512x2048xf32, #tpu.memory_space<vmem>> -> memref<1x512x2048xf32, #tpu.memory_space<vmem>>
    %dma_start3A_113 = tpu.memref_squeeze %dma_start3A_112 : memref<1x512x2048xf32, #tpu.memory_space<vmem>> -> memref<512x2048xf32, #tpu.memory_space<vmem>>
    %dma_start3A_114 = arith.constant 6656 : i32
    %dma_start3A_115 = arith.constant 0 : i32
    %dma_start3A_116 = tpu.memref_slice %arg0[%dma_start3A_114, %dma_start3A_115] : memref<16384x2048xf32, #tpu.memory_space<any>> -> memref<512x2048xf32, #tpu.memory_space<any>>
    tpu.enqueue_dma source(%dma_start3A_116 : memref<512x2048xf32, #tpu.memory_space<any>>) target(%dma_start3A_113 : memref<512x2048xf32, #tpu.memory_space<vmem>>) target_semaphore(%dma_start3A_109 : memref<!tpu.dma_semaphore, #tpu.memory_space<semaphore_mem>>)
    %get3A_117 = arith.constant 2 : index
    %get3A_118 = arith.constant 0 : index
    %get3A_119 = arith.constant 0 : index
    %get3A_120 = vector.load %arg3[%get3A_117, %get3A_118, %get3A_119] : memref<4x512x2048xf32, #tpu.memory_space<vmem>>, vector<1x512x2048xf32>
    %get3A_121 = vector.shape_cast %get3A_120 : vector<1x512x2048xf32> to vector<512x2048xf32>
    %dot_general3A_122 = arith.constant dense<0.000000e+00> : vector<64x512xf32>
    %dot_general3A_123 = tpu.matmul %get3A_33, %get3A_121, %dot_general3A_122 {dimension_numbers = #tpu.dot_dimension_numbers<[1], [1], [0], [0], [0, 0, 1, 0], [], []>, transpose_lhs_hint = false} : vector<64x2048xf32>, vector<512x2048xf32>, vector<64x512xf32> -> vector<64x512xf32>
    %swap3A_124 = arith.constant 0 : index
    %swap3A_125 = arith.constant 1024 : index
    %swap3A_126 = vector.load %arg2[%swap3A_124, %swap3A_125] : memref<64x4096xf32, #tpu.memory_space<vmem>>, vector<64x512xf32>
    tpu.vector_store %arg2[%swap3A_124, %swap3A_125], %dot_general3A_123 {strides = array<i32>} : memref<64x4096xf32, #tpu.memory_space<vmem>>, vector<64x512xf32>,
    %dma_wait3A_127 = arith.constant 3 : i32
    %dma_wait3A_128 = arith.constant 3 : i32
    %dma_wait3A_129 = tpu.memref_slice %arg4[%dma_wait3A_128] : memref<4x!tpu.dma_semaphore, #tpu.memory_space<semaphore_mem>> -> memref<1x!tpu.dma_semaphore, #tpu.memory_space<semaphore_mem>>
    %dma_wait3A_130 = tpu.memref_squeeze %dma_wait3A_129 : memref<1x!tpu.dma_semaphore, #tpu.memory_space<semaphore_mem>> -> memref<!tpu.dma_semaphore, #tpu.memory_space<semaphore_mem>>
    %dma_wait3A_131 = arith.constant 0 : i32
    %dma_wait3A_132 = arith.constant 0 : i32
    %dma_wait3A_133 = tpu.memref_slice %arg3[%dma_wait3A_127, %dma_wait3A_131, %dma_wait3A_132] : memref<4x512x2048xf32, #tpu.memory_space<vmem>> -> memref<1x512x2048xf32, #tpu.memory_space<vmem>>
    %dma_wait3A_134 = tpu.memref_squeeze %dma_wait3A_133 : memref<1x512x2048xf32, #tpu.memory_space<vmem>> -> memref<512x2048xf32, #tpu.memory_space<vmem>>
    %dma_wait3A_135 = arith.constant 5632 : i32
    %dma_wait3A_136 = arith.constant 0 : i32
    %dma_wait3A_137 = tpu.memref_slice %arg0[%dma_wait3A_135, %dma_wait3A_136] : memref<16384x2048xf32, #tpu.memory_space<any>> -> memref<512x2048xf32, #tpu.memory_space<any>>
    tpu.wait_dma2 semaphore(%dma_wait3A_130 : memref<!tpu.dma_semaphore, #tpu.memory_space<semaphore_mem>>) src(%dma_wait3A_137 : memref<512x2048xf32, #tpu.memory_space<any>>) dst(%dma_wait3A_134 : memref<512x2048xf32, #tpu.memory_space<vmem>>)
    %dma_start3A_138 = arith.constant 2 : i32
    %dma_start3A_139 = arith.constant 2 : i32
    %dma_start3A_140 = tpu.memref_slice %arg4[%dma_start3A_139] : memref<4x!tpu.dma_semaphore, #tpu.memory_space<semaphore_mem>> -> memref<1x!tpu.dma_semaphore, #tpu.memory_space<semaphore_mem>>
    %dma_start3A_141 = tpu.memref_squeeze %dma_start3A_140 : memref<1x!tpu.dma_semaphore, #tpu.memory_space<semaphore_mem>> -> memref<!tpu.dma_semaphore, #tpu.memory_space<semaphore_mem>>
    %dma_start3A_142 = arith.constant 0 : i32
    %dma_start3A_143 = arith.constant 0 : i32
    %dma_start3A_144 = tpu.memref_slice %arg3[%dma_start3A_138, %dma_start3A_142, %dma_start3A_143] : memref<4x512x2048xf32, #tpu.memory_space<vmem>> -> memref<1x512x2048xf32, #tpu.memory_space<vmem>>
    %dma_start3A_145 = tpu.memref_squeeze %dma_start3A_144 : memref<1x512x2048xf32, #tpu.memory_space<vmem>> -> memref<512x2048xf32, #tpu.memory_space<vmem>>
    %dma_start3A_146 = arith.constant 7168 : i32
    %dma_start3A_147 = arith.constant 0 : i32
    %dma_start3A_148 = tpu.memref_slice %arg0[%dma_start3A_146, %dma_start3A_147] : memref<16384x2048xf32, #tpu.memory_space<any>> -> memref<512x2048xf32, #tpu.memory_space<any>>
    tpu.enqueue_dma source(%dma_start3A_148 : memref<512x2048xf32, #tpu.memory_space<any>>) target(%dma_start3A_145 : memref<512x2048xf32, #tpu.memory_space<vmem>>) target_semaphore(%dma_start3A_141 : memref<!tpu.dma_semaphore, #tpu.memory_space<semaphore_mem>>)
    %get3A_149 = arith.constant 3 : index
    %get3A_150 = arith.constant 0 : index
    %get3A_151 = arith.constant 0 : index
    %get3A_152 = vector.load %arg3[%get3A_149, %get3A_150, %get3A_151] : memref<4x512x2048xf32, #tpu.memory_space<vmem>>, vector<1x512x2048xf32>
    %get3A_153 = vector.shape_cast %get3A_152 : vector<1x512x2048xf32> to vector<512x2048xf32>
    %dot_general3A_154 = arith.constant dense<0.000000e+00> : vector<64x512xf32>
    %dot_general3A_155 = tpu.matmul %get3A_33, %get3A_153, %dot_general3A_154 {dimension_numbers = #tpu.dot_dimension_numbers<[1], [1], [0], [0], [0, 0, 1, 0], [], []>, transpose_lhs_hint = false} : vector<64x2048xf32>, vector<512x2048xf32>, vector<64x512xf32> -> vector<64x512xf32>
    %swap3A_156 = arith.constant 0 : index
    %swap3A_157 = arith.constant 1536 : index
    %swap3A_158 = vector.load %arg2[%swap3A_156, %swap3A_157] : memref<64x4096xf32, #tpu.memory_space<vmem>>, vector<64x512xf32>
    tpu.vector_store %arg2[%swap3A_156, %swap3A_157], %dot_general3A_155 {strides = array<i32>} : memref<64x4096xf32, #tpu.memory_space<vmem>>, vector<64x512xf32>,
    %dma_wait3A_159 = arith.constant 0 : i32
    %dma_wait3A_160 = arith.constant 0 : i32
    %dma_wait3A_161 = tpu.memref_slice %arg4[%dma_wait3A_160] : memref<4x!tpu.dma_semaphore, #tpu.memory_space<semaphore_mem>> -> memref<1x!tpu.dma_semaphore, #tpu.memory_space<semaphore_mem>>
    %dma_wait3A_162 = tpu.memref_squeeze %dma_wait3A_161 : memref<1x!tpu.dma_semaphore, #tpu.memory_space<semaphore_mem>> -> memref<!tpu.dma_semaphore, #tpu.memory_space<semaphore_mem>>
    %dma_wait3A_163 = arith.constant 0 : i32
    %dma_wait3A_164 = arith.constant 0 : i32
    %dma_wait3A_165 = tpu.memref_slice %arg3[%dma_wait3A_159, %dma_wait3A_163, %dma_wait3A_164] : memref<4x512x2048xf32, #tpu.memory_space<vmem>> -> memref<1x512x2048xf32, #tpu.memory_space<vmem>>
    %dma_wait3A_166 = tpu.memref_squeeze %dma_wait3A_165 : memref<1x512x2048xf32, #tpu.memory_space<vmem>> -> memref<512x2048xf32, #tpu.memory_space<vmem>>
    %dma_wait3A_167 = arith.constant 6144 : i32
    %dma_wait3A_168 = arith.constant 0 : i32
    %dma_wait3A_169 = tpu.memref_slice %arg0[%dma_wait3A_167, %dma_wait3A_168] : memref<16384x2048xf32, #tpu.memory_space<any>> -> memref<512x2048xf32, #tpu.memory_space<any>>
    tpu.wait_dma2 semaphore(%dma_wait3A_162 : memref<!tpu.dma_semaphore, #tpu.memory_space<semaphore_mem>>) src(%dma_wait3A_169 : memref<512x2048xf32, #tpu.memory_space<any>>) dst(%dma_wait3A_166 : memref<512x2048xf32, #tpu.memory_space<vmem>>)
    %dma_start3A_170 = arith.constant 3 : i32
    %dma_start3A_171 = arith.constant 3 : i32
    %dma_start3A_172 = tpu.memref_slice %arg4[%dma_start3A_171] : memref<4x!tpu.dma_semaphore, #tpu.memory_space<semaphore_mem>> -> memref<1x!tpu.dma_semaphore, #tpu.memory_space<semaphore_mem>>
    %dma_start3A_173 = tpu.memref_squeeze %dma_start3A_172 : memref<1x!tpu.dma_semaphore, #tpu.memory_space<semaphore_mem>> -> memref<!tpu.dma_semaphore, #tpu.memory_space<semaphore_mem>>
    %dma_start3A_174 = arith.constant 0 : i32
    %dma_start3A_175 = arith.constant 0 : i32
    %dma_start3A_176 = tpu.memref_slice %arg3[%dma_start3A_170, %dma_start3A_174, %dma_start3A_175] : memref<4x512x2048xf32, #tpu.memory_space<vmem>> -> memref<1x512x2048xf32, #tpu.memory_space<vmem>>
    %dma_start3A_177 = tpu.memref_squeeze %dma_start3A_176 : memref<1x512x2048xf32, #tpu.memory_space<vmem>> -> memref<512x2048xf32, #tpu.memory_space<vmem>>
    %dma_start3A_178 = arith.constant 7680 : i32
    %dma_start3A_179 = arith.constant 0 : i32
    %dma_start3A_180 = tpu.memref_slice %arg0[%dma_start3A_178, %dma_start3A_179] : memref<16384x2048xf32, #tpu.memory_space<any>> -> memref<512x2048xf32, #tpu.memory_space<any>>
    tpu.enqueue_dma source(%dma_start3A_180 : memref<512x2048xf32, #tpu.memory_space<any>>) target(%dma_start3A_177 : memref<512x2048xf32, #tpu.memory_space<vmem>>) target_semaphore(%dma_start3A_173 : memref<!tpu.dma_semaphore, #tpu.memory_space<semaphore_mem>>)
    %get3A_181 = arith.constant 0 : index
    %get3A_182 = arith.constant 0 : index
    %get3A_183 = arith.constant 0 : index
    %get3A_184 = vector.load %arg3[%get3A_181, %get3A_182, %get3A_183] : memref<4x512x2048xf32, #tpu.memory_space<vmem>>, vector<1x512x2048xf32>
    %get3A_185 = vector.shape_cast %get3A_184 : vector<1x512x2048xf32> to vector<512x2048xf32>
    %dot_general3A_186 = arith.constant dense<0.000000e+00> : vector<64x512xf32>
    %dot_general3A_187 = tpu.matmul %get3A_33, %get3A_185, %dot_general3A_186 {dimension_numbers = #tpu.dot_dimension_numbers<[1], [1], [0], [0], [0, 0, 1, 0], [], []>, transpose_lhs_hint = false} : vector<64x2048xf32>, vector<512x2048xf32>, vector<64x512xf32> -> vector<64x512xf32>
    %swap3A_188 = arith.constant 0 : index
    %swap3A_189 = arith.constant 2048 : index
    %swap3A_190 = vector.load %arg2[%swap3A_188, %swap3A_189] : memref<64x4096xf32, #tpu.memory_space<vmem>>, vector<64x512xf32>
    tpu.vector_store %arg2[%swap3A_188, %swap3A_189], %dot_general3A_187 {strides = array<i32>} : memref<64x4096xf32, #tpu.memory_space<vmem>>, vector<64x512xf32>,
    %dma_wait3A_191 = arith.constant 1 : i32
    %dma_wait3A_192 = arith.constant 1 : i32
    %dma_wait3A_193 = tpu.memref_slice %arg4[%dma_wait3A_192] : memref<4x!tpu.dma_semaphore, #tpu.memory_space<semaphore_mem>> -> memref<1x!tpu.dma_semaphore, #tpu.memory_space<semaphore_mem>>
    %dma_wait3A_194 = tpu.memref_squeeze %dma_wait3A_193 : memref<1x!tpu.dma_semaphore, #tpu.memory_space<semaphore_mem>> -> memref<!tpu.dma_semaphore, #tpu.memory_space<semaphore_mem>>
    %dma_wait3A_195 = arith.constant 0 : i32
    %dma_wait3A_196 = arith.constant 0 : i32
    %dma_wait3A_197 = tpu.memref_slice %arg3[%dma_wait3A_191, %dma_wait3A_195, %dma_wait3A_196] : memref<4x512x2048xf32, #tpu.memory_space<vmem>> -> memref<1x512x2048xf32, #tpu.memory_space<vmem>>
    %dma_wait3A_198 = tpu.memref_squeeze %dma_wait3A_197 : memref<1x512x2048xf32, #tpu.memory_space<vmem>> -> memref<512x2048xf32, #tpu.memory_space<vmem>>
    %dma_wait3A_199 = arith.constant 6656 : i32
    %dma_wait3A_200 = arith.constant 0 : i32
    %dma_wait3A_201 = tpu.memref_slice %arg0[%dma_wait3A_199, %dma_wait3A_200] : memref<16384x2048xf32, #tpu.memory_space<any>> -> memref<512x2048xf32, #tpu.memory_space<any>>
    tpu.wait_dma2 semaphore(%dma_wait3A_194 : memref<!tpu.dma_semaphore, #tpu.memory_space<semaphore_mem>>) src(%dma_wait3A_201 : memref<512x2048xf32, #tpu.memory_space<any>>) dst(%dma_wait3A_198 : memref<512x2048xf32, #tpu.memory_space<vmem>>)
    %get3A_202 = arith.constant 1 : index
    %get3A_203 = arith.constant 0 : index
    %get3A_204 = arith.constant 0 : index
    %get3A_205 = vector.load %arg3[%get3A_202, %get3A_203, %get3A_204] : memref<4x512x2048xf32, #tpu.memory_space<vmem>>, vector<1x512x2048xf32>
    %get3A_206 = vector.shape_cast %get3A_205 : vector<1x512x2048xf32> to vector<512x2048xf32>
    %dot_general3A_207 = arith.constant dense<0.000000e+00> : vector<64x512xf32>
    %dot_general3A_208 = tpu.matmul %get3A_33, %get3A_206, %dot_general3A_207 {dimension_numbers = #tpu.dot_dimension_numbers<[1], [1], [0], [0], [0, 0, 1, 0], [], []>, transpose_lhs_hint = false} : vector<64x2048xf32>, vector<512x2048xf32>, vector<64x512xf32> -> vector<64x512xf32>
    %swap3A_209 = arith.constant 0 : index
    %swap3A_210 = arith.constant 2560 : index
    %swap3A_211 = vector.load %arg2[%swap3A_209, %swap3A_210] : memref<64x4096xf32, #tpu.memory_space<vmem>>, vector<64x512xf32>
    tpu.vector_store %arg2[%swap3A_209, %swap3A_210], %dot_general3A_208 {strides = array<i32>} : memref<64x4096xf32, #tpu.memory_space<vmem>>, vector<64x512xf32>,
    %dma_wait3A_212 = arith.constant 2 : i32
    %dma_wait3A_213 = arith.constant 2 : i32
    %dma_wait3A_214 = tpu.memref_slice %arg4[%dma_wait3A_213] : memref<4x!tpu.dma_semaphore, #tpu.memory_space<semaphore_mem>> -> memref<1x!tpu.dma_semaphore, #tpu.memory_space<semaphore_mem>>
    %dma_wait3A_215 = tpu.memref_squeeze %dma_wait3A_214 : memref<1x!tpu.dma_semaphore, #tpu.memory_space<semaphore_mem>> -> memref<!tpu.dma_semaphore, #tpu.memory_space<semaphore_mem>>
    %dma_wait3A_216 = arith.constant 0 : i32
    %dma_wait3A_217 = arith.constant 0 : i32
    %dma_wait3A_218 = tpu.memref_slice %arg3[%dma_wait3A_212, %dma_wait3A_216, %dma_wait3A_217] : memref<4x512x2048xf32, #tpu.memory_space<vmem>> -> memref<1x512x2048xf32, #tpu.memory_space<vmem>>
    %dma_wait3A_219 = tpu.memref_squeeze %dma_wait3A_218 : memref<1x512x2048xf32, #tpu.memory_space<vmem>> -> memref<512x2048xf32, #tpu.memory_space<vmem>>
    %dma_wait3A_220 = arith.constant 7168 : i32
    %dma_wait3A_221 = arith.constant 0 : i32
    %dma_wait3A_222 = tpu.memref_slice %arg0[%dma_wait3A_220, %dma_wait3A_221] : memref<16384x2048xf32, #tpu.memory_space<any>> -> memref<512x2048xf32, #tpu.memory_space<any>>
    tpu.wait_dma2 semaphore(%dma_wait3A_215 : memref<!tpu.dma_semaphore, #tpu.memory_space<semaphore_mem>>) src(%dma_wait3A_222 : memref<512x2048xf32, #tpu.memory_space<any>>) dst(%dma_wait3A_219 : memref<512x2048xf32, #tpu.memory_space<vmem>>)
    %get3A_223 = arith.constant 2 : index
    %get3A_224 = arith.constant 0 : index
    %get3A_225 = arith.constant 0 : index
    %get3A_226 = vector.load %arg3[%get3A_223, %get3A_224, %get3A_225] : memref<4x512x2048xf32, #tpu.memory_space<vmem>>, vector<1x512x2048xf32>
    %get3A_227 = vector.shape_cast %get3A_226 : vector<1x512x2048xf32> to vector<512x2048xf32>
    %dot_general3A_228 = arith.constant dense<0.000000e+00> : vector<64x512xf32>
    %dot_general3A_229 = tpu.matmul %get3A_33, %get3A_227, %dot_general3A_228 {dimension_numbers = #tpu.dot_dimension_numbers<[1], [1], [0], [0], [0, 0, 1, 0], [], []>, transpose_lhs_hint = false} : vector<64x2048xf32>, vector<512x2048xf32>, vector<64x512xf32> -> vector<64x512xf32>
    %swap3A_230 = arith.constant 0 : index
    %swap3A_231 = arith.constant 3072 : index
    %swap3A_232 = vector.load %arg2[%swap3A_230, %swap3A_231] : memref<64x4096xf32, #tpu.memory_space<vmem>>, vector<64x512xf32>
    tpu.vector_store %arg2[%swap3A_230, %swap3A_231], %dot_general3A_229 {strides = array<i32>} : memref<64x4096xf32, #tpu.memory_space<vmem>>, vector<64x512xf32>,
    %dma_wait3A_233 = arith.constant 3 : i32
    %dma_wait3A_234 = arith.constant 3 : i32
    %dma_wait3A_235 = tpu.memref_slice %arg4[%dma_wait3A_234] : memref<4x!tpu.dma_semaphore, #tpu.memory_space<semaphore_mem>> -> memref<1x!tpu.dma_semaphore, #tpu.memory_space<semaphore_mem>>
    %dma_wait3A_236 = tpu.memref_squeeze %dma_wait3A_235 : memref<1x!tpu.dma_semaphore, #tpu.memory_space<semaphore_mem>> -> memref<!tpu.dma_semaphore, #tpu.memory_space<semaphore_mem>>
    %dma_wait3A_237 = arith.constant 0 : i32
    %dma_wait3A_238 = arith.constant 0 : i32
    %dma_wait3A_239 = tpu.memref_slice %arg3[%dma_wait3A_233, %dma_wait3A_237, %dma_wait3A_238] : memref<4x512x2048xf32, #tpu.memory_space<vmem>> -> memref<1x512x2048xf32, #tpu.memory_space<vmem>>
    %dma_wait3A_240 = tpu.memref_squeeze %dma_wait3A_239 : memref<1x512x2048xf32, #tpu.memory_space<vmem>> -> memref<512x2048xf32, #tpu.memory_space<vmem>>
    %dma_wait3A_241 = arith.constant 7680 : i32
    %dma_wait3A_242 = arith.constant 0 : i32
    %dma_wait3A_243 = tpu.memref_slice %arg0[%dma_wait3A_241, %dma_wait3A_242] : memref<16384x2048xf32, #tpu.memory_space<any>> -> memref<512x2048xf32, #tpu.memory_space<any>>
    tpu.wait_dma2 semaphore(%dma_wait3A_236 : memref<!tpu.dma_semaphore, #tpu.memory_space<semaphore_mem>>) src(%dma_wait3A_243 : memref<512x2048xf32, #tpu.memory_space<any>>) dst(%dma_wait3A_240 : memref<512x2048xf32, #tpu.memory_space<vmem>>)
    %get3A_244 = arith.constant 3 : index
    %get3A_245 = arith.constant 0 : index
    %get3A_246 = arith.constant 0 : index
    %get3A_247 = vector.load %arg3[%get3A_244, %get3A_245, %get3A_246] : memref<4x512x2048xf32, #tpu.memory_space<vmem>>, vector<1x512x2048xf32>
    %get3A_248 = vector.shape_cast %get3A_247 : vector<1x512x2048xf32> to vector<512x2048xf32>
    %dot_general3A_249 = arith.constant dense<0.000000e+00> : vector<64x512xf32>
    %dot_general3A_250 = tpu.matmul %get3A_33, %get3A_248, %dot_general3A_249 {dimension_numbers = #tpu.dot_dimension_numbers<[1], [1], [0], [0], [0, 0, 1, 0], [], []>, transpose_lhs_hint = false} : vector<64x2048xf32>, vector<512x2048xf32>, vector<64x512xf32> -> vector<64x512xf32>
    %swap3A_251 = arith.constant 0 : index
    %swap3A_252 = arith.constant 3584 : index
    %swap3A_253 = vector.load %arg2[%swap3A_251, %swap3A_252] : memref<64x4096xf32, #tpu.memory_space<vmem>>, vector<64x512xf32>
    tpu.vector_store %arg2[%swap3A_251, %swap3A_252], %dot_general3A_250 {strides = array<i32>} : memref<64x4096xf32, #tpu.memory_space<vmem>>, vector<64x512xf32>,
    return
  }
}

module attributes {stable_mosaic.version = 14 : i64} {
  func.func @body(%arg0: memref<16384x2048xf32, #tpu.memory_space<any>>, %arg1: memref<64x2048xf32, #tpu.memory_space<vmem>>, %arg2: memref<64x4096xf32, #tpu.memory_space<vmem>>, %arg3: memref<4x512x2048xf32, #tpu.memory_space<vmem>>, %arg4: memref<4x!tpu.dma_semaphore, #tpu.memory_space<semaphore_mem>>) attributes {dimension_semantics = [], scalar_prefetch = 0 : i64, scratch_operands = 2 : i64, tpu.core_type = #tpu.core_type<tc>} {
    %dma_start3A = arith.constant 0 : i32
    %dma_start3A_0 = arith.constant 0 : i32
    %dma_start3A_1 = tpu.memref_slice %arg4[%dma_start3A_0] : memref<4x!tpu.dma_semaphore, #tpu.memory_space<semaphore_mem>> -> memref<1x!tpu.dma_semaphore, #tpu.memory_space<semaphore_mem>>
    %dma_start3A_2 = tpu.memref_squeeze %dma_start3A_1 : memref<1x!tpu.dma_semaphore, #tpu.memory_space<semaphore_mem>> -> memref<!tpu.dma_semaphore, #tpu.memory_space<semaphore_mem>>
    %dma_start3A_3 = arith.constant 0 : i32
    %dma_start3A_4 = arith.constant 0 : i32
    %dma_start3A_5 = tpu.memref_slice %arg3[%dma_start3A, %dma_start3A_3, %dma_start3A_4] : memref<4x512x2048xf32, #tpu.memory_space<vmem>> -> memref<1x512x2048xf32, #tpu.memory_space<vmem>>
    %dma_start3A_6 = tpu.memref_squeeze %dma_start3A_5 : memref<1x512x2048xf32, #tpu.memory_space<vmem>> -> memref<512x2048xf32, #tpu.memory_space<vmem>>
    %dma_start3A_7 = arith.constant 12288 : i32
    %dma_start3A_8 = arith.constant 0 : i32
    %dma_start3A_9 = tpu.memref_slice %arg0[%dma_start3A_7, %dma_start3A_8] : memref<16384x2048xf32, #tpu.memory_space<any>> -> memref<512x2048xf32, #tpu.memory_space<any>>
    tpu.enqueue_dma source(%dma_start3A_9 : memref<512x2048xf32, #tpu.memory_space<any>>) target(%dma_start3A_6 : memref<512x2048xf32, #tpu.memory_space<vmem>>) target_semaphore(%dma_start3A_2 : memref<!tpu.dma_semaphore, #tpu.memory_space<semaphore_mem>>)
    %dma_start3A_10 = arith.constant 1 : i32
    %dma_start3A_11 = arith.constant 1 : i32
    %dma_start3A_12 = tpu.memref_slice %arg4[%dma_start3A_11] : memref<4x!tpu.dma_semaphore, #tpu.memory_space<semaphore_mem>> -> memref<1x!tpu.dma_semaphore, #tpu.memory_space<semaphore_mem>>
    %dma_start3A_13 = tpu.memref_squeeze %dma_start3A_12 : memref<1x!tpu.dma_semaphore, #tpu.memory_space<semaphore_mem>> -> memref<!tpu.dma_semaphore, #tpu.memory_space<semaphore_mem>>
    %dma_start3A_14 = arith.constant 0 : i32
    %dma_start3A_15 = arith.constant 0 : i32
    %dma_start3A_16 = tpu.memref_slice %arg3[%dma_start3A_10, %dma_start3A_14, %dma_start3A_15] : memref<4x512x2048xf32, #tpu.memory_space<vmem>> -> memref<1x512x2048xf32, #tpu.memory_space<vmem>>
    %dma_start3A_17 = tpu.memref_squeeze %dma_start3A_16 : memref<1x512x2048xf32, #tpu.memory_space<vmem>> -> memref<512x2048xf32, #tpu.memory_space<vmem>>
    %dma_start3A_18 = arith.constant 12800 : i32
    %dma_start3A_19 = arith.constant 0 : i32
    %dma_start3A_20 = tpu.memref_slice %arg0[%dma_start3A_18, %dma_start3A_19] : memref<16384x2048xf32, #tpu.memory_space<any>> -> memref<512x2048xf32, #tpu.memory_space<any>>
    tpu.enqueue_dma source(%dma_start3A_20 : memref<512x2048xf32, #tpu.memory_space<any>>) target(%dma_start3A_17 : memref<512x2048xf32, #tpu.memory_space<vmem>>) target_semaphore(%dma_start3A_13 : memref<!tpu.dma_semaphore, #tpu.memory_space<semaphore_mem>>)
    %dma_start3A_21 = arith.constant 2 : i32
    %dma_start3A_22 = arith.constant 2 : i32
    %dma_start3A_23 = tpu.memref_slice %arg4[%dma_start3A_22] : memref<4x!tpu.dma_semaphore, #tpu.memory_space<semaphore_mem>> -> memref<1x!tpu.dma_semaphore, #tpu.memory_space<semaphore_mem>>
    %dma_start3A_24 = tpu.memref_squeeze %dma_start3A_23 : memref<1x!tpu.dma_semaphore, #tpu.memory_space<semaphore_mem>> -> memref<!tpu.dma_semaphore, #tpu.memory_space<semaphore_mem>>
    %dma_start3A_25 = arith.constant 0 : i32
    %dma_start3A_26 = arith.constant 0 : i32
    %dma_start3A_27 = tpu.memref_slice %arg3[%dma_start3A_21, %dma_start3A_25, %dma_start3A_26] : memref<4x512x2048xf32, #tpu.memory_space<vmem>> -> memref<1x512x2048xf32, #tpu.memory_space<vmem>>
    %dma_start3A_28 = tpu.memref_squeeze %dma_start3A_27 : memref<1x512x2048xf32, #tpu.memory_space<vmem>> -> memref<512x2048xf32, #tpu.memory_space<vmem>>
    %dma_start3A_29 = arith.constant 13312 : i32
    %dma_start3A_30 = arith.constant 0 : i32
    %dma_start3A_31 = tpu.memref_slice %arg0[%dma_start3A_29, %dma_start3A_30] : memref<16384x2048xf32, #tpu.memory_space<any>> -> memref<512x2048xf32, #tpu.memory_space<any>>
    tpu.enqueue_dma source(%dma_start3A_31 : memref<512x2048xf32, #tpu.memory_space<any>>) target(%dma_start3A_28 : memref<512x2048xf32, #tpu.memory_space<vmem>>) target_semaphore(%dma_start3A_24 : memref<!tpu.dma_semaphore, #tpu.memory_space<semaphore_mem>>)
    %get3A = arith.constant 0 : index
    %get3A_32 = arith.constant 0 : index
    %get3A_33 = vector.load %arg1[%get3A, %get3A_32] : memref<64x2048xf32, #tpu.memory_space<vmem>>, vector<64x2048xf32>
    %dma_wait3A = arith.constant 0 : i32
    %dma_wait3A_34 = arith.constant 0 : i32
    %dma_wait3A_35 = tpu.memref_slice %arg4[%dma_wait3A_34] : memref<4x!tpu.dma_semaphore, #tpu.memory_space<semaphore_mem>> -> memref<1x!tpu.dma_semaphore, #tpu.memory_space<semaphore_mem>>
    %dma_wait3A_36 = tpu.memref_squeeze %dma_wait3A_35 : memref<1x!tpu.dma_semaphore, #tpu.memory_space<semaphore_mem>> -> memref<!tpu.dma_semaphore, #tpu.memory_space<semaphore_mem>>
    %dma_wait3A_37 = arith.constant 0 : i32
    %dma_wait3A_38 = arith.constant 0 : i32
    %dma_wait3A_39 = tpu.memref_slice %arg3[%dma_wait3A, %dma_wait3A_37, %dma_wait3A_38] : memref<4x512x2048xf32, #tpu.memory_space<vmem>> -> memref<1x512x2048xf32, #tpu.memory_space<vmem>>
    %dma_wait3A_40 = tpu.memref_squeeze %dma_wait3A_39 : memref<1x512x2048xf32, #tpu.memory_space<vmem>> -> memref<512x2048xf32, #tpu.memory_space<vmem>>
    %dma_wait3A_41 = arith.constant 12288 : i32
    %dma_wait3A_42 = arith.constant 0 : i32
    %dma_wait3A_43 = tpu.memref_slice %arg0[%dma_wait3A_41, %dma_wait3A_42] : memref<16384x2048xf32, #tpu.memory_space<any>> -> memref<512x2048xf32, #tpu.memory_space<any>>
    tpu.wait_dma2 semaphore(%dma_wait3A_36 : memref<!tpu.dma_semaphore, #tpu.memory_space<semaphore_mem>>) src(%dma_wait3A_43 : memref<512x2048xf32, #tpu.memory_space<any>>) dst(%dma_wait3A_40 : memref<512x2048xf32, #tpu.memory_space<vmem>>)
    %dma_start3A_44 = arith.constant 3 : i32
    %dma_start3A_45 = arith.constant 3 : i32
    %dma_start3A_46 = tpu.memref_slice %arg4[%dma_start3A_45] : memref<4x!tpu.dma_semaphore, #tpu.memory_space<semaphore_mem>> -> memref<1x!tpu.dma_semaphore, #tpu.memory_space<semaphore_mem>>
    %dma_start3A_47 = tpu.memref_squeeze %dma_start3A_46 : memref<1x!tpu.dma_semaphore, #tpu.memory_space<semaphore_mem>> -> memref<!tpu.dma_semaphore, #tpu.memory_space<semaphore_mem>>
    %dma_start3A_48 = arith.constant 0 : i32
    %dma_start3A_49 = arith.constant 0 : i32
    %dma_start3A_50 = tpu.memref_slice %arg3[%dma_start3A_44, %dma_start3A_48, %dma_start3A_49] : memref<4x512x2048xf32, #tpu.memory_space<vmem>> -> memref<1x512x2048xf32, #tpu.memory_space<vmem>>
    %dma_start3A_51 = tpu.memref_squeeze %dma_start3A_50 : memref<1x512x2048xf32, #tpu.memory_space<vmem>> -> memref<512x2048xf32, #tpu.memory_space<vmem>>
    %dma_start3A_52 = arith.constant 13824 : i32
    %dma_start3A_53 = arith.constant 0 : i32
    %dma_start3A_54 = tpu.memref_slice %arg0[%dma_start3A_52, %dma_start3A_53] : memref<16384x2048xf32, #tpu.memory_space<any>> -> memref<512x2048xf32, #tpu.memory_space<any>>
    tpu.enqueue_dma source(%dma_start3A_54 : memref<512x2048xf32, #tpu.memory_space<any>>) target(%dma_start3A_51 : memref<512x2048xf32, #tpu.memory_space<vmem>>) target_semaphore(%dma_start3A_47 : memref<!tpu.dma_semaphore, #tpu.memory_space<semaphore_mem>>)
    %get3A_55 = arith.constant 0 : index
    %get3A_56 = arith.constant 0 : index
    %get3A_57 = arith.constant 0 : index
    %get3A_58 = vector.load %arg3[%get3A_55, %get3A_56, %get3A_57] : memref<4x512x2048xf32, #tpu.memory_space<vmem>>, vector<1x512x2048xf32>
    %get3A_59 = vector.shape_cast %get3A_58 : vector<1x512x2048xf32> to vector<512x2048xf32>
    %dot_general3A = arith.constant dense<0.000000e+00> : vector<64x512xf32>
    %dot_general3A_60 = tpu.matmul %get3A_33, %get3A_59, %dot_general3A {dimension_numbers = #tpu.dot_dimension_numbers<[1], [1], [0], [0], [0, 0, 1, 0], [], []>, transpose_lhs_hint = false} : vector<64x2048xf32>, vector<512x2048xf32>, vector<64x512xf32> -> vector<64x512xf32>
    %swap3A = arith.constant 0 : index
    %swap3A_61 = arith.constant 0 : index
    %swap3A_62 = vector.load %arg2[%swap3A, %swap3A_61] : memref<64x4096xf32, #tpu.memory_space<vmem>>, vector<64x512xf32>
    tpu.vector_store %arg2[%swap3A, %swap3A_61], %dot_general3A_60 {strides = array<i32>} : memref<64x4096xf32, #tpu.memory_space<vmem>>, vector<64x512xf32>,
    %dma_wait3A_63 = arith.constant 1 : i32
    %dma_wait3A_64 = arith.constant 1 : i32
    %dma_wait3A_65 = tpu.memref_slice %arg4[%dma_wait3A_64] : memref<4x!tpu.dma_semaphore, #tpu.memory_space<semaphore_mem>> -> memref<1x!tpu.dma_semaphore, #tpu.memory_space<semaphore_mem>>
    %dma_wait3A_66 = tpu.memref_squeeze %dma_wait3A_65 : memref<1x!tpu.dma_semaphore, #tpu.memory_space<semaphore_mem>> -> memref<!tpu.dma_semaphore, #tpu.memory_space<semaphore_mem>>
    %dma_wait3A_67 = arith.constant 0 : i32
    %dma_wait3A_68 = arith.constant 0 : i32
    %dma_wait3A_69 = tpu.memref_slice %arg3[%dma_wait3A_63, %dma_wait3A_67, %dma_wait3A_68] : memref<4x512x2048xf32, #tpu.memory_space<vmem>> -> memref<1x512x2048xf32, #tpu.memory_space<vmem>>
    %dma_wait3A_70 = tpu.memref_squeeze %dma_wait3A_69 : memref<1x512x2048xf32, #tpu.memory_space<vmem>> -> memref<512x2048xf32, #tpu.memory_space<vmem>>
    %dma_wait3A_71 = arith.constant 12800 : i32
    %dma_wait3A_72 = arith.constant 0 : i32
    %dma_wait3A_73 = tpu.memref_slice %arg0[%dma_wait3A_71, %dma_wait3A_72] : memref<16384x2048xf32, #tpu.memory_space<any>> -> memref<512x2048xf32, #tpu.memory_space<any>>
    tpu.wait_dma2 semaphore(%dma_wait3A_66 : memref<!tpu.dma_semaphore, #tpu.memory_space<semaphore_mem>>) src(%dma_wait3A_73 : memref<512x2048xf32, #tpu.memory_space<any>>) dst(%dma_wait3A_70 : memref<512x2048xf32, #tpu.memory_space<vmem>>)
    %dma_start3A_74 = arith.constant 0 : i32
    %dma_start3A_75 = arith.constant 0 : i32
    %dma_start3A_76 = tpu.memref_slice %arg4[%dma_start3A_75] : memref<4x!tpu.dma_semaphore, #tpu.memory_space<semaphore_mem>> -> memref<1x!tpu.dma_semaphore, #tpu.memory_space<semaphore_mem>>
    %dma_start3A_77 = tpu.memref_squeeze %dma_start3A_76 : memref<1x!tpu.dma_semaphore, #tpu.memory_space<semaphore_mem>> -> memref<!tpu.dma_semaphore, #tpu.memory_space<semaphore_mem>>
    %dma_start3A_78 = arith.constant 0 : i32
    %dma_start3A_79 = arith.constant 0 : i32
    %dma_start3A_80 = tpu.memref_slice %arg3[%dma_start3A_74, %dma_start3A_78, %dma_start3A_79] : memref<4x512x2048xf32, #tpu.memory_space<vmem>> -> memref<1x512x2048xf32, #tpu.memory_space<vmem>>
    %dma_start3A_81 = tpu.memref_squeeze %dma_start3A_80 : memref<1x512x2048xf32, #tpu.memory_space<vmem>> -> memref<512x2048xf32, #tpu.memory_space<vmem>>
    %dma_start3A_82 = arith.constant 14336 : i32
    %dma_start3A_83 = arith.constant 0 : i32
    %dma_start3A_84 = tpu.memref_slice %arg0[%dma_start3A_82, %dma_start3A_83] : memref<16384x2048xf32, #tpu.memory_space<any>> -> memref<512x2048xf32, #tpu.memory_space<any>>
    tpu.enqueue_dma source(%dma_start3A_84 : memref<512x2048xf32, #tpu.memory_space<any>>) target(%dma_start3A_81 : memref<512x2048xf32, #tpu.memory_space<vmem>>) target_semaphore(%dma_start3A_77 : memref<!tpu.dma_semaphore, #tpu.memory_space<semaphore_mem>>)
    %get3A_85 = arith.constant 1 : index
    %get3A_86 = arith.constant 0 : index
    %get3A_87 = arith.constant 0 : index
    %get3A_88 = vector.load %arg3[%get3A_85, %get3A_86, %get3A_87] : memref<4x512x2048xf32, #tpu.memory_space<vmem>>, vector<1x512x2048xf32>
    %get3A_89 = vector.shape_cast %get3A_88 : vector<1x512x2048xf32> to vector<512x2048xf32>
    %dot_general3A_90 = arith.constant dense<0.000000e+00> : vector<64x512xf32>
    %dot_general3A_91 = tpu.matmul %get3A_33, %get3A_89, %dot_general3A_90 {dimension_numbers = #tpu.dot_dimension_numbers<[1], [1], [0], [0], [0, 0, 1, 0], [], []>, transpose_lhs_hint = false} : vector<64x2048xf32>, vector<512x2048xf32>, vector<64x512xf32> -> vector<64x512xf32>
    %swap3A_92 = arith.constant 0 : index
    %swap3A_93 = arith.constant 512 : index
    %swap3A_94 = vector.load %arg2[%swap3A_92, %swap3A_93] : memref<64x4096xf32, #tpu.memory_space<vmem>>, vector<64x512xf32>
    tpu.vector_store %arg2[%swap3A_92, %swap3A_93], %dot_general3A_91 {strides = array<i32>} : memref<64x4096xf32, #tpu.memory_space<vmem>>, vector<64x512xf32>,
    %dma_wait3A_95 = arith.constant 2 : i32
    %dma_wait3A_96 = arith.constant 2 : i32
    %dma_wait3A_97 = tpu.memref_slice %arg4[%dma_wait3A_96] : memref<4x!tpu.dma_semaphore, #tpu.memory_space<semaphore_mem>> -> memref<1x!tpu.dma_semaphore, #tpu.memory_space<semaphore_mem>>
    %dma_wait3A_98 = tpu.memref_squeeze %dma_wait3A_97 : memref<1x!tpu.dma_semaphore, #tpu.memory_space<semaphore_mem>> -> memref<!tpu.dma_semaphore, #tpu.memory_space<semaphore_mem>>
    %dma_wait3A_99 = arith.constant 0 : i32
    %dma_wait3A_100 = arith.constant 0 : i32
    %dma_wait3A_101 = tpu.memref_slice %arg3[%dma_wait3A_95, %dma_wait3A_99, %dma_wait3A_100] : memref<4x512x2048xf32, #tpu.memory_space<vmem>> -> memref<1x512x2048xf32, #tpu.memory_space<vmem>>
    %dma_wait3A_102 = tpu.memref_squeeze %dma_wait3A_101 : memref<1x512x2048xf32, #tpu.memory_space<vmem>> -> memref<512x2048xf32, #tpu.memory_space<vmem>>
    %dma_wait3A_103 = arith.constant 13312 : i32
    %dma_wait3A_104 = arith.constant 0 : i32
    %dma_wait3A_105 = tpu.memref_slice %arg0[%dma_wait3A_103, %dma_wait3A_104] : memref<16384x2048xf32, #tpu.memory_space<any>> -> memref<512x2048xf32, #tpu.memory_space<any>>
    tpu.wait_dma2 semaphore(%dma_wait3A_98 : memref<!tpu.dma_semaphore, #tpu.memory_space<semaphore_mem>>) src(%dma_wait3A_105 : memref<512x2048xf32, #tpu.memory_space<any>>) dst(%dma_wait3A_102 : memref<512x2048xf32, #tpu.memory_space<vmem>>)
    %dma_start3A_106 = arith.constant 1 : i32
    %dma_start3A_107 = arith.constant 1 : i32
    %dma_start3A_108 = tpu.memref_slice %arg4[%dma_start3A_107] : memref<4x!tpu.dma_semaphore, #tpu.memory_space<semaphore_mem>> -> memref<1x!tpu.dma_semaphore, #tpu.memory_space<semaphore_mem>>
    %dma_start3A_109 = tpu.memref_squeeze %dma_start3A_108 : memref<1x!tpu.dma_semaphore, #tpu.memory_space<semaphore_mem>> -> memref<!tpu.dma_semaphore, #tpu.memory_space<semaphore_mem>>
    %dma_start3A_110 = arith.constant 0 : i32
    %dma_start3A_111 = arith.constant 0 : i32
    %dma_start3A_112 = tpu.memref_slice %arg3[%dma_start3A_106, %dma_start3A_110, %dma_start3A_111] : memref<4x512x2048xf32, #tpu.memory_space<vmem>> -> memref<1x512x2048xf32, #tpu.memory_space<vmem>>
    %dma_start3A_113 = tpu.memref_squeeze %dma_start3A_112 : memref<1x512x2048xf32, #tpu.memory_space<vmem>> -> memref<512x2048xf32, #tpu.memory_space<vmem>>
    %dma_start3A_114 = arith.constant 14848 : i32
    %dma_start3A_115 = arith.constant 0 : i32
    %dma_start3A_116 = tpu.memref_slice %arg0[%dma_start3A_114, %dma_start3A_115] : memref<16384x2048xf32, #tpu.memory_space<any>> -> memref<512x2048xf32, #tpu.memory_space<any>>
    tpu.enqueue_dma source(%dma_start3A_116 : memref<512x2048xf32, #tpu.memory_space<any>>) target(%dma_start3A_113 : memref<512x2048xf32, #tpu.memory_space<vmem>>) target_semaphore(%dma_start3A_109 : memref<!tpu.dma_semaphore, #tpu.memory_space<semaphore_mem>>)
    %get3A_117 = arith.constant 2 : index
    %get3A_118 = arith.constant 0 : index
    %get3A_119 = arith.constant 0 : index
    %get3A_120 = vector.load %arg3[%get3A_117, %get3A_118, %get3A_119] : memref<4x512x2048xf32, #tpu.memory_space<vmem>>, vector<1x512x2048xf32>
    %get3A_121 = vector.shape_cast %get3A_120 : vector<1x512x2048xf32> to vector<512x2048xf32>
    %dot_general3A_122 = arith.constant dense<0.000000e+00> : vector<64x512xf32>
    %dot_general3A_123 = tpu.matmul %get3A_33, %get3A_121, %dot_general3A_122 {dimension_numbers = #tpu.dot_dimension_numbers<[1], [1], [0], [0], [0, 0, 1, 0], [], []>, transpose_lhs_hint = false} : vector<64x2048xf32>, vector<512x2048xf32>, vector<64x512xf32> -> vector<64x512xf32>
    %swap3A_124 = arith.constant 0 : index
    %swap3A_125 = arith.constant 1024 : index
    %swap3A_126 = vector.load %arg2[%swap3A_124, %swap3A_125] : memref<64x4096xf32, #tpu.memory_space<vmem>>, vector<64x512xf32>
    tpu.vector_store %arg2[%swap3A_124, %swap3A_125], %dot_general3A_123 {strides = array<i32>} : memref<64x4096xf32, #tpu.memory_space<vmem>>, vector<64x512xf32>,
    %dma_wait3A_127 = arith.constant 3 : i32
    %dma_wait3A_128 = arith.constant 3 : i32
    %dma_wait3A_129 = tpu.memref_slice %arg4[%dma_wait3A_128] : memref<4x!tpu.dma_semaphore, #tpu.memory_space<semaphore_mem>> -> memref<1x!tpu.dma_semaphore, #tpu.memory_space<semaphore_mem>>
    %dma_wait3A_130 = tpu.memref_squeeze %dma_wait3A_129 : memref<1x!tpu.dma_semaphore, #tpu.memory_space<semaphore_mem>> -> memref<!tpu.dma_semaphore, #tpu.memory_space<semaphore_mem>>
    %dma_wait3A_131 = arith.constant 0 : i32
    %dma_wait3A_132 = arith.constant 0 : i32
    %dma_wait3A_133 = tpu.memref_slice %arg3[%dma_wait3A_127, %dma_wait3A_131, %dma_wait3A_132] : memref<4x512x2048xf32, #tpu.memory_space<vmem>> -> memref<1x512x2048xf32, #tpu.memory_space<vmem>>
    %dma_wait3A_134 = tpu.memref_squeeze %dma_wait3A_133 : memref<1x512x2048xf32, #tpu.memory_space<vmem>> -> memref<512x2048xf32, #tpu.memory_space<vmem>>
    %dma_wait3A_135 = arith.constant 13824 : i32
    %dma_wait3A_136 = arith.constant 0 : i32
    %dma_wait3A_137 = tpu.memref_slice %arg0[%dma_wait3A_135, %dma_wait3A_136] : memref<16384x2048xf32, #tpu.memory_space<any>> -> memref<512x2048xf32, #tpu.memory_space<any>>
    tpu.wait_dma2 semaphore(%dma_wait3A_130 : memref<!tpu.dma_semaphore, #tpu.memory_space<semaphore_mem>>) src(%dma_wait3A_137 : memref<512x2048xf32, #tpu.memory_space<any>>) dst(%dma_wait3A_134 : memref<512x2048xf32, #tpu.memory_space<vmem>>)
    %dma_start3A_138 = arith.constant 2 : i32
    %dma_start3A_139 = arith.constant 2 : i32
    %dma_start3A_140 = tpu.memref_slice %arg4[%dma_start3A_139] : memref<4x!tpu.dma_semaphore, #tpu.memory_space<semaphore_mem>> -> memref<1x!tpu.dma_semaphore, #tpu.memory_space<semaphore_mem>>
    %dma_start3A_141 = tpu.memref_squeeze %dma_start3A_140 : memref<1x!tpu.dma_semaphore, #tpu.memory_space<semaphore_mem>> -> memref<!tpu.dma_semaphore, #tpu.memory_space<semaphore_mem>>
    %dma_start3A_142 = arith.constant 0 : i32
    %dma_start3A_143 = arith.constant 0 : i32
    %dma_start3A_144 = tpu.memref_slice %arg3[%dma_start3A_138, %dma_start3A_142, %dma_start3A_143] : memref<4x512x2048xf32, #tpu.memory_space<vmem>> -> memref<1x512x2048xf32, #tpu.memory_space<vmem>>
    %dma_start3A_145 = tpu.memref_squeeze %dma_start3A_144 : memref<1x512x2048xf32, #tpu.memory_space<vmem>> -> memref<512x2048xf32, #tpu.memory_space<vmem>>
    %dma_start3A_146 = arith.constant 15360 : i32
    %dma_start3A_147 = arith.constant 0 : i32
    %dma_start3A_148 = tpu.memref_slice %arg0[%dma_start3A_146, %dma_start3A_147] : memref<16384x2048xf32, #tpu.memory_space<any>> -> memref<512x2048xf32, #tpu.memory_space<any>>
    tpu.enqueue_dma source(%dma_start3A_148 : memref<512x2048xf32, #tpu.memory_space<any>>) target(%dma_start3A_145 : memref<512x2048xf32, #tpu.memory_space<vmem>>) target_semaphore(%dma_start3A_141 : memref<!tpu.dma_semaphore, #tpu.memory_space<semaphore_mem>>)
    %get3A_149 = arith.constant 3 : index
    %get3A_150 = arith.constant 0 : index
    %get3A_151 = arith.constant 0 : index
    %get3A_152 = vector.load %arg3[%get3A_149, %get3A_150, %get3A_151] : memref<4x512x2048xf32, #tpu.memory_space<vmem>>, vector<1x512x2048xf32>
    %get3A_153 = vector.shape_cast %get3A_152 : vector<1x512x2048xf32> to vector<512x2048xf32>
    %dot_general3A_154 = arith.constant dense<0.000000e+00> : vector<64x512xf32>
    %dot_general3A_155 = tpu.matmul %get3A_33, %get3A_153, %dot_general3A_154 {dimension_numbers = #tpu.dot_dimension_numbers<[1], [1], [0], [0], [0, 0, 1, 0], [], []>, transpose_lhs_hint = false} : vector<64x2048xf32>, vector<512x2048xf32>, vector<64x512xf32> -> vector<64x512xf32>
    %swap3A_156 = arith.constant 0 : index
    %swap3A_157 = arith.constant 1536 : index
    %swap3A_158 = vector.load %arg2[%swap3A_156, %swap3A_157] : memref<64x4096xf32, #tpu.memory_space<vmem>>, vector<64x512xf32>
    tpu.vector_store %arg2[%swap3A_156, %swap3A_157], %dot_general3A_155 {strides = array<i32>} : memref<64x4096xf32, #tpu.memory_space<vmem>>, vector<64x512xf32>,
    %dma_wait3A_159 = arith.constant 0 : i32
    %dma_wait3A_160 = arith.constant 0 : i32
    %dma_wait3A_161 = tpu.memref_slice %arg4[%dma_wait3A_160] : memref<4x!tpu.dma_semaphore, #tpu.memory_space<semaphore_mem>> -> memref<1x!tpu.dma_semaphore, #tpu.memory_space<semaphore_mem>>
    %dma_wait3A_162 = tpu.memref_squeeze %dma_wait3A_161 : memref<1x!tpu.dma_semaphore, #tpu.memory_space<semaphore_mem>> -> memref<!tpu.dma_semaphore, #tpu.memory_space<semaphore_mem>>
    %dma_wait3A_163 = arith.constant 0 : i32
    %dma_wait3A_164 = arith.constant 0 : i32
    %dma_wait3A_165 = tpu.memref_slice %arg3[%dma_wait3A_159, %dma_wait3A_163, %dma_wait3A_164] : memref<4x512x2048xf32, #tpu.memory_space<vmem>> -> memref<1x512x2048xf32, #tpu.memory_space<vmem>>
    %dma_wait3A_166 = tpu.memref_squeeze %dma_wait3A_165 : memref<1x512x2048xf32, #tpu.memory_space<vmem>> -> memref<512x2048xf32, #tpu.memory_space<vmem>>
    %dma_wait3A_167 = arith.constant 14336 : i32
    %dma_wait3A_168 = arith.constant 0 : i32
    %dma_wait3A_169 = tpu.memref_slice %arg0[%dma_wait3A_167, %dma_wait3A_168] : memref<16384x2048xf32, #tpu.memory_space<any>> -> memref<512x2048xf32, #tpu.memory_space<any>>
    tpu.wait_dma2 semaphore(%dma_wait3A_162 : memref<!tpu.dma_semaphore, #tpu.memory_space<semaphore_mem>>) src(%dma_wait3A_169 : memref<512x2048xf32, #tpu.memory_space<any>>) dst(%dma_wait3A_166 : memref<512x2048xf32, #tpu.memory_space<vmem>>)
    %dma_start3A_170 = arith.constant 3 : i32
    %dma_start3A_171 = arith.constant 3 : i32
    %dma_start3A_172 = tpu.memref_slice %arg4[%dma_start3A_171] : memref<4x!tpu.dma_semaphore, #tpu.memory_space<semaphore_mem>> -> memref<1x!tpu.dma_semaphore, #tpu.memory_space<semaphore_mem>>
    %dma_start3A_173 = tpu.memref_squeeze %dma_start3A_172 : memref<1x!tpu.dma_semaphore, #tpu.memory_space<semaphore_mem>> -> memref<!tpu.dma_semaphore, #tpu.memory_space<semaphore_mem>>
    %dma_start3A_174 = arith.constant 0 : i32
    %dma_start3A_175 = arith.constant 0 : i32
    %dma_start3A_176 = tpu.memref_slice %arg3[%dma_start3A_170, %dma_start3A_174, %dma_start3A_175] : memref<4x512x2048xf32, #tpu.memory_space<vmem>> -> memref<1x512x2048xf32, #tpu.memory_space<vmem>>
    %dma_start3A_177 = tpu.memref_squeeze %dma_start3A_176 : memref<1x512x2048xf32, #tpu.memory_space<vmem>> -> memref<512x2048xf32, #tpu.memory_space<vmem>>
    %dma_start3A_178 = arith.constant 15872 : i32
    %dma_start3A_179 = arith.constant 0 : i32
    %dma_start3A_180 = tpu.memref_slice %arg0[%dma_start3A_178, %dma_start3A_179] : memref<16384x2048xf32, #tpu.memory_space<any>> -> memref<512x2048xf32, #tpu.memory_space<any>>
    tpu.enqueue_dma source(%dma_start3A_180 : memref<512x2048xf32, #tpu.memory_space<any>>) target(%dma_start3A_177 : memref<512x2048xf32, #tpu.memory_space<vmem>>) target_semaphore(%dma_start3A_173 : memref<!tpu.dma_semaphore, #tpu.memory_space<semaphore_mem>>)
    %get3A_181 = arith.constant 0 : index
    %get3A_182 = arith.constant 0 : index
    %get3A_183 = arith.constant 0 : index
    %get3A_184 = vector.load %arg3[%get3A_181, %get3A_182, %get3A_183] : memref<4x512x2048xf32, #tpu.memory_space<vmem>>, vector<1x512x2048xf32>
    %get3A_185 = vector.shape_cast %get3A_184 : vector<1x512x2048xf32> to vector<512x2048xf32>
    %dot_general3A_186 = arith.constant dense<0.000000e+00> : vector<64x512xf32>
    %dot_general3A_187 = tpu.matmul %get3A_33, %get3A_185, %dot_general3A_186 {dimension_numbers = #tpu.dot_dimension_numbers<[1], [1], [0], [0], [0, 0, 1, 0], [], []>, transpose_lhs_hint = false} : vector<64x2048xf32>, vector<512x2048xf32>, vector<64x512xf32> -> vector<64x512xf32>
    %swap3A_188 = arith.constant 0 : index
    %swap3A_189 = arith.constant 2048 : index
    %swap3A_190 = vector.load %arg2[%swap3A_188, %swap3A_189] : memref<64x4096xf32, #tpu.memory_space<vmem>>, vector<64x512xf32>
    tpu.vector_store %arg2[%swap3A_188, %swap3A_189], %dot_general3A_187 {strides = array<i32>} : memref<64x4096xf32, #tpu.memory_space<vmem>>, vector<64x512xf32>,
    %dma_wait3A_191 = arith.constant 1 : i32
    %dma_wait3A_192 = arith.constant 1 : i32
    %dma_wait3A_193 = tpu.memref_slice %arg4[%dma_wait3A_192] : memref<4x!tpu.dma_semaphore, #tpu.memory_space<semaphore_mem>> -> memref<1x!tpu.dma_semaphore, #tpu.memory_space<semaphore_mem>>
    %dma_wait3A_194 = tpu.memref_squeeze %dma_wait3A_193 : memref<1x!tpu.dma_semaphore, #tpu.memory_space<semaphore_mem>> -> memref<!tpu.dma_semaphore, #tpu.memory_space<semaphore_mem>>
    %dma_wait3A_195 = arith.constant 0 : i32
    %dma_wait3A_196 = arith.constant 0 : i32
    %dma_wait3A_197 = tpu.memref_slice %arg3[%dma_wait3A_191, %dma_wait3A_195, %dma_wait3A_196] : memref<4x512x2048xf32, #tpu.memory_space<vmem>> -> memref<1x512x2048xf32, #tpu.memory_space<vmem>>
    %dma_wait3A_198 = tpu.memref_squeeze %dma_wait3A_197 : memref<1x512x2048xf32, #tpu.memory_space<vmem>> -> memref<512x2048xf32, #tpu.memory_space<vmem>>
    %dma_wait3A_199 = arith.constant 14848 : i32
    %dma_wait3A_200 = arith.constant 0 : i32
    %dma_wait3A_201 = tpu.memref_slice %arg0[%dma_wait3A_199, %dma_wait3A_200] : memref<16384x2048xf32, #tpu.memory_space<any>> -> memref<512x2048xf32, #tpu.memory_space<any>>
    tpu.wait_dma2 semaphore(%dma_wait3A_194 : memref<!tpu.dma_semaphore, #tpu.memory_space<semaphore_mem>>) src(%dma_wait3A_201 : memref<512x2048xf32, #tpu.memory_space<any>>) dst(%dma_wait3A_198 : memref<512x2048xf32, #tpu.memory_space<vmem>>)
    %get3A_202 = arith.constant 1 : index
    %get3A_203 = arith.constant 0 : index
    %get3A_204 = arith.constant 0 : index
    %get3A_205 = vector.load %arg3[%get3A_202, %get3A_203, %get3A_204] : memref<4x512x2048xf32, #tpu.memory_space<vmem>>, vector<1x512x2048xf32>
    %get3A_206 = vector.shape_cast %get3A_205 : vector<1x512x2048xf32> to vector<512x2048xf32>
    %dot_general3A_207 = arith.constant dense<0.000000e+00> : vector<64x512xf32>
    %dot_general3A_208 = tpu.matmul %get3A_33, %get3A_206, %dot_general3A_207 {dimension_numbers = #tpu.dot_dimension_numbers<[1], [1], [0], [0], [0, 0, 1, 0], [], []>, transpose_lhs_hint = false} : vector<64x2048xf32>, vector<512x2048xf32>, vector<64x512xf32> -> vector<64x512xf32>
    %swap3A_209 = arith.constant 0 : index
    %swap3A_210 = arith.constant 2560 : index
    %swap3A_211 = vector.load %arg2[%swap3A_209, %swap3A_210] : memref<64x4096xf32, #tpu.memory_space<vmem>>, vector<64x512xf32>
    tpu.vector_store %arg2[%swap3A_209, %swap3A_210], %dot_general3A_208 {strides = array<i32>} : memref<64x4096xf32, #tpu.memory_space<vmem>>, vector<64x512xf32>,
    %dma_wait3A_212 = arith.constant 2 : i32
    %dma_wait3A_213 = arith.constant 2 : i32
    %dma_wait3A_214 = tpu.memref_slice %arg4[%dma_wait3A_213] : memref<4x!tpu.dma_semaphore, #tpu.memory_space<semaphore_mem>> -> memref<1x!tpu.dma_semaphore, #tpu.memory_space<semaphore_mem>>
    %dma_wait3A_215 = tpu.memref_squeeze %dma_wait3A_214 : memref<1x!tpu.dma_semaphore, #tpu.memory_space<semaphore_mem>> -> memref<!tpu.dma_semaphore, #tpu.memory_space<semaphore_mem>>
    %dma_wait3A_216 = arith.constant 0 : i32
    %dma_wait3A_217 = arith.constant 0 : i32
    %dma_wait3A_218 = tpu.memref_slice %arg3[%dma_wait3A_212, %dma_wait3A_216, %dma_wait3A_217] : memref<4x512x2048xf32, #tpu.memory_space<vmem>> -> memref<1x512x2048xf32, #tpu.memory_space<vmem>>
    %dma_wait3A_219 = tpu.memref_squeeze %dma_wait3A_218 : memref<1x512x2048xf32, #tpu.memory_space<vmem>> -> memref<512x2048xf32, #tpu.memory_space<vmem>>
    %dma_wait3A_220 = arith.constant 15360 : i32
    %dma_wait3A_221 = arith.constant 0 : i32
    %dma_wait3A_222 = tpu.memref_slice %arg0[%dma_wait3A_220, %dma_wait3A_221] : memref<16384x2048xf32, #tpu.memory_space<any>> -> memref<512x2048xf32, #tpu.memory_space<any>>
    tpu.wait_dma2 semaphore(%dma_wait3A_215 : memref<!tpu.dma_semaphore, #tpu.memory_space<semaphore_mem>>) src(%dma_wait3A_222 : memref<512x2048xf32, #tpu.memory_space<any>>) dst(%dma_wait3A_219 : memref<512x2048xf32, #tpu.memory_space<vmem>>)
    %get3A_223 = arith.constant 2 : index
    %get3A_224 = arith.constant 0 : index
    %get3A_225 = arith.constant 0 : index
    %get3A_226 = vector.load %arg3[%get3A_223, %get3A_224, %get3A_225] : memref<4x512x2048xf32, #tpu.memory_space<vmem>>, vector<1x512x2048xf32>
    %get3A_227 = vector.shape_cast %get3A_226 : vector<1x512x2048xf32> to vector<512x2048xf32>
    %dot_general3A_228 = arith.constant dense<0.000000e+00> : vector<64x512xf32>
    %dot_general3A_229 = tpu.matmul %get3A_33, %get3A_227, %dot_general3A_228 {dimension_numbers = #tpu.dot_dimension_numbers<[1], [1], [0], [0], [0, 0, 1, 0], [], []>, transpose_lhs_hint = false} : vector<64x2048xf32>, vector<512x2048xf32>, vector<64x512xf32> -> vector<64x512xf32>
    %swap3A_230 = arith.constant 0 : index
    %swap3A_231 = arith.constant 3072 : index
    %swap3A_232 = vector.load %arg2[%swap3A_230, %swap3A_231] : memref<64x4096xf32, #tpu.memory_space<vmem>>, vector<64x512xf32>
    tpu.vector_store %arg2[%swap3A_230, %swap3A_231], %dot_general3A_229 {strides = array<i32>} : memref<64x4096xf32, #tpu.memory_space<vmem>>, vector<64x512xf32>,
    %dma_wait3A_233 = arith.constant 3 : i32
    %dma_wait3A_234 = arith.constant 3 : i32
    %dma_wait3A_235 = tpu.memref_slice %arg4[%dma_wait3A_234] : memref<4x!tpu.dma_semaphore, #tpu.memory_space<semaphore_mem>> -> memref<1x!tpu.dma_semaphore, #tpu.memory_space<semaphore_mem>>
    %dma_wait3A_236 = tpu.memref_squeeze %dma_wait3A_235 : memref<1x!tpu.dma_semaphore, #tpu.memory_space<semaphore_mem>> -> memref<!tpu.dma_semaphore, #tpu.memory_space<semaphore_mem>>
    %dma_wait3A_237 = arith.constant 0 : i32
    %dma_wait3A_238 = arith.constant 0 : i32
    %dma_wait3A_239 = tpu.memref_slice %arg3[%dma_wait3A_233, %dma_wait3A_237, %dma_wait3A_238] : memref<4x512x2048xf32, #tpu.memory_space<vmem>> -> memref<1x512x2048xf32, #tpu.memory_space<vmem>>
    %dma_wait3A_240 = tpu.memref_squeeze %dma_wait3A_239 : memref<1x512x2048xf32, #tpu.memory_space<vmem>> -> memref<512x2048xf32, #tpu.memory_space<vmem>>
    %dma_wait3A_241 = arith.constant 15872 : i32
    %dma_wait3A_242 = arith.constant 0 : i32
    %dma_wait3A_243 = tpu.memref_slice %arg0[%dma_wait3A_241, %dma_wait3A_242] : memref<16384x2048xf32, #tpu.memory_space<any>> -> memref<512x2048xf32, #tpu.memory_space<any>>
    tpu.wait_dma2 semaphore(%dma_wait3A_236 : memref<!tpu.dma_semaphore, #tpu.memory_space<semaphore_mem>>) src(%dma_wait3A_243 : memref<512x2048xf32, #tpu.memory_space<any>>) dst(%dma_wait3A_240 : memref<512x2048xf32, #tpu.memory_space<vmem>>)
    %get3A_244 = arith.constant 3 : index
    %get3A_245 = arith.constant 0 : index
    %get3A_246 = arith.constant 0 : index
    %get3A_247 = vector.load %arg3[%get3A_244, %get3A_245, %get3A_246] : memref<4x512x2048xf32, #tpu.memory_space<vmem>>, vector<1x512x2048xf32>
    %get3A_248 = vector.shape_cast %get3A_247 : vector<1x512x2048xf32> to vector<512x2048xf32>
    %dot_general3A_249 = arith.constant dense<0.000000e+00> : vector<64x512xf32>
    %dot_general3A_250 = tpu.matmul %get3A_33, %get3A_248, %dot_general3A_249 {dimension_numbers = #tpu.dot_dimension_numbers<[1], [1], [0], [0], [0, 0, 1, 0], [], []>, transpose_lhs_hint = false} : vector<64x2048xf32>, vector<512x2048xf32>, vector<64x512xf32> -> vector<64x512xf32>
    %swap3A_251 = arith.constant 0 : index
    %swap3A_252 = arith.constant 3584 : index
    %swap3A_253 = vector.load %arg2[%swap3A_251, %swap3A_252] : memref<64x4096xf32, #tpu.memory_space<vmem>>, vector<64x512xf32>
    tpu.vector_store %arg2[%swap3A_251, %swap3A_252], %dot_general3A_250 {strides = array<i32>} : memref<64x4096xf32, #tpu.memory_space<vmem>>, vector<64x512xf32>,
    return
  }
}

module attributes {stable_mosaic.version = 14 : i64} {
  func.func @body(%arg0: memref<16384x2048xf32, #tpu.memory_space<any>>, %arg1: memref<64x2048xf32, #tpu.memory_space<vmem>>, %arg2: memref<64x4096xf32, #tpu.memory_space<vmem>>, %arg3: memref<4x512x2048xf32, #tpu.memory_space<vmem>>, %arg4: memref<4x!tpu.dma_semaphore, #tpu.memory_space<semaphore_mem>>) attributes {dimension_semantics = [], scalar_prefetch = 0 : i64, scratch_operands = 2 : i64, tpu.core_type = #tpu.core_type<tc>} {
    %dma_start3A = arith.constant 0 : i32
    %dma_start3A_0 = arith.constant 0 : i32
    %dma_start3A_1 = tpu.memref_slice %arg4[%dma_start3A_0] : memref<4x!tpu.dma_semaphore, #tpu.memory_space<semaphore_mem>> -> memref<1x!tpu.dma_semaphore, #tpu.memory_space<semaphore_mem>>
    %dma_start3A_2 = tpu.memref_squeeze %dma_start3A_1 : memref<1x!tpu.dma_semaphore, #tpu.memory_space<semaphore_mem>> -> memref<!tpu.dma_semaphore, #tpu.memory_space<semaphore_mem>>
    %dma_start3A_3 = arith.constant 0 : i32
    %dma_start3A_4 = arith.constant 0 : i32
    %dma_start3A_5 = tpu.memref_slice %arg3[%dma_start3A, %dma_start3A_3, %dma_start3A_4] : memref<4x512x2048xf32, #tpu.memory_space<vmem>> -> memref<1x512x2048xf32, #tpu.memory_space<vmem>>
    %dma_start3A_6 = tpu.memref_squeeze %dma_start3A_5 : memref<1x512x2048xf32, #tpu.memory_space<vmem>> -> memref<512x2048xf32, #tpu.memory_space<vmem>>
    %dma_start3A_7 = arith.constant 0 : i32
    %dma_start3A_8 = arith.constant 0 : i32
    %dma_start3A_9 = tpu.memref_slice %arg0[%dma_start3A_7, %dma_start3A_8] : memref<16384x2048xf32, #tpu.memory_space<any>> -> memref<512x2048xf32, #tpu.memory_space<any>>
    tpu.enqueue_dma source(%dma_start3A_9 : memref<512x2048xf32, #tpu.memory_space<any>>) target(%dma_start3A_6 : memref<512x2048xf32, #tpu.memory_space<vmem>>) target_semaphore(%dma_start3A_2 : memref<!tpu.dma_semaphore, #tpu.memory_space<semaphore_mem>>)
    %dma_start3A_10 = arith.constant 1 : i32
    %dma_start3A_11 = arith.constant 1 : i32
    %dma_start3A_12 = tpu.memref_slice %arg4[%dma_start3A_11] : memref<4x!tpu.dma_semaphore, #tpu.memory_space<semaphore_mem>> -> memref<1x!tpu.dma_semaphore, #tpu.memory_space<semaphore_mem>>
    %dma_start3A_13 = tpu.memref_squeeze %dma_start3A_12 : memref<1x!tpu.dma_semaphore, #tpu.memory_space<semaphore_mem>> -> memref<!tpu.dma_semaphore, #tpu.memory_space<semaphore_mem>>
    %dma_start3A_14 = arith.constant 0 : i32
    %dma_start3A_15 = arith.constant 0 : i32
    %dma_start3A_16 = tpu.memref_slice %arg3[%dma_start3A_10, %dma_start3A_14, %dma_start3A_15] : memref<4x512x2048xf32, #tpu.memory_space<vmem>> -> memref<1x512x2048xf32, #tpu.memory_space<vmem>>
    %dma_start3A_17 = tpu.memref_squeeze %dma_start3A_16 : memref<1x512x2048xf32, #tpu.memory_space<vmem>> -> memref<512x2048xf32, #tpu.memory_space<vmem>>
    %dma_start3A_18 = arith.constant 512 : i32
    %dma_start3A_19 = arith.constant 0 : i32
    %dma_start3A_20 = tpu.memref_slice %arg0[%dma_start3A_18, %dma_start3A_19] : memref<16384x2048xf32, #tpu.memory_space<any>> -> memref<512x2048xf32, #tpu.memory_space<any>>
    tpu.enqueue_dma source(%dma_start3A_20 : memref<512x2048xf32, #tpu.memory_space<any>>) target(%dma_start3A_17 : memref<512x2048xf32, #tpu.memory_space<vmem>>) target_semaphore(%dma_start3A_13 : memref<!tpu.dma_semaphore, #tpu.memory_space<semaphore_mem>>)
    %dma_start3A_21 = arith.constant 2 : i32
    %dma_start3A_22 = arith.constant 2 : i32
    %dma_start3A_23 = tpu.memref_slice %arg4[%dma_start3A_22] : memref<4x!tpu.dma_semaphore, #tpu.memory_space<semaphore_mem>> -> memref<1x!tpu.dma_semaphore, #tpu.memory_space<semaphore_mem>>
    %dma_start3A_24 = tpu.memref_squeeze %dma_start3A_23 : memref<1x!tpu.dma_semaphore, #tpu.memory_space<semaphore_mem>> -> memref<!tpu.dma_semaphore, #tpu.memory_space<semaphore_mem>>
    %dma_start3A_25 = arith.constant 0 : i32
    %dma_start3A_26 = arith.constant 0 : i32
    %dma_start3A_27 = tpu.memref_slice %arg3[%dma_start3A_21, %dma_start3A_25, %dma_start3A_26] : memref<4x512x2048xf32, #tpu.memory_space<vmem>> -> memref<1x512x2048xf32, #tpu.memory_space<vmem>>
    %dma_start3A_28 = tpu.memref_squeeze %dma_start3A_27 : memref<1x512x2048xf32, #tpu.memory_space<vmem>> -> memref<512x2048xf32, #tpu.memory_space<vmem>>
    %dma_start3A_29 = arith.constant 1024 : i32
    %dma_start3A_30 = arith.constant 0 : i32
    %dma_start3A_31 = tpu.memref_slice %arg0[%dma_start3A_29, %dma_start3A_30] : memref<16384x2048xf32, #tpu.memory_space<any>> -> memref<512x2048xf32, #tpu.memory_space<any>>
    tpu.enqueue_dma source(%dma_start3A_31 : memref<512x2048xf32, #tpu.memory_space<any>>) target(%dma_start3A_28 : memref<512x2048xf32, #tpu.memory_space<vmem>>) target_semaphore(%dma_start3A_24 : memref<!tpu.dma_semaphore, #tpu.memory_space<semaphore_mem>>)
    %get3A = arith.constant 0 : index
    %get3A_32 = arith.constant 0 : index
    %get3A_33 = vector.load %arg1[%get3A, %get3A_32] : memref<64x2048xf32, #tpu.memory_space<vmem>>, vector<64x2048xf32>
    %dma_wait3A = arith.constant 0 : i32
    %dma_wait3A_34 = arith.constant 0 : i32
    %dma_wait3A_35 = tpu.memref_slice %arg4[%dma_wait3A_34] : memref<4x!tpu.dma_semaphore, #tpu.memory_space<semaphore_mem>> -> memref<1x!tpu.dma_semaphore, #tpu.memory_space<semaphore_mem>>
    %dma_wait3A_36 = tpu.memref_squeeze %dma_wait3A_35 : memref<1x!tpu.dma_semaphore, #tpu.memory_space<semaphore_mem>> -> memref<!tpu.dma_semaphore, #tpu.memory_space<semaphore_mem>>
    %dma_wait3A_37 = arith.constant 0 : i32
    %dma_wait3A_38 = arith.constant 0 : i32
    %dma_wait3A_39 = tpu.memref_slice %arg3[%dma_wait3A, %dma_wait3A_37, %dma_wait3A_38] : memref<4x512x2048xf32, #tpu.memory_space<vmem>> -> memref<1x512x2048xf32, #tpu.memory_space<vmem>>
    %dma_wait3A_40 = tpu.memref_squeeze %dma_wait3A_39 : memref<1x512x2048xf32, #tpu.memory_space<vmem>> -> memref<512x2048xf32, #tpu.memory_space<vmem>>
    %dma_wait3A_41 = arith.constant 0 : i32
    %dma_wait3A_42 = arith.constant 0 : i32
    %dma_wait3A_43 = tpu.memref_slice %arg0[%dma_wait3A_41, %dma_wait3A_42] : memref<16384x2048xf32, #tpu.memory_space<any>> -> memref<512x2048xf32, #tpu.memory_space<any>>
    tpu.wait_dma2 semaphore(%dma_wait3A_36 : memref<!tpu.dma_semaphore, #tpu.memory_space<semaphore_mem>>) src(%dma_wait3A_43 : memref<512x2048xf32, #tpu.memory_space<any>>) dst(%dma_wait3A_40 : memref<512x2048xf32, #tpu.memory_space<vmem>>)
    %dma_start3A_44 = arith.constant 3 : i32
    %dma_start3A_45 = arith.constant 3 : i32
    %dma_start3A_46 = tpu.memref_slice %arg4[%dma_start3A_45] : memref<4x!tpu.dma_semaphore, #tpu.memory_space<semaphore_mem>> -> memref<1x!tpu.dma_semaphore, #tpu.memory_space<semaphore_mem>>
    %dma_start3A_47 = tpu.memref_squeeze %dma_start3A_46 : memref<1x!tpu.dma_semaphore, #tpu.memory_space<semaphore_mem>> -> memref<!tpu.dma_semaphore, #tpu.memory_space<semaphore_mem>>
    %dma_start3A_48 = arith.constant 0 : i32
    %dma_start3A_49 = arith.constant 0 : i32
    %dma_start3A_50 = tpu.memref_slice %arg3[%dma_start3A_44, %dma_start3A_48, %dma_start3A_49] : memref<4x512x2048xf32, #tpu.memory_space<vmem>> -> memref<1x512x2048xf32, #tpu.memory_space<vmem>>
    %dma_start3A_51 = tpu.memref_squeeze %dma_start3A_50 : memref<1x512x2048xf32, #tpu.memory_space<vmem>> -> memref<512x2048xf32, #tpu.memory_space<vmem>>
    %dma_start3A_52 = arith.constant 1536 : i32
    %dma_start3A_53 = arith.constant 0 : i32
    %dma_start3A_54 = tpu.memref_slice %arg0[%dma_start3A_52, %dma_start3A_53] : memref<16384x2048xf32, #tpu.memory_space<any>> -> memref<512x2048xf32, #tpu.memory_space<any>>
    tpu.enqueue_dma source(%dma_start3A_54 : memref<512x2048xf32, #tpu.memory_space<any>>) target(%dma_start3A_51 : memref<512x2048xf32, #tpu.memory_space<vmem>>) target_semaphore(%dma_start3A_47 : memref<!tpu.dma_semaphore, #tpu.memory_space<semaphore_mem>>)
    %get3A_55 = arith.constant 0 : index
    %get3A_56 = arith.constant 0 : index
    %get3A_57 = arith.constant 0 : index
    %get3A_58 = vector.load %arg3[%get3A_55, %get3A_56, %get3A_57] : memref<4x512x2048xf32, #tpu.memory_space<vmem>>, vector<1x512x2048xf32>
    %get3A_59 = vector.shape_cast %get3A_58 : vector<1x512x2048xf32> to vector<512x2048xf32>
    %dot_general3A = arith.constant dense<0.000000e+00> : vector<64x512xf32>
    %dot_general3A_60 = tpu.matmul %get3A_33, %get3A_59, %dot_general3A {dimension_numbers = #tpu.dot_dimension_numbers<[1], [1], [0], [0], [0, 0, 1, 0], [], []>, transpose_lhs_hint = false} : vector<64x2048xf32>, vector<512x2048xf32>, vector<64x512xf32> -> vector<64x512xf32>
    %swap3A = arith.constant 0 : index
    %swap3A_61 = arith.constant 0 : index
    %swap3A_62 = vector.load %arg2[%swap3A, %swap3A_61] : memref<64x4096xf32, #tpu.memory_space<vmem>>, vector<64x512xf32>
    tpu.vector_store %arg2[%swap3A, %swap3A_61], %dot_general3A_60 {strides = array<i32>} : memref<64x4096xf32, #tpu.memory_space<vmem>>, vector<64x512xf32>,
    %dma_wait3A_63 = arith.constant 1 : i32
    %dma_wait3A_64 = arith.constant 1 : i32
    %dma_wait3A_65 = tpu.memref_slice %arg4[%dma_wait3A_64] : memref<4x!tpu.dma_semaphore, #tpu.memory_space<semaphore_mem>> -> memref<1x!tpu.dma_semaphore, #tpu.memory_space<semaphore_mem>>
    %dma_wait3A_66 = tpu.memref_squeeze %dma_wait3A_65 : memref<1x!tpu.dma_semaphore, #tpu.memory_space<semaphore_mem>> -> memref<!tpu.dma_semaphore, #tpu.memory_space<semaphore_mem>>
    %dma_wait3A_67 = arith.constant 0 : i32
    %dma_wait3A_68 = arith.constant 0 : i32
    %dma_wait3A_69 = tpu.memref_slice %arg3[%dma_wait3A_63, %dma_wait3A_67, %dma_wait3A_68] : memref<4x512x2048xf32, #tpu.memory_space<vmem>> -> memref<1x512x2048xf32, #tpu.memory_space<vmem>>
    %dma_wait3A_70 = tpu.memref_squeeze %dma_wait3A_69 : memref<1x512x2048xf32, #tpu.memory_space<vmem>> -> memref<512x2048xf32, #tpu.memory_space<vmem>>
    %dma_wait3A_71 = arith.constant 512 : i32
    %dma_wait3A_72 = arith.constant 0 : i32
    %dma_wait3A_73 = tpu.memref_slice %arg0[%dma_wait3A_71, %dma_wait3A_72] : memref<16384x2048xf32, #tpu.memory_space<any>> -> memref<512x2048xf32, #tpu.memory_space<any>>
    tpu.wait_dma2 semaphore(%dma_wait3A_66 : memref<!tpu.dma_semaphore, #tpu.memory_space<semaphore_mem>>) src(%dma_wait3A_73 : memref<512x2048xf32, #tpu.memory_space<any>>) dst(%dma_wait3A_70 : memref<512x2048xf32, #tpu.memory_space<vmem>>)
    %dma_start3A_74 = arith.constant 0 : i32
    %dma_start3A_75 = arith.constant 0 : i32
    %dma_start3A_76 = tpu.memref_slice %arg4[%dma_start3A_75] : memref<4x!tpu.dma_semaphore, #tpu.memory_space<semaphore_mem>> -> memref<1x!tpu.dma_semaphore, #tpu.memory_space<semaphore_mem>>
    %dma_start3A_77 = tpu.memref_squeeze %dma_start3A_76 : memref<1x!tpu.dma_semaphore, #tpu.memory_space<semaphore_mem>> -> memref<!tpu.dma_semaphore, #tpu.memory_space<semaphore_mem>>
    %dma_start3A_78 = arith.constant 0 : i32
    %dma_start3A_79 = arith.constant 0 : i32
    %dma_start3A_80 = tpu.memref_slice %arg3[%dma_start3A_74, %dma_start3A_78, %dma_start3A_79] : memref<4x512x2048xf32, #tpu.memory_space<vmem>> -> memref<1x512x2048xf32, #tpu.memory_space<vmem>>
    %dma_start3A_81 = tpu.memref_squeeze %dma_start3A_80 : memref<1x512x2048xf32, #tpu.memory_space<vmem>> -> memref<512x2048xf32, #tpu.memory_space<vmem>>
    %dma_start3A_82 = arith.constant 2048 : i32
    %dma_start3A_83 = arith.constant 0 : i32
    %dma_start3A_84 = tpu.memref_slice %arg0[%dma_start3A_82, %dma_start3A_83] : memref<16384x2048xf32, #tpu.memory_space<any>> -> memref<512x2048xf32, #tpu.memory_space<any>>
    tpu.enqueue_dma source(%dma_start3A_84 : memref<512x2048xf32, #tpu.memory_space<any>>) target(%dma_start3A_81 : memref<512x2048xf32, #tpu.memory_space<vmem>>) target_semaphore(%dma_start3A_77 : memref<!tpu.dma_semaphore, #tpu.memory_space<semaphore_mem>>)
    %get3A_85 = arith.constant 1 : index
    %get3A_86 = arith.constant 0 : index
    %get3A_87 = arith.constant 0 : index
    %get3A_88 = vector.load %arg3[%get3A_85, %get3A_86, %get3A_87] : memref<4x512x2048xf32, #tpu.memory_space<vmem>>, vector<1x512x2048xf32>
    %get3A_89 = vector.shape_cast %get3A_88 : vector<1x512x2048xf32> to vector<512x2048xf32>
    %dot_general3A_90 = arith.constant dense<0.000000e+00> : vector<64x512xf32>
    %dot_general3A_91 = tpu.matmul %get3A_33, %get3A_89, %dot_general3A_90 {dimension_numbers = #tpu.dot_dimension_numbers<[1], [1], [0], [0], [0, 0, 1, 0], [], []>, transpose_lhs_hint = false} : vector<64x2048xf32>, vector<512x2048xf32>, vector<64x512xf32> -> vector<64x512xf32>
    %swap3A_92 = arith.constant 0 : index
    %swap3A_93 = arith.constant 512 : index
    %swap3A_94 = vector.load %arg2[%swap3A_92, %swap3A_93] : memref<64x4096xf32, #tpu.memory_space<vmem>>, vector<64x512xf32>
    tpu.vector_store %arg2[%swap3A_92, %swap3A_93], %dot_general3A_91 {strides = array<i32>} : memref<64x4096xf32, #tpu.memory_space<vmem>>, vector<64x512xf32>,
    %dma_wait3A_95 = arith.constant 2 : i32
    %dma_wait3A_96 = arith.constant 2 : i32
    %dma_wait3A_97 = tpu.memref_slice %arg4[%dma_wait3A_96] : memref<4x!tpu.dma_semaphore, #tpu.memory_space<semaphore_mem>> -> memref<1x!tpu.dma_semaphore, #tpu.memory_space<semaphore_mem>>
    %dma_wait3A_98 = tpu.memref_squeeze %dma_wait3A_97 : memref<1x!tpu.dma_semaphore, #tpu.memory_space<semaphore_mem>> -> memref<!tpu.dma_semaphore, #tpu.memory_space<semaphore_mem>>
    %dma_wait3A_99 = arith.constant 0 : i32
    %dma_wait3A_100 = arith.constant 0 : i32
    %dma_wait3A_101 = tpu.memref_slice %arg3[%dma_wait3A_95, %dma_wait3A_99, %dma_wait3A_100] : memref<4x512x2048xf32, #tpu.memory_space<vmem>> -> memref<1x512x2048xf32, #tpu.memory_space<vmem>>
    %dma_wait3A_102 = tpu.memref_squeeze %dma_wait3A_101 : memref<1x512x2048xf32, #tpu.memory_space<vmem>> -> memref<512x2048xf32, #tpu.memory_space<vmem>>
    %dma_wait3A_103 = arith.constant 1024 : i32
    %dma_wait3A_104 = arith.constant 0 : i32
    %dma_wait3A_105 = tpu.memref_slice %arg0[%dma_wait3A_103, %dma_wait3A_104] : memref<16384x2048xf32, #tpu.memory_space<any>> -> memref<512x2048xf32, #tpu.memory_space<any>>
    tpu.wait_dma2 semaphore(%dma_wait3A_98 : memref<!tpu.dma_semaphore, #tpu.memory_space<semaphore_mem>>) src(%dma_wait3A_105 : memref<512x2048xf32, #tpu.memory_space<any>>) dst(%dma_wait3A_102 : memref<512x2048xf32, #tpu.memory_space<vmem>>)
    %dma_start3A_106 = arith.constant 1 : i32
    %dma_start3A_107 = arith.constant 1 : i32
    %dma_start3A_108 = tpu.memref_slice %arg4[%dma_start3A_107] : memref<4x!tpu.dma_semaphore, #tpu.memory_space<semaphore_mem>> -> memref<1x!tpu.dma_semaphore, #tpu.memory_space<semaphore_mem>>
    %dma_start3A_109 = tpu.memref_squeeze %dma_start3A_108 : memref<1x!tpu.dma_semaphore, #tpu.memory_space<semaphore_mem>> -> memref<!tpu.dma_semaphore, #tpu.memory_space<semaphore_mem>>
    %dma_start3A_110 = arith.constant 0 : i32
    %dma_start3A_111 = arith.constant 0 : i32
    %dma_start3A_112 = tpu.memref_slice %arg3[%dma_start3A_106, %dma_start3A_110, %dma_start3A_111] : memref<4x512x2048xf32, #tpu.memory_space<vmem>> -> memref<1x512x2048xf32, #tpu.memory_space<vmem>>
    %dma_start3A_113 = tpu.memref_squeeze %dma_start3A_112 : memref<1x512x2048xf32, #tpu.memory_space<vmem>> -> memref<512x2048xf32, #tpu.memory_space<vmem>>
    %dma_start3A_114 = arith.constant 2560 : i32
    %dma_start3A_115 = arith.constant 0 : i32
    %dma_start3A_116 = tpu.memref_slice %arg0[%dma_start3A_114, %dma_start3A_115] : memref<16384x2048xf32, #tpu.memory_space<any>> -> memref<512x2048xf32, #tpu.memory_space<any>>
    tpu.enqueue_dma source(%dma_start3A_116 : memref<512x2048xf32, #tpu.memory_space<any>>) target(%dma_start3A_113 : memref<512x2048xf32, #tpu.memory_space<vmem>>) target_semaphore(%dma_start3A_109 : memref<!tpu.dma_semaphore, #tpu.memory_space<semaphore_mem>>)
    %get3A_117 = arith.constant 2 : index
    %get3A_118 = arith.constant 0 : index
    %get3A_119 = arith.constant 0 : index
    %get3A_120 = vector.load %arg3[%get3A_117, %get3A_118, %get3A_119] : memref<4x512x2048xf32, #tpu.memory_space<vmem>>, vector<1x512x2048xf32>
    %get3A_121 = vector.shape_cast %get3A_120 : vector<1x512x2048xf32> to vector<512x2048xf32>
    %dot_general3A_122 = arith.constant dense<0.000000e+00> : vector<64x512xf32>
    %dot_general3A_123 = tpu.matmul %get3A_33, %get3A_121, %dot_general3A_122 {dimension_numbers = #tpu.dot_dimension_numbers<[1], [1], [0], [0], [0, 0, 1, 0], [], []>, transpose_lhs_hint = false} : vector<64x2048xf32>, vector<512x2048xf32>, vector<64x512xf32> -> vector<64x512xf32>
    %swap3A_124 = arith.constant 0 : index
    %swap3A_125 = arith.constant 1024 : index
    %swap3A_126 = vector.load %arg2[%swap3A_124, %swap3A_125] : memref<64x4096xf32, #tpu.memory_space<vmem>>, vector<64x512xf32>
    tpu.vector_store %arg2[%swap3A_124, %swap3A_125], %dot_general3A_123 {strides = array<i32>} : memref<64x4096xf32, #tpu.memory_space<vmem>>, vector<64x512xf32>,
    %dma_wait3A_127 = arith.constant 3 : i32
    %dma_wait3A_128 = arith.constant 3 : i32
    %dma_wait3A_129 = tpu.memref_slice %arg4[%dma_wait3A_128] : memref<4x!tpu.dma_semaphore, #tpu.memory_space<semaphore_mem>> -> memref<1x!tpu.dma_semaphore, #tpu.memory_space<semaphore_mem>>
    %dma_wait3A_130 = tpu.memref_squeeze %dma_wait3A_129 : memref<1x!tpu.dma_semaphore, #tpu.memory_space<semaphore_mem>> -> memref<!tpu.dma_semaphore, #tpu.memory_space<semaphore_mem>>
    %dma_wait3A_131 = arith.constant 0 : i32
    %dma_wait3A_132 = arith.constant 0 : i32
    %dma_wait3A_133 = tpu.memref_slice %arg3[%dma_wait3A_127, %dma_wait3A_131, %dma_wait3A_132] : memref<4x512x2048xf32, #tpu.memory_space<vmem>> -> memref<1x512x2048xf32, #tpu.memory_space<vmem>>
    %dma_wait3A_134 = tpu.memref_squeeze %dma_wait3A_133 : memref<1x512x2048xf32, #tpu.memory_space<vmem>> -> memref<512x2048xf32, #tpu.memory_space<vmem>>
    %dma_wait3A_135 = arith.constant 1536 : i32
    %dma_wait3A_136 = arith.constant 0 : i32
    %dma_wait3A_137 = tpu.memref_slice %arg0[%dma_wait3A_135, %dma_wait3A_136] : memref<16384x2048xf32, #tpu.memory_space<any>> -> memref<512x2048xf32, #tpu.memory_space<any>>
    tpu.wait_dma2 semaphore(%dma_wait3A_130 : memref<!tpu.dma_semaphore, #tpu.memory_space<semaphore_mem>>) src(%dma_wait3A_137 : memref<512x2048xf32, #tpu.memory_space<any>>) dst(%dma_wait3A_134 : memref<512x2048xf32, #tpu.memory_space<vmem>>)
    %dma_start3A_138 = arith.constant 2 : i32
    %dma_start3A_139 = arith.constant 2 : i32
    %dma_start3A_140 = tpu.memref_slice %arg4[%dma_start3A_139] : memref<4x!tpu.dma_semaphore, #tpu.memory_space<semaphore_mem>> -> memref<1x!tpu.dma_semaphore, #tpu.memory_space<semaphore_mem>>
    %dma_start3A_141 = tpu.memref_squeeze %dma_start3A_140 : memref<1x!tpu.dma_semaphore, #tpu.memory_space<semaphore_mem>> -> memref<!tpu.dma_semaphore, #tpu.memory_space<semaphore_mem>>
    %dma_start3A_142 = arith.constant 0 : i32
    %dma_start3A_143 = arith.constant 0 : i32
    %dma_start3A_144 = tpu.memref_slice %arg3[%dma_start3A_138, %dma_start3A_142, %dma_start3A_143] : memref<4x512x2048xf32, #tpu.memory_space<vmem>> -> memref<1x512x2048xf32, #tpu.memory_space<vmem>>
    %dma_start3A_145 = tpu.memref_squeeze %dma_start3A_144 : memref<1x512x2048xf32, #tpu.memory_space<vmem>> -> memref<512x2048xf32, #tpu.memory_space<vmem>>
    %dma_start3A_146 = arith.constant 3072 : i32
    %dma_start3A_147 = arith.constant 0 : i32
    %dma_start3A_148 = tpu.memref_slice %arg0[%dma_start3A_146, %dma_start3A_147] : memref<16384x2048xf32, #tpu.memory_space<any>> -> memref<512x2048xf32, #tpu.memory_space<any>>
    tpu.enqueue_dma source(%dma_start3A_148 : memref<512x2048xf32, #tpu.memory_space<any>>) target(%dma_start3A_145 : memref<512x2048xf32, #tpu.memory_space<vmem>>) target_semaphore(%dma_start3A_141 : memref<!tpu.dma_semaphore, #tpu.memory_space<semaphore_mem>>)
    %get3A_149 = arith.constant 3 : index
    %get3A_150 = arith.constant 0 : index
    %get3A_151 = arith.constant 0 : index
    %get3A_152 = vector.load %arg3[%get3A_149, %get3A_150, %get3A_151] : memref<4x512x2048xf32, #tpu.memory_space<vmem>>, vector<1x512x2048xf32>
    %get3A_153 = vector.shape_cast %get3A_152 : vector<1x512x2048xf32> to vector<512x2048xf32>
    %dot_general3A_154 = arith.constant dense<0.000000e+00> : vector<64x512xf32>
    %dot_general3A_155 = tpu.matmul %get3A_33, %get3A_153, %dot_general3A_154 {dimension_numbers = #tpu.dot_dimension_numbers<[1], [1], [0], [0], [0, 0, 1, 0], [], []>, transpose_lhs_hint = false} : vector<64x2048xf32>, vector<512x2048xf32>, vector<64x512xf32> -> vector<64x512xf32>
    %swap3A_156 = arith.constant 0 : index
    %swap3A_157 = arith.constant 1536 : index
    %swap3A_158 = vector.load %arg2[%swap3A_156, %swap3A_157] : memref<64x4096xf32, #tpu.memory_space<vmem>>, vector<64x512xf32>
    tpu.vector_store %arg2[%swap3A_156, %swap3A_157], %dot_general3A_155 {strides = array<i32>} : memref<64x4096xf32, #tpu.memory_space<vmem>>, vector<64x512xf32>,
    %dma_wait3A_159 = arith.constant 0 : i32
    %dma_wait3A_160 = arith.constant 0 : i32
    %dma_wait3A_161 = tpu.memref_slice %arg4[%dma_wait3A_160] : memref<4x!tpu.dma_semaphore, #tpu.memory_space<semaphore_mem>> -> memref<1x!tpu.dma_semaphore, #tpu.memory_space<semaphore_mem>>
    %dma_wait3A_162 = tpu.memref_squeeze %dma_wait3A_161 : memref<1x!tpu.dma_semaphore, #tpu.memory_space<semaphore_mem>> -> memref<!tpu.dma_semaphore, #tpu.memory_space<semaphore_mem>>
    %dma_wait3A_163 = arith.constant 0 : i32
    %dma_wait3A_164 = arith.constant 0 : i32
    %dma_wait3A_165 = tpu.memref_slice %arg3[%dma_wait3A_159, %dma_wait3A_163, %dma_wait3A_164] : memref<4x512x2048xf32, #tpu.memory_space<vmem>> -> memref<1x512x2048xf32, #tpu.memory_space<vmem>>
    %dma_wait3A_166 = tpu.memref_squeeze %dma_wait3A_165 : memref<1x512x2048xf32, #tpu.memory_space<vmem>> -> memref<512x2048xf32, #tpu.memory_space<vmem>>
    %dma_wait3A_167 = arith.constant 2048 : i32
    %dma_wait3A_168 = arith.constant 0 : i32
    %dma_wait3A_169 = tpu.memref_slice %arg0[%dma_wait3A_167, %dma_wait3A_168] : memref<16384x2048xf32, #tpu.memory_space<any>> -> memref<512x2048xf32, #tpu.memory_space<any>>
    tpu.wait_dma2 semaphore(%dma_wait3A_162 : memref<!tpu.dma_semaphore, #tpu.memory_space<semaphore_mem>>) src(%dma_wait3A_169 : memref<512x2048xf32, #tpu.memory_space<any>>) dst(%dma_wait3A_166 : memref<512x2048xf32, #tpu.memory_space<vmem>>)
    %dma_start3A_170 = arith.constant 3 : i32
    %dma_start3A_171 = arith.constant 3 : i32
    %dma_start3A_172 = tpu.memref_slice %arg4[%dma_start3A_171] : memref<4x!tpu.dma_semaphore, #tpu.memory_space<semaphore_mem>> -> memref<1x!tpu.dma_semaphore, #tpu.memory_space<semaphore_mem>>
    %dma_start3A_173 = tpu.memref_squeeze %dma_start3A_172 : memref<1x!tpu.dma_semaphore, #tpu.memory_space<semaphore_mem>> -> memref<!tpu.dma_semaphore, #tpu.memory_space<semaphore_mem>>
    %dma_start3A_174 = arith.constant 0 : i32
    %dma_start3A_175 = arith.constant 0 : i32
    %dma_start3A_176 = tpu.memref_slice %arg3[%dma_start3A_170, %dma_start3A_174, %dma_start3A_175] : memref<4x512x2048xf32, #tpu.memory_space<vmem>> -> memref<1x512x2048xf32, #tpu.memory_space<vmem>>
    %dma_start3A_177 = tpu.memref_squeeze %dma_start3A_176 : memref<1x512x2048xf32, #tpu.memory_space<vmem>> -> memref<512x2048xf32, #tpu.memory_space<vmem>>
    %dma_start3A_178 = arith.constant 3584 : i32
    %dma_start3A_179 = arith.constant 0 : i32
    %dma_start3A_180 = tpu.memref_slice %arg0[%dma_start3A_178, %dma_start3A_179] : memref<16384x2048xf32, #tpu.memory_space<any>> -> memref<512x2048xf32, #tpu.memory_space<any>>
    tpu.enqueue_dma source(%dma_start3A_180 : memref<512x2048xf32, #tpu.memory_space<any>>) target(%dma_start3A_177 : memref<512x2048xf32, #tpu.memory_space<vmem>>) target_semaphore(%dma_start3A_173 : memref<!tpu.dma_semaphore, #tpu.memory_space<semaphore_mem>>)
    %get3A_181 = arith.constant 0 : index
    %get3A_182 = arith.constant 0 : index
    %get3A_183 = arith.constant 0 : index
    %get3A_184 = vector.load %arg3[%get3A_181, %get3A_182, %get3A_183] : memref<4x512x2048xf32, #tpu.memory_space<vmem>>, vector<1x512x2048xf32>
    %get3A_185 = vector.shape_cast %get3A_184 : vector<1x512x2048xf32> to vector<512x2048xf32>
    %dot_general3A_186 = arith.constant dense<0.000000e+00> : vector<64x512xf32>
    %dot_general3A_187 = tpu.matmul %get3A_33, %get3A_185, %dot_general3A_186 {dimension_numbers = #tpu.dot_dimension_numbers<[1], [1], [0], [0], [0, 0, 1, 0], [], []>, transpose_lhs_hint = false} : vector<64x2048xf32>, vector<512x2048xf32>, vector<64x512xf32> -> vector<64x512xf32>
    %swap3A_188 = arith.constant 0 : index
    %swap3A_189 = arith.constant 2048 : index
    %swap3A_190 = vector.load %arg2[%swap3A_188, %swap3A_189] : memref<64x4096xf32, #tpu.memory_space<vmem>>, vector<64x512xf32>
    tpu.vector_store %arg2[%swap3A_188, %swap3A_189], %dot_general3A_187 {strides = array<i32>} : memref<64x4096xf32, #tpu.memory_space<vmem>>, vector<64x512xf32>,
    %dma_wait3A_191 = arith.constant 1 : i32
    %dma_wait3A_192 = arith.constant 1 : i32
    %dma_wait3A_193 = tpu.memref_slice %arg4[%dma_wait3A_192] : memref<4x!tpu.dma_semaphore, #tpu.memory_space<semaphore_mem>> -> memref<1x!tpu.dma_semaphore, #tpu.memory_space<semaphore_mem>>
    %dma_wait3A_194 = tpu.memref_squeeze %dma_wait3A_193 : memref<1x!tpu.dma_semaphore, #tpu.memory_space<semaphore_mem>> -> memref<!tpu.dma_semaphore, #tpu.memory_space<semaphore_mem>>
    %dma_wait3A_195 = arith.constant 0 : i32
    %dma_wait3A_196 = arith.constant 0 : i32
    %dma_wait3A_197 = tpu.memref_slice %arg3[%dma_wait3A_191, %dma_wait3A_195, %dma_wait3A_196] : memref<4x512x2048xf32, #tpu.memory_space<vmem>> -> memref<1x512x2048xf32, #tpu.memory_space<vmem>>
    %dma_wait3A_198 = tpu.memref_squeeze %dma_wait3A_197 : memref<1x512x2048xf32, #tpu.memory_space<vmem>> -> memref<512x2048xf32, #tpu.memory_space<vmem>>
    %dma_wait3A_199 = arith.constant 2560 : i32
    %dma_wait3A_200 = arith.constant 0 : i32
    %dma_wait3A_201 = tpu.memref_slice %arg0[%dma_wait3A_199, %dma_wait3A_200] : memref<16384x2048xf32, #tpu.memory_space<any>> -> memref<512x2048xf32, #tpu.memory_space<any>>
    tpu.wait_dma2 semaphore(%dma_wait3A_194 : memref<!tpu.dma_semaphore, #tpu.memory_space<semaphore_mem>>) src(%dma_wait3A_201 : memref<512x2048xf32, #tpu.memory_space<any>>) dst(%dma_wait3A_198 : memref<512x2048xf32, #tpu.memory_space<vmem>>)
    %get3A_202 = arith.constant 1 : index
    %get3A_203 = arith.constant 0 : index
    %get3A_204 = arith.constant 0 : index
    %get3A_205 = vector.load %arg3[%get3A_202, %get3A_203, %get3A_204] : memref<4x512x2048xf32, #tpu.memory_space<vmem>>, vector<1x512x2048xf32>
    %get3A_206 = vector.shape_cast %get3A_205 : vector<1x512x2048xf32> to vector<512x2048xf32>
    %dot_general3A_207 = arith.constant dense<0.000000e+00> : vector<64x512xf32>
    %dot_general3A_208 = tpu.matmul %get3A_33, %get3A_206, %dot_general3A_207 {dimension_numbers = #tpu.dot_dimension_numbers<[1], [1], [0], [0], [0, 0, 1, 0], [], []>, transpose_lhs_hint = false} : vector<64x2048xf32>, vector<512x2048xf32>, vector<64x512xf32> -> vector<64x512xf32>
    %swap3A_209 = arith.constant 0 : index
    %swap3A_210 = arith.constant 2560 : index
    %swap3A_211 = vector.load %arg2[%swap3A_209, %swap3A_210] : memref<64x4096xf32, #tpu.memory_space<vmem>>, vector<64x512xf32>
    tpu.vector_store %arg2[%swap3A_209, %swap3A_210], %dot_general3A_208 {strides = array<i32>} : memref<64x4096xf32, #tpu.memory_space<vmem>>, vector<64x512xf32>,
    %dma_wait3A_212 = arith.constant 2 : i32
    %dma_wait3A_213 = arith.constant 2 : i32
    %dma_wait3A_214 = tpu.memref_slice %arg4[%dma_wait3A_213] : memref<4x!tpu.dma_semaphore, #tpu.memory_space<semaphore_mem>> -> memref<1x!tpu.dma_semaphore, #tpu.memory_space<semaphore_mem>>
    %dma_wait3A_215 = tpu.memref_squeeze %dma_wait3A_214 : memref<1x!tpu.dma_semaphore, #tpu.memory_space<semaphore_mem>> -> memref<!tpu.dma_semaphore, #tpu.memory_space<semaphore_mem>>
    %dma_wait3A_216 = arith.constant 0 : i32
    %dma_wait3A_217 = arith.constant 0 : i32
    %dma_wait3A_218 = tpu.memref_slice %arg3[%dma_wait3A_212, %dma_wait3A_216, %dma_wait3A_217] : memref<4x512x2048xf32, #tpu.memory_space<vmem>> -> memref<1x512x2048xf32, #tpu.memory_space<vmem>>
    %dma_wait3A_219 = tpu.memref_squeeze %dma_wait3A_218 : memref<1x512x2048xf32, #tpu.memory_space<vmem>> -> memref<512x2048xf32, #tpu.memory_space<vmem>>
    %dma_wait3A_220 = arith.constant 3072 : i32
    %dma_wait3A_221 = arith.constant 0 : i32
    %dma_wait3A_222 = tpu.memref_slice %arg0[%dma_wait3A_220, %dma_wait3A_221] : memref<16384x2048xf32, #tpu.memory_space<any>> -> memref<512x2048xf32, #tpu.memory_space<any>>
    tpu.wait_dma2 semaphore(%dma_wait3A_215 : memref<!tpu.dma_semaphore, #tpu.memory_space<semaphore_mem>>) src(%dma_wait3A_222 : memref<512x2048xf32, #tpu.memory_space<any>>) dst(%dma_wait3A_219 : memref<512x2048xf32, #tpu.memory_space<vmem>>)
    %get3A_223 = arith.constant 2 : index
    %get3A_224 = arith.constant 0 : index
    %get3A_225 = arith.constant 0 : index
    %get3A_226 = vector.load %arg3[%get3A_223, %get3A_224, %get3A_225] : memref<4x512x2048xf32, #tpu.memory_space<vmem>>, vector<1x512x2048xf32>
    %get3A_227 = vector.shape_cast %get3A_226 : vector<1x512x2048xf32> to vector<512x2048xf32>
    %dot_general3A_228 = arith.constant dense<0.000000e+00> : vector<64x512xf32>
    %dot_general3A_229 = tpu.matmul %get3A_33, %get3A_227, %dot_general3A_228 {dimension_numbers = #tpu.dot_dimension_numbers<[1], [1], [0], [0], [0, 0, 1, 0], [], []>, transpose_lhs_hint = false} : vector<64x2048xf32>, vector<512x2048xf32>, vector<64x512xf32> -> vector<64x512xf32>
    %swap3A_230 = arith.constant 0 : index
    %swap3A_231 = arith.constant 3072 : index
    %swap3A_232 = vector.load %arg2[%swap3A_230, %swap3A_231] : memref<64x4096xf32, #tpu.memory_space<vmem>>, vector<64x512xf32>
    tpu.vector_store %arg2[%swap3A_230, %swap3A_231], %dot_general3A_229 {strides = array<i32>} : memref<64x4096xf32, #tpu.memory_space<vmem>>, vector<64x512xf32>,
    %dma_wait3A_233 = arith.constant 3 : i32
    %dma_wait3A_234 = arith.constant 3 : i32
    %dma_wait3A_235 = tpu.memref_slice %arg4[%dma_wait3A_234] : memref<4x!tpu.dma_semaphore, #tpu.memory_space<semaphore_mem>> -> memref<1x!tpu.dma_semaphore, #tpu.memory_space<semaphore_mem>>
    %dma_wait3A_236 = tpu.memref_squeeze %dma_wait3A_235 : memref<1x!tpu.dma_semaphore, #tpu.memory_space<semaphore_mem>> -> memref<!tpu.dma_semaphore, #tpu.memory_space<semaphore_mem>>
    %dma_wait3A_237 = arith.constant 0 : i32
    %dma_wait3A_238 = arith.constant 0 : i32
    %dma_wait3A_239 = tpu.memref_slice %arg3[%dma_wait3A_233, %dma_wait3A_237, %dma_wait3A_238] : memref<4x512x2048xf32, #tpu.memory_space<vmem>> -> memref<1x512x2048xf32, #tpu.memory_space<vmem>>
    %dma_wait3A_240 = tpu.memref_squeeze %dma_wait3A_239 : memref<1x512x2048xf32, #tpu.memory_space<vmem>> -> memref<512x2048xf32, #tpu.memory_space<vmem>>
    %dma_wait3A_241 = arith.constant 3584 : i32
    %dma_wait3A_242 = arith.constant 0 : i32
    %dma_wait3A_243 = tpu.memref_slice %arg0[%dma_wait3A_241, %dma_wait3A_242] : memref<16384x2048xf32, #tpu.memory_space<any>> -> memref<512x2048xf32, #tpu.memory_space<any>>
    tpu.wait_dma2 semaphore(%dma_wait3A_236 : memref<!tpu.dma_semaphore, #tpu.memory_space<semaphore_mem>>) src(%dma_wait3A_243 : memref<512x2048xf32, #tpu.memory_space<any>>) dst(%dma_wait3A_240 : memref<512x2048xf32, #tpu.memory_space<vmem>>)
    %get3A_244 = arith.constant 3 : index
    %get3A_245 = arith.constant 0 : index
    %get3A_246 = arith.constant 0 : index
    %get3A_247 = vector.load %arg3[%get3A_244, %get3A_245, %get3A_246] : memref<4x512x2048xf32, #tpu.memory_space<vmem>>, vector<1x512x2048xf32>
    %get3A_248 = vector.shape_cast %get3A_247 : vector<1x512x2048xf32> to vector<512x2048xf32>
    %dot_general3A_249 = arith.constant dense<0.000000e+00> : vector<64x512xf32>
    %dot_general3A_250 = tpu.matmul %get3A_33, %get3A_248, %dot_general3A_249 {dimension_numbers = #tpu.dot_dimension_numbers<[1], [1], [0], [0], [0, 0, 1, 0], [], []>, transpose_lhs_hint = false} : vector<64x2048xf32>, vector<512x2048xf32>, vector<64x512xf32> -> vector<64x512xf32>
    %swap3A_251 = arith.constant 0 : index
    %swap3A_252 = arith.constant 3584 : index
    %swap3A_253 = vector.load %arg2[%swap3A_251, %swap3A_252] : memref<64x4096xf32, #tpu.memory_space<vmem>>, vector<64x512xf32>
    tpu.vector_store %arg2[%swap3A_251, %swap3A_252], %dot_general3A_250 {strides = array<i32>} : memref<64x4096xf32, #tpu.memory_space<vmem>>, vector<64x512xf32>,
    return
  }
}

module attributes {stable_mosaic.version = 14 : i64} {
  func.func @body(%arg0: memref<16384x2048xf32, #tpu.memory_space<any>>, %arg1: memref<64x2048xf32, #tpu.memory_space<vmem>>, %arg2: memref<64x4096xf32, #tpu.memory_space<vmem>>, %arg3: memref<4x512x2048xf32, #tpu.memory_space<vmem>>, %arg4: memref<4x!tpu.dma_semaphore, #tpu.memory_space<semaphore_mem>>) attributes {dimension_semantics = [], scalar_prefetch = 0 : i64, scratch_operands = 2 : i64, tpu.core_type = #tpu.core_type<tc>} {
    %dma_start3A = arith.constant 0 : i32
    %dma_start3A_0 = arith.constant 0 : i32
    %dma_start3A_1 = tpu.memref_slice %arg4[%dma_start3A_0] : memref<4x!tpu.dma_semaphore, #tpu.memory_space<semaphore_mem>> -> memref<1x!tpu.dma_semaphore, #tpu.memory_space<semaphore_mem>>
    %dma_start3A_2 = tpu.memref_squeeze %dma_start3A_1 : memref<1x!tpu.dma_semaphore, #tpu.memory_space<semaphore_mem>> -> memref<!tpu.dma_semaphore, #tpu.memory_space<semaphore_mem>>
    %dma_start3A_3 = arith.constant 0 : i32
    %dma_start3A_4 = arith.constant 0 : i32
    %dma_start3A_5 = tpu.memref_slice %arg3[%dma_start3A, %dma_start3A_3, %dma_start3A_4] : memref<4x512x2048xf32, #tpu.memory_space<vmem>> -> memref<1x512x2048xf32, #tpu.memory_space<vmem>>
    %dma_start3A_6 = tpu.memref_squeeze %dma_start3A_5 : memref<1x512x2048xf32, #tpu.memory_space<vmem>> -> memref<512x2048xf32, #tpu.memory_space<vmem>>
    %dma_start3A_7 = arith.constant 8192 : i32
    %dma_start3A_8 = arith.constant 0 : i32
    %dma_start3A_9 = tpu.memref_slice %arg0[%dma_start3A_7, %dma_start3A_8] : memref<16384x2048xf32, #tpu.memory_space<any>> -> memref<512x2048xf32, #tpu.memory_space<any>>
    tpu.enqueue_dma source(%dma_start3A_9 : memref<512x2048xf32, #tpu.memory_space<any>>) target(%dma_start3A_6 : memref<512x2048xf32, #tpu.memory_space<vmem>>) target_semaphore(%dma_start3A_2 : memref<!tpu.dma_semaphore, #tpu.memory_space<semaphore_mem>>)
    %dma_start3A_10 = arith.constant 1 : i32
    %dma_start3A_11 = arith.constant 1 : i32
    %dma_start3A_12 = tpu.memref_slice %arg4[%dma_start3A_11] : memref<4x!tpu.dma_semaphore, #tpu.memory_space<semaphore_mem>> -> memref<1x!tpu.dma_semaphore, #tpu.memory_space<semaphore_mem>>
    %dma_start3A_13 = tpu.memref_squeeze %dma_start3A_12 : memref<1x!tpu.dma_semaphore, #tpu.memory_space<semaphore_mem>> -> memref<!tpu.dma_semaphore, #tpu.memory_space<semaphore_mem>>
    %dma_start3A_14 = arith.constant 0 : i32
    %dma_start3A_15 = arith.constant 0 : i32
    %dma_start3A_16 = tpu.memref_slice %arg3[%dma_start3A_10, %dma_start3A_14, %dma_start3A_15] : memref<4x512x2048xf32, #tpu.memory_space<vmem>> -> memref<1x512x2048xf32, #tpu.memory_space<vmem>>
    %dma_start3A_17 = tpu.memref_squeeze %dma_start3A_16 : memref<1x512x2048xf32, #tpu.memory_space<vmem>> -> memref<512x2048xf32, #tpu.memory_space<vmem>>
    %dma_start3A_18 = arith.constant 8704 : i32
    %dma_start3A_19 = arith.constant 0 : i32
    %dma_start3A_20 = tpu.memref_slice %arg0[%dma_start3A_18, %dma_start3A_19] : memref<16384x2048xf32, #tpu.memory_space<any>> -> memref<512x2048xf32, #tpu.memory_space<any>>
    tpu.enqueue_dma source(%dma_start3A_20 : memref<512x2048xf32, #tpu.memory_space<any>>) target(%dma_start3A_17 : memref<512x2048xf32, #tpu.memory_space<vmem>>) target_semaphore(%dma_start3A_13 : memref<!tpu.dma_semaphore, #tpu.memory_space<semaphore_mem>>)
    %dma_start3A_21 = arith.constant 2 : i32
    %dma_start3A_22 = arith.constant 2 : i32
    %dma_start3A_23 = tpu.memref_slice %arg4[%dma_start3A_22] : memref<4x!tpu.dma_semaphore, #tpu.memory_space<semaphore_mem>> -> memref<1x!tpu.dma_semaphore, #tpu.memory_space<semaphore_mem>>
    %dma_start3A_24 = tpu.memref_squeeze %dma_start3A_23 : memref<1x!tpu.dma_semaphore, #tpu.memory_space<semaphore_mem>> -> memref<!tpu.dma_semaphore, #tpu.memory_space<semaphore_mem>>
    %dma_start3A_25 = arith.constant 0 : i32
    %dma_start3A_26 = arith.constant 0 : i32
    %dma_start3A_27 = tpu.memref_slice %arg3[%dma_start3A_21, %dma_start3A_25, %dma_start3A_26] : memref<4x512x2048xf32, #tpu.memory_space<vmem>> -> memref<1x512x2048xf32, #tpu.memory_space<vmem>>
    %dma_start3A_28 = tpu.memref_squeeze %dma_start3A_27 : memref<1x512x2048xf32, #tpu.memory_space<vmem>> -> memref<512x2048xf32, #tpu.memory_space<vmem>>
    %dma_start3A_29 = arith.constant 9216 : i32
    %dma_start3A_30 = arith.constant 0 : i32
    %dma_start3A_31 = tpu.memref_slice %arg0[%dma_start3A_29, %dma_start3A_30] : memref<16384x2048xf32, #tpu.memory_space<any>> -> memref<512x2048xf32, #tpu.memory_space<any>>
    tpu.enqueue_dma source(%dma_start3A_31 : memref<512x2048xf32, #tpu.memory_space<any>>) target(%dma_start3A_28 : memref<512x2048xf32, #tpu.memory_space<vmem>>) target_semaphore(%dma_start3A_24 : memref<!tpu.dma_semaphore, #tpu.memory_space<semaphore_mem>>)
    %get3A = arith.constant 0 : index
    %get3A_32 = arith.constant 0 : index
    %get3A_33 = vector.load %arg1[%get3A, %get3A_32] : memref<64x2048xf32, #tpu.memory_space<vmem>>, vector<64x2048xf32>
    %dma_wait3A = arith.constant 0 : i32
    %dma_wait3A_34 = arith.constant 0 : i32
    %dma_wait3A_35 = tpu.memref_slice %arg4[%dma_wait3A_34] : memref<4x!tpu.dma_semaphore, #tpu.memory_space<semaphore_mem>> -> memref<1x!tpu.dma_semaphore, #tpu.memory_space<semaphore_mem>>
    %dma_wait3A_36 = tpu.memref_squeeze %dma_wait3A_35 : memref<1x!tpu.dma_semaphore, #tpu.memory_space<semaphore_mem>> -> memref<!tpu.dma_semaphore, #tpu.memory_space<semaphore_mem>>
    %dma_wait3A_37 = arith.constant 0 : i32
    %dma_wait3A_38 = arith.constant 0 : i32
    %dma_wait3A_39 = tpu.memref_slice %arg3[%dma_wait3A, %dma_wait3A_37, %dma_wait3A_38] : memref<4x512x2048xf32, #tpu.memory_space<vmem>> -> memref<1x512x2048xf32, #tpu.memory_space<vmem>>
    %dma_wait3A_40 = tpu.memref_squeeze %dma_wait3A_39 : memref<1x512x2048xf32, #tpu.memory_space<vmem>> -> memref<512x2048xf32, #tpu.memory_space<vmem>>
    %dma_wait3A_41 = arith.constant 8192 : i32
    %dma_wait3A_42 = arith.constant 0 : i32
    %dma_wait3A_43 = tpu.memref_slice %arg0[%dma_wait3A_41, %dma_wait3A_42] : memref<16384x2048xf32, #tpu.memory_space<any>> -> memref<512x2048xf32, #tpu.memory_space<any>>
    tpu.wait_dma2 semaphore(%dma_wait3A_36 : memref<!tpu.dma_semaphore, #tpu.memory_space<semaphore_mem>>) src(%dma_wait3A_43 : memref<512x2048xf32, #tpu.memory_space<any>>) dst(%dma_wait3A_40 : memref<512x2048xf32, #tpu.memory_space<vmem>>)
    %dma_start3A_44 = arith.constant 3 : i32
    %dma_start3A_45 = arith.constant 3 : i32
    %dma_start3A_46 = tpu.memref_slice %arg4[%dma_start3A_45] : memref<4x!tpu.dma_semaphore, #tpu.memory_space<semaphore_mem>> -> memref<1x!tpu.dma_semaphore, #tpu.memory_space<semaphore_mem>>
    %dma_start3A_47 = tpu.memref_squeeze %dma_start3A_46 : memref<1x!tpu.dma_semaphore, #tpu.memory_space<semaphore_mem>> -> memref<!tpu.dma_semaphore, #tpu.memory_space<semaphore_mem>>
    %dma_start3A_48 = arith.constant 0 : i32
    %dma_start3A_49 = arith.constant 0 : i32
    %dma_start3A_50 = tpu.memref_slice %arg3[%dma_start3A_44, %dma_start3A_48, %dma_start3A_49] : memref<4x512x2048xf32, #tpu.memory_space<vmem>> -> memref<1x512x2048xf32, #tpu.memory_space<vmem>>
    %dma_start3A_51 = tpu.memref_squeeze %dma_start3A_50 : memref<1x512x2048xf32, #tpu.memory_space<vmem>> -> memref<512x2048xf32, #tpu.memory_space<vmem>>
    %dma_start3A_52 = arith.constant 9728 : i32
    %dma_start3A_53 = arith.constant 0 : i32
    %dma_start3A_54 = tpu.memref_slice %arg0[%dma_start3A_52, %dma_start3A_53] : memref<16384x2048xf32, #tpu.memory_space<any>> -> memref<512x2048xf32, #tpu.memory_space<any>>
    tpu.enqueue_dma source(%dma_start3A_54 : memref<512x2048xf32, #tpu.memory_space<any>>) target(%dma_start3A_51 : memref<512x2048xf32, #tpu.memory_space<vmem>>) target_semaphore(%dma_start3A_47 : memref<!tpu.dma_semaphore, #tpu.memory_space<semaphore_mem>>)
    %get3A_55 = arith.constant 0 : index
    %get3A_56 = arith.constant 0 : index
    %get3A_57 = arith.constant 0 : index
    %get3A_58 = vector.load %arg3[%get3A_55, %get3A_56, %get3A_57] : memref<4x512x2048xf32, #tpu.memory_space<vmem>>, vector<1x512x2048xf32>
    %get3A_59 = vector.shape_cast %get3A_58 : vector<1x512x2048xf32> to vector<512x2048xf32>
    %dot_general3A = arith.constant dense<0.000000e+00> : vector<64x512xf32>
    %dot_general3A_60 = tpu.matmul %get3A_33, %get3A_59, %dot_general3A {dimension_numbers = #tpu.dot_dimension_numbers<[1], [1], [0], [0], [0, 0, 1, 0], [], []>, transpose_lhs_hint = false} : vector<64x2048xf32>, vector<512x2048xf32>, vector<64x512xf32> -> vector<64x512xf32>
    %swap3A = arith.constant 0 : index
    %swap3A_61 = arith.constant 0 : index
    %swap3A_62 = vector.load %arg2[%swap3A, %swap3A_61] : memref<64x4096xf32, #tpu.memory_space<vmem>>, vector<64x512xf32>
    tpu.vector_store %arg2[%swap3A, %swap3A_61], %dot_general3A_60 {strides = array<i32>} : memref<64x4096xf32, #tpu.memory_space<vmem>>, vector<64x512xf32>,
    %dma_wait3A_63 = arith.constant 1 : i32
    %dma_wait3A_64 = arith.constant 1 : i32
    %dma_wait3A_65 = tpu.memref_slice %arg4[%dma_wait3A_64] : memref<4x!tpu.dma_semaphore, #tpu.memory_space<semaphore_mem>> -> memref<1x!tpu.dma_semaphore, #tpu.memory_space<semaphore_mem>>
    %dma_wait3A_66 = tpu.memref_squeeze %dma_wait3A_65 : memref<1x!tpu.dma_semaphore, #tpu.memory_space<semaphore_mem>> -> memref<!tpu.dma_semaphore, #tpu.memory_space<semaphore_mem>>
    %dma_wait3A_67 = arith.constant 0 : i32
    %dma_wait3A_68 = arith.constant 0 : i32
    %dma_wait3A_69 = tpu.memref_slice %arg3[%dma_wait3A_63, %dma_wait3A_67, %dma_wait3A_68] : memref<4x512x2048xf32, #tpu.memory_space<vmem>> -> memref<1x512x2048xf32, #tpu.memory_space<vmem>>
    %dma_wait3A_70 = tpu.memref_squeeze %dma_wait3A_69 : memref<1x512x2048xf32, #tpu.memory_space<vmem>> -> memref<512x2048xf32, #tpu.memory_space<vmem>>
    %dma_wait3A_71 = arith.constant 8704 : i32
    %dma_wait3A_72 = arith.constant 0 : i32
    %dma_wait3A_73 = tpu.memref_slice %arg0[%dma_wait3A_71, %dma_wait3A_72] : memref<16384x2048xf32, #tpu.memory_space<any>> -> memref<512x2048xf32, #tpu.memory_space<any>>
    tpu.wait_dma2 semaphore(%dma_wait3A_66 : memref<!tpu.dma_semaphore, #tpu.memory_space<semaphore_mem>>) src(%dma_wait3A_73 : memref<512x2048xf32, #tpu.memory_space<any>>) dst(%dma_wait3A_70 : memref<512x2048xf32, #tpu.memory_space<vmem>>)
    %dma_start3A_74 = arith.constant 0 : i32
    %dma_start3A_75 = arith.constant 0 : i32
    %dma_start3A_76 = tpu.memref_slice %arg4[%dma_start3A_75] : memref<4x!tpu.dma_semaphore, #tpu.memory_space<semaphore_mem>> -> memref<1x!tpu.dma_semaphore, #tpu.memory_space<semaphore_mem>>
    %dma_start3A_77 = tpu.memref_squeeze %dma_start3A_76 : memref<1x!tpu.dma_semaphore, #tpu.memory_space<semaphore_mem>> -> memref<!tpu.dma_semaphore, #tpu.memory_space<semaphore_mem>>
    %dma_start3A_78 = arith.constant 0 : i32
    %dma_start3A_79 = arith.constant 0 : i32
    %dma_start3A_80 = tpu.memref_slice %arg3[%dma_start3A_74, %dma_start3A_78, %dma_start3A_79] : memref<4x512x2048xf32, #tpu.memory_space<vmem>> -> memref<1x512x2048xf32, #tpu.memory_space<vmem>>
    %dma_start3A_81 = tpu.memref_squeeze %dma_start3A_80 : memref<1x512x2048xf32, #tpu.memory_space<vmem>> -> memref<512x2048xf32, #tpu.memory_space<vmem>>
    %dma_start3A_82 = arith.constant 10240 : i32
    %dma_start3A_83 = arith.constant 0 : i32
    %dma_start3A_84 = tpu.memref_slice %arg0[%dma_start3A_82, %dma_start3A_83] : memref<16384x2048xf32, #tpu.memory_space<any>> -> memref<512x2048xf32, #tpu.memory_space<any>>
    tpu.enqueue_dma source(%dma_start3A_84 : memref<512x2048xf32, #tpu.memory_space<any>>) target(%dma_start3A_81 : memref<512x2048xf32, #tpu.memory_space<vmem>>) target_semaphore(%dma_start3A_77 : memref<!tpu.dma_semaphore, #tpu.memory_space<semaphore_mem>>)
    %get3A_85 = arith.constant 1 : index
    %get3A_86 = arith.constant 0 : index
    %get3A_87 = arith.constant 0 : index
    %get3A_88 = vector.load %arg3[%get3A_85, %get3A_86, %get3A_87] : memref<4x512x2048xf32, #tpu.memory_space<vmem>>, vector<1x512x2048xf32>
    %get3A_89 = vector.shape_cast %get3A_88 : vector<1x512x2048xf32> to vector<512x2048xf32>
    %dot_general3A_90 = arith.constant dense<0.000000e+00> : vector<64x512xf32>
    %dot_general3A_91 = tpu.matmul %get3A_33, %get3A_89, %dot_general3A_90 {dimension_numbers = #tpu.dot_dimension_numbers<[1], [1], [0], [0], [0, 0, 1, 0], [], []>, transpose_lhs_hint = false} : vector<64x2048xf32>, vector<512x2048xf32>, vector<64x512xf32> -> vector<64x512xf32>
    %swap3A_92 = arith.constant 0 : index
    %swap3A_93 = arith.constant 512 : index
    %swap3A_94 = vector.load %arg2[%swap3A_92, %swap3A_93] : memref<64x4096xf32, #tpu.memory_space<vmem>>, vector<64x512xf32>
    tpu.vector_store %arg2[%swap3A_92, %swap3A_93], %dot_general3A_91 {strides = array<i32>} : memref<64x4096xf32, #tpu.memory_space<vmem>>, vector<64x512xf32>,
    %dma_wait3A_95 = arith.constant 2 : i32
    %dma_wait3A_96 = arith.constant 2 : i32
    %dma_wait3A_97 = tpu.memref_slice %arg4[%dma_wait3A_96] : memref<4x!tpu.dma_semaphore, #tpu.memory_space<semaphore_mem>> -> memref<1x!tpu.dma_semaphore, #tpu.memory_space<semaphore_mem>>
    %dma_wait3A_98 = tpu.memref_squeeze %dma_wait3A_97 : memref<1x!tpu.dma_semaphore, #tpu.memory_space<semaphore_mem>> -> memref<!tpu.dma_semaphore, #tpu.memory_space<semaphore_mem>>
    %dma_wait3A_99 = arith.constant 0 : i32
    %dma_wait3A_100 = arith.constant 0 : i32
    %dma_wait3A_101 = tpu.memref_slice %arg3[%dma_wait3A_95, %dma_wait3A_99, %dma_wait3A_100] : memref<4x512x2048xf32, #tpu.memory_space<vmem>> -> memref<1x512x2048xf32, #tpu.memory_space<vmem>>
    %dma_wait3A_102 = tpu.memref_squeeze %dma_wait3A_101 : memref<1x512x2048xf32, #tpu.memory_space<vmem>> -> memref<512x2048xf32, #tpu.memory_space<vmem>>
    %dma_wait3A_103 = arith.constant 9216 : i32
    %dma_wait3A_104 = arith.constant 0 : i32
    %dma_wait3A_105 = tpu.memref_slice %arg0[%dma_wait3A_103, %dma_wait3A_104] : memref<16384x2048xf32, #tpu.memory_space<any>> -> memref<512x2048xf32, #tpu.memory_space<any>>
    tpu.wait_dma2 semaphore(%dma_wait3A_98 : memref<!tpu.dma_semaphore, #tpu.memory_space<semaphore_mem>>) src(%dma_wait3A_105 : memref<512x2048xf32, #tpu.memory_space<any>>) dst(%dma_wait3A_102 : memref<512x2048xf32, #tpu.memory_space<vmem>>)
    %dma_start3A_106 = arith.constant 1 : i32
    %dma_start3A_107 = arith.constant 1 : i32
    %dma_start3A_108 = tpu.memref_slice %arg4[%dma_start3A_107] : memref<4x!tpu.dma_semaphore, #tpu.memory_space<semaphore_mem>> -> memref<1x!tpu.dma_semaphore, #tpu.memory_space<semaphore_mem>>
    %dma_start3A_109 = tpu.memref_squeeze %dma_start3A_108 : memref<1x!tpu.dma_semaphore, #tpu.memory_space<semaphore_mem>> -> memref<!tpu.dma_semaphore, #tpu.memory_space<semaphore_mem>>
    %dma_start3A_110 = arith.constant 0 : i32
    %dma_start3A_111 = arith.constant 0 : i32
    %dma_start3A_112 = tpu.memref_slice %arg3[%dma_start3A_106, %dma_start3A_110, %dma_start3A_111] : memref<4x512x2048xf32, #tpu.memory_space<vmem>> -> memref<1x512x2048xf32, #tpu.memory_space<vmem>>
    %dma_start3A_113 = tpu.memref_squeeze %dma_start3A_112 : memref<1x512x2048xf32, #tpu.memory_space<vmem>> -> memref<512x2048xf32, #tpu.memory_space<vmem>>
    %dma_start3A_114 = arith.constant 10752 : i32
    %dma_start3A_115 = arith.constant 0 : i32
    %dma_start3A_116 = tpu.memref_slice %arg0[%dma_start3A_114, %dma_start3A_115] : memref<16384x2048xf32, #tpu.memory_space<any>> -> memref<512x2048xf32, #tpu.memory_space<any>>
    tpu.enqueue_dma source(%dma_start3A_116 : memref<512x2048xf32, #tpu.memory_space<any>>) target(%dma_start3A_113 : memref<512x2048xf32, #tpu.memory_space<vmem>>) target_semaphore(%dma_start3A_109 : memref<!tpu.dma_semaphore, #tpu.memory_space<semaphore_mem>>)
    %get3A_117 = arith.constant 2 : index
    %get3A_118 = arith.constant 0 : index
    %get3A_119 = arith.constant 0 : index
    %get3A_120 = vector.load %arg3[%get3A_117, %get3A_118, %get3A_119] : memref<4x512x2048xf32, #tpu.memory_space<vmem>>, vector<1x512x2048xf32>
    %get3A_121 = vector.shape_cast %get3A_120 : vector<1x512x2048xf32> to vector<512x2048xf32>
    %dot_general3A_122 = arith.constant dense<0.000000e+00> : vector<64x512xf32>
    %dot_general3A_123 = tpu.matmul %get3A_33, %get3A_121, %dot_general3A_122 {dimension_numbers = #tpu.dot_dimension_numbers<[1], [1], [0], [0], [0, 0, 1, 0], [], []>, transpose_lhs_hint = false} : vector<64x2048xf32>, vector<512x2048xf32>, vector<64x512xf32> -> vector<64x512xf32>
    %swap3A_124 = arith.constant 0 : index
    %swap3A_125 = arith.constant 1024 : index
    %swap3A_126 = vector.load %arg2[%swap3A_124, %swap3A_125] : memref<64x4096xf32, #tpu.memory_space<vmem>>, vector<64x512xf32>
    tpu.vector_store %arg2[%swap3A_124, %swap3A_125], %dot_general3A_123 {strides = array<i32>} : memref<64x4096xf32, #tpu.memory_space<vmem>>, vector<64x512xf32>,
    %dma_wait3A_127 = arith.constant 3 : i32
    %dma_wait3A_128 = arith.constant 3 : i32
    %dma_wait3A_129 = tpu.memref_slice %arg4[%dma_wait3A_128] : memref<4x!tpu.dma_semaphore, #tpu.memory_space<semaphore_mem>> -> memref<1x!tpu.dma_semaphore, #tpu.memory_space<semaphore_mem>>
    %dma_wait3A_130 = tpu.memref_squeeze %dma_wait3A_129 : memref<1x!tpu.dma_semaphore, #tpu.memory_space<semaphore_mem>> -> memref<!tpu.dma_semaphore, #tpu.memory_space<semaphore_mem>>
    %dma_wait3A_131 = arith.constant 0 : i32
    %dma_wait3A_132 = arith.constant 0 : i32
    %dma_wait3A_133 = tpu.memref_slice %arg3[%dma_wait3A_127, %dma_wait3A_131, %dma_wait3A_132] : memref<4x512x2048xf32, #tpu.memory_space<vmem>> -> memref<1x512x2048xf32, #tpu.memory_space<vmem>>
    %dma_wait3A_134 = tpu.memref_squeeze %dma_wait3A_133 : memref<1x512x2048xf32, #tpu.memory_space<vmem>> -> memref<512x2048xf32, #tpu.memory_space<vmem>>
    %dma_wait3A_135 = arith.constant 9728 : i32
    %dma_wait3A_136 = arith.constant 0 : i32
    %dma_wait3A_137 = tpu.memref_slice %arg0[%dma_wait3A_135, %dma_wait3A_136] : memref<16384x2048xf32, #tpu.memory_space<any>> -> memref<512x2048xf32, #tpu.memory_space<any>>
    tpu.wait_dma2 semaphore(%dma_wait3A_130 : memref<!tpu.dma_semaphore, #tpu.memory_space<semaphore_mem>>) src(%dma_wait3A_137 : memref<512x2048xf32, #tpu.memory_space<any>>) dst(%dma_wait3A_134 : memref<512x2048xf32, #tpu.memory_space<vmem>>)
    %dma_start3A_138 = arith.constant 2 : i32
    %dma_start3A_139 = arith.constant 2 : i32
    %dma_start3A_140 = tpu.memref_slice %arg4[%dma_start3A_139] : memref<4x!tpu.dma_semaphore, #tpu.memory_space<semaphore_mem>> -> memref<1x!tpu.dma_semaphore, #tpu.memory_space<semaphore_mem>>
    %dma_start3A_141 = tpu.memref_squeeze %dma_start3A_140 : memref<1x!tpu.dma_semaphore, #tpu.memory_space<semaphore_mem>> -> memref<!tpu.dma_semaphore, #tpu.memory_space<semaphore_mem>>
    %dma_start3A_142 = arith.constant 0 : i32
    %dma_start3A_143 = arith.constant 0 : i32
    %dma_start3A_144 = tpu.memref_slice %arg3[%dma_start3A_138, %dma_start3A_142, %dma_start3A_143] : memref<4x512x2048xf32, #tpu.memory_space<vmem>> -> memref<1x512x2048xf32, #tpu.memory_space<vmem>>
    %dma_start3A_145 = tpu.memref_squeeze %dma_start3A_144 : memref<1x512x2048xf32, #tpu.memory_space<vmem>> -> memref<512x2048xf32, #tpu.memory_space<vmem>>
    %dma_start3A_146 = arith.constant 11264 : i32
    %dma_start3A_147 = arith.constant 0 : i32
    %dma_start3A_148 = tpu.memref_slice %arg0[%dma_start3A_146, %dma_start3A_147] : memref<16384x2048xf32, #tpu.memory_space<any>> -> memref<512x2048xf32, #tpu.memory_space<any>>
    tpu.enqueue_dma source(%dma_start3A_148 : memref<512x2048xf32, #tpu.memory_space<any>>) target(%dma_start3A_145 : memref<512x2048xf32, #tpu.memory_space<vmem>>) target_semaphore(%dma_start3A_141 : memref<!tpu.dma_semaphore, #tpu.memory_space<semaphore_mem>>)
    %get3A_149 = arith.constant 3 : index
    %get3A_150 = arith.constant 0 : index
    %get3A_151 = arith.constant 0 : index
    %get3A_152 = vector.load %arg3[%get3A_149, %get3A_150, %get3A_151] : memref<4x512x2048xf32, #tpu.memory_space<vmem>>, vector<1x512x2048xf32>
    %get3A_153 = vector.shape_cast %get3A_152 : vector<1x512x2048xf32> to vector<512x2048xf32>
    %dot_general3A_154 = arith.constant dense<0.000000e+00> : vector<64x512xf32>
    %dot_general3A_155 = tpu.matmul %get3A_33, %get3A_153, %dot_general3A_154 {dimension_numbers = #tpu.dot_dimension_numbers<[1], [1], [0], [0], [0, 0, 1, 0], [], []>, transpose_lhs_hint = false} : vector<64x2048xf32>, vector<512x2048xf32>, vector<64x512xf32> -> vector<64x512xf32>
    %swap3A_156 = arith.constant 0 : index
    %swap3A_157 = arith.constant 1536 : index
    %swap3A_158 = vector.load %arg2[%swap3A_156, %swap3A_157] : memref<64x4096xf32, #tpu.memory_space<vmem>>, vector<64x512xf32>
    tpu.vector_store %arg2[%swap3A_156, %swap3A_157], %dot_general3A_155 {strides = array<i32>} : memref<64x4096xf32, #tpu.memory_space<vmem>>, vector<64x512xf32>,
    %dma_wait3A_159 = arith.constant 0 : i32
    %dma_wait3A_160 = arith.constant 0 : i32
    %dma_wait3A_161 = tpu.memref_slice %arg4[%dma_wait3A_160] : memref<4x!tpu.dma_semaphore, #tpu.memory_space<semaphore_mem>> -> memref<1x!tpu.dma_semaphore, #tpu.memory_space<semaphore_mem>>
    %dma_wait3A_162 = tpu.memref_squeeze %dma_wait3A_161 : memref<1x!tpu.dma_semaphore, #tpu.memory_space<semaphore_mem>> -> memref<!tpu.dma_semaphore, #tpu.memory_space<semaphore_mem>>
    %dma_wait3A_163 = arith.constant 0 : i32
    %dma_wait3A_164 = arith.constant 0 : i32
    %dma_wait3A_165 = tpu.memref_slice %arg3[%dma_wait3A_159, %dma_wait3A_163, %dma_wait3A_164] : memref<4x512x2048xf32, #tpu.memory_space<vmem>> -> memref<1x512x2048xf32, #tpu.memory_space<vmem>>
    %dma_wait3A_166 = tpu.memref_squeeze %dma_wait3A_165 : memref<1x512x2048xf32, #tpu.memory_space<vmem>> -> memref<512x2048xf32, #tpu.memory_space<vmem>>
    %dma_wait3A_167 = arith.constant 10240 : i32
    %dma_wait3A_168 = arith.constant 0 : i32
    %dma_wait3A_169 = tpu.memref_slice %arg0[%dma_wait3A_167, %dma_wait3A_168] : memref<16384x2048xf32, #tpu.memory_space<any>> -> memref<512x2048xf32, #tpu.memory_space<any>>
    tpu.wait_dma2 semaphore(%dma_wait3A_162 : memref<!tpu.dma_semaphore, #tpu.memory_space<semaphore_mem>>) src(%dma_wait3A_169 : memref<512x2048xf32, #tpu.memory_space<any>>) dst(%dma_wait3A_166 : memref<512x2048xf32, #tpu.memory_space<vmem>>)
    %dma_start3A_170 = arith.constant 3 : i32
    %dma_start3A_171 = arith.constant 3 : i32
    %dma_start3A_172 = tpu.memref_slice %arg4[%dma_start3A_171] : memref<4x!tpu.dma_semaphore, #tpu.memory_space<semaphore_mem>> -> memref<1x!tpu.dma_semaphore, #tpu.memory_space<semaphore_mem>>
    %dma_start3A_173 = tpu.memref_squeeze %dma_start3A_172 : memref<1x!tpu.dma_semaphore, #tpu.memory_space<semaphore_mem>> -> memref<!tpu.dma_semaphore, #tpu.memory_space<semaphore_mem>>
    %dma_start3A_174 = arith.constant 0 : i32
    %dma_start3A_175 = arith.constant 0 : i32
    %dma_start3A_176 = tpu.memref_slice %arg3[%dma_start3A_170, %dma_start3A_174, %dma_start3A_175] : memref<4x512x2048xf32, #tpu.memory_space<vmem>> -> memref<1x512x2048xf32, #tpu.memory_space<vmem>>
    %dma_start3A_177 = tpu.memref_squeeze %dma_start3A_176 : memref<1x512x2048xf32, #tpu.memory_space<vmem>> -> memref<512x2048xf32, #tpu.memory_space<vmem>>
    %dma_start3A_178 = arith.constant 11776 : i32
    %dma_start3A_179 = arith.constant 0 : i32
    %dma_start3A_180 = tpu.memref_slice %arg0[%dma_start3A_178, %dma_start3A_179] : memref<16384x2048xf32, #tpu.memory_space<any>> -> memref<512x2048xf32, #tpu.memory_space<any>>
    tpu.enqueue_dma source(%dma_start3A_180 : memref<512x2048xf32, #tpu.memory_space<any>>) target(%dma_start3A_177 : memref<512x2048xf32, #tpu.memory_space<vmem>>) target_semaphore(%dma_start3A_173 : memref<!tpu.dma_semaphore, #tpu.memory_space<semaphore_mem>>)
    %get3A_181 = arith.constant 0 : index
    %get3A_182 = arith.constant 0 : index
    %get3A_183 = arith.constant 0 : index
    %get3A_184 = vector.load %arg3[%get3A_181, %get3A_182, %get3A_183] : memref<4x512x2048xf32, #tpu.memory_space<vmem>>, vector<1x512x2048xf32>
    %get3A_185 = vector.shape_cast %get3A_184 : vector<1x512x2048xf32> to vector<512x2048xf32>
    %dot_general3A_186 = arith.constant dense<0.000000e+00> : vector<64x512xf32>
    %dot_general3A_187 = tpu.matmul %get3A_33, %get3A_185, %dot_general3A_186 {dimension_numbers = #tpu.dot_dimension_numbers<[1], [1], [0], [0], [0, 0, 1, 0], [], []>, transpose_lhs_hint = false} : vector<64x2048xf32>, vector<512x2048xf32>, vector<64x512xf32> -> vector<64x512xf32>
    %swap3A_188 = arith.constant 0 : index
    %swap3A_189 = arith.constant 2048 : index
    %swap3A_190 = vector.load %arg2[%swap3A_188, %swap3A_189] : memref<64x4096xf32, #tpu.memory_space<vmem>>, vector<64x512xf32>
    tpu.vector_store %arg2[%swap3A_188, %swap3A_189], %dot_general3A_187 {strides = array<i32>} : memref<64x4096xf32, #tpu.memory_space<vmem>>, vector<64x512xf32>,
    %dma_wait3A_191 = arith.constant 1 : i32
    %dma_wait3A_192 = arith.constant 1 : i32
    %dma_wait3A_193 = tpu.memref_slice %arg4[%dma_wait3A_192] : memref<4x!tpu.dma_semaphore, #tpu.memory_space<semaphore_mem>> -> memref<1x!tpu.dma_semaphore, #tpu.memory_space<semaphore_mem>>
    %dma_wait3A_194 = tpu.memref_squeeze %dma_wait3A_193 : memref<1x!tpu.dma_semaphore, #tpu.memory_space<semaphore_mem>> -> memref<!tpu.dma_semaphore, #tpu.memory_space<semaphore_mem>>
    %dma_wait3A_195 = arith.constant 0 : i32
    %dma_wait3A_196 = arith.constant 0 : i32
    %dma_wait3A_197 = tpu.memref_slice %arg3[%dma_wait3A_191, %dma_wait3A_195, %dma_wait3A_196] : memref<4x512x2048xf32, #tpu.memory_space<vmem>> -> memref<1x512x2048xf32, #tpu.memory_space<vmem>>
    %dma_wait3A_198 = tpu.memref_squeeze %dma_wait3A_197 : memref<1x512x2048xf32, #tpu.memory_space<vmem>> -> memref<512x2048xf32, #tpu.memory_space<vmem>>
    %dma_wait3A_199 = arith.constant 10752 : i32
    %dma_wait3A_200 = arith.constant 0 : i32
    %dma_wait3A_201 = tpu.memref_slice %arg0[%dma_wait3A_199, %dma_wait3A_200] : memref<16384x2048xf32, #tpu.memory_space<any>> -> memref<512x2048xf32, #tpu.memory_space<any>>
    tpu.wait_dma2 semaphore(%dma_wait3A_194 : memref<!tpu.dma_semaphore, #tpu.memory_space<semaphore_mem>>) src(%dma_wait3A_201 : memref<512x2048xf32, #tpu.memory_space<any>>) dst(%dma_wait3A_198 : memref<512x2048xf32, #tpu.memory_space<vmem>>)
    %get3A_202 = arith.constant 1 : index
    %get3A_203 = arith.constant 0 : index
    %get3A_204 = arith.constant 0 : index
    %get3A_205 = vector.load %arg3[%get3A_202, %get3A_203, %get3A_204] : memref<4x512x2048xf32, #tpu.memory_space<vmem>>, vector<1x512x2048xf32>
    %get3A_206 = vector.shape_cast %get3A_205 : vector<1x512x2048xf32> to vector<512x2048xf32>
    %dot_general3A_207 = arith.constant dense<0.000000e+00> : vector<64x512xf32>
    %dot_general3A_208 = tpu.matmul %get3A_33, %get3A_206, %dot_general3A_207 {dimension_numbers = #tpu.dot_dimension_numbers<[1], [1], [0], [0], [0, 0, 1, 0], [], []>, transpose_lhs_hint = false} : vector<64x2048xf32>, vector<512x2048xf32>, vector<64x512xf32> -> vector<64x512xf32>
    %swap3A_209 = arith.constant 0 : index
    %swap3A_210 = arith.constant 2560 : index
    %swap3A_211 = vector.load %arg2[%swap3A_209, %swap3A_210] : memref<64x4096xf32, #tpu.memory_space<vmem>>, vector<64x512xf32>
    tpu.vector_store %arg2[%swap3A_209, %swap3A_210], %dot_general3A_208 {strides = array<i32>} : memref<64x4096xf32, #tpu.memory_space<vmem>>, vector<64x512xf32>,
    %dma_wait3A_212 = arith.constant 2 : i32
    %dma_wait3A_213 = arith.constant 2 : i32
    %dma_wait3A_214 = tpu.memref_slice %arg4[%dma_wait3A_213] : memref<4x!tpu.dma_semaphore, #tpu.memory_space<semaphore_mem>> -> memref<1x!tpu.dma_semaphore, #tpu.memory_space<semaphore_mem>>
    %dma_wait3A_215 = tpu.memref_squeeze %dma_wait3A_214 : memref<1x!tpu.dma_semaphore, #tpu.memory_space<semaphore_mem>> -> memref<!tpu.dma_semaphore, #tpu.memory_space<semaphore_mem>>
    %dma_wait3A_216 = arith.constant 0 : i32
    %dma_wait3A_217 = arith.constant 0 : i32
    %dma_wait3A_218 = tpu.memref_slice %arg3[%dma_wait3A_212, %dma_wait3A_216, %dma_wait3A_217] : memref<4x512x2048xf32, #tpu.memory_space<vmem>> -> memref<1x512x2048xf32, #tpu.memory_space<vmem>>
    %dma_wait3A_219 = tpu.memref_squeeze %dma_wait3A_218 : memref<1x512x2048xf32, #tpu.memory_space<vmem>> -> memref<512x2048xf32, #tpu.memory_space<vmem>>
    %dma_wait3A_220 = arith.constant 11264 : i32
    %dma_wait3A_221 = arith.constant 0 : i32
    %dma_wait3A_222 = tpu.memref_slice %arg0[%dma_wait3A_220, %dma_wait3A_221] : memref<16384x2048xf32, #tpu.memory_space<any>> -> memref<512x2048xf32, #tpu.memory_space<any>>
    tpu.wait_dma2 semaphore(%dma_wait3A_215 : memref<!tpu.dma_semaphore, #tpu.memory_space<semaphore_mem>>) src(%dma_wait3A_222 : memref<512x2048xf32, #tpu.memory_space<any>>) dst(%dma_wait3A_219 : memref<512x2048xf32, #tpu.memory_space<vmem>>)
    %get3A_223 = arith.constant 2 : index
    %get3A_224 = arith.constant 0 : index
    %get3A_225 = arith.constant 0 : index
    %get3A_226 = vector.load %arg3[%get3A_223, %get3A_224, %get3A_225] : memref<4x512x2048xf32, #tpu.memory_space<vmem>>, vector<1x512x2048xf32>
    %get3A_227 = vector.shape_cast %get3A_226 : vector<1x512x2048xf32> to vector<512x2048xf32>
    %dot_general3A_228 = arith.constant dense<0.000000e+00> : vector<64x512xf32>
    %dot_general3A_229 = tpu.matmul %get3A_33, %get3A_227, %dot_general3A_228 {dimension_numbers = #tpu.dot_dimension_numbers<[1], [1], [0], [0], [0, 0, 1, 0], [], []>, transpose_lhs_hint = false} : vector<64x2048xf32>, vector<512x2048xf32>, vector<64x512xf32> -> vector<64x512xf32>
    %swap3A_230 = arith.constant 0 : index
    %swap3A_231 = arith.constant 3072 : index
    %swap3A_232 = vector.load %arg2[%swap3A_230, %swap3A_231] : memref<64x4096xf32, #tpu.memory_space<vmem>>, vector<64x512xf32>
    tpu.vector_store %arg2[%swap3A_230, %swap3A_231], %dot_general3A_229 {strides = array<i32>} : memref<64x4096xf32, #tpu.memory_space<vmem>>, vector<64x512xf32>,
    %dma_wait3A_233 = arith.constant 3 : i32
    %dma_wait3A_234 = arith.constant 3 : i32
    %dma_wait3A_235 = tpu.memref_slice %arg4[%dma_wait3A_234] : memref<4x!tpu.dma_semaphore, #tpu.memory_space<semaphore_mem>> -> memref<1x!tpu.dma_semaphore, #tpu.memory_space<semaphore_mem>>
    %dma_wait3A_236 = tpu.memref_squeeze %dma_wait3A_235 : memref<1x!tpu.dma_semaphore, #tpu.memory_space<semaphore_mem>> -> memref<!tpu.dma_semaphore, #tpu.memory_space<semaphore_mem>>
    %dma_wait3A_237 = arith.constant 0 : i32
    %dma_wait3A_238 = arith.constant 0 : i32
    %dma_wait3A_239 = tpu.memref_slice %arg3[%dma_wait3A_233, %dma_wait3A_237, %dma_wait3A_238] : memref<4x512x2048xf32, #tpu.memory_space<vmem>> -> memref<1x512x2048xf32, #tpu.memory_space<vmem>>
    %dma_wait3A_240 = tpu.memref_squeeze %dma_wait3A_239 : memref<1x512x2048xf32, #tpu.memory_space<vmem>> -> memref<512x2048xf32, #tpu.memory_space<vmem>>
    %dma_wait3A_241 = arith.constant 11776 : i32
    %dma_wait3A_242 = arith.constant 0 : i32
    %dma_wait3A_243 = tpu.memref_slice %arg0[%dma_wait3A_241, %dma_wait3A_242] : memref<16384x2048xf32, #tpu.memory_space<any>> -> memref<512x2048xf32, #tpu.memory_space<any>>
    tpu.wait_dma2 semaphore(%dma_wait3A_236 : memref<!tpu.dma_semaphore, #tpu.memory_space<semaphore_mem>>) src(%dma_wait3A_243 : memref<512x2048xf32, #tpu.memory_space<any>>) dst(%dma_wait3A_240 : memref<512x2048xf32, #tpu.memory_space<vmem>>)
    %get3A_244 = arith.constant 3 : index
    %get3A_245 = arith.constant 0 : index
    %get3A_246 = arith.constant 0 : index
    %get3A_247 = vector.load %arg3[%get3A_244, %get3A_245, %get3A_246] : memref<4x512x2048xf32, #tpu.memory_space<vmem>>, vector<1x512x2048xf32>
    %get3A_248 = vector.shape_cast %get3A_247 : vector<1x512x2048xf32> to vector<512x2048xf32>
    %dot_general3A_249 = arith.constant dense<0.000000e+00> : vector<64x512xf32>
    %dot_general3A_250 = tpu.matmul %get3A_33, %get3A_248, %dot_general3A_249 {dimension_numbers = #tpu.dot_dimension_numbers<[1], [1], [0], [0], [0, 0, 1, 0], [], []>, transpose_lhs_hint = false} : vector<64x2048xf32>, vector<512x2048xf32>, vector<64x512xf32> -> vector<64x512xf32>
    %swap3A_251 = arith.constant 0 : index
    %swap3A_252 = arith.constant 3584 : index
    %swap3A_253 = vector.load %arg2[%swap3A_251, %swap3A_252] : memref<64x4096xf32, #tpu.memory_space<vmem>>, vector<64x512xf32>
    tpu.vector_store %arg2[%swap3A_251, %swap3A_252], %dot_general3A_250 {strides = array<i32>} : memref<64x4096xf32, #tpu.memory_space<vmem>>, vector<64x512xf32>,
    return
  }
}

</mosaic_0001>

<sc_bundles>
// kernel: kernel.10.cloned.1.call-start
scs
__scs_entry_jumppad:
0x0: {  	(pc) =	sbr.rel $0x88, $3  }
0x1: {  	(tag) =	ssettag $0x0;
	lr =	simm.s32 $0x1  }
0x2: {  	[smem:$0x3F9F] =	sst lr;
	_ =	strace $0xD0000000  }
0x3: {  	_ = 	snop  }
0x4: {  	_ = 	snop  }
0x5: {  	_ = 	snop  }
0x6: {  	_ = 	snop  }
0x7: {  	_ = 	snop  }
__scs_overlays_trampoline_lowered:
0x8: {  	[smem:$0x3FAE] =	sst s0  }
0x9: {  	[smem:$0x3FAF] =	sst s1  }
0xa: {  	[smem:$0x3FB0] =	sst s2  }
0xb: {  	[smem:$0x3FB1] =	sst s3  }
0xc: {  	[smem:$0x3FB2] =	sst s4  }
0xd: {  	[smem:$0x3FB3] =	sst s5  }
0xe: {  	[smem:$0x3FB4] =	sst s6  }
0xf: {  	[smem:$0x3FB5] =	sst s7  }
0x10: {  	[smem:$0x3FB6] =	sst s8  }
0x11: {  	[smem:$0x3FB7] =	sst s9;
	s0 =	simm.s32 @!p0 $0x0  }
0x12: {  	s1 =	sld [smem:$0x3F9D];
	s0 =	simm.s32 @p0 $0x1  }
0x13: {  	[smem:$0x3FB8] =	sst s0;
	s0 =	simm.s32 @!p1 $0x0  }
0x14: {  	s2 =	sld [smem:$0x3F9C];
	s0 =	simm.s32 @p1 $0x1  }
0x15: {  	[smem:$0x3FB9] =	sst s0;
	s0 =	simm.s32 @!p2 $0x0  }
0x16: {  	s3 =	sld [smem:$0x3FDB];
	s0 =	simm.s32 @p2 $0x1  }
0x17: {  	s4 =	simm.s32 $0x1BF5;
	[smem:$0x3FBB] =	sst s0  }
0x18: {  	s0 =	sld [smem:$0x3F9E];
	_ =	swait.ge [sflag:s4], $0x0  }
0x19: {  	s7 =	sld [smem:$0x3F9F]  }
0x1a: {  	s8 =	sadd.s32 $0xFFFFE003, lr  }
0x1b: {  	s9 =	sadd.s32 $0xFFFFFEF7, lr;
	s5 =	simm.s32 $0xFFFFFFFF;
	p2 =	slt.u32 s8, $0xFFFFF086  }
0x1c: {  	p1 =	slt.u32 s9, $0xF7A;
	s5 =	simm.s32 @!p2 $0x0  }
0x1d: {  	s5 =	simm.s32 @p1 $0x1;
	p0 =	seq.s32 s7, s2  }
0x1e: {  	s7 =	smul.u32 @!p0 $0xF7A, s2;
	p2 =	seq.s32 @!p0 s5, $0x0  }
0x1f: {  	s9 =	smul.u32 $0xF7A, s1;
	s8 =	simm.s32 @!p0 $0x1BF5;
	p2 =	por !p2, p0  }
0x20: {  	[sflag:s8] =	ssyncset.s32 @!p0 $0xFFFFF086;
	s6 =	sadd.s32 @!p0 s3, s7;
	s7 =	simm.s32 @!p0 $0x108  }
0x21: {  	s3 =	sadd.s32 s3, s9;
	s6 =	sadd.s32 @!p0 $0x88, s6;
	s7 =	simm.s32 @p2 $0x1082  }
0x22: {  	[simem:s7], [sflag:s8] =	dma.local @!p0 [hbm:s6], $0xF7A  }
0x23: {  	s9 =	sor.u32 $0xD0000000, s2;
	s6 =	simm.s32 $0x108;
	_ =	swait.ge @!p0 [sflag:s8], $0x0  }
0x24: {  	s3 =	sadd.s32 $0x88, s3;
	s6 =	simm.s32 @!p1 $0x1082;
	[sflag:s4] =	ssyncset.s32 $0xFFFFF086  }
0x25: {  	[simem:s6], [sflag:s4] =	dma.local [hbm:s3], $0xF7A  }
0x26: {  	[smem:$0x3F9F] =	sst s1;
	(tag) =	ssettag s2;
	_ =	strace s9  }
0x27: {  	s1 =	sld [smem:$0x3FAF]  }
0x28: {  	s2 =	sld [smem:$0x3FB0]  }
0x29: {  	s4 =	sld [smem:$0x3FB2]  }
0x2a: {  	p0 =	seq.s32 s5, $0x0;
	s5 =	sld [smem:$0x3FB3]  }
0x2b: {  	s6 =	sld [smem:$0x3FB4]  }
0x2c: {  	s7 =	sld [smem:$0x3FB5]  }
0x2d: {  	s3 =	simm.s32 $0x108;
	s8 =	sld [smem:$0x3FB6]  }
0x2e: {  	s3 =	simm.s32 @!p0 $0x1082;
	s9 =	sld [smem:$0x3FB7]  }
0x2f: {  	lr =	sadd.s32 s0, s3;
	s0 =	sld [smem:$0x3FAE]  }
0x30: {  	s3 =	sld [smem:$0x3FB1]  }
0x31: {  	[smem:$0x3FBA] =	sst s10  }
0x32: {  	s10 =	sld [smem:$0x3FB8];
	_ =	sdelay $0x3  }
0x33: {  	p0 =	seq.s32 s10, $0x1;
	s10 =	sld [smem:$0x3FBA];
	_ =	sdelay $0x3  }
0x34: {  	[smem:$0x3FBA] =	sst s10  }
0x35: {  	s10 =	sld [smem:$0x3FB9];
	_ =	sdelay $0x3  }
0x36: {  	p1 =	seq.s32 s10, $0x1;
	s10 =	sld [smem:$0x3FBA];
	_ =	sdelay $0x3  }
0x37: {  	[smem:$0x3FBA] =	sst s10  }
0x38: {  	s10 =	sld [smem:$0x3FBB]  }
0x39: {  	_ = 	snop;
	(pc) =	sbr.ind lr, $3  }
0x3a: {  	_ = 	snop  }
0x3b: {  	_ = 	snop  }
0x3c: {  	p2 =	seq.s32 s10, $0x1;
	s10 =	sld [smem:$0x3FBA]  }
0x3d: {  	_ =	shalt  }
0x3e: {  	_ =	shalt  }
0x3f: {  	_ =	shalt  }
0x40: {  	_ =	shalt  }
0x41: {  	_ =	shalt  }
0x42: {  	_ =	shalt  }
0x43: {  	_ =	shalt  }
0x44: {  	_ =	shalt  }
0x45: {  	_ =	shalt  }
0x46: {  	_ =	shalt  }
0x47: {  	_ =	shalt  }
0x48: {  	_ =	shalt  }
0x49: {  	_ =	shalt  }
0x4a: {  	_ =	shalt  }
0x4b: {  	_ =	shalt  }
0x4c: {  	_ =	shalt  }
0x4d: {  	_ =	shalt  }
0x4e: {  	_ =	shalt  }
0x4f: {  	_ =	shalt  }
0x50: {  	_ =	shalt  }
0x51: {  	_ =	shalt  }
0x52: {  	_ =	shalt  }
0x53: {  	_ =	shalt  }
0x54: {  	_ =	shalt  }
0x55: {  	_ =	shalt  }
0x56: {  	_ =	shalt  }
0x57: {  	_ =	shalt  }
0x58: {  	_ =	shalt  }
0x59: {  	_ =	shalt  }
0x5a: {  	_ =	shalt  }
0x5b: {  	_ =	shalt  }
0x5c: {  	_ =	shalt  }
0x5d: {  	_ =	shalt  }
0x5e: {  	_ =	shalt  }
0x5f: {  	_ =	shalt  }
0x60: {  	_ =	shalt  }
0x61: {  	_ =	shalt  }
0x62: {  	_ =	shalt  }
0x63: {  	_ =	shalt  }
0x64: {  	_ =	shalt  }
0x65: {  	_ =	shalt  }
0x66: {  	_ =	shalt  }
0x67: {  	_ =	shalt  }
0x68: {  	_ =	shalt  }
0x69: {  	_ =	shalt  }
0x6a: {  	_ =	shalt  }
0x6b: {  	_ =	shalt  }
0x6c: {  	_ =	shalt  }
0x6d: {  	_ =	shalt  }
0x6e: {  	_ =	shalt  }
0x6f: {  	_ =	shalt  }
0x70: {  	_ =	shalt  }
0x71: {  	_ =	shalt  }
0x72: {  	_ =	shalt  }
0x73: {  	_ =	shalt  }
0x74: {  	_ =	shalt  }
0x75: {  	_ =	shalt  }
0x76: {  	_ =	shalt  }
0x77: {  	_ =	shalt  }
0x78: {  	_ =	shalt  }
0x79: {  	_ =	shalt  }
0x7a: {  	_ =	shalt  }
0x7b: {  	_ =	shalt  }
0x7c: {  	_ =	shalt  }
0x7d: {  	_ =	shalt  }
0x7e: {  	_ =	shalt  }
0x7f: {  	_ =	shalt  }
0x80: {  	_ =	shalt  }
0x81: {  	_ =	shalt  }
0x82: {  	_ =	shalt  }
0x83: {  	_ =	shalt  }
0x84: {  	_ =	shalt  }
0x85: {  	_ =	shalt  }
0x86: {  	_ =	shalt  }
0x87: {  	_ =	shalt  }
.Lfunc_end0:
.L_simem_size_0:
called_computation_lowered:
.L_overlay_start_0:
0x88: {  	s2 =	sld [smem:$0x3FD9]  }
0x89: {  	s3 =	sld [smem:$0x3FFE];
	_ =	sdelay $0x1  }
0x8a: {  	s1 =	srdreg.scid  }
0x8b: {  	s0 =	sand.u32 $0x1, s1  }
0x8c: {  	s15 =	sshll.u32 s0, $0xA;
	s2 =	sadd.s32 s3, s2  }
0x8d: {  	s2 =	sadd.s32 s2, s15  }
0x8e: {  	[smem:$0x3FC6] =	sst s2  }
0x8f: {  	_ = 	snop  }
0x90: {  	s2 =	sld [smem:$0x3FD0];
	_ =	sdelay $0x2  }
0x91: {  	s16 =	simm.s32 $0xD;
	s4 =	simm.s32 $0x10  }
0x92: {  	[smem:s4], [sflag:s16] =	dma.local [hbm:s2], $0x1  }
0x93: {  	_ =	swait.eq [sflag:s16], $0x1  }
0x94: {  	[sflag:s16] =	ssyncset.done $0x0  }
0x95: {  	[sflag:s16] =	ssyncadd.s32 $0xFFFFFFFF  }
0x96: {  	s17 =	sld [smem:$0x11];
	(tm) =	ssettm $0x1  }
0x97: {  	s18 =	sld [smem:$0x3FFB];
	_ =	sdelay $0x3  }
0x98: {  	_ =	strace s18  }
0x99: {  	s2 =	sld [smem:$0x3FFC];
	_ =	sdelay $0x3  }
0x9a: {  	_ =	strace s2  }
0x9b: {  	s2 =	sld [smem:$0x3FFD];
	_ =	sdelay $0x3  }
0x9c: {  	_ =	strace s2  }
0x9d: {  	_ =	strace $0x8FFFFFFF  }
0x9e: {  	s19 =	sld [smem:$0x3FDB];
	_ =	sdelay $0x1  }
0x9f: {  	s20 =	simm.s32 $_scs_section_size  }
0xa0: {  	s5 =	simm.s32 $_size__tile_overlayer_lowered;
	s6 =	simm.s32 $_tile_overlayer_lowered  }
0xa1: {  	s7 =	simm.s32 $0x1BFF;
	s21 =	sshll.u32 s6, $0x1;
	s4 =	sadd.s32 s20, s19  }
0xa2: {  	s22 =	simm.s32 $0x0;
	s5 =	sshll.u32 s5, $0x1;
	s6 =	sadd.s32 s21, s4  }
0xa3: {  	[timem:s22], [sflag:s7] =	dma.local [hbm:s6], s5  }
0xa4: {  	_ =	swait.ge [sflag:s7], s5  }
0xa5: {  	s5 =	ssub.s32 $0x0, s5;
	[sflag:s7] =	ssyncset.done $0x0  }
0xa6: {  	[sflag:s7] =	ssyncadd.s32 s5;
	_ =	sdelay $0x1  }
0xa7: {  	s23 =	simm.s32 $0x1B8B  }
0xa8: {  	_ =	swait.ge [sflag:s23], $0x1  }
0xa9: {  	[sflag:s23] =	ssyncset.done $0x0  }
0xaa: {  	[sflag:s23] =	ssyncadd.s32 $0xFFFFFFFF  }
0xab: {  	s5 =	sld [smem:$0x0]  }
0xac: {  	s6 =	sand.u32 $0xFFFFFFFE, s1  }
0xad: {  	p0 =	sne.s32 s1, s6  }
0xae: {  	s6 =	sshll.u32 @p0 s6, $0xE  }
0xaf: {  	s6 =	sadd.s32 @p0 $0x11B8D, s6;
	s7 =	sshll.u32 @p0 s5, $0x11  }
0xb0: {  	s6 =	sor.u32 @p0 s7, s6  }
0xb1: {  	[sflag:s6] =	ssyncadd.remote.s32 @p0 $0x1;
	_ =	sdelay $0x1  }
0xb2: {  	s6 =	simm.s32 @p0 $0x1B8D  }
0xb3: {  	_ =	swait.eq @p0 [sflag:s6], $0x1  }
0xb4: {  	[sflag:s6] =	ssyncadd.s32 @p0 $0xFFFFFFFF  }
0xb5: {  	s7 =	sshll.u32 @!p0 s1, $0xE  }
0xb6: {  	s7 =	sor.u32 @!p0 $0x4000, s7;
	s6 =	simm.s32 @!p0 $0x1B8D  }
0xb7: {  	s5 =	sshll.u32 @!p0 s5, $0x11;
	s7 =	sadd.s32 @!p0 $0x11B8D, s7;
	_ =	swait.eq @!p0 [sflag:s6], $0x1  }
0xb8: {  	s5 =	sor.u32 @!p0 s5, s7;
	[sflag:s6] =	ssyncadd.s32 @!p0 $0xFFFFFFFF  }
0xb9: {  	s25 =	simm.s32 $0x1B8E;
	s24 =	sld [smem:$0x3FFE];
	[sflag:s5] =	ssyncadd.remote.s32 @!p0 $0x1  }
0xba: {  	s26 =	simm.s32 $execute0_lowered;
	[smem:$0x3FD2] =	sst s25  }
0xbb: {  	s6 =	sshll.u32 s26, $0x1;
	_ =	strace $0x8000004F;
	[dreg:$0x1] =	wrdreg $0xFFFFFFFF  }
0xbc: {  	s28 =	simm.s32 $_size_execute0_lowered;
	s4 =	sadd.s32 s4, s6;
	[dreg:$0x0] =	wrdreg $0x0  }
0xbd: {  	s6 =	sshll.u32 s28, $0x1;
	[dreg:$0x2] =	wrdreg s4  }
0xbe: {  	[dreg:$0x3] =	wrdreg s6  }
0xbf: {  	[dreg:$0x4] =	wrdreg $0xC0  }
0xc0: {  	_ =	task [dreg:s22], $0x5FFFF  }
0xc1: {  	[dreg:$0x1] =	wrdreg $0xFFFFFFFF  }
0xc2: {  	[dreg:$0x0] =	wrdreg $0x60  }
0xc3: {  	[dreg:$0x2] =	wrdreg s24  }
0xc4: {  	[dreg:$0x3] =	wrdreg s17  }
0xc5: {  	[dreg:$0x4] =	wrdreg $0x9  }
0xc6: {  	_ =	task.clear_ibuf [dreg:s22], $0x5FFFF;
	_ =	strace $0x9000004F  }
0xc7: {  	s29 =	simm.s32 $0x9;
	_ =	strace $0x80000051  }
0xc8: {  	_ =	swait.ge [sflag:s29], $0x1  }
0xc9: {  	[sflag:s29] =	ssyncadd.s32 $0xFFFFFFFF  }
0xca: {  	_ =	strace $0x90000051  }
0xcb: {  	_ =	sfence  }
0xcc: {  	s30 =	sld [smem:$0x0];
	_ =	sdelay $0x2  }
0xcd: {  	s31 =	sshll.u32 s1, $0xD;
	s1 =	sshrl.u32 s1, $0x2  }
0xce: {  	s4 =	sand.u32 $0x4000, s31;
	s1 =	sadd.s32 s1, s30  }
0xcf: {  	s0 =	sor.u32 s4, s0;
	s1 =	sshll.u32 s1, $0x11  }
0xd0: {  	s0 =	sor.u32 s1, s0  }
0xd1: {  	s0 =	sadd.s32 $0x8F2B, s0  }
0xd2: {  	[sflag:s0] =	ssyncadd.remote.s32 $0x1  }
0xd3: {  	_ =	sfence.sel $0xFFFF  }
0xd4: {  	[dreg:$0x0] =	wrdreg $0xFFFFFFFF;
	(pc) =	sbr.abs _section_cstart, $3  }
0xd5: {  	[dreg:$0x1] =	wrdreg $0xFFFFFFFF  }
0xd6: {  	_ =	task.clear_ibuf [dreg:s22], $0x2FFFF;
	_ =	strace $0x9FFFFFFF  }
0xd7: {  	(tm) =	ssettm $0x7FFFFFFF  }
tec
execute0_lowered:
.L_overlay_start_1:
0x0: {  	(tag) =	ssettag $0x1  }
0x1: {  	v0 =	vimm.s32 $0xB80;
	vm14 =	vcmask $0x300;
	vm13 =	vcmask $0x704  }
0x2: {  	vm12 =	vcmask $0xB08;
	vm11 =	vcmask $0xF0C;
	vm10 =	vcmask $0x1310  }
0x3: {  	vm9 =	vcmask $0x1714;
	vm8 =	vcmask $0x1B18;
	vm7 =	vcmask $0x1F1C  }
0x4: {  	vm6 =	vcmask $0x2320;
	vm5 =	vcmask $0x2724;
	vm4 =	vcmask $0x2B28  }
0x5: {  	vm3 =	vcmask $0x2F2C;
	vm2 =	vcmask $0x3330;
	vm0 =	vcmask $0x3734  }
0x6: {  	vm1 =	vcmask $0x3B38;
	v1 =	vimm.s32 $0x1B80;
	v3 =	vimm.s32 $0x2B80  }
0x7: {  	v4 =	vimm.s32 $0x3B80;
	v0 =	vsel vm14, $0x0, v0;
	v2 =	vsel vm14, $0x1000, v1  }
0x8: {  	v3 =	vsel vm14, $0x2000, v3;
	v4 =	vsel vm14, $0x3000, v4;
	v0 =	vsel vm13, $0x80, v0  }
0x9: {  	v2 =	vsel vm13, $0x1080, v2;
	v3 =	vsel vm13, $0x2080, v3;
	v4 =	vsel vm13, $0x3080, v4  }
0xa: {  	v0 =	vsel vm12, $0x100, v0;
	v2 =	vsel vm12, $0x1100, v2;
	v3 =	vsel vm12, $0x2100, v3  }
0xb: {  	v4 =	vsel vm12, $0x3100, v4;
	v0 =	vsel vm11, $0x180, v0;
	v2 =	vsel vm11, $0x1180, v2  }
0xc: {  	v3 =	vsel vm11, $0x2180, v3;
	v4 =	vsel vm11, $0x3180, v4;
	v0 =	vsel vm10, $0x200, v0  }
0xd: {  	v2 =	vsel vm10, $0x1200, v2;
	v3 =	vsel vm10, $0x2200, v3;
	v4 =	vsel vm10, $0x3200, v4  }
0xe: {  	v0 =	vsel vm9, $0x280, v0;
	v2 =	vsel vm9, $0x1280, v2;
	v3 =	vsel vm9, $0x2280, v3  }
0xf: {  	v4 =	vsel vm9, $0x3280, v4;
	v0 =	vsel vm8, $0x300, v0;
	v2 =	vsel vm8, $0x1300, v2  }
0x10: {  	s3 =	rddreg [dreg:$0x0];
	s1 =	srdreg.scid;
	v3 =	vsel vm8, $0x2300, v3;
	v4 =	vsel vm8, $0x3300, v4;
	v0 =	vsel vm7, $0x380, v0  }
0x11: {  	s4 =	rddreg [dreg:$0x1];
	s0 =	stileid.u32;
	s2 =	simm.s32 $0x0;
	v2 =	vsel vm7, $0x1380, v2;
	v3 =	vsel vm7, $0x2380, v3;
	v4 =	vsel vm7, $0x3380, v4  }
0x12: {  	s14 =	simm.s32 $0x800;
	s15 =	simm.s32 $0x1000;
	s16 =	simm.s32 $0x1800;
	v0 =	vsel vm6, $0x800, v0;
	v2 =	vsel vm6, $0x1800, v2;
	v3 =	vsel vm6, $0x2800, v3  }
0x13: {  	s17 =	simm.s32 $0x2000;
	s18 =	simm.s32 $0x2800;
	s19 =	simm.s32 $0x3000;
	v4 =	vsel vm6, $0x3800, v4;
	v0 =	vsel vm5, $0x880, v0;
	v2 =	vsel vm5, $0x1880, v2  }
0x14: {  	s20 =	simm.s32 $0x3800;
	s21 =	simm.s32 $0x1;
	s22 =	simm.s32 $0x4000;
	v3 =	vsel vm5, $0x2880, v3;
	v4 =	vsel vm5, $0x3880, v4;
	v0 =	vsel vm4, $0x900, v0  }
0x15: {  	s23 =	simm.s32 $0x4800;
	s24 =	simm.s32 $0x0;
	s5 =	sand.u32 $0x1, s1;
	v2 =	vsel vm4, $0x1900, v2;
	v3 =	vsel vm4, $0x2900, v3;
	v4 =	vsel vm4, $0x3900, v4  }
0x16: {  	s6 =	sshll.u32 s0, $0x8;
	s7 =	sshll.u32 s5, $0x7;
	s5 =	ssub.s32 $0x2, s5;
	v0 =	vsel vm3, $0x980, v0;
	v2 =	vsel vm3, $0x1980, v2;
	v3 =	vsel vm3, $0x2980, v3  }
0x17: {  	s1 =	rddreg [dreg:$0x2];
	s6 =	sor.u32 s7, s6;
	s30 =	sshrl.u32 s5, $0x1;
	v4 =	vsel vm3, $0x3980, v4;
	v0 =	vsel vm2, $0xA00, v0;
	v2 =	vsel vm2, $0x1A00, v2  }
0x18: {  	[smem:$0x7FF] =	sst s2;
	s13 =	sadd.s32 s6, s3;
	s31 =	ssub.s32 s5, s30;
	v5 =	vsel vm2, $0x2A00, v3;
	v6 =	vsel vm2, $0x3A00, v4;
	v0 =	vsel vm0, $0xA80, v0  }
0x19: {  	s3 =	sadd.s32 $0x21000, s13;
	s5 =	sadd.s32 $0x29000, s13;
	s7 =	sadd.s32 $0x22000, s13;
	v2 =	vsel vm0, $0x1A80, v2;
	v5 =	vsel vm0, $0x2A80, v5;
	v0 =	vsel vm1, $0xB00, v0  }
0x1a: {  	s8 =	sadd.s32 $0x23000, s13;
	s9 =	sadd.s32 $0x24000, s13;
	s10 =	sadd.s32 $0x25000, s13;
	v6 =	vsel vm0, $0x3A80, v6;
	vm0 =	vmmov $0xff;
	[tilespmem:$0x1FFE0] =	vst v0;
	v0 =	vlaneseq.u32  }
0x1b: {  	s11 =	sadd.s32 $0x26000, s13;
	s12 =	sadd.s32 $0x27000, s13;
	s13 =	sadd.s32 $0x28000, s13;
	v2 =	vsel vm1, $0x1B00, v2;
	v4 =	vsel vm1, $0x2B00, v5;
	v1 =	vor.u32 $0x10, v0  }
0x1c: {  	s4 =	sadd.s32 s4, s6;
	s6 =	smax.u32 s31, $0x1;
	v6 =	vsel vm1, $0x3B00, v6;
	_ =	strace $0x80000050;
	v5 =	vor.u32 $0x20, v0;
	v7 =	vor.u32 $0x30, v0;
	[tilespmem:$0x1FFF0] =	vst v1  }
.LBB2_1:
0x1d: {  	[tilespmem:s2], [sflag:$0x1] =	stream.linear.gather [hbm4b:s3+s2], $0x400, $0x38;
	[tilespmem:$0x5000] =	vst v63  }
0x1e: {  	_ = 	snop  }
0x1f: {  	[tilespmem:s14], [sflag:$0x1] =	stream.linear.gather [hbm4b:s7+s2], $0x400, $0x38;
	[tilespmem:$0x5000] =	vst v63  }
0x20: {  	_ = 	snop  }
0x21: {  	[tilespmem:s15], [sflag:$0x1] =	stream.linear.gather [hbm4b:s8+s2], $0x400, $0x38;
	[tilespmem:$0x5000] =	vst v63  }
0x22: {  	_ = 	snop  }
0x23: {  	[tilespmem:s16], [sflag:$0x1] =	stream.linear.gather [hbm4b:s9+s2], $0x400, $0x38;
	[tilespmem:$0x5000] =	vst v63  }
0x24: {  	_ = 	snop  }
0x25: {  	[tilespmem:s17], [sflag:$0x1] =	stream.linear.gather [hbm4b:s10+s2], $0x400, $0x38;
	[tilespmem:$0x5000] =	vst v63  }
0x26: {  	_ = 	snop  }
0x27: {  	[tilespmem:s18], [sflag:$0x1] =	stream.linear.gather [hbm4b:s11+s2], $0x400, $0x38;
	[tilespmem:$0x5000] =	vst v63  }
0x28: {  	_ = 	snop  }
0x29: {  	[tilespmem:s19], [sflag:$0x1] =	stream.linear.gather [hbm4b:s12+s2], $0x400, $0x38;
	[tilespmem:$0x5000] =	vst v63  }
0x2a: {  	_ = 	snop  }
0x2b: {  	[tilespmem:s20], [sflag:$0x1] =	stream.linear.gather [hbm4b:s13+s2], $0x400, $0x38;
	[tilespmem:$0x5000] =	vst v63  }
0x2c: {  	_ =	swait.ge [sflag:s21], $0x2000  }
0x2d: {  	v0 =	vld [tilespmem:$0x1FFE0];
	_ =	sdelay $0x2  }
0x2e: {  	v8 =	vor.u32 s2, v6  }
0x2f: {  	v10 =	vor.u32 s2, v4  }
0x30: {  	v11 =	vor.u32 s2, v0  }
0x31: {  	v12 =	vor.u32 s2, v2;
	s25 =	simm.s32 $0x1;
	[sflag:s21] =	ssyncset.done $0x0  }
0x32: {  	v3 =	vld [tilespmem:$0x1FFF0];
	[sflag:s21] =	ssyncadd.s32 $0xFFFFE000;
	v9 =	vor.u32 s25, v0  }
0x33: {  	v14 =	vor.u32 s25, v6;
	v13 =	vld.idx.msk [tilespmem:v8+s2+$0x0], $0xffff  }
0x34: {  	v10 =	vld.idx.msk [tilespmem:v10+s2+$0x0], $0xffff  }
0x35: {  	s26 =	simm.s32 $0x2;
	v15 =	vor.u32 s25, v4;
	v16 =	vld.idx.msk [tilespmem:v11+s2+$0x0], $0xffff  }
0x36: {  	v12 =	vld.idx.msk [tilespmem:v12+s2+$0x0], $0xffff;
	v8 =	vor.u32 s26, v0  }
0x37: {  	v17 =	vor.u32 s25, v2;
	v19 =	vld.idx.msk [tilespmem:v9+s2+$0x0], $0xffff  }
0x38: {  	v14 =	vld.idx.msk [tilespmem:v14+s2+$0x0], $0xffff;
	(xrf1) =	vsort.ascd.msk.f32 $0xffff, v13, v7  }
0x39: {  	v1 =	vlaneseq.u32;
	(xrf1) =	vsort.dscd.msk.f32 $0xffff, v10, v5  }
0x3a: {  	s31 =	simm.s32 $0x3;
	v18 =	vor.u32 s26, v2;
	v10 =	vld.idx.msk [tilespmem:v15+s2+$0x0], $0xffff;
	(xrf1) =	vsort.dscd.msk.f32 $0xffff, v16, v1  }
0x3b: {  	v13 =	vor.u32 s31, v4;
	v16 =	vld.idx.msk [tilespmem:v8+s2+$0x0], $0xffff;
	(xrf1) =	vsort.ascd.msk.f32 $0xffff, v12, v3  }
0x3c: {  	v20 =	vor.u32 s31, v2;
	v17 =	vld.idx.msk [tilespmem:v17+s2+$0x0], $0xffff;
	(xrf1) =	vsort.dscd.msk.f32 $0xffff, v19, v1  }
0x3d: {  	v15 =	vor.u32 s31, v6;
	(xrf1) =	vsort.ascd.msk.f32 $0xffff, v14, v7;
	_ =	sdelay $0x1  }
0x3e: {  	v12 =	vld.idx.msk [tilespmem:v18+s2+$0x0], $0xffff;
	(xrf1) =	vsort.dscd.msk.f32 $0xffff, v10, v5;
	v10 =	vor.u32 s31, v0  }
0x3f: {  	v13 =	vld.idx.msk [tilespmem:v13+s2+$0x0], $0xffff;
	(xrf1) =	vsort.dscd.msk.f32 $0xffff, v16, v1;
	v16 =	vor.u32 s26, v6  }
0x40: {  	v14 =	vld.idx.msk [tilespmem:v20+s2+$0x0], $0xffff;
	(xrf1) =	vsort.ascd.msk.f32 $0xffff, v17, v3;
	v17 =	vor.u32 s26, v4  }
0x41: {  	v15 =	vld.idx.msk [tilespmem:v15+s2+$0x0], $0xffff;
	_ =	sdelay $0x1  }
0x42: {  	(xrf1) =	vsort.ascd.msk.f32 $0xffff, v12, v3;
	v12 =	vld.idx.msk [tilespmem:v10+s2+$0x0], $0xffff  }
0x43: {  	(xrf1) =	vsort.dscd.msk.f32 $0xffff, v13, v5;
	v13 =	vld.idx.msk [tilespmem:v16+s2+$0x0], $0xffff  }
0x44: {  	v28, v22, _ =	vpop (xrf1);
	(xrf1) =	vsort.ascd.msk.f32 $0xffff, v14, v3;
	v14 =	vld.idx.msk [tilespmem:v17+s2+$0x0], $0xffff  }
0x45: {  	v29, v25, _ =	vpop (xrf1);
	(xrf1) =	vsort.ascd.msk.f32 $0xffff, v15, v7  }
0x46: {  	v18, v16, _ =	vpop (xrf1)  }
0x47: {  	v24, v17, _ =	vpop (xrf1);
	(xrf1) =	vsort.dscd.msk.f32 $0xffff, v12, v1  }
0x48: {  	v15, v19, _ =	vpop (xrf1);
	(xrf1) =	vsort.ascd.msk.f32 $0xffff, v13, v7  }
0x49: {  	s26 =	simm.s32 $0x4;
	v13, v20, _ =	vpop (xrf1);
	(xrf1) =	vsort.dscd.msk.f32 $0xffff, v14, v5  }
0x4a: {  	v14 =	vor.u32 s26, v6  }
0x4b: {  	v21, v23, _ =	vpop (xrf1)  }
0x4c: {  	vm1 =	veq.f32 v21, v13;
	vm2 =	vlt.s32 v23, v20  }
0x4d: {  	v26, v27, _ =	vpop (xrf1);
	vm3 =	vgt.f32 v21, v13;
	vm1 =	vmand vm1, vm2  }
0x4e: {  	v36 =	vor.u32 s26, v4;
	v12 =	vor.u32 s26, v0;
	v30, v31, _ =	vpop (xrf1);
	vm1 =	vmor vm3, vm1  }
0x4f: {  	vm2 =	veq.f32 v15, v30;
	vm4 =	vlt.s32 v19, v31;
	v13 =	vsel vm1, v21, v13;
	v14 =	vld.idx.msk [tilespmem:v14+s2+$0x0], $0xffff  }
0x50: {  	s30 =	simm.s32 $0x5;
	v32, v33, _ =	vpop (xrf1);
	v20 =	vsel vm1, v23, v20;
	vm1 =	vgt.f32 v15, v30;
	vm2 =	vmand vm2, vm4  }
0x51: {  	v40 =	vor.u32 s30, v4;
	v21, v34, _ =	vpop (xrf1);
	vm2 =	vmor vm1, vm2  }
0x52: {  	v37 =	vor.u32 s26, v2;
	vm3 =	veq.f32 v26, v32;
	v23, v35, _ =	vpop (xrf1);
	v19 =	vsel vm2, v19, v31  }
0x53: {  	vm1 =	vlt.s32 v27, v33;
	v38, v39, _ =	vpop (xrf1);
	(xrf1) =	vsort.ascd.msk.f32 $0xffff, v13, v20;
	v15 =	vsel vm2, v15, v30;
	v20 =	vld.idx.msk [tilespmem:v12+s2+$0x0], $0xffff  }
0x54: {  	v41 =	vor.u32 s30, v6;
	vm5 =	vgt.f32 v26, v32;
	vm1 =	vmand vm3, vm1;
	(xrf1) =	vsort.ascd.msk.f32 $0xffff, v14, v7;
	v14 =	vld.idx.msk [tilespmem:v36+s2+$0x0], $0xffff  }
0x55: {  	v13 =	vor.u32 s30, v0;
	vm6 =	vlt.s32 v34, v39;
	vm7 =	veq.f32 v21, v38;
	(xrf1) =	vsort.dscd.msk.f32 $0xffff, v15, v19;
	v30, v31, _ =	vpop (xrf1)  }
0x56: {  	vm4 =	vgt.f32 v21, v38;
	vm5 =	vmor vm5, vm1;
	vm3 =	vmand vm7, vm6;
	v15, v19, _ =	vpop (xrf1)  }
0x57: {  	vm1 =	vmor vm4, vm3;
	vm2 =	vlt.s32 v31, v35;
	vm3 =	veq.f32 v30, v23;
	v44, v45, _ =	vpop (xrf1)  }
0x58: {  	s31 =	simm.s32 $0x6;
	v48 =	vld.idx.msk [tilespmem:v37+s2+$0x0], $0xffff;
	v27 =	vsel vm5, v27, v33;
	vm2 =	vmand vm3, vm2;
	vm3 =	veq.f32 v44, v15  }
0x59: {  	vm4 =	vlt.s32 v45, v19;
	(xrf1) =	vsort.dscd.msk.f32 $0xffff, v14, v5;
	vm6 =	vgt.f32 v44, v15;
	v14 =	vor.u32 s31, v0  }
0x5a: {  	vm3 =	vmand vm3, vm4;
	(xrf1) =	vsort.dscd.msk.f32 $0xffff, v20, v1;
	v20 =	vsel vm1, v21, v38;
	v21 =	vsel vm5, v26, v32  }
0x5b: {  	v63 =	vor.u32 s30, v2;
	v42 =	vor.u32 s31, v2;
	vm3 =	vmor vm6, vm3;
	(xrf1) =	vsort.dscd.msk.f32 $0xffff, v21, v27  }
0x5c: {  	s28 =	simm.s32 $0x7;
	v26 =	vld.idx.msk [tilespmem:v13+s2+$0x0], $0xffff;
	v15 =	vsel vm3, v44, v15;
	v19 =	vsel vm3, v45, v19;
	vm3 =	vgt.f32 v30, v23  }
0x5d: {  	v43 =	vor.u32 s28, v4;
	v21 =	vld.idx.msk [tilespmem:v41+s2+$0x0], $0xffff;
	v27 =	vsel vm1, v34, v39;
	(xrf1) =	vsort.ascd.msk.f32 $0xffff, v15, v19;
	vm1 =	vmor vm3, vm2  }
0x5e: {  	v49 =	vld.idx.msk [tilespmem:v40+s2+$0x0], $0xffff;
	v15 =	vor.u32 s28, v2;
	(xrf1) =	vsort.ascd.msk.f32 $0xffff, v20, v27;
	v19 =	vsel vm1, v31, v35  }
0x5f: {  	v20 =	vld.idx.msk [tilespmem:v14+s2+$0x0], $0xffff;
	v23 =	vsel vm1, v30, v23;
	(xrf1) =	vsort.ascd.msk.f32 $0xffff, v48, v3  }
0x60: {  	v27 =	vld.idx.msk [tilespmem:v63+s2+$0x0], $0xffff;
	(xrf1) =	vsort.dscd.msk.f32 $0xffff, v23, v19  }
0x61: {  	v30 =	vld.idx.msk [tilespmem:v42+s2+$0x0], $0xffff;
	v31, v50, _ =	vpop (xrf1);
	(xrf1) =	vsort.dscd.msk.f32 $0xffff, v26, v1  }
0x62: {  	v26 =	vld.idx.msk [tilespmem:v43+s2+$0x0], $0xffff;
	(xrf1) =	vsort.ascd.msk.f32 $0xffff, v21, v7;
	v23, v19, _ =	vpop (xrf1)  }
0x63: {  	v51 =	vld.idx.msk [tilespmem:v15+s2+$0x0], $0xffff;
	(xrf1) =	vsort.dscd.msk.f32 $0xffff, v49, v5;
	v53, v52, _ =	vpop (xrf1)  }
0x64: {  	v21 =	vor.u32 s28, v6;
	(xrf1) =	vsort.dscd.msk.f32 $0xffff, v20, v1;
	vm1 =	veq.f32 v53, v31;
	vm2 =	vlt.s32 v52, v50  }
0x65: {  	vm3 =	vgt.f32 v53, v31;
	(xrf1) =	vsort.ascd.msk.f32 $0xffff, v27, v3;
	vm1 =	vmand vm1, vm2  }
0x66: {  	v15 =	vor.u32 s28, v0;
	(xrf1) =	vsort.ascd.msk.f32 $0xffff, v30, v3;
	vm1 =	vmor vm3, vm1  }
0x67: {  	vm2 =	vlt.s32 v25, v22;
	v30 =	vor.u32 s31, v6;
	(xrf1) =	vsort.dscd.msk.f32 $0xffff, v26, v5;
	v31 =	vsel vm1, v53, v31  }
0x68: {  	v27, v26, _ =	vpop (xrf1);
	v55 =	vsel vm1, v52, v50;
	vm1 =	veq.f32 v29, v28;
	(xrf1) =	vsort.ascd.msk.f32 $0xffff, v51, v3  }
0x69: {  	v56 =	vor.u32 s31, v4;
	vm3 =	vgt.f32 v29, v28;
	v54 =	vld.idx.msk [tilespmem:v21+s2+$0x0], $0xffff;
	v21, v20, _ =	vpop (xrf1);
	vm1 =	vmand vm1, vm2  }
0x6a: {  	(xrf1) =	vsort.dscd.msk.f32 $0xffff, v31, v55;
	vm1 =	vmor vm3, vm1;
	v31, v32, _ =	vpop (xrf1)  }
0x6b: {  	v57 =	vld.idx.msk [tilespmem:v15+s2+$0x0], $0xffff;
	vm2 =	veq.f32 v18, v24;
	vm3 =	vlt.s32 v16, v17;
	v28 =	vsel vm1, v29, v28;
	v59, v58, _ =	vpop (xrf1)  }
0x6c: {  	v60 =	vsel vm1, v25, v22;
	vm1 =	vgt.f32 v18, v24;
	vm2 =	vmand vm2, vm3;
	v29 =	vld.idx.msk [tilespmem:v30+s2+$0x0], $0xffff;
	v30, v38, _ =	vpop (xrf1)  }
0x6d: {  	s26 =	simm.s32 $0x8;
	vm1 =	vmor vm1, vm2;
	vm2 =	veq.f32 v31, v59;
	vm3 =	vlt.s32 v32, v58;
	v25, v22, _ =	vpop (xrf1)  }
0x6e: {  	v33 =	vld.idx.msk [tilespmem:v56+s2+$0x0], $0xffff;
	v49 =	vor.u32 s26, v4;
	vm4 =	vgt.f32 v31, v59;
	vm2 =	vmand vm2, vm3;
	v62, v61, _ =	vpop (xrf1)  }
0x6f: {  	s28 =	simm.s32 $0x9;
	(xrf1) =	vsort.ascd.msk.f32 $0xffff, v54, v7;
	v18 =	vsel vm1, v18, v24;
	v17 =	vsel vm1, v16, v17;
	vm2 =	vmor vm4, vm2;
	v63, v52, _ =	vpop (xrf1)  }
0x70: {  	v39 =	vor.u32 s28, v2;
	s31 =	simm.s32 $0xA;
	(xrf1) =	vsort.dscd.msk.f32 $0xffff, v57, v1;
	v16 =	vsel vm2, v31, v59;
	v31 =	vsel vm2, v32, v58;
	v24, v53, _ =	vpop (xrf1)  }
0x71: {  	v50 =	vor.u32 s31, v2;
	vm1 =	veq.f32 v27, v23;
	vm2 =	vlt.s32 v26, v19;
	(xrf1) =	vsort.ascd.msk.f32 $0xffff, v29, v7;
	v55, v54, _ =	vpop (xrf1)  }
0x72: {  	s30 =	simm.s32 $0xB;
	vm3 =	veq.f32 v62, v30;
	vm7 =	vlt.s32 v61, v38;
	v29 =	vor.u32 s26, v6;
	(xrf1) =	vsort.dscd.msk.f32 $0xffff, v16, v31;
	v56, v43, _ =	vpop (xrf1)  }
0x73: {  	v51 =	vor.u32 s30, v4;
	vm4 =	veq.f32 v55, v24;
	vm5 =	vlt.s32 v54, v53;
	v31, v57, _ =	vpop (xrf1);
	(xrf1) =	vsort.dscd.msk.f32 $0xffff, v33, v5  }
0x74: {  	vm3 =	vmand vm3, vm7;
	vm6 =	vgt.f32 v55, v24;
	vm4 =	vmand vm4, vm5;
	v59, v58, _ =	vpop (xrf1)  }
0x75: {  	v16 =	vor.u32 s26, v0;
	vm5 =	vgt.f32 v62, v30;
	vm4 =	vmor vm6, vm4;
	v46, v47, _ =	vpop (xrf1)  }
0x76: {  	vm6 =	veq.f32 v63, v31;
	vm3 =	vmor vm5, vm3;
	vm7 =	vlt.s32 v52, v57;
	v35, v48, _ =	vpop (xrf1);
	(xrf1) =	vsort.ascd.msk.f32 $0xffff, v28, v60  }
0x77: {  	v29 =	vld.idx.msk [tilespmem:v29+s2+$0x0], $0xffff;
	v32 =	vsel vm4, v55, v24;
	v34 =	vsel vm4, v54, v53;
	(xrf1) =	vsort.dscd.msk.f32 $0xffff, v18, v17  }
0x78: {  	vm4 =	vgt.f32 v63, v31;
	vm5 =	veq.f32 v56, v59;
	vm6 =	vmand vm6, vm7  }
0x79: {  	vm4 =	vmor vm4, vm6;
	vm6 =	vlt.s32 v43, v58;
	v28, v24, _ =	vpop (xrf1);
	v17 =	vsel vm3, v62, v30  }
0x7a: {  	v30 =	vor.u32 s26, v2;
	v18 =	vsel vm3, v61, v38;
	v28 =	vmul.f32 $1.442695020e+00, v28  }
0x7b: {  	vm3 =	vgt.f32 v56, v59;
	vm5 =	vmand vm5, vm6;
	v62 =	vor.u32 s28, v4;
	(xrf1) =	vsort.ascd.msk.f32 $0xffff, v32, v34  }
0x7c: {  	vm5 =	vmor vm3, vm5;
	(erf) = vpow2.f32 v28;
	(xrf1) =	vsort.ascd.msk.f32 $0xffff, v29, v7;
	v28 =	vld.idx.msk [tilespmem:v49+s2+$0x0], $0xffff;
	v29 =	vsel vm4, v52, v57  }
0x7d: {  	v31 =	vsel vm4, v63, v31;
	v63 =	vor.u32 s28, v6;
	v43 =	vsel vm5, v43, v58;
	v32, v34, _ =	vpop (xrf1);
	(xrf1) =	vsort.dscd.msk.f32 $0xffff, v17, v18  }
0x7e: {  	v33 =	vsel vm5, v56, v59;
	vm7 =	vlt.s32 v47, v34;
	vm6 =	veq.f32 v46, v32;
	v17 =	vld.idx.msk [tilespmem:v16+s2+$0x0], $0xffff;
	v36, v38, _ =	vpop (xrf1)  }
0x7f: {  	v18 =	vor.u32 s28, v0;
	vm6 =	vmand vm6, vm7;
	vm7 =	vgt.f32 v46, v32;
	(xrf1) =	vsort.dscd.msk.f32 $0xffff, v31, v29;
	v60, v61, _ =	vpop (xrf1)  }
0x80: {  	vm4 =	vlt.s32 v38, v48;
	vm3 =	vmor vm7, vm6;
	vm7 =	veq.f32 v36, v35;
	v31, v29, _ =	vpop (xrf1)  }
0x81: {  	v49 =	vor.u32 s30, v2;
	v32 =	vsel vm3, v46, v32;
	vm4 =	vmand vm7, vm4;
	(xrf1) =	vsort.dscd.msk.f32 $0xffff, v28, v5;
	v28, v52, _ =	vpop (xrf1)  }
0x82: {  	v30 =	vld.idx.msk [tilespmem:v30+s2+$0x0], $0xffff;
	v31 =	vmul.f32 $1.442695020e+00, v31;
	vm5 =	veq.f32 v28, v60;
	vm6 =	vlt.s32 v52, v61  }
0x83: {  	v34 =	vsel vm3, v47, v34;
	(xrf1) =	vsort.dscd.msk.f32 $0xffff, v17, v1;
	vm5 =	vmand vm5, vm6;
	vm6 =	vgt.f32 v28, v60  }
0x84: {  	v17 =	vor.u32 s31, v0;
	(xrf1) =	vsort.dscd.msk.f32 $0xffff, v33, v43;
	(erf) = vpow2.f32 v31;
	vm5 =	vmor vm6, vm5;
	v56, v55, _ =	vpop (xrf1)  }
0x85: {  	vm6 =	vgt.f32 v36, v35;
	v28 =	vsel vm5, v28, v60;
	v57 =	vsel vm5, v52, v61;
	v58, v59, _ =	vpop (xrf1);
	v60 =	vld.idx.msk [tilespmem:v18+s2+$0x0], $0xffff  }
0x86: {  	v61 =	vld.idx.msk [tilespmem:v62+s2+$0x0], $0xffff;
	(xrf1) =	vsort.ascd.msk.f32 $0xffff, v28, v57;
	vm3 =	veq.f32 v58, v56;
	vm5 =	vlt.s32 v59, v55  }
0x87: {  	vm4 =	vmor vm6, vm4;
	v28 =	vld.idx.msk [tilespmem:v63+s2+$0x0], $0xffff;
	vm6 =	vgt.f32 v58, v56;
	(xrf1) =	vsort.ascd.msk.f32 $0xffff, v32, v34;
	vm3 =	vmand vm3, vm5  }
0x88: {  	v62 =	vsel vm4, v38, v48;
	v63 =	vsel vm4, v36, v35;
	(xrf1) =	vsort.ascd.msk.f32 $0xffff, v30, v3;
	vm3 =	vmor vm6, vm3  }
0x89: {  	v44 =	vld.idx.msk [tilespmem:v17+s2+$0x0], $0xffff;
	v30, v31, _ =	vpop (xrf1);
	v37 =	vsel vm3, v58, v56;
	v46 =	vsel vm3, v59, v55;
	(xrf1) =	vsort.dscd.msk.f32 $0xffff, v63, v62  }
0x8a: {  	vm1 =	vmand vm1, vm2;
	v47 =	vld.idx.msk [tilespmem:v39+s2+$0x0], $0xffff;
	v35, v36, _ =	vpop (xrf1);
	vm3 =	vgt.f32 v27, v23;
	(xrf1) =	vsort.dscd.msk.f32 $0xffff, v37, v46  }
0x8b: {  	v50 =	vld.idx.msk [tilespmem:v50+s2+$0x0], $0xffff;
	v48, v39, _ =	vpop (xrf1);
	vm1 =	vmor vm3, vm1;
	(xrf1) =	vsort.dscd.msk.f32 $0xffff, v60, v1  }
0x8c: {  	v34 =	vmul.f32 $1.442695020e+00, v48;
	v41 =	vsel vm1, v27, v23;
	v23 =	vld.idx.msk [tilespmem:v51+s2+$0x0], $0xffff;
	(xrf1) =	vsort.ascd.msk.f32 $0xffff, v28, v7  }
0x8d: {  	vm2 =	vgt.f32 v21, v25;
	v52 =	vor.u32 s30, v6;
	v53, v54, _ =	vpop (xrf1);
	v28 =	vld.idx.msk [tilespmem:v49+s2+$0x0], $0xffff;
	(xrf1) =	vsort.dscd.msk.f32 $0xffff, v61, v5  }
0x8e: {  	v27 =	vpop (erf);
	vm4 =	veq.f32 v53, v30;
	vm5 =	vlt.s32 v54, v31;
	(erf) = vpow2.f32 v34;
	(xrf1) =	vsort.dscd.msk.f32 $0xffff, v44, v1  }
0x8f: {  	v55 =	vor.u32 s31, v6;
	vm6 =	vgt.f32 v53, v30;
	vm4 =	vmand vm4, vm5;
	(xrf1) =	vsort.ascd.msk.f32 $0xffff, v47, v3  }
0x90: {  	vm3 =	vlt.s32 v20, v22;
	v26 =	vsel vm1, v26, v19;
	v56, v57, _ =	vpop (xrf1);
	vm4 =	vmor vm6, vm4;
	(xrf1) =	vsort.ascd.msk.f32 $0xffff, v50, v3  }
0x91: {  	vm1 =	veq.f32 v21, v25;
	v19 =	vor.u32 s30, v0;
	v40, v44, _ =	vpop (xrf1);
	(xrf1) =	vsort.dscd.msk.f32 $0xffff, v23, v5;
	v23 =	vsel vm4, v53, v30  }
0x92: {  	v58 =	vld.idx.msk [tilespmem:v52+s2+$0x0], $0xffff;
	v59 =	vpop (erf);
	vm1 =	vmand vm1, vm3;
	vm5 =	veq.f32 v56, v35;
	vm7 =	vlt.s32 v57, v36  }
0x93: {  	vm1 =	vmor vm2, vm1;
	vm2 =	vgt.f32 v56, v35;
	v30 =	vsel vm4, v54, v31;
	v31, v60, _ =	vpop (xrf1);
	(xrf1) =	vsort.ascd.msk.f32 $0xffff, v28, v3  }
0x94: {  	v45 =	vsel vm1, v21, v25;
	v21 =	vnsel vm0, $0x0, v27;
	vm3 =	vmand vm5, vm7;
	(xrf1) =	vsort.dscd.msk.f32 $0xffff, v23, v30;
	v23, v28, _ =	vpop (xrf1)  }
0x95: {  	s30 =	simm.s32 $0xC;
	(xrf2) =	vadd.scan.msk.f32 $0xffff, v21;
	vm2 =	vmor vm2, vm3;
	v30 =	vor.u32 s31, v4;
	v38, v46, _ =	vpop (xrf1)  }
0x96: {  	[tilespmem:v8+s22+$0x0] =	vst.idx.msk $0xff, v29;
	v29 =	vor.u32 s30, v4;
	v61 =	vld.idx.msk [tilespmem:v55+s2+$0x0], $0xffff;
	v55 =	vor.u32 s30, v2;
	v25 =	vsel vm2, v56, v35;
	v35, v42, _ =	vpop (xrf1)  }
0x97: {  	v47 =	vsel vm1, v20, v22;
	v22 =	vld.idx.msk [tilespmem:v19+s2+$0x0], $0xffff;
	vm1 =	veq.f32 v31, v23;
	vm3 =	vlt.s32 v60, v28;
	v33 =	vpop (erf)  }
0x98: {  	v27 =	vsel vm2, v57, v36;
	(xrf1) =	vsort.ascd.msk.f32 $0xffff, v58, v7;
	vm2 =	vgt.f32 v31, v23;
	vm1 =	vmand vm1, vm3;
	v36, v43, _ =	vpop (xrf1)  }
0x99: {  	v20 =	vnsel vm0, $0x0, v59;
	vm3 =	veq.f32 v40, v35;
	vm1 =	vmor vm2, vm1;
	v62, v48, _ =	vpop (xrf1)  }
0x9a: {  	vm2 =	vlt.s32 v44, v42;
	vm4 =	vgt.f32 v40, v35;
	v49 =	vld.idx.msk [tilespmem:v30+s2+$0x0], $0xffff;
	v23 =	vsel vm1, v31, v23;
	v31, v50, _ =	vpop (xrf1)  }
0x9b: {  	(xrf2) =	vadd.scan.msk.f32 $0xffff, v20;
	vm2 =	vmand vm3, vm2;
	v30 =	vsel vm1, v60, v28;
	vm1 =	veq.f32 v36, v38;
	v63, v51, _ =	vpop (xrf1)  }
0x9c: {  	vm3 =	vgt.f32 v36, v38;
	(xrf1) =	vsort.dscd.msk.f32 $0xffff, v22, v1;
	v60 =	vmul.f32 $1.442695020e+00, v62;
	vm2 =	vmor vm4, vm2;
	v62, v53, _ =	vpop (xrf1)  }
0x9d: {  	v22 =	vor.u32 s30, v0;
	(xrf1) =	vsort.ascd.msk.f32 $0xffff, v61, v7;
	v61 =	vor.u32 s30, v6;
	v28 =	vsel vm2, v40, v35;
	v56, v57, _ =	vpop (xrf1)  }
0x9e: {  	(xrf1) =	vsort.dscd.msk.f32 $0xffff, v23, v30;
	v30 =	vsel vm2, v44, v42;
	vm2 =	vlt.s32 v43, v46;
	v23 =	vnsel vm0, $0x0, v33;
	v54, v40, _ =	vpop (xrf1)  }
0x9f: {  	(erf) = vpow2.f32 v60;
	vm4 =	veq.f32 v62, v63;
	vm5 =	vlt.s32 v53, v51;
	(xrf1) =	vsort.dscd.msk.f32 $0xffff, v49, v5;
	v49, _, _ =	vpop (xrf2)  }
0xa0: {  	vm6 =	vgt.f32 v62, v63;
	vm1 =	vmand vm1, vm2;
	vm4 =	vmand vm4, vm5;
	v58, v59, _ =	vpop (xrf1)  }
0xa1: {  	[tilespmem:v9+s22+$0x0] =	vst.idx.msk $0xff, v24;
	vm1 =	vmor vm3, vm1;
	vm4 =	vmor vm6, vm4;
	vm5 =	veq.f32 v31, v54;
	v52, v35, _ =	vpop (xrf1)  }
0xa2: {  	[tilespmem:v10+s22+$0x0] =	vst.idx.msk $0xff, v39;
	vm2 =	vgt.f32 v31, v54;
	v38 =	vsel vm1, v36, v38;
	v34 =	vbroadcast v49, $0xF;
	v32, v33, _ =	vpop (xrf1)  }
0xa3: {  	(xrf2) =	vadd.scan.msk.f32 $0xffff, v23;
	v43 =	vsel vm1, v43, v46;
	v42 =	vsel vm4, v62, v63;
	v24 =	vsel vm4, v53, v51;
	v63, v44, _ =	vpop (xrf1)  }
0xa4: {  	s31 =	simm.s32 $0xD;
	vm3 =	veq.f32 v56, v58;
	v51 =	vld.idx.msk [tilespmem:v61+s2+$0x0], $0xffff;
	vm4 =	vlt.s32 v50, v40;
	v39 =	vmul.f32 $1.442695020e+00, v63  }
0xa5: {  	v3 =	vmovc v2;
	[tilespmem:v11+s22+$0x0] =	vst.idx.msk $0xff, v48;
	vm6 =	vgt.f32 v56, v58;
	v53 =	vor.u32 s31, v6;
	vm1 =	vmand vm5, vm4  }
0xa6: {  	v46 =	vld.idx.msk [tilespmem:v29+s2+$0x0], $0xffff;
	vm2 =	vmor vm2, vm1;
	vm1 =	vlt.s32 v57, v59;
	v60, v37, _ =	vpop (xrf1);
	(xrf1) =	vsort.ascd.msk.f32 $0xffff, v41, v26;
	(erf) = vpow2.f32 v39  }
0xa7: {  	s29 =	simm.s32 $0xE;
	s28 =	simm.s32 $0xF;
	v29 =	vsel vm2, v50, v40;
	vm1 =	vmand vm3, vm1;
	[tilespmem:v13+s22+$0x0] =	vst.idx.msk $0xff, v44;
	(xrf1) =	vsort.dscd.msk.f32 $0xffff, v45, v47  }
0xa8: {  	v31 =	vsel vm2, v31, v54;
	v50 =	vor.u32 s29, v2;
	v44 =	vor.u32 s28, v4;
	v26 =	vpop (erf);
	(xrf1) =	vsort.ascd.msk.f32 $0xffff, v42, v24  }
0xa9: {  	vm3 =	vmor vm6, vm1;
	v41 =	vor.u32 s28, v2;
	vm4 =	vgt.f32 v52, v60;
	v24, _, _ =	vpop (xrf2);
	(xrf1) =	vsort.ascd.msk.f32 $0xffff, v51, v7  }
0xaa: {  	v61 =	vld.idx.msk [tilespmem:v22+s2+$0x0], $0xffff;
	vm5 =	vlt.s32 v35, v37;
	vm7 =	veq.f32 v52, v60;
	v47 =	vor.u32 s31, v4;
	v39, v40, _ =	vpop (xrf1)  }
0xab: {  	v45 =	vor.u32 s29, v4;
	v56 =	vsel vm3, v56, v58;
	vm5 =	vmand vm7, vm5;
	v49, v48, _ =	vpop (xrf1);
	(xrf1) =	vsort.dscd.msk.f32 $0xffff, v38, v43  }
0xac: {  	v26 =	vnsel vm0, $0x0, v26;
	vm1 =	vmor vm4, vm5;
	v36 =	vbroadcast v24, $0xF;
	(xrf1) =	vsort.dscd.msk.f32 $0xffff, v31, v29;
	v43, v29, _ =	vpop (xrf1)  }
0xad: {  	v42 =	vld.idx.msk [tilespmem:v55+s2+$0x0], $0xffff;
	v51 =	vor.u32 s31, v2;
	v24 =	vor.u32 s31, v0;
	v52 =	vsel vm1, v52, v60;
	(xrf1) =	vsort.dscd.msk.f32 $0xffff, v46, v5;
	v46, _, _ =	vpop (xrf2)  }
0xae: {  	(xrf2) =	vadd.scan.msk.f32 $0xffff, v26;
	vm2 =	vlt.s32 v40, v33;
	vm4 =	veq.f32 v39, v32;
	v31 =	vsel vm3, v57, v59;
	v55, v54, _ =	vpop (xrf1)  }
0xaf: {  	s25 =	simm.s32 $0x10;
	vm2 =	vmand vm4, vm2;
	vm3 =	vgt.f32 v39, v32;
	(xrf1) =	vsort.dscd.msk.f32 $0xffff, v61, v1;
	vm4 =	veq.f32 v55, v49;
	v38 =	vpop (erf)  }
.LBB2_2:
0xb0: {  	_ =	sdelay $0x1  }
0xb1: {  	v43 =	vmul.f32 $1.442695020e+00, v43  }
0xb2: {  	vm6 =	vlt.s32 v54, v48;
	v2 =	vld [tilespmem:$0x1FFE0]  }
0xb3: {  	v51 =	vld.idx.msk [tilespmem:v51+s2+$0x0], $0xffff;
	vm5 =	vgt.f32 v55, v49;
	v57, v58, _ =	vpop (xrf1);
	vm4 =	vmand vm4, vm6;
	(erf) = vpow2.f32 v43  }
0xb4: {  	v53 =	vld.idx.msk [tilespmem:v53+s2+$0x0], $0xffff;
	v38 =	vnsel vm0, $0x0, v38;
	[tilespmem:v14+s22+$0x0] =	vst.idx.msk $0xff, v29;
	vm4 =	vmor vm5, vm4;
	v60, v61, _ =	vpop (xrf1)  }
0xb5: {  	v48 =	vsel vm4, v54, v48;
	v1, v0, _ =	vpop (xrf1);
	(xrf1) =	vsort.dscd.msk.f32 $0xffff, v56, v31;
	v31 =	vld.idx.msk [tilespmem:v45+s2+$0x0], $0xffff;
	v45 =	vsel vm4, v55, v49  }
0xb6: {  	v62 =	vld.idx.msk [tilespmem:v24+s2+$0x0], $0xffff;
	v63 =	vor.u32 s29, v6;
	vm2 =	vmor vm3, vm2;
	v37 =	vsel vm1, v35, v37;
	v49, v54, _ =	vpop (xrf1);
	(xrf1) =	vsort.ascd.msk.f32 $0xffff, v45, v48  }
0xb7: {  	v46 =	vbroadcast v46, $0xF;
	v33 =	vsel vm2, v40, v33;
	v59 =	vor.u32 s29, v2;
	(xrf1) =	vsort.ascd.msk.f32 $0xffff, v52, v37;
	v52 =	vld [tilespmem:$0x1FFF0]  }
0xb8: {  	v47 =	vld.idx.msk [tilespmem:v47+s2+$0x0], $0xffff;
	v29 =	vmovc v30;
	v32 =	vsel vm2, v39, v32;
	(erf) = vrcp.f32 v36;
	vm5 =	veq.f32 v60, v57  }
0xb9: {  	v30 =	vmovc v9;
	v41 =	vld.idx.msk [tilespmem:v41+s2+$0x0], $0xffff;
	vm3 =	vgt.f32 v60, v57;
	(erf) = vrcp.f32 v34;
	vm4 =	vlt.s32 v61, v58  }
0xba: {  	v34 =	vld.idx.msk [tilespmem:v44+s2+$0x0], $0xffff;
	v35 =	vor.u32 s28, v2;
	v55 =	vor.u32 s28, v6;
	vm1 =	vmand vm5, vm4;
	v9, _, _ =	vpop (xrf2)  }
0xbb: {  	v40 =	vld.idx.msk [tilespmem:v63+s2+$0x0], $0xffff;
	(erf) = vrcp.f32 v46;
	vm1 =	vmor vm3, vm1;
	v48, v37, _ =	vpop (xrf1);
	v56 =	vbroadcast v9, $0xF  }
0xbc: {  	v43 =	vld.idx.msk [tilespmem:v59+s2+$0x0], $0xffff;
	v9 =	vmov v13;
	v13 =	vmov v18;
	v36 =	vmul.f32 $1.442695020e+00, v48;
	v18 =	vpop (erf);
	(xrf1) =	vsort.ascd.msk.f32 $0xffff, v42, v52  }
0xbd: {  	v60 =	vsel vm1, v60, v57;
	v63 =	vsel vm1, v61, v58;
	(erf) = vrcp.f32 v56;
	v42, v44, _ =	vpop (xrf1);
	(xrf1) =	vsort.dscd.msk.f32 $0xffff, v32, v33  }
0xbe: {  	v50 =	vld.idx.msk [tilespmem:v50+s2+$0x0], $0xffff;
	(erf) = vpow2.f32 v36;
	vm1 =	veq.f32 v42, v1;
	v58, v57, _ =	vpop (xrf1);
	(xrf1) =	vsort.dscd.msk.f32 $0xffff, v60, v63;
	v63 =	vlaneseq.u32  }
0xbf: {  	v46 =	vld.idx.msk [tilespmem:v55+s2+$0x0], $0xffff;
	vm2 =	vgt.f32 v42, v1;
	vm3 =	vlt.s32 v44, v0;
	v45, v48, _ =	vpop (xrf1);
	(xrf1) =	vsort.dscd.msk.f32 $0xffff, v62, v63  }
0xc0: {  	v32 =	vld.idx.msk [tilespmem:v35+s2+$0x0], $0xffff;
	[tilespmem:v15+s22+$0x0] =	vst.idx.msk $0xff, v37;
	vm4 =	veq.f32 v58, v49;
	(xrf1) =	vsort.ascd.msk.f32 $0xffff, v53, v7  }
0xc1: {  	vm1 =	vmand vm1, vm3;
	vm3 =	vgt.f32 v58, v49;
	vm5 =	vlt.s32 v57, v54;
	(xrf1) =	vsort.dscd.msk.f32 $0xffff, v47, v5  }
0xc2: {  	vm1 =	vmor vm2, vm1;
	v62 =	vnsel vm0, $0x0, v18;
	v18 =	vmov v24;
	v47 =	vpop (erf);
	(xrf1) =	vsort.dscd.msk.f32 $0xffff, v43, v63  }
0xc3: {  	v1 =	vsel vm1, v42, v1;
	v0 =	vsel vm1, v44, v0;
	vm1 =	vmand vm4, vm5;
	v53, v55, _ =	vpop (xrf1);
	(xrf1) =	vsort.ascd.msk.f32 $0xffff, v51, v52  }
0xc4: {  	s26 =	smov.u32 s25;
	vm1 =	vmor vm3, vm1;
	v37 =	vmul.f32 v47, v20;
	v20 =	vmov v62;
	v56 =	vpop (erf);
	(xrf1) =	vsort.ascd.msk.f32 $0xffff, v50, v52  }
0xc5: {  	s30 =	sadd.s32 $0x1, s26;
	v36 =	vsel vm1, v58, v49;
	v24 =	vsel vm1, v57, v54;
	v43 =	vor.u32 s26, v2;
	v58 =	vpop (erf);
	(xrf1) =	vsort.dscd.msk.f32 $0xffff, v34, v5  }
0xc6: {  	v62 =	vor.u32 s26, v6;
	v54 =	vor.u32 s26, v4;
	v47 =	vor.u32 s30, v4;
	v61 =	vpop (erf);
	(xrf1) =	vsort.ascd.msk.f32 $0xffff, v41, v52  }
0xc7: {  	v57 =	vmul.f32 v56, v21;
	v21 =	vmov v38;
	v33 =	vmul.f32 v61, v26;
	v26 =	vpop (erf);
	(xrf1) =	vsort.dscd.msk.f32 $0xffff, v1, v0  }
0xc8: {  	v51 =	vor.u32 s30, v3;
	[tilespmem:v8+s23+$0x0] =	vst.idx.msk $0xff, v37;
	v8 =	vmov v14;
	v60 =	vmul.f32 v58, v23;
	v0, v1, _ =	vpop (xrf1)  }
0xc9: {  	v14 =	vmov v17;
	v17 =	vmov v59;
	(xrf2) =	vadd.scan.msk.f32 $0xffff, v21;
	[tilespmem:v30+s23+$0x0] =	vst.idx.msk $0xff, v57;
	v34, v38, _ =	vpop (xrf1)  }
0xca: {  	[tilespmem:v10+s23+$0x0] =	vst.idx.msk $0xff, v60;
	v10 =	vmov v15;
	vm1 =	veq.f32 v53, v0;
	vm2 =	vlt.s32 v55, v1;
	v23, v30, _ =	vpop (xrf1)  }
0xcb: {  	v15 =	vmov v19;
	[tilespmem:v11+s23+$0x0] =	vst.idx.msk $0xff, v33;
	vm3 =	vgt.f32 v53, v0;
	vm1 =	vmand vm1, vm2;
	v37, v41, _ =	vpop (xrf1)  }
0xcc: {  	(xrf1) =	vsort.ascd.msk.f32 $0xffff, v46, v7;
	vm1 =	vmor vm3, vm1;
	vm2 =	veq.f32 v45, v23;
	vm4 =	vlt.s32 v48, v30;
	v11, v19, _ =	vpop (xrf1)  }
0xcd: {  	(xrf1) =	vsort.dscd.msk.f32 $0xffff, v32, v63;
	vm3 =	vgt.f32 v45, v23;
	v1 =	vsel vm1, v55, v1;
	vm2 =	vmand vm2, vm4;
	v44, v42, _ =	vpop (xrf1)  }
0xce: {  	v0 =	vsel vm1, v53, v0;
	v53 =	vor.u32 s30, v6;
	vm3 =	vmor vm3, vm2;
	v49, v50, _ =	vpop (xrf1)  }
0xcf: {  	vm1 =	veq.f32 v37, v34;
	(xrf1) =	vsort.ascd.msk.f32 $0xffff, v40, v7;
	v32 =	vmul.f32 $1.442695020e+00, v11;
	v46 =	vsel vm3, v45, v23;
	v23, v45, _ =	vpop (xrf1)  }
0xd0: {  	[tilespmem:v12+s22+$0x0] =	vst.idx.msk $0xff, v19;
	vm2 =	vgt.f32 v37, v34;
	v19 =	vmov v35;
	v11 =	vmov v12;
	v56, v52, _ =	vpop (xrf1)  }
0xd1: {  	v30 =	vsel vm3, v48, v30;
	vm3 =	vlt.s32 v41, v38;
	(erf) = vpow2.f32 v32;
	(xrf1) =	vsort.dscd.msk.f32 $0xffff, v0, v1;
	v0, v1, _ =	vpop (xrf1)  }
0xd2: {  	(xrf2) =	vadd.scan.msk.f32 $0xffff, v20;
	vm1 =	vmand vm1, vm3;
	vm4 =	veq.f32 v23, v49;
	vm5 =	vlt.s32 v45, v50;
	v58, v59, _ =	vpop (xrf1)  }
0xd3: {  	vm6 =	vgt.f32 v23, v49;
	vm1 =	vmor vm2, vm1;
	vm4 =	vmand vm4, vm5;
	(xrf1) =	vsort.dscd.msk.f32 $0xffff, v31, v5;
	v60, v35, _ =	vpop (xrf1)  }
0xd4: {  	v55 =	vsel vm1, v37, v34;
	vm4 =	vmor vm6, vm4;
	vm5 =	veq.f32 v44, v0;
	v32, v33, _ =	vpop (xrf1);
	(xrf1) =	vsort.ascd.msk.f32 $0xffff, v25, v27  }
0xd5: {  	vm3 =	vgt.f32 v44, v0;
	v31 =	vsel vm4, v23, v49;
	v23 =	vnsel vm0, $0x0, v26;
	v25, v27, _ =	vpop (xrf1);
	(xrf1) =	vsort.dscd.msk.f32 $0xffff, v28, v29  }
0xd6: {  	s29 =	sadd.s32 $0x2, s26;
	v26 =	vsel vm4, v45, v50;
	vm2 =	veq.f32 v56, v58;
	vm4 =	vlt.s32 v42, v1;
	v28, _, _ =	vpop (xrf2);
	(xrf2) =	vadd.scan.msk.f32 $0xffff, v23  }
0xd7: {  	v12 =	vmovc v16;
	v16 =	vmovc v22;
	v22 =	vld.idx.msk [tilespmem:v62+s2+$0x0], $0xffff;
	vm6 =	vgt.f32 v56, v58;
	v45 =	vor.u32 s29, v4;
	v25 =	vmul.f32 $1.442695020e+00, v25  }
0xd8: {  	v50 =	vor.u32 s29, v3;
	v29 =	vor.u32 s26, v3;
	(xrf1) =	vsort.ascd.msk.f32 $0xffff, v31, v26;
	v34 =	vbroadcast v28, $0xF  }
0xd9: {  	s28 =	sadd.s32 $0x3, s26;
	v26 =	vsel vm1, v41, v38;
	vm1 =	vmand vm5, vm4;
	[tilespmem:v13+s22+$0x0] =	vst.idx.msk $0xff, v27;
	v27 =	vmovc v24;
	(erf) = vpow2.f32 v25  }
0xda: {  	v24 =	vor.u32 s30, v2;
	v41 =	vor.u32 s28, v3;
	vm7 =	vmor vm3, vm1;
	v61, v37, _ =	vpop (xrf1)  }
0xdb: {  	v31 =	vld.idx.msk [tilespmem:v54+s2+$0x0], $0xffff;
	v28 =	vmov v46;
	vm1 =	vlt.s32 v52, v59;
	v1 =	vsel vm7, v42, v1;
	v39, v40, _ =	vpop (xrf1)  }
0xdc: {  	vm1 =	vmand vm2, vm1;
	v0 =	vsel vm7, v44, v0;
	(xrf1) =	vsort.ascd.msk.f32 $0xffff, v22, v7;
	vm4 =	vgt.f32 v60, v61;
	v22, _, _ =	vpop (xrf2)  }
0xdd: {  	p0 =	slt.u32 s25, $0x7C;
	v57 =	vld.idx.msk [tilespmem:v43+s2+$0x0], $0xffff;
	vm5 =	vlt.s32 v35, v37;
	vm3 =	veq.f32 v60, v61;
	v25 =	vmov v36;
	v49, v48, _ =	vpop (xrf1)  }
.Ltmp0:
0xde: {  	vm2 =	vmand vm3, vm5;
	vm3 =	vmor vm6, vm1;
	v36 =	vbroadcast v22, $0xF;
	(xrf1) =	vsort.dscd.msk.f32 $0xffff, v55, v26;
	v26 =	vpop (erf);
	(pc) =	sbr.rel @p0 .LBB2_2-.Ltmp0, $4  }
0xdf: {  	v42 =	vld.idx.msk [tilespmem:v29+s2+$0x0], $0xffff;
	v22 =	vmov v43;
	vm1 =	vmor vm4, vm2;
	(xrf1) =	vsort.dscd.msk.f32 $0xffff, v0, v1;
	v26 =	vnsel vm0, $0x0, v26;
	v43, v29, _ =	vpop (xrf1)  }
0xe0: {  	vm2 =	vlt.s32 v40, v33;
	vm4 =	veq.f32 v39, v32;
	v56 =	vsel vm3, v56, v58;
	(xrf2) =	vadd.scan.msk.f32 $0xffff, v26;
	v46, _, _ =	vpop (xrf2)  }
0xe1: {  	v44 =	vor.u32 s28, v4;
	(xrf1) =	vsort.dscd.msk.f32 $0xffff, v31, v5;
	v31 =	vsel vm3, v52, v59;
	v52 =	vsel vm1, v60, v61;
	v55, v54, _ =	vpop (xrf1)  }
0xe2: {  	s25 =	sadd.s32 $0x4, s25;
	vm2 =	vmand vm4, vm2;
	vm3 =	vgt.f32 v39, v32;
	(xrf1) =	vsort.dscd.msk.f32 $0xffff, v57, v63;
	v38 =	vpop (erf);
	vm4 =	veq.f32 v55, v49  }
0xe3: {  	vm5 =	vlt.s32 v54, v48  }
0xe4: {  	vm6 =	vgt.f32 v55, v49;
	vm4 =	vmand vm4, vm5  }
0xe5: {  	v2 =	vld [tilespmem:$0x1FFE0];
	vm4 =	vmor vm6, vm4  }
0xe6: {  	v1 =	vsel vm4, v54, v48;
	_ =	sdelay $0x1  }
0xe7: {  	(xrf1) =	vsort.dscd.msk.f32 $0xffff, v56, v31;
	v59, v58, _ =	vpop (xrf1);
	v0 =	vsel vm4, v55, v49  }
0xe8: {  	v35 =	vsel vm1, v35, v37;
	v31 =	vld [tilespmem:$0x1FFF0];
	(xrf1) =	vsort.ascd.msk.f32 $0xffff, v0, v1;
	v1, v61, _ =	vpop (xrf1)  }
0xe9: {  	v60 =	vor.u32 s29, v2;
	vm9 =	veq.f32 v1, v59;
	vm10 =	vlt.s32 v61, v58  }
0xea: {  	vm1 =	vmor vm3, vm2;
	[tilespmem:$0x1FFC0] =	vst v60;
	vm2 =	vgt.f32 v1, v59;
	vm3 =	vmand vm9, vm10  }
0xeb: {  	v33 =	vsel vm1, v40, v33;
	v32 =	vsel vm1, v39, v32;
	v62 =	vld.idx.msk [tilespmem:v24+s2+$0x0], $0xffff;
	vm1 =	vmor vm2, vm3  }
0xec: {  	(xrf1) =	vsort.ascd.msk.f32 $0xffff, v52, v35;
	v0 =	vld.idx.msk [tilespmem:v53+s2+$0x0], $0xffff;
	v1 =	vsel vm1, v1, v59  }
0xed: {  	v47 =	vld.idx.msk [tilespmem:v47+s2+$0x0], $0xffff;
	(xrf1) =	vsort.ascd.msk.f32 $0xffff, v42, v31  }
0xee: {  	v40 =	vld.idx.msk [tilespmem:v51+s2+$0x0], $0xffff;
	(xrf1) =	vsort.dscd.msk.f32 $0xffff, v32, v33;
	v55 =	vsel vm1, v61, v58  }
0xef: {  	v57 =	vor.u32 s28, v2;
	v2 =	vlaneseq.u32;
	v63 =	vld.idx.msk [tilespmem:v60+s2+$0x0], $0xffff;
	(xrf1) =	vsort.dscd.msk.f32 $0xffff, v1, v55;
	v1, v42, _ =	vpop (xrf1)  }
0xf0: {  	v56 =	vor.u32 s28, v6;
	v48 =	vld.idx.msk [tilespmem:v50+s2+$0x0], $0xffff;
	(xrf1) =	vsort.dscd.msk.f32 $0xffff, v62, v2;
	v50, v37, _ =	vpop (xrf1)  }
0xf1: {  	[tilespmem:$0x1FFD0] =	vst v57;
	(xrf1) =	vsort.ascd.msk.f32 $0xffff, v0, v7;
	v0, v59, _ =	vpop (xrf1)  }
0xf2: {  	v58 =	vor.u32 s29, v6;
	v44 =	vld.idx.msk [tilespmem:v44+s2+$0x0], $0xffff;
	[tilespmem:$0x1FFB0] =	vst v59  }
0xf3: {  	(xrf1) =	vsort.dscd.msk.f32 $0xffff, v47, v5;
	v62, v61, _ =	vpop (xrf1);
	v60 =	vld.idx.msk [tilespmem:v41+s2+$0x0], $0xffff  }
0xf4: {  	(xrf1) =	vsort.dscd.msk.f32 $0xffff, v63, v2;
	vm1 =	veq.f32 v62, v1;
	vm2 =	vlt.s32 v61, v42  }
0xf5: {  	v63 =	vld.idx.msk [tilespmem:v56+s2+$0x0], $0xffff;
	v53, v39, _ =	vpop (xrf1);
	(xrf1) =	vsort.ascd.msk.f32 $0xffff, v40, v31;
	vm3 =	vgt.f32 v62, v1;
	vm1 =	vmand vm1, vm2  }
0xf6: {  	v32 =	vld.idx.msk [tilespmem:v57+s2+$0x0], $0xffff;
	v41, v40, _ =	vpop (xrf1);
	(xrf1) =	vsort.ascd.msk.f32 $0xffff, v48, v31;
	vm1 =	vmor vm3, vm1  }
0xf7: {  	v48 =	vld.idx.msk [tilespmem:v58+s2+$0x0], $0xffff;
	v33, v55, _ =	vpop (xrf1);
	(xrf1) =	vsort.dscd.msk.f32 $0xffff, v44, v5;
	v1 =	vsel vm1, v62, v1  }
0xf8: {  	v42 =	vsel vm1, v61, v42;
	(xrf1) =	vsort.ascd.msk.f32 $0xffff, v60, v31;
	v60, v61, _ =	vpop (xrf1)  }
0xf9: {  	v62 =	vld.idx.msk [tilespmem:v45+s2+$0x0], $0xffff;
	(xrf1) =	vsort.dscd.msk.f32 $0xffff, v1, v42;
	vm1 =	veq.f32 v33, v60;
	vm2 =	vlt.s32 v55, v61  }
0xfa: {  	v1, _, _ =	vpop (xrf2);
	vm3 =	vgt.f32 v33, v60;
	(xrf1) =	vsort.ascd.msk.f32 $0xffff, v63, v7;
	vm1 =	vmand vm1, vm2  }
0xfb: {  	v42, v56, _ =	vpop (xrf1);
	(xrf1) =	vsort.dscd.msk.f32 $0xffff, v32, v2;
	vm1 =	vmor vm3, vm1  }
0xfc: {  	v45, v44, _ =	vpop (xrf1);
	v63 =	vsel vm1, v33, v60;
	v31 =	vsel vm1, v55, v61;
	(xrf1) =	vsort.ascd.msk.f32 $0xffff, v48, v7  }
0xfd: {  	v48, v49, _ =	vpop (xrf1);
	(xrf1) =	vsort.dscd.msk.f32 $0xffff, v63, v31  }
0xfe: {  	v43 =	vmul.f32 $1.442695020e+00, v43;
	v47, v35, _ =	vpop (xrf1);
	(xrf1) =	vsort.dscd.msk.f32 $0xffff, v62, v5  }
0xff: {  	v46 =	vbroadcast v46, $0xF;
	v51, v52, _ =	vpop (xrf1)  }
0x100: {  	(erf) = vpow2.f32 v43;
	v1 =	vbroadcast v1, $0xF;
	v32, v54, _ =	vpop (xrf1)  }
0x101: {  	(erf) = vrcp.f32 v36;
	v0 =	vmul.f32 $1.442695020e+00, v0;
	v33, v31, _ =	vpop (xrf1)  }
0x102: {  	(erf) = vrcp.f32 v34;
	v57, v58, _ =	vpop (xrf1)  }
0x103: {  	(erf) = vrcp.f32 v46;
	v46, v59, _ =	vpop (xrf1)  }
0x104: {  	(erf) = vrcp.f32 v1;
	vm1 =	veq.f32 v33, v32;
	vm2 =	vlt.s32 v31, v54;
	v1, v60, _ =	vpop (xrf1)  }
0x105: {  	(erf) = vpow2.f32 v0;
	vm3 =	vgt.f32 v33, v32;
	vm1 =	vmand vm1, vm2;
	v0, v61, _ =	vpop (xrf1)  }
0x106: {  	vm11 =	vlt.s32 v49, v56;
	v47 =	vmul.f32 $1.442695020e+00, v47;
	(xrf1) =	vsort.ascd.msk.f32 $0xffff, v25, v27;
	vm1 =	vmor vm3, vm1;
	v62, v63, _ =	vpop (xrf1)  }
0x107: {  	vm2 =	veq.f32 v48, v42;
	vm3 =	vgt.f32 v48, v42;
	v36 =	vsel vm1, v33, v32;
	v33, v34, _ =	vpop (xrf1)  }
0x108: {  	vm12 =	veq.f32 v51, v46;
	v43 =	vsel vm1, v31, v54;
	vm1 =	vmand vm2, vm11;
	v54, v55, _ =	vpop (xrf1)  }
0x109: {  	(xrf1) =	vsort.dscd.msk.f32 $0xffff, v28, v30;
	vm2 =	vgt.f32 v51, v46;
	vm1 =	vmor vm3, vm1;
	vm3 =	vlt.s32 v52, v59;
	v31, v32, _ =	vpop (xrf1)  }
0x10a: {  	vm13 =	veq.f32 v57, v1;
	v27 =	vsel vm1, v48, v42;
	vm3 =	vmand vm12, vm3;
	v42, v48, _ =	vpop (xrf1)  }
0x10b: {  	v28 =	vsel vm1, v49, v56;
	vm1 =	vmor vm2, vm3;
	vm2 =	vlt.s32 v58, v60;
	v49, v25, _ =	vpop (xrf1)  }
0x10c: {  	(xrf1) =	vsort.ascd.msk.f32 $0xffff, v36, v43;
	vm3 =	vgt.f32 v57, v1;
	v30 =	vsel vm1, v52, v59;
	vm2 =	vmand vm13, vm2;
	v52, v56, _ =	vpop (xrf1)  }
0x10d: {  	vm2 =	vmor vm3, vm2;
	vm3 =	veq.f32 v52, v42;
	vm14 =	vlt.s32 v56, v48  }
0x10e: {  	(xrf1) =	vsort.dscd.msk.f32 $0xffff, v27, v28;
	v46 =	vsel vm1, v51, v46;
	vm1 =	vgt.f32 v52, v42;
	vm3 =	vmand vm3, vm14  }
0x10f: {  	(xrf1) =	vsort.dscd.msk.f32 $0xffff, v46, v30;
	v51 =	vsel vm2, v58, v60;
	v1 =	vsel vm2, v57, v1;
	vm1 =	vmor vm1, vm3  }
0x110: {  	(xrf1) =	vsort.dscd.msk.f32 $0xffff, v1, v51;
	v1 =	vsel vm1, v52, v42;
	v57 =	vsel vm1, v56, v48  }
0x111: {  	(erf) = vpow2.f32 v47;
	(xrf1) =	vsort.ascd.msk.f32 $0xffff, v1, v57  }
0x112: {  	v27 =	vnsel vm0, $0x0, v38;
	vm15 =	vlt.s32 v61, v55;
	vm9 =	veq.f32 v0, v54;
	v58 =	vpop (erf)  }
0x113: {  	vm10 =	vgt.f32 v0, v54;
	vm2 =	vlt.s32 v39, v37;
	vm4 =	vmand vm9, vm15;
	v42 =	vpop (erf)  }
0x114: {  	vm11 =	vlt.s32 v32, v63;
	vm12 =	veq.f32 v31, v62;
	vm1 =	veq.f32 v53, v50;
	v47, v48, _ =	vpop (xrf1)  }
0x115: {  	vm13 =	vgt.f32 v31, v62;
	vm3 =	vgt.f32 v53, v50;
	vm1 =	vmand vm1, vm2;
	v36 =	vpop (erf)  }
0x116: {  	v28 =	vnsel vm0, $0x0, v58;
	vm4 =	vmor vm10, vm4;
	vm1 =	vmor vm3, vm1;
	v38 =	vpop (erf)  }
0x117: {  	vm5 =	vmand vm12, vm11;
	v0 =	vsel vm4, v0, v54;
	v1 =	vsel vm1, v53, v50;
	v50, v51, _ =	vpop (xrf1)  }
0x118: {  	(xrf2) =	vadd.scan.msk.f32 $0xffff, v27;
	vm5 =	vmor vm13, vm5;
	v43 =	vpop (erf);
	vm7 =	veq.f32 v50, v47;
	vm14 =	vlt.s32 v51, v48  }
0x119: {  	(xrf2) =	vadd.scan.msk.f32 $0xffff, v28;
	v53 =	vsel vm4, v61, v55;
	v59 =	vpop (erf);
	vm15 =	vgt.f32 v50, v47;
	vm4 =	vmand vm7, vm14  }
0x11a: {  	vm9 =	vlt.s32 v40, v44;
	v32 =	vsel vm5, v32, v63;
	v60, v61, _ =	vpop (xrf1);
	vm4 =	vmor vm15, vm4  }
0x11b: {  	v33 =	vmul.f32 $1.442695020e+00, v33;
	v31 =	vsel vm5, v31, v62;
	(xrf1) =	vsort.ascd.msk.f32 $0xffff, v0, v53;
	v52 =	vpop (erf);
	v50 =	vsel vm4, v50, v47  }
0x11c: {  	vm3 =	veq.f32 v41, v45;
	v30 =	vnsel vm0, $0x0, v59;
	v56, v46, _ =	vpop (xrf1);
	(xrf1) =	vsort.dscd.msk.f32 $0xffff, v31, v32;
	v48 =	vsel vm4, v51, v48  }
0x11d: {  	vm2 =	vgt.f32 v41, v45;
	vm3 =	vmand vm3, vm9;
	(xrf2) =	vadd.scan.msk.f32 $0xffff, v30;
	v0, v53, _ =	vpop (xrf1)  }
0x11e: {  	(erf) = vpow2.f32 v33;
	vm2 =	vmor vm2, vm3;
	v47 =	vnsel vm0, $0x0, v52;
	(xrf1) =	vsort.dscd.msk.f32 $0xffff, v50, v48;
	v31, v32, _ =	vpop (xrf1)  }
0x11f: {  	vm3 =	veq.f32 v0, v60;
	vm10 =	vgt.f32 v0, v60;
	vm11 =	vlt.s32 v53, v61;
	v48, v50, _ =	vpop (xrf1)  }
0x120: {  	(xrf2) =	vadd.scan.msk.f32 $0xffff, v47;
	vm3 =	vmand vm3, vm11;
	vm12 =	veq.f32 v31, v48;
	vm13 =	vlt.s32 v32, v50  }
0x121: {  	vm3 =	vmor vm10, vm3;
	vm14 =	vgt.f32 v31, v48;
	vm5 =	vmand vm12, vm13  }
0x122: {  	v63, _, _ =	vpop (xrf2);
	v0 =	vsel vm3, v0, v60;
	v62 =	vsel vm3, v53, v61;
	vm3 =	vmor vm14, vm5  }
0x123: {  	v59, _, _ =	vpop (xrf2);
	v60 =	vmul.f32 $1.442695020e+00, v49;
	(xrf1) =	vsort.dscd.msk.f32 $0xffff, v0, v62;
	v0 =	vsel vm3, v31, v48;
	v55 =	vsel vm3, v32, v50  }
0x124: {  	v57 =	vsel vm1, v39, v37;
	v61 =	vbroadcast v59, $0xF;
	(xrf1) =	vsort.dscd.msk.f32 $0xffff, v0, v55;
	v0 =	vsel vm2, v40, v44  }
0x125: {  	(erf) = vpow2.f32 v60;
	(xrf1) =	vsort.ascd.msk.f32 $0xffff, v1, v57;
	v1 =	vbroadcast v63, $0xF  }
0x126: {  	v58 =	vsel vm2, v41, v45;
	(erf) = vrcp.f32 v61  }
0x127: {  	(xrf1) =	vsort.dscd.msk.f32 $0xffff, v58, v0;
	v0, _, _ =	vpop (xrf2);
	(erf) = vrcp.f32 v1  }
0x128: {  	v0 =	vbroadcast v0, $0xF  }
0x129: {  	v32, v33, _ =	vpop (xrf1)  }
0x12a: {  	v62, _, _ =	vpop (xrf2)  }
0x12b: {  	v31 =	vbroadcast v62, $0xF;
	v1, v63, _ =	vpop (xrf1);
	(erf) = vrcp.f32 v0  }
0x12c: {  	v55 =	vmul.f32 $1.442695020e+00, v56;
	v0, v40, _ =	vpop (xrf1)  }
0x12d: {  	v56 =	vpop (erf);
	(erf) = vrcp.f32 v31;
	v0 =	vmul.f32 $1.442695020e+00, v0  }
0x12e: {  	v57 =	vpop (erf);
	(erf) = vpow2.f32 v55  }
0x12f: {  	v39 =	vpop (erf)  }
0x130: {  	v53 =	vpop (erf)  }
0x131: {  	(erf) = vpow2.f32 v0;
	v0, v44, _ =	vpop (xrf1)  }
0x132: {  	v58, v48, _ =	vpop (xrf1)  }
0x133: {  	v60, v59, _ =	vpop (xrf1)  }
0x134: {  	vm1 =	veq.f32 v1, v32;
	vm3 =	vlt.s32 v63, v33;
	v54 =	vpop (erf)  }
0x135: {  	vm2 =	vgt.f32 v1, v32;
	vm1 =	vmand vm1, vm3;
	v61, v62, _ =	vpop (xrf1)  }
0x136: {  	v41 =	vnsel vm0, $0x0, v56;
	v31 =	vnsel vm0, $0x0, v57;
	vm1 =	vmor vm2, vm1;
	v55 =	vpop (erf)  }
0x137: {  	(xrf2) =	vadd.scan.msk.f32 $0xffff, v41;
	v63 =	vsel vm1, v63, v33;
	vm3 =	veq.f32 v61, v60;
	vm15 =	vlt.s32 v62, v59;
	v37 =	vpop (erf)  }
0x138: {  	(xrf2) =	vadd.scan.msk.f32 $0xffff, v31;
	vm2 =	vgt.f32 v61, v60;
	vm3 =	vmand vm3, vm15;
	v33 =	vnsel vm0, $0x0, v37  }
0x139: {  	v1 =	vsel vm1, v1, v32;
	vm1 =	vmor vm2, vm3;
	(xrf2) =	vadd.scan.msk.f32 $0xffff, v33  }
0x13a: {  	(xrf1) =	vsort.dscd.msk.f32 $0xffff, v1, v63;
	v1 =	vsel vm1, v61, v60;
	v51 =	vsel vm1, v62, v59  }
0x13b: {  	v52 =	vpop (erf);
	(xrf1) =	vsort.dscd.msk.f32 $0xffff, v1, v51  }
0x13c: {  	v1 =	vnsel vm0, $0x0, v52  }
0x13d: {  	(xrf2) =	vadd.scan.msk.f32 $0xffff, v1;
	_ =	sdelay $0x3  }
0x13e: {  	v56, _, _ =	vpop (xrf2);
	v0 =	vmul.f32 $1.442695020e+00, v0  }
0x13f: {  	v57, _, _ =	vpop (xrf2)  }
0x140: {  	v45 =	vmul.f32 $1.442695020e+00, v58;
	(erf) = vpow2.f32 v0;
	v58, _, _ =	vpop (xrf2)  }
0x141: {  	v0 =	vbroadcast v57, $0xF;
	v37 =	vbroadcast v58, $0xF;
	_ =	sdelay $0x1  }
0x142: {  	[tilespmem:v14+s22+$0x0] =	vst.idx.msk $0xff, v29;
	v32 =	vbroadcast v56, $0xF;
	(erf) = vpow2.f32 v45  }
0x143: {  	v2 =	vld [tilespmem:$0x1FFB0];
	(erf) = vrcp.f32 v0;
	v59, _, _ =	vpop (xrf2)  }
0x144: {  	(erf) = vrcp.f32 v32;
	v0, v49, _ =	vpop (xrf1);
	v45 =	vbroadcast v59, $0xF  }
0x145: {  	v0 =	vmul.f32 $1.442695020e+00, v0;
	(erf) = vrcp.f32 v37;
	v60, v37, _ =	vpop (xrf1)  }
0x146: {  	(erf) = vrcp.f32 v45;
	v32 =	vmul.f32 $1.442695020e+00, v60  }
0x147: {  	[tilespmem:v12+s22+$0x0] =	vst.idx.msk $0xff, v35;
	(erf) = vpow2.f32 v0  }
0x148: {  	[tilespmem:v15+s22+$0x0] =	vst.idx.msk $0xff, v2;
	(erf) = vpow2.f32 v32  }
0x149: {  	[tilespmem:v18+s22+$0x0] =	vst.idx.msk $0xff, v34;
	v20 =	vmul.f32 v42, v20  }
0x14a: {  	[tilespmem:v17+s22+$0x0] =	vst.idx.msk $0xff, v25;
	v21 =	vmul.f32 v36, v21;
	v0 =	vpop (erf)  }
0x14b: {  	[tilespmem:v8+s23+$0x0] =	vst.idx.msk $0xff, v20;
	v8 =	vmul.f32 v38, v23;
	v61 =	vpop (erf)  }
0x14c: {  	v38 =	vmul.f32 v43, v26;
	[tilespmem:v9+s23+$0x0] =	vst.idx.msk $0xff, v21;
	v45 =	vpop (erf)  }
0x14d: {  	[tilespmem:v10+s23+$0x0] =	vst.idx.msk $0xff, v8;
	v50 =	vpop (erf)  }
0x14e: {  	[tilespmem:v11+s23+$0x0] =	vst.idx.msk $0xff, v38;
	v43 =	vmul.f32 v39, v28;
	v0 =	vnsel vm0, $0x0, v0;
	v51 =	vpop (erf)  }
0x14f: {  	[tilespmem:v19+s22+$0x0] =	vst.idx.msk $0xff, v46;
	v32 =	vnsel vm0, $0x0, v61;
	(xrf2) =	vadd.scan.msk.f32 $0xffff, v0;
	v52 =	vpop (erf)  }
0x150: {  	[tilespmem:v14+s23+$0x0] =	vst.idx.msk $0xff, v43;
	(xrf2) =	vadd.scan.msk.f32 $0xffff, v32;
	v62 =	vpop (erf)  }
0x151: {  	[tilespmem:v16+s22+$0x0] =	vst.idx.msk $0xff, v40;
	v53 =	vmul.f32 v53, v27;
	v56 =	vnsel vm0, $0x0, v62;
	v63 =	vpop (erf)  }
0x152: {  	[tilespmem:v24+s22+$0x0] =	vst.idx.msk $0xff, v44;
	v57 =	vmul.f32 v54, v30;
	(xrf2) =	vadd.scan.msk.f32 $0xffff, v56;
	v29 =	vnsel vm0, $0x0, v63  }
0x153: {  	[tilespmem:v13+s23+$0x0] =	vst.idx.msk $0xff, v53;
	v58 =	vmul.f32 v55, v47;
	(xrf2) =	vadd.scan.msk.f32 $0xffff, v29  }
0x154: {  	[tilespmem:v15+s23+$0x0] =	vst.idx.msk $0xff, v57  }
0x155: {  	[tilespmem:v12+s23+$0x0] =	vst.idx.msk $0xff, v58  }
0x156: {  	v2 =	vld [tilespmem:$0x1FFC0];
	_ =	sdelay $0x2  }
0x157: {  	v8, _, _ =	vpop (xrf2)  }
0x158: {  	v42, _, _ =	vpop (xrf2)  }
0x159: {  	v9 =	vbroadcast v42, $0xF  }
0x15a: {  	v8 =	vbroadcast v8, $0xF;
	v59, _, _ =	vpop (xrf2)  }
0x15b: {  	(erf) = vrcp.f32 v9;
	v60 =	vbroadcast v59, $0xF;
	v61, _, _ =	vpop (xrf2)  }
0x15c: {  	[tilespmem:v2+s22+$0x0] =	vst.idx.msk $0xff, v48;
	(erf) = vrcp.f32 v8;
	v62 =	vbroadcast v61, $0xF  }
0x15d: {  	v10 =	vld [tilespmem:$0x1FFD0];
	(erf) = vrcp.f32 v60  }
0x15e: {  	v8 =	vmul.f32 v45, v31;
	(erf) = vrcp.f32 v62;
	_ =	sdelay $0x1  }
0x15f: {  	[tilespmem:v17+s23+$0x0] =	vst.idx.msk $0xff, v8;
	v8 =	vmul.f32 v51, v33  }
0x160: {  	v1 =	vmul.f32 v52, v1  }
0x161: {  	[tilespmem:v22+s22+$0x0] =	vst.idx.msk $0xff, v37  }
0x162: {  	[tilespmem:v16+s23+$0x0] =	vst.idx.msk $0xff, v1  }
0x163: {  	v63 =	vmul.f32 v50, v41;
	[tilespmem:v19+s23+$0x0] =	vst.idx.msk $0xff, v8;
	v8 =	vpop (erf)  }
0x164: {  	[tilespmem:v10+s22+$0x0] =	vst.idx.msk $0xff, v49;
	v1 =	vmul.f32 v8, v32;
	v8 =	vpop (erf)  }
0x165: {  	[tilespmem:v18+s23+$0x0] =	vst.idx.msk $0xff, v63;
	v0 =	vmul.f32 v8, v0;
	v8 =	vpop (erf)  }
0x166: {  	[tilespmem:v2+s23+$0x0] =	vst.idx.msk $0xff, v1;
	v1 =	vmul.f32 v8, v56;
	v8 =	vpop (erf)  }
0x167: {  	[tilespmem:v24+s23+$0x0] =	vst.idx.msk $0xff, v0;
	v8 =	vmul.f32 v8, v29  }
0x168: {  	[tilespmem:v10+s23+$0x0] =	vst.idx.msk $0xff, v1  }
0x169: {  	[tilespmem:v22+s23+$0x0] =	vst.idx.msk $0xff, v8  }
0x16a: {  	[hbm4b:s4+s2] =	stream.linear.scatter [tilespmem:s22], [sflag:$0x1], $0x400, $0x38;
	[tilespmem:$0x5000] =	vst v63  }
0x16b: {  	s24 =	sadd.s32 $0x1, s24;
	_ =	swait.ge [sflag:s21], $0x400  }
0x16c: {  	p0 =	sne.s32 s24, s6;
	[sflag:s21] =	ssyncset.done $0x0  }
.Ltmp1:
0x16d: {  	[sflag:s21] =	ssyncadd.s32 $0xFFFFFC00;
	(pc) =	sbr.rel @p0 .LBB2_1-.Ltmp1, $4  }
0x16e: {  	[hbm4b:s5+s2] =	stream.linear.scatter [tilespmem:s23], [sflag:$0x1], $0x400, $0x38;
	[tilespmem:$0x5000] =	vst v63  }
0x16f: {  	_ =	swait.ge [sflag:s21], $0x400  }
0x170: {  	[sflag:s21] =	ssyncset.done $0x0  }
0x171: {  	v2 =	vmov v3;
	[sflag:s21] =	ssyncadd.s32 $0xFFFFFC00  }
0x172: {  	_ =	sfence.sel $0x180000  }
0x173: {  	[bflag:$0x0] =	sbarrier.arrive $0xFFFF  }
0x174: {  	p0 =	sne.s32 s0, $0x0;
	_ =	strace $0x90000050  }
0x175: {  	s0 =	sadd.s32 @!p0 $0x100000, s1;
	[bflag:$0x2] =	sbarrier.arrive $0xFFFF  }
0x176: {  	[sflag:s0] =	ssyncadd.tile.s32 @!p0 $0x1;
	_ =	shalt  }
.Lfunc_end2:
_tile_overlayer_lowered:
.L_overlay_start_2:
0x177: {  	(tag) =	ssettag $0x2  }
0x178: {  	s0 =	rddreg [dreg:$0x0];
	s2 =	stileid.u32  }
0x179: {  	s1 =	rddreg [dreg:$0x1];
	p0 =	sne.s32 s2, $0x0  }
0x17a: {  	s3 =	rddreg [dreg:$0x2];
	[bflag:$0x3] =	sbarrier.arrive $0xFFFF;
	s2 =	simm.s32 @!p0 $0x1C01  }
0x17b: {  	[timem:s3], [sflag:s2] =	dma.local @!p0 [hbm:s0], s1  }
0x17c: {  	s0 =	simm.s32 @!p0 $0x1  }
0x17d: {  	_ =	swait.ge @!p0 [sflag:s0], s1  }
0x17e: {  	s1 =	ssub.s32 @!p0 $0x0, s1;
	[sflag:s0] =	ssyncset.done @!p0 $0x0  }
0x17f: {  	[sflag:s0] =	ssyncadd.s32 @!p0 s1  }
0x180: {  	[bflag:$0x3] =	sbarrier.arrive $0xFFFF  }
0x181: {  	_ =	shalt  }

// kernel: kernel.13.cloned.1.call-start
scs
__scs_entry_jumppad:
0x0: {  	(pc) =	sbr.rel $0x88, $3  }
0x1: {  	(tag) =	ssettag $0x0;
	lr =	simm.s32 $0x1  }
0x2: {  	[smem:$0x3F9F] =	sst lr;
	_ =	strace $0xD0000000  }
0x3: {  	_ = 	snop  }
0x4: {  	_ = 	snop  }
0x5: {  	_ = 	snop  }
0x6: {  	_ = 	snop  }
0x7: {  	_ = 	snop  }
__scs_overlays_trampoline_lowered:
0x8: {  	[smem:$0x3FAE] =	sst s0  }
0x9: {  	[smem:$0x3FAF] =	sst s1  }
0xa: {  	[smem:$0x3FB0] =	sst s2  }
0xb: {  	[smem:$0x3FB1] =	sst s3  }
0xc: {  	[smem:$0x3FB2] =	sst s4  }
0xd: {  	[smem:$0x3FB3] =	sst s5  }
0xe: {  	[smem:$0x3FB4] =	sst s6  }
0xf: {  	[smem:$0x3FB5] =	sst s7  }
0x10: {  	[smem:$0x3FB6] =	sst s8  }
0x11: {  	[smem:$0x3FB7] =	sst s9;
	s0 =	simm.s32 @!p0 $0x0  }
0x12: {  	s1 =	sld [smem:$0x3F9D];
	s0 =	simm.s32 @p0 $0x1  }
0x13: {  	[smem:$0x3FB8] =	sst s0;
	s0 =	simm.s32 @!p1 $0x0  }
0x14: {  	s2 =	sld [smem:$0x3F9C];
	s0 =	simm.s32 @p1 $0x1  }
0x15: {  	[smem:$0x3FB9] =	sst s0;
	s0 =	simm.s32 @!p2 $0x0  }
0x16: {  	s3 =	sld [smem:$0x3FDB];
	s0 =	simm.s32 @p2 $0x1  }
0x17: {  	s4 =	simm.s32 $0x1BF5;
	[smem:$0x3FBB] =	sst s0  }
0x18: {  	s0 =	sld [smem:$0x3F9E];
	_ =	swait.ge [sflag:s4], $0x0  }
0x19: {  	s7 =	sld [smem:$0x3F9F]  }
0x1a: {  	s8 =	sadd.s32 $0xFFFFE003, lr  }
0x1b: {  	s9 =	sadd.s32 $0xFFFFFEF7, lr;
	s5 =	simm.s32 $0xFFFFFFFF;
	p2 =	slt.u32 s8, $0xFFFFF086  }
0x1c: {  	p1 =	slt.u32 s9, $0xF7A;
	s5 =	simm.s32 @!p2 $0x0  }
0x1d: {  	s5 =	simm.s32 @p1 $0x1;
	p0 =	seq.s32 s7, s2  }
0x1e: {  	s7 =	smul.u32 @!p0 $0xF7A, s2;
	p2 =	seq.s32 @!p0 s5, $0x0  }
0x1f: {  	s9 =	smul.u32 $0xF7A, s1;
	s8 =	simm.s32 @!p0 $0x1BF5;
	p2 =	por !p2, p0  }
0x20: {  	[sflag:s8] =	ssyncset.s32 @!p0 $0xFFFFF086;
	s6 =	sadd.s32 @!p0 s3, s7;
	s7 =	simm.s32 @!p0 $0x108  }
0x21: {  	s3 =	sadd.s32 s3, s9;
	s6 =	sadd.s32 @!p0 $0x88, s6;
	s7 =	simm.s32 @p2 $0x1082  }
0x22: {  	[simem:s7], [sflag:s8] =	dma.local @!p0 [hbm:s6], $0xF7A  }
0x23: {  	s9 =	sor.u32 $0xD0000000, s2;
	s6 =	simm.s32 $0x108;
	_ =	swait.ge @!p0 [sflag:s8], $0x0  }
0x24: {  	s3 =	sadd.s32 $0x88, s3;
	s6 =	simm.s32 @!p1 $0x1082;
	[sflag:s4] =	ssyncset.s32 $0xFFFFF086  }
0x25: {  	[simem:s6], [sflag:s4] =	dma.local [hbm:s3], $0xF7A  }
0x26: {  	[smem:$0x3F9F] =	sst s1;
	(tag) =	ssettag s2;
	_ =	strace s9  }
0x27: {  	s1 =	sld [smem:$0x3FAF]  }
0x28: {  	s2 =	sld [smem:$0x3FB0]  }
0x29: {  	s4 =	sld [smem:$0x3FB2]  }
0x2a: {  	p0 =	seq.s32 s5, $0x0;
	s5 =	sld [smem:$0x3FB3]  }
0x2b: {  	s6 =	sld [smem:$0x3FB4]  }
0x2c: {  	s7 =	sld [smem:$0x3FB5]  }
0x2d: {  	s3 =	simm.s32 $0x108;
	s8 =	sld [smem:$0x3FB6]  }
0x2e: {  	s3 =	simm.s32 @!p0 $0x1082;
	s9 =	sld [smem:$0x3FB7]  }
0x2f: {  	lr =	sadd.s32 s0, s3;
	s0 =	sld [smem:$0x3FAE]  }
0x30: {  	s3 =	sld [smem:$0x3FB1]  }
0x31: {  	[smem:$0x3FBA] =	sst s10  }
0x32: {  	s10 =	sld [smem:$0x3FB8];
	_ =	sdelay $0x3  }
0x33: {  	p0 =	seq.s32 s10, $0x1;
	s10 =	sld [smem:$0x3FBA];
	_ =	sdelay $0x3  }
0x34: {  	[smem:$0x3FBA] =	sst s10  }
0x35: {  	s10 =	sld [smem:$0x3FB9];
	_ =	sdelay $0x3  }
0x36: {  	p1 =	seq.s32 s10, $0x1;
	s10 =	sld [smem:$0x3FBA];
	_ =	sdelay $0x3  }
0x37: {  	[smem:$0x3FBA] =	sst s10  }
0x38: {  	s10 =	sld [smem:$0x3FBB]  }
0x39: {  	_ = 	snop;
	(pc) =	sbr.ind lr, $3  }
0x3a: {  	_ = 	snop  }
0x3b: {  	_ = 	snop  }
0x3c: {  	p2 =	seq.s32 s10, $0x1;
	s10 =	sld [smem:$0x3FBA]  }
0x3d: {  	_ =	shalt  }
0x3e: {  	_ =	shalt  }
0x3f: {  	_ =	shalt  }
0x40: {  	_ =	shalt  }
0x41: {  	_ =	shalt  }
0x42: {  	_ =	shalt  }
0x43: {  	_ =	shalt  }
0x44: {  	_ =	shalt  }
0x45: {  	_ =	shalt  }
0x46: {  	_ =	shalt  }
0x47: {  	_ =	shalt  }
0x48: {  	_ =	shalt  }
0x49: {  	_ =	shalt  }
0x4a: {  	_ =	shalt  }
0x4b: {  	_ =	shalt  }
0x4c: {  	_ =	shalt  }
0x4d: {  	_ =	shalt  }
0x4e: {  	_ =	shalt  }
0x4f: {  	_ =	shalt  }
0x50: {  	_ =	shalt  }
0x51: {  	_ =	shalt  }
0x52: {  	_ =	shalt  }
0x53: {  	_ =	shalt  }
0x54: {  	_ =	shalt  }
0x55: {  	_ =	shalt  }
0x56: {  	_ =	shalt  }
0x57: {  	_ =	shalt  }
0x58: {  	_ =	shalt  }
0x59: {  	_ =	shalt  }
0x5a: {  	_ =	shalt  }
0x5b: {  	_ =	shalt  }
0x5c: {  	_ =	shalt  }
0x5d: {  	_ =	shalt  }
0x5e: {  	_ =	shalt  }
0x5f: {  	_ =	shalt  }
0x60: {  	_ =	shalt  }
0x61: {  	_ =	shalt  }
0x62: {  	_ =	shalt  }
0x63: {  	_ =	shalt  }
0x64: {  	_ =	shalt  }
0x65: {  	_ =	shalt  }
0x66: {  	_ =	shalt  }
0x67: {  	_ =	shalt  }
0x68: {  	_ =	shalt  }
0x69: {  	_ =	shalt  }
0x6a: {  	_ =	shalt  }
0x6b: {  	_ =	shalt  }
0x6c: {  	_ =	shalt  }
0x6d: {  	_ =	shalt  }
0x6e: {  	_ =	shalt  }
0x6f: {  	_ =	shalt  }
0x70: {  	_ =	shalt  }
0x71: {  	_ =	shalt  }
0x72: {  	_ =	shalt  }
0x73: {  	_ =	shalt  }
0x74: {  	_ =	shalt  }
0x75: {  	_ =	shalt  }
0x76: {  	_ =	shalt  }
0x77: {  	_ =	shalt  }
0x78: {  	_ =	shalt  }
0x79: {  	_ =	shalt  }
0x7a: {  	_ =	shalt  }
0x7b: {  	_ =	shalt  }
0x7c: {  	_ =	shalt  }
0x7d: {  	_ =	shalt  }
0x7e: {  	_ =	shalt  }
0x7f: {  	_ =	shalt  }
0x80: {  	_ =	shalt  }
0x81: {  	_ =	shalt  }
0x82: {  	_ =	shalt  }
0x83: {  	_ =	shalt  }
0x84: {  	_ =	shalt  }
0x85: {  	_ =	shalt  }
0x86: {  	_ =	shalt  }
0x87: {  	_ =	shalt  }
.Lfunc_end0:
.L_simem_size_0:
called_computation.1_lowered:
.L_overlay_start_0:
0x88: {  	s2 =	sld [smem:$0x3FD9]  }
0x89: {  	s3 =	sld [smem:$0x3FFE];
	_ =	sdelay $0x1  }
0x8a: {  	s1 =	srdreg.scid  }
0x8b: {  	s0 =	sand.u32 $0x1, s1  }
0x8c: {  	s17 =	sshll.u32 s0, $0xA;
	s2 =	sadd.s32 s3, s2  }
0x8d: {  	s2 =	sadd.s32 s2, s17  }
0x8e: {  	[smem:$0x3FC6] =	sst s2  }
0x8f: {  	_ = 	snop  }
0x90: {  	(tm) =	ssettm $0x1  }
0x91: {  	s18 =	sld [smem:$0x3FFB];
	_ =	sdelay $0x3  }
0x92: {  	_ =	strace s18  }
0x93: {  	s2 =	sld [smem:$0x3FFC];
	_ =	sdelay $0x3  }
0x94: {  	_ =	strace s2  }
0x95: {  	s2 =	sld [smem:$0x3FFD];
	_ =	sdelay $0x3  }
0x96: {  	_ =	strace s2  }
0x97: {  	_ =	strace $0x8FFFFFFF  }
0x98: {  	s19 =	sld [smem:$0x3FDB];
	_ =	sdelay $0x1  }
0x99: {  	s20 =	simm.s32 $_scs_section_size  }
0x9a: {  	s4 =	simm.s32 $_size__tile_overlayer_lowered;
	s5 =	simm.s32 $_tile_overlayer_lowered  }
0x9b: {  	s6 =	simm.s32 $0x1BFF;
	s21 =	sshll.u32 s5, $0x1;
	s3 =	sadd.s32 s20, s19  }
0x9c: {  	s22 =	simm.s32 $0x0;
	s4 =	sshll.u32 s4, $0x1;
	s5 =	sadd.s32 s21, s3  }
0x9d: {  	[timem:s22], [sflag:s6] =	dma.local [hbm:s5], s4  }
0x9e: {  	_ =	swait.ge [sflag:s6], s4  }
0x9f: {  	s4 =	ssub.s32 $0x0, s4;
	[sflag:s6] =	ssyncset.done $0x0  }
0xa0: {  	[sflag:s6] =	ssyncadd.s32 s4;
	_ =	sdelay $0x1  }
0xa1: {  	s23 =	simm.s32 $0x1B8B  }
0xa2: {  	_ =	swait.ge [sflag:s23], $0x1  }
0xa3: {  	[sflag:s23] =	ssyncset.done $0x0  }
0xa4: {  	[sflag:s23] =	ssyncadd.s32 $0xFFFFFFFF  }
0xa5: {  	s4 =	sld [smem:$0x0]  }
0xa6: {  	s5 =	sand.u32 $0xFFFFFFFE, s1  }
0xa7: {  	p0 =	sne.s32 s1, s5  }
0xa8: {  	s5 =	sshll.u32 @p0 s5, $0xE  }
0xa9: {  	s5 =	sadd.s32 @p0 $0x11B8D, s5;
	s6 =	sshll.u32 @p0 s4, $0x11  }
0xaa: {  	s5 =	sor.u32 @p0 s6, s5  }
0xab: {  	[sflag:s5] =	ssyncadd.remote.s32 @p0 $0x1;
	_ =	sdelay $0x1  }
0xac: {  	s5 =	simm.s32 @p0 $0x1B8D  }
0xad: {  	_ =	swait.eq @p0 [sflag:s5], $0x1  }
0xae: {  	[sflag:s5] =	ssyncadd.s32 @p0 $0xFFFFFFFF  }
0xaf: {  	s6 =	sshll.u32 @!p0 s1, $0xE  }
0xb0: {  	s6 =	sor.u32 @!p0 $0x4000, s6;
	s5 =	simm.s32 @!p0 $0x1B8D  }
0xb1: {  	s4 =	sshll.u32 @!p0 s4, $0x11;
	s6 =	sadd.s32 @!p0 $0x11B8D, s6;
	_ =	swait.eq @!p0 [sflag:s5], $0x1  }
0xb2: {  	s4 =	sor.u32 @!p0 s4, s6;
	[sflag:s5] =	ssyncadd.s32 @!p0 $0xFFFFFFFF  }
0xb3: {  	s25 =	simm.s32 $0x1B8E;
	s24 =	sld [smem:$0x3FFE];
	[sflag:s4] =	ssyncadd.remote.s32 @!p0 $0x1  }
0xb4: {  	s26 =	simm.s32 $execute0_lowered;
	[smem:$0x3FD2] =	sst s25  }
0xb5: {  	s5 =	sshll.u32 s26, $0x1;
	_ =	strace $0x8000004C;
	[dreg:$0x1] =	wrdreg $0xFFFFFFFF  }
0xb6: {  	s28 =	simm.s32 $_size_execute0_lowered;
	s3 =	sadd.s32 s3, s5;
	[dreg:$0x0] =	wrdreg $0x0  }
0xb7: {  	s5 =	sshll.u32 s28, $0x1;
	[dreg:$0x2] =	wrdreg s3  }
0xb8: {  	[dreg:$0x3] =	wrdreg s5  }
0xb9: {  	[dreg:$0x4] =	wrdreg $0xC0  }
0xba: {  	_ =	task [dreg:s22], $0x5FFFF  }
0xbb: {  	[dreg:$0x1] =	wrdreg $0xFFFFFFFF  }
0xbc: {  	[dreg:$0x0] =	wrdreg $0x60  }
0xbd: {  	[dreg:$0x2] =	wrdreg s24  }
0xbe: {  	[dreg:$0x3] =	wrdreg $0xA  }
0xbf: {  	_ =	task.clear_ibuf [dreg:s22], $0x4FFFF;
	_ =	strace $0x9000004C  }
0xc0: {  	s29 =	simm.s32 $0xA;
	_ =	strace $0x8000004E  }
0xc1: {  	_ =	swait.ge [sflag:s29], $0x1  }
0xc2: {  	[sflag:s29] =	ssyncadd.s32 $0xFFFFFFFF  }
0xc3: {  	_ =	strace $0x9000004E  }
0xc4: {  	_ =	sfence  }
0xc5: {  	s30 =	sld [smem:$0x0];
	_ =	sdelay $0x2  }
0xc6: {  	s31 =	sshll.u32 s1, $0xD;
	s1 =	sshrl.u32 s1, $0x2  }
0xc7: {  	s4 =	sand.u32 $0x4000, s31;
	s1 =	sadd.s32 s1, s30  }
0xc8: {  	s0 =	sor.u32 s4, s0;
	s1 =	sshll.u32 s1, $0x11  }
0xc9: {  	s0 =	sor.u32 s1, s0  }
0xca: {  	s0 =	sadd.s32 $0x8F2B, s0  }
0xcb: {  	[sflag:s0] =	ssyncadd.remote.s32 $0x1  }
0xcc: {  	_ =	sfence.sel $0xFFFF  }
0xcd: {  	[dreg:$0x0] =	wrdreg $0xFFFFFFFF;
	(pc) =	sbr.abs _section_cstart, $3  }
0xce: {  	[dreg:$0x1] =	wrdreg $0xFFFFFFFF  }
0xcf: {  	_ =	task.clear_ibuf [dreg:s22], $0x2FFFF;
	_ =	strace $0x9FFFFFFF  }
0xd0: {  	(tm) =	ssettm $0x7FFFFFFF  }
0xd1: {  	_ =	shalt  }
tec
execute0_lowered:
.L_overlay_start_1:
0x0: {  	(tag) =	ssettag $0x1  }
0x1: {  	v0 =	vimm.s32 $0xB80;
	vm14 =	vcmask $0x300;
	vm13 =	vcmask $0x704  }
0x2: {  	vm12 =	vcmask $0xB08;
	vm11 =	vcmask $0xF0C;
	vm10 =	vcmask $0x1310  }
0x3: {  	vm9 =	vcmask $0x1714;
	vm8 =	vcmask $0x1B18;
	vm7 =	vcmask $0x1F1C  }
0x4: {  	vm6 =	vcmask $0x2320;
	vm5 =	vcmask $0x2724;
	vm4 =	vcmask $0x2B28  }
0x5: {  	vm3 =	vcmask $0x2F2C;
	vm2 =	vcmask $0x3330;
	vm0 =	vcmask $0x3734  }
0x6: {  	vm1 =	vcmask $0x3B38;
	v1 =	vimm.s32 $0x1B80;
	v3 =	vimm.s32 $0x2B80  }
0x7: {  	v4 =	vimm.s32 $0x3B80;
	v0 =	vsel vm14, $0x0, v0;
	v2 =	vsel vm14, $0x1000, v1  }
0x8: {  	v3 =	vsel vm14, $0x2000, v3;
	v4 =	vsel vm14, $0x3000, v4;
	v0 =	vsel vm13, $0x80, v0  }
0x9: {  	v2 =	vsel vm13, $0x1080, v2;
	v3 =	vsel vm13, $0x2080, v3;
	v4 =	vsel vm13, $0x3080, v4  }
0xa: {  	v0 =	vsel vm12, $0x100, v0;
	v2 =	vsel vm12, $0x1100, v2;
	v3 =	vsel vm12, $0x2100, v3  }
0xb: {  	v4 =	vsel vm12, $0x3100, v4;
	v0 =	vsel vm11, $0x180, v0;
	v2 =	vsel vm11, $0x1180, v2  }
0xc: {  	v3 =	vsel vm11, $0x2180, v3;
	v4 =	vsel vm11, $0x3180, v4;
	v0 =	vsel vm10, $0x200, v0  }
0xd: {  	v2 =	vsel vm10, $0x1200, v2;
	v3 =	vsel vm10, $0x2200, v3;
	v4 =	vsel vm10, $0x3200, v4  }
0xe: {  	v0 =	vsel vm9, $0x280, v0;
	v2 =	vsel vm9, $0x1280, v2;
	v3 =	vsel vm9, $0x2280, v3  }
0xf: {  	v4 =	vsel vm9, $0x3280, v4;
	v0 =	vsel vm8, $0x300, v0;
	v2 =	vsel vm8, $0x1300, v2  }
0x10: {  	s1 =	srdreg.scid;
	v3 =	vsel vm8, $0x2300, v3;
	v4 =	vsel vm8, $0x3300, v4;
	v0 =	vsel vm7, $0x380, v0  }
0x11: {  	s3 =	rddreg [dreg:$0x0];
	s0 =	stileid.u32;
	s2 =	simm.s32 $0x0;
	v2 =	vsel vm7, $0x1380, v2;
	v3 =	vsel vm7, $0x2380, v3;
	v4 =	vsel vm7, $0x3380, v4  }
0x12: {  	s14 =	simm.s32 $0x800;
	s15 =	simm.s32 $0x1000;
	s16 =	simm.s32 $0x1800;
	v0 =	vsel vm6, $0x800, v0;
	v2 =	vsel vm6, $0x1800, v2;
	v3 =	vsel vm6, $0x2800, v3  }
0x13: {  	s17 =	simm.s32 $0x2000;
	s18 =	simm.s32 $0x2800;
	s19 =	simm.s32 $0x3000;
	v4 =	vsel vm6, $0x3800, v4;
	v0 =	vsel vm5, $0x880, v0;
	v2 =	vsel vm5, $0x1880, v2  }
0x14: {  	s20 =	simm.s32 $0x3800;
	s21 =	simm.s32 $0x1;
	s4 =	sand.u32 $0x1, s1;
	v3 =	vsel vm5, $0x2880, v3;
	v4 =	vsel vm5, $0x3880, v4;
	v0 =	vsel vm4, $0x900, v0  }
0x15: {  	s22 =	simm.s32 $0x4000;
	s5 =	sshll.u32 s0, $0x8;
	s6 =	sshll.u32 s4, $0x7;
	v2 =	vsel vm4, $0x1900, v2;
	v3 =	vsel vm4, $0x2900, v3;
	v4 =	vsel vm4, $0x3900, v4  }
0x16: {  	s23 =	simm.s32 $0x4800;
	s4 =	ssub.s32 $0x2, s4;
	s5 =	sor.u32 s6, s5;
	v0 =	vsel vm3, $0x980, v0;
	v2 =	vsel vm3, $0x1980, v2;
	v3 =	vsel vm3, $0x2980, v3  }
0x17: {  	s24 =	simm.s32 $0x0;
	s30 =	sshrl.u32 s4, $0x1;
	s13 =	sadd.s32 s5, s3;
	v4 =	vsel vm3, $0x3980, v4;
	v0 =	vsel vm2, $0xA00, v0;
	v2 =	vsel vm2, $0x1A00, v2  }
0x18: {  	[smem:$0x7FF] =	sst s2;
	s31 =	ssub.s32 s4, s30;
	s3 =	sadd.s32 $0x17000, s13;
	v5 =	vsel vm2, $0x2A00, v3;
	v6 =	vsel vm2, $0x3A00, v4;
	v0 =	vsel vm0, $0xA80, v0  }
0x19: {  	s4 =	sadd.s32 $0x1F000, s13;
	s5 =	sadd.s32 $0x20000, s13;
	s7 =	sadd.s32 $0x18000, s13;
	v2 =	vsel vm0, $0x1A80, v2;
	v5 =	vsel vm0, $0x2A80, v5;
	v0 =	vsel vm1, $0xB00, v0  }
0x1a: {  	s8 =	sadd.s32 $0x19000, s13;
	s9 =	sadd.s32 $0x1A000, s13;
	s10 =	sadd.s32 $0x1B000, s13;
	v6 =	vsel vm0, $0x3A80, v6;
	vm0 =	vmmov $0xff;
	[tilespmem:$0x1FFE0] =	vst v0;
	v0 =	vlaneseq.u32  }
0x1b: {  	s11 =	sadd.s32 $0x1C000, s13;
	s12 =	sadd.s32 $0x1D000, s13;
	s13 =	sadd.s32 $0x1E000, s13;
	v2 =	vsel vm1, $0x1B00, v2;
	v4 =	vsel vm1, $0x2B00, v5;
	v1 =	vor.u32 $0x10, v0  }
0x1c: {  	s1 =	rddreg [dreg:$0x1];
	s6 =	smax.u32 s31, $0x1;
	v6 =	vsel vm1, $0x3B00, v6;
	_ =	strace $0x8000004D;
	v5 =	vor.u32 $0x20, v0;
	v7 =	vor.u32 $0x30, v0;
	[tilespmem:$0x1FFF0] =	vst v1  }
.LBB2_1:
0x1d: {  	[tilespmem:s2], [sflag:$0x1] =	stream.linear.gather [hbm4b:s3+s2], $0x400, $0x38;
	[tilespmem:$0x5000] =	vst v63  }
0x1e: {  	_ = 	snop  }
0x1f: {  	[tilespmem:s14], [sflag:$0x1] =	stream.linear.gather [hbm4b:s7+s2], $0x400, $0x38;
	[tilespmem:$0x5000] =	vst v63  }
0x20: {  	_ = 	snop  }
0x21: {  	[tilespmem:s15], [sflag:$0x1] =	stream.linear.gather [hbm4b:s8+s2], $0x400, $0x38;
	[tilespmem:$0x5000] =	vst v63  }
0x22: {  	_ = 	snop  }
0x23: {  	[tilespmem:s16], [sflag:$0x1] =	stream.linear.gather [hbm4b:s9+s2], $0x400, $0x38;
	[tilespmem:$0x5000] =	vst v63  }
0x24: {  	_ = 	snop  }
0x25: {  	[tilespmem:s17], [sflag:$0x1] =	stream.linear.gather [hbm4b:s10+s2], $0x400, $0x38;
	[tilespmem:$0x5000] =	vst v63  }
0x26: {  	_ = 	snop  }
0x27: {  	[tilespmem:s18], [sflag:$0x1] =	stream.linear.gather [hbm4b:s11+s2], $0x400, $0x38;
	[tilespmem:$0x5000] =	vst v63  }
0x28: {  	_ = 	snop  }
0x29: {  	[tilespmem:s19], [sflag:$0x1] =	stream.linear.gather [hbm4b:s12+s2], $0x400, $0x38;
	[tilespmem:$0x5000] =	vst v63  }
0x2a: {  	_ = 	snop  }
0x2b: {  	[tilespmem:s20], [sflag:$0x1] =	stream.linear.gather [hbm4b:s13+s2], $0x400, $0x38;
	[tilespmem:$0x5000] =	vst v63  }
0x2c: {  	_ =	swait.ge [sflag:s21], $0x2000  }
0x2d: {  	v0 =	vld [tilespmem:$0x1FFE0];
	_ =	sdelay $0x2  }
0x2e: {  	v8 =	vor.u32 s2, v6  }
0x2f: {  	v10 =	vor.u32 s2, v4  }
0x30: {  	v11 =	vor.u32 s2, v0  }
0x31: {  	v12 =	vor.u32 s2, v2;
	s25 =	simm.s32 $0x1;
	[sflag:s21] =	ssyncset.done $0x0  }
0x32: {  	v3 =	vld [tilespmem:$0x1FFF0];
	[sflag:s21] =	ssyncadd.s32 $0xFFFFE000;
	v9 =	vor.u32 s25, v0  }
0x33: {  	v14 =	vor.u32 s25, v6;
	v13 =	vld.idx.msk [tilespmem:v8+s2+$0x0], $0xffff  }
0x34: {  	v10 =	vld.idx.msk [tilespmem:v10+s2+$0x0], $0xffff  }
0x35: {  	s26 =	simm.s32 $0x2;
	v15 =	vor.u32 s25, v4;
	v16 =	vld.idx.msk [tilespmem:v11+s2+$0x0], $0xffff  }
0x36: {  	v12 =	vld.idx.msk [tilespmem:v12+s2+$0x0], $0xffff;
	v8 =	vor.u32 s26, v0  }
0x37: {  	v17 =	vor.u32 s25, v2;
	v19 =	vld.idx.msk [tilespmem:v9+s2+$0x0], $0xffff  }
0x38: {  	v14 =	vld.idx.msk [tilespmem:v14+s2+$0x0], $0xffff;
	(xrf1) =	vsort.ascd.msk.f32 $0xffff, v13, v7  }
0x39: {  	v1 =	vlaneseq.u32;
	(xrf1) =	vsort.dscd.msk.f32 $0xffff, v10, v5  }
0x3a: {  	s31 =	simm.s32 $0x3;
	v18 =	vor.u32 s26, v2;
	v10 =	vld.idx.msk [tilespmem:v15+s2+$0x0], $0xffff;
	(xrf1) =	vsort.dscd.msk.f32 $0xffff, v16, v1  }
0x3b: {  	v13 =	vor.u32 s31, v4;
	v16 =	vld.idx.msk [tilespmem:v8+s2+$0x0], $0xffff;
	(xrf1) =	vsort.ascd.msk.f32 $0xffff, v12, v3  }
0x3c: {  	v20 =	vor.u32 s31, v2;
	v17 =	vld.idx.msk [tilespmem:v17+s2+$0x0], $0xffff;
	(xrf1) =	vsort.dscd.msk.f32 $0xffff, v19, v1  }
0x3d: {  	v15 =	vor.u32 s31, v6;
	(xrf1) =	vsort.ascd.msk.f32 $0xffff, v14, v7;
	_ =	sdelay $0x1  }
0x3e: {  	v12 =	vld.idx.msk [tilespmem:v18+s2+$0x0], $0xffff;
	(xrf1) =	vsort.dscd.msk.f32 $0xffff, v10, v5;
	v10 =	vor.u32 s31, v0  }
0x3f: {  	v13 =	vld.idx.msk [tilespmem:v13+s2+$0x0], $0xffff;
	(xrf1) =	vsort.dscd.msk.f32 $0xffff, v16, v1;
	v16 =	vor.u32 s26, v6  }
0x40: {  	v14 =	vld.idx.msk [tilespmem:v20+s2+$0x0], $0xffff;
	(xrf1) =	vsort.ascd.msk.f32 $0xffff, v17, v3;
	v17 =	vor.u32 s26, v4  }
0x41: {  	v15 =	vld.idx.msk [tilespmem:v15+s2+$0x0], $0xffff;
	_ =	sdelay $0x1  }
0x42: {  	(xrf1) =	vsort.ascd.msk.f32 $0xffff, v12, v3;
	v12 =	vld.idx.msk [tilespmem:v10+s2+$0x0], $0xffff  }
0x43: {  	(xrf1) =	vsort.dscd.msk.f32 $0xffff, v13, v5;
	v13 =	vld.idx.msk [tilespmem:v16+s2+$0x0], $0xffff  }
0x44: {  	v28, v22, _ =	vpop (xrf1);
	(xrf1) =	vsort.ascd.msk.f32 $0xffff, v14, v3;
	v14 =	vld.idx.msk [tilespmem:v17+s2+$0x0], $0xffff  }
0x45: {  	v29, v25, _ =	vpop (xrf1);
	(xrf1) =	vsort.ascd.msk.f32 $0xffff, v15, v7  }
0x46: {  	v18, v16, _ =	vpop (xrf1)  }
0x47: {  	v24, v17, _ =	vpop (xrf1);
	(xrf1) =	vsort.dscd.msk.f32 $0xffff, v12, v1  }
0x48: {  	v15, v19, _ =	vpop (xrf1);
	(xrf1) =	vsort.ascd.msk.f32 $0xffff, v13, v7  }
0x49: {  	s26 =	simm.s32 $0x4;
	v13, v20, _ =	vpop (xrf1);
	(xrf1) =	vsort.dscd.msk.f32 $0xffff, v14, v5  }
0x4a: {  	v14 =	vor.u32 s26, v6  }
0x4b: {  	v21, v23, _ =	vpop (xrf1)  }
0x4c: {  	vm1 =	veq.f32 v21, v13;
	vm2 =	vlt.s32 v23, v20  }
0x4d: {  	v26, v27, _ =	vpop (xrf1);
	vm3 =	vgt.f32 v21, v13;
	vm1 =	vmand vm1, vm2  }
0x4e: {  	v36 =	vor.u32 s26, v4;
	v12 =	vor.u32 s26, v0;
	v30, v31, _ =	vpop (xrf1);
	vm1 =	vmor vm3, vm1  }
0x4f: {  	vm2 =	veq.f32 v15, v30;
	vm4 =	vlt.s32 v19, v31;
	v13 =	vsel vm1, v21, v13;
	v14 =	vld.idx.msk [tilespmem:v14+s2+$0x0], $0xffff  }
0x50: {  	s30 =	simm.s32 $0x5;
	v32, v33, _ =	vpop (xrf1);
	v20 =	vsel vm1, v23, v20;
	vm1 =	vgt.f32 v15, v30;
	vm2 =	vmand vm2, vm4  }
0x51: {  	v40 =	vor.u32 s30, v4;
	v21, v34, _ =	vpop (xrf1);
	vm2 =	vmor vm1, vm2  }
0x52: {  	v37 =	vor.u32 s26, v2;
	vm3 =	veq.f32 v26, v32;
	v23, v35, _ =	vpop (xrf1);
	v19 =	vsel vm2, v19, v31  }
0x53: {  	vm1 =	vlt.s32 v27, v33;
	v38, v39, _ =	vpop (xrf1);
	(xrf1) =	vsort.ascd.msk.f32 $0xffff, v13, v20;
	v15 =	vsel vm2, v15, v30;
	v20 =	vld.idx.msk [tilespmem:v12+s2+$0x0], $0xffff  }
0x54: {  	v41 =	vor.u32 s30, v6;
	vm5 =	vgt.f32 v26, v32;
	vm1 =	vmand vm3, vm1;
	(xrf1) =	vsort.ascd.msk.f32 $0xffff, v14, v7;
	v14 =	vld.idx.msk [tilespmem:v36+s2+$0x0], $0xffff  }
0x55: {  	v13 =	vor.u32 s30, v0;
	vm6 =	vlt.s32 v34, v39;
	vm7 =	veq.f32 v21, v38;
	(xrf1) =	vsort.dscd.msk.f32 $0xffff, v15, v19;
	v30, v31, _ =	vpop (xrf1)  }
0x56: {  	vm4 =	vgt.f32 v21, v38;
	vm5 =	vmor vm5, vm1;
	vm3 =	vmand vm7, vm6;
	v15, v19, _ =	vpop (xrf1)  }
0x57: {  	vm1 =	vmor vm4, vm3;
	vm2 =	vlt.s32 v31, v35;
	vm3 =	veq.f32 v30, v23;
	v44, v45, _ =	vpop (xrf1)  }
0x58: {  	s31 =	simm.s32 $0x6;
	v48 =	vld.idx.msk [tilespmem:v37+s2+$0x0], $0xffff;
	v27 =	vsel vm5, v27, v33;
	vm2 =	vmand vm3, vm2;
	vm3 =	veq.f32 v44, v15  }
0x59: {  	vm4 =	vlt.s32 v45, v19;
	(xrf1) =	vsort.dscd.msk.f32 $0xffff, v14, v5;
	vm6 =	vgt.f32 v44, v15;
	v14 =	vor.u32 s31, v0  }
0x5a: {  	vm3 =	vmand vm3, vm4;
	(xrf1) =	vsort.dscd.msk.f32 $0xffff, v20, v1;
	v20 =	vsel vm1, v21, v38;
	v21 =	vsel vm5, v26, v32  }
0x5b: {  	v63 =	vor.u32 s30, v2;
	v42 =	vor.u32 s31, v2;
	vm3 =	vmor vm6, vm3;
	(xrf1) =	vsort.dscd.msk.f32 $0xffff, v21, v27  }
0x5c: {  	s28 =	simm.s32 $0x7;
	v26 =	vld.idx.msk [tilespmem:v13+s2+$0x0], $0xffff;
	v15 =	vsel vm3, v44, v15;
	v19 =	vsel vm3, v45, v19;
	vm3 =	vgt.f32 v30, v23  }
0x5d: {  	v43 =	vor.u32 s28, v4;
	v21 =	vld.idx.msk [tilespmem:v41+s2+$0x0], $0xffff;
	v27 =	vsel vm1, v34, v39;
	(xrf1) =	vsort.ascd.msk.f32 $0xffff, v15, v19;
	vm1 =	vmor vm3, vm2  }
0x5e: {  	v49 =	vld.idx.msk [tilespmem:v40+s2+$0x0], $0xffff;
	v15 =	vor.u32 s28, v2;
	(xrf1) =	vsort.ascd.msk.f32 $0xffff, v20, v27;
	v19 =	vsel vm1, v31, v35  }
0x5f: {  	v20 =	vld.idx.msk [tilespmem:v14+s2+$0x0], $0xffff;
	v23 =	vsel vm1, v30, v23;
	(xrf1) =	vsort.ascd.msk.f32 $0xffff, v48, v3  }
0x60: {  	v27 =	vld.idx.msk [tilespmem:v63+s2+$0x0], $0xffff;
	(xrf1) =	vsort.dscd.msk.f32 $0xffff, v23, v19  }
0x61: {  	v30 =	vld.idx.msk [tilespmem:v42+s2+$0x0], $0xffff;
	v31, v50, _ =	vpop (xrf1);
	(xrf1) =	vsort.dscd.msk.f32 $0xffff, v26, v1  }
0x62: {  	v26 =	vld.idx.msk [tilespmem:v43+s2+$0x0], $0xffff;
	(xrf1) =	vsort.ascd.msk.f32 $0xffff, v21, v7;
	v23, v19, _ =	vpop (xrf1)  }
0x63: {  	v51 =	vld.idx.msk [tilespmem:v15+s2+$0x0], $0xffff;
	(xrf1) =	vsort.dscd.msk.f32 $0xffff, v49, v5;
	v53, v52, _ =	vpop (xrf1)  }
0x64: {  	v21 =	vor.u32 s28, v6;
	(xrf1) =	vsort.dscd.msk.f32 $0xffff, v20, v1;
	vm1 =	veq.f32 v53, v31;
	vm2 =	vlt.s32 v52, v50  }
0x65: {  	vm3 =	vgt.f32 v53, v31;
	(xrf1) =	vsort.ascd.msk.f32 $0xffff, v27, v3;
	vm1 =	vmand vm1, vm2  }
0x66: {  	v15 =	vor.u32 s28, v0;
	(xrf1) =	vsort.ascd.msk.f32 $0xffff, v30, v3;
	vm1 =	vmor vm3, vm1  }
0x67: {  	vm2 =	vlt.s32 v25, v22;
	v30 =	vor.u32 s31, v6;
	(xrf1) =	vsort.dscd.msk.f32 $0xffff, v26, v5;
	v31 =	vsel vm1, v53, v31  }
0x68: {  	v27, v26, _ =	vpop (xrf1);
	v55 =	vsel vm1, v52, v50;
	vm1 =	veq.f32 v29, v28;
	(xrf1) =	vsort.ascd.msk.f32 $0xffff, v51, v3  }
0x69: {  	v56 =	vor.u32 s31, v4;
	vm3 =	vgt.f32 v29, v28;
	v54 =	vld.idx.msk [tilespmem:v21+s2+$0x0], $0xffff;
	v21, v20, _ =	vpop (xrf1);
	vm1 =	vmand vm1, vm2  }
0x6a: {  	(xrf1) =	vsort.dscd.msk.f32 $0xffff, v31, v55;
	vm1 =	vmor vm3, vm1;
	v31, v32, _ =	vpop (xrf1)  }
0x6b: {  	v57 =	vld.idx.msk [tilespmem:v15+s2+$0x0], $0xffff;
	vm2 =	veq.f32 v18, v24;
	vm3 =	vlt.s32 v16, v17;
	v28 =	vsel vm1, v29, v28;
	v59, v58, _ =	vpop (xrf1)  }
0x6c: {  	v60 =	vsel vm1, v25, v22;
	vm1 =	vgt.f32 v18, v24;
	vm2 =	vmand vm2, vm3;
	v29 =	vld.idx.msk [tilespmem:v30+s2+$0x0], $0xffff;
	v30, v38, _ =	vpop (xrf1)  }
0x6d: {  	s26 =	simm.s32 $0x8;
	vm1 =	vmor vm1, vm2;
	vm2 =	veq.f32 v31, v59;
	vm3 =	vlt.s32 v32, v58;
	v25, v22, _ =	vpop (xrf1)  }
0x6e: {  	v33 =	vld.idx.msk [tilespmem:v56+s2+$0x0], $0xffff;
	v49 =	vor.u32 s26, v4;
	vm4 =	vgt.f32 v31, v59;
	vm2 =	vmand vm2, vm3;
	v62, v61, _ =	vpop (xrf1)  }
0x6f: {  	s28 =	simm.s32 $0x9;
	(xrf1) =	vsort.ascd.msk.f32 $0xffff, v54, v7;
	v18 =	vsel vm1, v18, v24;
	v17 =	vsel vm1, v16, v17;
	vm2 =	vmor vm4, vm2;
	v63, v52, _ =	vpop (xrf1)  }
0x70: {  	v39 =	vor.u32 s28, v2;
	s31 =	simm.s32 $0xA;
	(xrf1) =	vsort.dscd.msk.f32 $0xffff, v57, v1;
	v16 =	vsel vm2, v31, v59;
	v31 =	vsel vm2, v32, v58;
	v24, v53, _ =	vpop (xrf1)  }
0x71: {  	v50 =	vor.u32 s31, v2;
	vm1 =	veq.f32 v27, v23;
	vm2 =	vlt.s32 v26, v19;
	(xrf1) =	vsort.ascd.msk.f32 $0xffff, v29, v7;
	v55, v54, _ =	vpop (xrf1)  }
0x72: {  	s30 =	simm.s32 $0xB;
	vm3 =	veq.f32 v62, v30;
	vm7 =	vlt.s32 v61, v38;
	v29 =	vor.u32 s26, v6;
	(xrf1) =	vsort.dscd.msk.f32 $0xffff, v16, v31;
	v56, v43, _ =	vpop (xrf1)  }
0x73: {  	v51 =	vor.u32 s30, v4;
	vm4 =	veq.f32 v55, v24;
	vm5 =	vlt.s32 v54, v53;
	v31, v57, _ =	vpop (xrf1);
	(xrf1) =	vsort.dscd.msk.f32 $0xffff, v33, v5  }
0x74: {  	vm3 =	vmand vm3, vm7;
	vm6 =	vgt.f32 v55, v24;
	vm4 =	vmand vm4, vm5;
	v59, v58, _ =	vpop (xrf1)  }
0x75: {  	v16 =	vor.u32 s26, v0;
	vm5 =	vgt.f32 v62, v30;
	vm4 =	vmor vm6, vm4;
	v46, v47, _ =	vpop (xrf1)  }
0x76: {  	vm6 =	veq.f32 v63, v31;
	vm3 =	vmor vm5, vm3;
	vm7 =	vlt.s32 v52, v57;
	v35, v48, _ =	vpop (xrf1);
	(xrf1) =	vsort.ascd.msk.f32 $0xffff, v28, v60  }
0x77: {  	v29 =	vld.idx.msk [tilespmem:v29+s2+$0x0], $0xffff;
	v32 =	vsel vm4, v55, v24;
	v34 =	vsel vm4, v54, v53;
	(xrf1) =	vsort.dscd.msk.f32 $0xffff, v18, v17  }
0x78: {  	vm4 =	vgt.f32 v63, v31;
	vm5 =	veq.f32 v56, v59;
	vm6 =	vmand vm6, vm7  }
0x79: {  	vm4 =	vmor vm4, vm6;
	vm6 =	vlt.s32 v43, v58;
	v28, v24, _ =	vpop (xrf1);
	v17 =	vsel vm3, v62, v30  }
0x7a: {  	v30 =	vor.u32 s26, v2;
	v18 =	vsel vm3, v61, v38;
	v28 =	vmul.f32 $1.442695020e+00, v28  }
0x7b: {  	vm3 =	vgt.f32 v56, v59;
	vm5 =	vmand vm5, vm6;
	v62 =	vor.u32 s28, v4;
	(xrf1) =	vsort.ascd.msk.f32 $0xffff, v32, v34  }
0x7c: {  	vm5 =	vmor vm3, vm5;
	(erf) = vpow2.f32 v28;
	(xrf1) =	vsort.ascd.msk.f32 $0xffff, v29, v7;
	v28 =	vld.idx.msk [tilespmem:v49+s2+$0x0], $0xffff;
	v29 =	vsel vm4, v52, v57  }
0x7d: {  	v31 =	vsel vm4, v63, v31;
	v63 =	vor.u32 s28, v6;
	v43 =	vsel vm5, v43, v58;
	v32, v34, _ =	vpop (xrf1);
	(xrf1) =	vsort.dscd.msk.f32 $0xffff, v17, v18  }
0x7e: {  	v33 =	vsel vm5, v56, v59;
	vm7 =	vlt.s32 v47, v34;
	vm6 =	veq.f32 v46, v32;
	v17 =	vld.idx.msk [tilespmem:v16+s2+$0x0], $0xffff;
	v36, v38, _ =	vpop (xrf1)  }
0x7f: {  	v18 =	vor.u32 s28, v0;
	vm6 =	vmand vm6, vm7;
	vm7 =	vgt.f32 v46, v32;
	(xrf1) =	vsort.dscd.msk.f32 $0xffff, v31, v29;
	v60, v61, _ =	vpop (xrf1)  }
0x80: {  	vm4 =	vlt.s32 v38, v48;
	vm3 =	vmor vm7, vm6;
	vm7 =	veq.f32 v36, v35;
	v31, v29, _ =	vpop (xrf1)  }
0x81: {  	v49 =	vor.u32 s30, v2;
	v32 =	vsel vm3, v46, v32;
	vm4 =	vmand vm7, vm4;
	(xrf1) =	vsort.dscd.msk.f32 $0xffff, v28, v5;
	v28, v52, _ =	vpop (xrf1)  }
0x82: {  	v30 =	vld.idx.msk [tilespmem:v30+s2+$0x0], $0xffff;
	v31 =	vmul.f32 $1.442695020e+00, v31;
	vm5 =	veq.f32 v28, v60;
	vm6 =	vlt.s32 v52, v61  }
0x83: {  	v34 =	vsel vm3, v47, v34;
	(xrf1) =	vsort.dscd.msk.f32 $0xffff, v17, v1;
	vm5 =	vmand vm5, vm6;
	vm6 =	vgt.f32 v28, v60  }
0x84: {  	v17 =	vor.u32 s31, v0;
	(xrf1) =	vsort.dscd.msk.f32 $0xffff, v33, v43;
	(erf) = vpow2.f32 v31;
	vm5 =	vmor vm6, vm5;
	v56, v55, _ =	vpop (xrf1)  }
0x85: {  	vm6 =	vgt.f32 v36, v35;
	v28 =	vsel vm5, v28, v60;
	v57 =	vsel vm5, v52, v61;
	v58, v59, _ =	vpop (xrf1);
	v60 =	vld.idx.msk [tilespmem:v18+s2+$0x0], $0xffff  }
0x86: {  	v61 =	vld.idx.msk [tilespmem:v62+s2+$0x0], $0xffff;
	(xrf1) =	vsort.ascd.msk.f32 $0xffff, v28, v57;
	vm3 =	veq.f32 v58, v56;
	vm5 =	vlt.s32 v59, v55  }
0x87: {  	vm4 =	vmor vm6, vm4;
	v28 =	vld.idx.msk [tilespmem:v63+s2+$0x0], $0xffff;
	vm6 =	vgt.f32 v58, v56;
	(xrf1) =	vsort.ascd.msk.f32 $0xffff, v32, v34;
	vm3 =	vmand vm3, vm5  }
0x88: {  	v62 =	vsel vm4, v38, v48;
	v63 =	vsel vm4, v36, v35;
	(xrf1) =	vsort.ascd.msk.f32 $0xffff, v30, v3;
	vm3 =	vmor vm6, vm3  }
0x89: {  	v44 =	vld.idx.msk [tilespmem:v17+s2+$0x0], $0xffff;
	v30, v31, _ =	vpop (xrf1);
	v37 =	vsel vm3, v58, v56;
	v46 =	vsel vm3, v59, v55;
	(xrf1) =	vsort.dscd.msk.f32 $0xffff, v63, v62  }
0x8a: {  	vm1 =	vmand vm1, vm2;
	v47 =	vld.idx.msk [tilespmem:v39+s2+$0x0], $0xffff;
	v35, v36, _ =	vpop (xrf1);
	vm3 =	vgt.f32 v27, v23;
	(xrf1) =	vsort.dscd.msk.f32 $0xffff, v37, v46  }
0x8b: {  	v50 =	vld.idx.msk [tilespmem:v50+s2+$0x0], $0xffff;
	v48, v39, _ =	vpop (xrf1);
	vm1 =	vmor vm3, vm1;
	(xrf1) =	vsort.dscd.msk.f32 $0xffff, v60, v1  }
0x8c: {  	v34 =	vmul.f32 $1.442695020e+00, v48;
	v41 =	vsel vm1, v27, v23;
	v23 =	vld.idx.msk [tilespmem:v51+s2+$0x0], $0xffff;
	(xrf1) =	vsort.ascd.msk.f32 $0xffff, v28, v7  }
0x8d: {  	vm2 =	vgt.f32 v21, v25;
	v52 =	vor.u32 s30, v6;
	v53, v54, _ =	vpop (xrf1);
	v28 =	vld.idx.msk [tilespmem:v49+s2+$0x0], $0xffff;
	(xrf1) =	vsort.dscd.msk.f32 $0xffff, v61, v5  }
0x8e: {  	v27 =	vpop (erf);
	vm4 =	veq.f32 v53, v30;
	vm5 =	vlt.s32 v54, v31;
	(erf) = vpow2.f32 v34;
	(xrf1) =	vsort.dscd.msk.f32 $0xffff, v44, v1  }
0x8f: {  	v55 =	vor.u32 s31, v6;
	vm6 =	vgt.f32 v53, v30;
	vm4 =	vmand vm4, vm5;
	(xrf1) =	vsort.ascd.msk.f32 $0xffff, v47, v3  }
0x90: {  	vm3 =	vlt.s32 v20, v22;
	v26 =	vsel vm1, v26, v19;
	v56, v57, _ =	vpop (xrf1);
	vm4 =	vmor vm6, vm4;
	(xrf1) =	vsort.ascd.msk.f32 $0xffff, v50, v3  }
0x91: {  	vm1 =	veq.f32 v21, v25;
	v19 =	vor.u32 s30, v0;
	v40, v44, _ =	vpop (xrf1);
	(xrf1) =	vsort.dscd.msk.f32 $0xffff, v23, v5;
	v23 =	vsel vm4, v53, v30  }
0x92: {  	v58 =	vld.idx.msk [tilespmem:v52+s2+$0x0], $0xffff;
	v59 =	vpop (erf);
	vm1 =	vmand vm1, vm3;
	vm5 =	veq.f32 v56, v35;
	vm7 =	vlt.s32 v57, v36  }
0x93: {  	vm1 =	vmor vm2, vm1;
	vm2 =	vgt.f32 v56, v35;
	v30 =	vsel vm4, v54, v31;
	v31, v60, _ =	vpop (xrf1);
	(xrf1) =	vsort.ascd.msk.f32 $0xffff, v28, v3  }
0x94: {  	v45 =	vsel vm1, v21, v25;
	v21 =	vnsel vm0, $0x0, v27;
	vm3 =	vmand vm5, vm7;
	(xrf1) =	vsort.dscd.msk.f32 $0xffff, v23, v30;
	v23, v28, _ =	vpop (xrf1)  }
0x95: {  	s30 =	simm.s32 $0xC;
	(xrf2) =	vadd.scan.msk.f32 $0xffff, v21;
	vm2 =	vmor vm2, vm3;
	v30 =	vor.u32 s31, v4;
	v38, v46, _ =	vpop (xrf1)  }
0x96: {  	[tilespmem:v8+s22+$0x0] =	vst.idx.msk $0xff, v29;
	v29 =	vor.u32 s30, v4;
	v61 =	vld.idx.msk [tilespmem:v55+s2+$0x0], $0xffff;
	v55 =	vor.u32 s30, v2;
	v25 =	vsel vm2, v56, v35;
	v35, v42, _ =	vpop (xrf1)  }
0x97: {  	v47 =	vsel vm1, v20, v22;
	v22 =	vld.idx.msk [tilespmem:v19+s2+$0x0], $0xffff;
	vm1 =	veq.f32 v31, v23;
	vm3 =	vlt.s32 v60, v28;
	v33 =	vpop (erf)  }
0x98: {  	v27 =	vsel vm2, v57, v36;
	(xrf1) =	vsort.ascd.msk.f32 $0xffff, v58, v7;
	vm2 =	vgt.f32 v31, v23;
	vm1 =	vmand vm1, vm3;
	v36, v43, _ =	vpop (xrf1)  }
0x99: {  	v20 =	vnsel vm0, $0x0, v59;
	vm3 =	veq.f32 v40, v35;
	vm1 =	vmor vm2, vm1;
	v62, v48, _ =	vpop (xrf1)  }
0x9a: {  	vm2 =	vlt.s32 v44, v42;
	vm4 =	vgt.f32 v40, v35;
	v49 =	vld.idx.msk [tilespmem:v30+s2+$0x0], $0xffff;
	v23 =	vsel vm1, v31, v23;
	v31, v50, _ =	vpop (xrf1)  }
0x9b: {  	(xrf2) =	vadd.scan.msk.f32 $0xffff, v20;
	vm2 =	vmand vm3, vm2;
	v30 =	vsel vm1, v60, v28;
	vm1 =	veq.f32 v36, v38;
	v63, v51, _ =	vpop (xrf1)  }
0x9c: {  	vm3 =	vgt.f32 v36, v38;
	(xrf1) =	vsort.dscd.msk.f32 $0xffff, v22, v1;
	v60 =	vmul.f32 $1.442695020e+00, v62;
	vm2 =	vmor vm4, vm2;
	v62, v53, _ =	vpop (xrf1)  }
0x9d: {  	v22 =	vor.u32 s30, v0;
	(xrf1) =	vsort.ascd.msk.f32 $0xffff, v61, v7;
	v61 =	vor.u32 s30, v6;
	v28 =	vsel vm2, v40, v35;
	v56, v57, _ =	vpop (xrf1)  }
0x9e: {  	(xrf1) =	vsort.dscd.msk.f32 $0xffff, v23, v30;
	v30 =	vsel vm2, v44, v42;
	vm2 =	vlt.s32 v43, v46;
	v23 =	vnsel vm0, $0x0, v33;
	v54, v40, _ =	vpop (xrf1)  }
0x9f: {  	(erf) = vpow2.f32 v60;
	vm4 =	veq.f32 v62, v63;
	vm5 =	vlt.s32 v53, v51;
	(xrf1) =	vsort.dscd.msk.f32 $0xffff, v49, v5;
	v49, _, _ =	vpop (xrf2)  }
0xa0: {  	vm6 =	vgt.f32 v62, v63;
	vm1 =	vmand vm1, vm2;
	vm4 =	vmand vm4, vm5;
	v58, v59, _ =	vpop (xrf1)  }
0xa1: {  	[tilespmem:v9+s22+$0x0] =	vst.idx.msk $0xff, v24;
	vm1 =	vmor vm3, vm1;
	vm4 =	vmor vm6, vm4;
	vm5 =	veq.f32 v31, v54;
	v52, v35, _ =	vpop (xrf1)  }
0xa2: {  	[tilespmem:v10+s22+$0x0] =	vst.idx.msk $0xff, v39;
	vm2 =	vgt.f32 v31, v54;
	v38 =	vsel vm1, v36, v38;
	v34 =	vbroadcast v49, $0xF;
	v32, v33, _ =	vpop (xrf1)  }
0xa3: {  	(xrf2) =	vadd.scan.msk.f32 $0xffff, v23;
	v43 =	vsel vm1, v43, v46;
	v42 =	vsel vm4, v62, v63;
	v24 =	vsel vm4, v53, v51;
	v63, v44, _ =	vpop (xrf1)  }
0xa4: {  	s31 =	simm.s32 $0xD;
	vm3 =	veq.f32 v56, v58;
	v51 =	vld.idx.msk [tilespmem:v61+s2+$0x0], $0xffff;
	vm4 =	vlt.s32 v50, v40;
	v39 =	vmul.f32 $1.442695020e+00, v63  }
0xa5: {  	v3 =	vmovc v2;
	[tilespmem:v11+s22+$0x0] =	vst.idx.msk $0xff, v48;
	vm6 =	vgt.f32 v56, v58;
	v53 =	vor.u32 s31, v6;
	vm1 =	vmand vm5, vm4  }
0xa6: {  	v46 =	vld.idx.msk [tilespmem:v29+s2+$0x0], $0xffff;
	vm2 =	vmor vm2, vm1;
	vm1 =	vlt.s32 v57, v59;
	v60, v37, _ =	vpop (xrf1);
	(xrf1) =	vsort.ascd.msk.f32 $0xffff, v41, v26;
	(erf) = vpow2.f32 v39  }
0xa7: {  	s29 =	simm.s32 $0xE;
	s28 =	simm.s32 $0xF;
	v29 =	vsel vm2, v50, v40;
	vm1 =	vmand vm3, vm1;
	[tilespmem:v13+s22+$0x0] =	vst.idx.msk $0xff, v44;
	(xrf1) =	vsort.dscd.msk.f32 $0xffff, v45, v47  }
0xa8: {  	v31 =	vsel vm2, v31, v54;
	v50 =	vor.u32 s29, v2;
	v44 =	vor.u32 s28, v4;
	v26 =	vpop (erf);
	(xrf1) =	vsort.ascd.msk.f32 $0xffff, v42, v24  }
0xa9: {  	vm3 =	vmor vm6, vm1;
	v41 =	vor.u32 s28, v2;
	vm4 =	vgt.f32 v52, v60;
	v24, _, _ =	vpop (xrf2);
	(xrf1) =	vsort.ascd.msk.f32 $0xffff, v51, v7  }
0xaa: {  	v61 =	vld.idx.msk [tilespmem:v22+s2+$0x0], $0xffff;
	vm5 =	vlt.s32 v35, v37;
	vm7 =	veq.f32 v52, v60;
	v47 =	vor.u32 s31, v4;
	v39, v40, _ =	vpop (xrf1)  }
0xab: {  	v45 =	vor.u32 s29, v4;
	v56 =	vsel vm3, v56, v58;
	vm5 =	vmand vm7, vm5;
	v49, v48, _ =	vpop (xrf1);
	(xrf1) =	vsort.dscd.msk.f32 $0xffff, v38, v43  }
0xac: {  	v26 =	vnsel vm0, $0x0, v26;
	vm1 =	vmor vm4, vm5;
	v36 =	vbroadcast v24, $0xF;
	(xrf1) =	vsort.dscd.msk.f32 $0xffff, v31, v29;
	v43, v29, _ =	vpop (xrf1)  }
0xad: {  	v42 =	vld.idx.msk [tilespmem:v55+s2+$0x0], $0xffff;
	v51 =	vor.u32 s31, v2;
	v24 =	vor.u32 s31, v0;
	v52 =	vsel vm1, v52, v60;
	(xrf1) =	vsort.dscd.msk.f32 $0xffff, v46, v5;
	v46, _, _ =	vpop (xrf2)  }
0xae: {  	(xrf2) =	vadd.scan.msk.f32 $0xffff, v26;
	vm2 =	vlt.s32 v40, v33;
	vm4 =	veq.f32 v39, v32;
	v31 =	vsel vm3, v57, v59;
	v55, v54, _ =	vpop (xrf1)  }
0xaf: {  	s25 =	simm.s32 $0x10;
	vm2 =	vmand vm4, vm2;
	vm3 =	vgt.f32 v39, v32;
	(xrf1) =	vsort.dscd.msk.f32 $0xffff, v61, v1;
	vm4 =	veq.f32 v55, v49;
	v38 =	vpop (erf)  }
.LBB2_2:
0xb0: {  	_ =	sdelay $0x1  }
0xb1: {  	v43 =	vmul.f32 $1.442695020e+00, v43  }
0xb2: {  	vm6 =	vlt.s32 v54, v48;
	v2 =	vld [tilespmem:$0x1FFE0]  }
0xb3: {  	v51 =	vld.idx.msk [tilespmem:v51+s2+$0x0], $0xffff;
	vm5 =	vgt.f32 v55, v49;
	v57, v58, _ =	vpop (xrf1);
	vm4 =	vmand vm4, vm6;
	(erf) = vpow2.f32 v43  }
0xb4: {  	v53 =	vld.idx.msk [tilespmem:v53+s2+$0x0], $0xffff;
	v38 =	vnsel vm0, $0x0, v38;
	[tilespmem:v14+s22+$0x0] =	vst.idx.msk $0xff, v29;
	vm4 =	vmor vm5, vm4;
	v60, v61, _ =	vpop (xrf1)  }
0xb5: {  	v48 =	vsel vm4, v54, v48;
	v1, v0, _ =	vpop (xrf1);
	(xrf1) =	vsort.dscd.msk.f32 $0xffff, v56, v31;
	v31 =	vld.idx.msk [tilespmem:v45+s2+$0x0], $0xffff;
	v45 =	vsel vm4, v55, v49  }
0xb6: {  	v62 =	vld.idx.msk [tilespmem:v24+s2+$0x0], $0xffff;
	v63 =	vor.u32 s29, v6;
	vm2 =	vmor vm3, vm2;
	v37 =	vsel vm1, v35, v37;
	v49, v54, _ =	vpop (xrf1);
	(xrf1) =	vsort.ascd.msk.f32 $0xffff, v45, v48  }
0xb7: {  	v46 =	vbroadcast v46, $0xF;
	v33 =	vsel vm2, v40, v33;
	v59 =	vor.u32 s29, v2;
	(xrf1) =	vsort.ascd.msk.f32 $0xffff, v52, v37;
	v52 =	vld [tilespmem:$0x1FFF0]  }
0xb8: {  	v47 =	vld.idx.msk [tilespmem:v47+s2+$0x0], $0xffff;
	v29 =	vmovc v30;
	v32 =	vsel vm2, v39, v32;
	(erf) = vrcp.f32 v36;
	vm5 =	veq.f32 v60, v57  }
0xb9: {  	v30 =	vmovc v9;
	v41 =	vld.idx.msk [tilespmem:v41+s2+$0x0], $0xffff;
	vm3 =	vgt.f32 v60, v57;
	(erf) = vrcp.f32 v34;
	vm4 =	vlt.s32 v61, v58  }
0xba: {  	v34 =	vld.idx.msk [tilespmem:v44+s2+$0x0], $0xffff;
	v35 =	vor.u32 s28, v2;
	v55 =	vor.u32 s28, v6;
	vm1 =	vmand vm5, vm4;
	v9, _, _ =	vpop (xrf2)  }
0xbb: {  	v40 =	vld.idx.msk [tilespmem:v63+s2+$0x0], $0xffff;
	(erf) = vrcp.f32 v46;
	vm1 =	vmor vm3, vm1;
	v48, v37, _ =	vpop (xrf1);
	v56 =	vbroadcast v9, $0xF  }
0xbc: {  	v43 =	vld.idx.msk [tilespmem:v59+s2+$0x0], $0xffff;
	v9 =	vmov v13;
	v13 =	vmov v18;
	v36 =	vmul.f32 $1.442695020e+00, v48;
	v18 =	vpop (erf);
	(xrf1) =	vsort.ascd.msk.f32 $0xffff, v42, v52  }
0xbd: {  	v60 =	vsel vm1, v60, v57;
	v63 =	vsel vm1, v61, v58;
	(erf) = vrcp.f32 v56;
	v42, v44, _ =	vpop (xrf1);
	(xrf1) =	vsort.dscd.msk.f32 $0xffff, v32, v33  }
0xbe: {  	v50 =	vld.idx.msk [tilespmem:v50+s2+$0x0], $0xffff;
	(erf) = vpow2.f32 v36;
	vm1 =	veq.f32 v42, v1;
	v58, v57, _ =	vpop (xrf1);
	(xrf1) =	vsort.dscd.msk.f32 $0xffff, v60, v63;
	v63 =	vlaneseq.u32  }
0xbf: {  	v46 =	vld.idx.msk [tilespmem:v55+s2+$0x0], $0xffff;
	vm2 =	vgt.f32 v42, v1;
	vm3 =	vlt.s32 v44, v0;
	v45, v48, _ =	vpop (xrf1);
	(xrf1) =	vsort.dscd.msk.f32 $0xffff, v62, v63  }
0xc0: {  	v32 =	vld.idx.msk [tilespmem:v35+s2+$0x0], $0xffff;
	[tilespmem:v15+s22+$0x0] =	vst.idx.msk $0xff, v37;
	vm4 =	veq.f32 v58, v49;
	(xrf1) =	vsort.ascd.msk.f32 $0xffff, v53, v7  }
0xc1: {  	vm1 =	vmand vm1, vm3;
	vm3 =	vgt.f32 v58, v49;
	vm5 =	vlt.s32 v57, v54;
	(xrf1) =	vsort.dscd.msk.f32 $0xffff, v47, v5  }
0xc2: {  	vm1 =	vmor vm2, vm1;
	v62 =	vnsel vm0, $0x0, v18;
	v18 =	vmov v24;
	v47 =	vpop (erf);
	(xrf1) =	vsort.dscd.msk.f32 $0xffff, v43, v63  }
0xc3: {  	v1 =	vsel vm1, v42, v1;
	v0 =	vsel vm1, v44, v0;
	vm1 =	vmand vm4, vm5;
	v53, v55, _ =	vpop (xrf1);
	(xrf1) =	vsort.ascd.msk.f32 $0xffff, v51, v52  }
0xc4: {  	s26 =	smov.u32 s25;
	vm1 =	vmor vm3, vm1;
	v37 =	vmul.f32 v47, v20;
	v20 =	vmov v62;
	v56 =	vpop (erf);
	(xrf1) =	vsort.ascd.msk.f32 $0xffff, v50, v52  }
0xc5: {  	s30 =	sadd.s32 $0x1, s26;
	v36 =	vsel vm1, v58, v49;
	v24 =	vsel vm1, v57, v54;
	v43 =	vor.u32 s26, v2;
	v58 =	vpop (erf);
	(xrf1) =	vsort.dscd.msk.f32 $0xffff, v34, v5  }
0xc6: {  	v62 =	vor.u32 s26, v6;
	v54 =	vor.u32 s26, v4;
	v47 =	vor.u32 s30, v4;
	v61 =	vpop (erf);
	(xrf1) =	vsort.ascd.msk.f32 $0xffff, v41, v52  }
0xc7: {  	v57 =	vmul.f32 v56, v21;
	v21 =	vmov v38;
	v33 =	vmul.f32 v61, v26;
	v26 =	vpop (erf);
	(xrf1) =	vsort.dscd.msk.f32 $0xffff, v1, v0  }
0xc8: {  	v51 =	vor.u32 s30, v3;
	[tilespmem:v8+s23+$0x0] =	vst.idx.msk $0xff, v37;
	v8 =	vmov v14;
	v60 =	vmul.f32 v58, v23;
	v0, v1, _ =	vpop (xrf1)  }
0xc9: {  	v14 =	vmov v17;
	v17 =	vmov v59;
	(xrf2) =	vadd.scan.msk.f32 $0xffff, v21;
	[tilespmem:v30+s23+$0x0] =	vst.idx.msk $0xff, v57;
	v34, v38, _ =	vpop (xrf1)  }
0xca: {  	[tilespmem:v10+s23+$0x0] =	vst.idx.msk $0xff, v60;
	v10 =	vmov v15;
	vm1 =	veq.f32 v53, v0;
	vm2 =	vlt.s32 v55, v1;
	v23, v30, _ =	vpop (xrf1)  }
0xcb: {  	v15 =	vmov v19;
	[tilespmem:v11+s23+$0x0] =	vst.idx.msk $0xff, v33;
	vm3 =	vgt.f32 v53, v0;
	vm1 =	vmand vm1, vm2;
	v37, v41, _ =	vpop (xrf1)  }
0xcc: {  	(xrf1) =	vsort.ascd.msk.f32 $0xffff, v46, v7;
	vm1 =	vmor vm3, vm1;
	vm2 =	veq.f32 v45, v23;
	vm4 =	vlt.s32 v48, v30;
	v11, v19, _ =	vpop (xrf1)  }
0xcd: {  	(xrf1) =	vsort.dscd.msk.f32 $0xffff, v32, v63;
	vm3 =	vgt.f32 v45, v23;
	v1 =	vsel vm1, v55, v1;
	vm2 =	vmand vm2, vm4;
	v44, v42, _ =	vpop (xrf1)  }
0xce: {  	v0 =	vsel vm1, v53, v0;
	v53 =	vor.u32 s30, v6;
	vm3 =	vmor vm3, vm2;
	v49, v50, _ =	vpop (xrf1)  }
0xcf: {  	vm1 =	veq.f32 v37, v34;
	(xrf1) =	vsort.ascd.msk.f32 $0xffff, v40, v7;
	v32 =	vmul.f32 $1.442695020e+00, v11;
	v46 =	vsel vm3, v45, v23;
	v23, v45, _ =	vpop (xrf1)  }
0xd0: {  	[tilespmem:v12+s22+$0x0] =	vst.idx.msk $0xff, v19;
	vm2 =	vgt.f32 v37, v34;
	v19 =	vmov v35;
	v11 =	vmov v12;
	v56, v52, _ =	vpop (xrf1)  }
0xd1: {  	v30 =	vsel vm3, v48, v30;
	vm3 =	vlt.s32 v41, v38;
	(erf) = vpow2.f32 v32;
	(xrf1) =	vsort.dscd.msk.f32 $0xffff, v0, v1;
	v0, v1, _ =	vpop (xrf1)  }
0xd2: {  	(xrf2) =	vadd.scan.msk.f32 $0xffff, v20;
	vm1 =	vmand vm1, vm3;
	vm4 =	veq.f32 v23, v49;
	vm5 =	vlt.s32 v45, v50;
	v58, v59, _ =	vpop (xrf1)  }
0xd3: {  	vm6 =	vgt.f32 v23, v49;
	vm1 =	vmor vm2, vm1;
	vm4 =	vmand vm4, vm5;
	(xrf1) =	vsort.dscd.msk.f32 $0xffff, v31, v5;
	v60, v35, _ =	vpop (xrf1)  }
0xd4: {  	v55 =	vsel vm1, v37, v34;
	vm4 =	vmor vm6, vm4;
	vm5 =	veq.f32 v44, v0;
	v32, v33, _ =	vpop (xrf1);
	(xrf1) =	vsort.ascd.msk.f32 $0xffff, v25, v27  }
0xd5: {  	vm3 =	vgt.f32 v44, v0;
	v31 =	vsel vm4, v23, v49;
	v23 =	vnsel vm0, $0x0, v26;
	v25, v27, _ =	vpop (xrf1);
	(xrf1) =	vsort.dscd.msk.f32 $0xffff, v28, v29  }
0xd6: {  	s29 =	sadd.s32 $0x2, s26;
	v26 =	vsel vm4, v45, v50;
	vm2 =	veq.f32 v56, v58;
	vm4 =	vlt.s32 v42, v1;
	v28, _, _ =	vpop (xrf2);
	(xrf2) =	vadd.scan.msk.f32 $0xffff, v23  }
0xd7: {  	v12 =	vmovc v16;
	v16 =	vmovc v22;
	v22 =	vld.idx.msk [tilespmem:v62+s2+$0x0], $0xffff;
	vm6 =	vgt.f32 v56, v58;
	v45 =	vor.u32 s29, v4;
	v25 =	vmul.f32 $1.442695020e+00, v25  }
0xd8: {  	v50 =	vor.u32 s29, v3;
	v29 =	vor.u32 s26, v3;
	(xrf1) =	vsort.ascd.msk.f32 $0xffff, v31, v26;
	v34 =	vbroadcast v28, $0xF  }
0xd9: {  	s28 =	sadd.s32 $0x3, s26;
	v26 =	vsel vm1, v41, v38;
	vm1 =	vmand vm5, vm4;
	[tilespmem:v13+s22+$0x0] =	vst.idx.msk $0xff, v27;
	v27 =	vmovc v24;
	(erf) = vpow2.f32 v25  }
0xda: {  	v24 =	vor.u32 s30, v2;
	v41 =	vor.u32 s28, v3;
	vm7 =	vmor vm3, vm1;
	v61, v37, _ =	vpop (xrf1)  }
0xdb: {  	v31 =	vld.idx.msk [tilespmem:v54+s2+$0x0], $0xffff;
	v28 =	vmov v46;
	vm1 =	vlt.s32 v52, v59;
	v1 =	vsel vm7, v42, v1;
	v39, v40, _ =	vpop (xrf1)  }
0xdc: {  	vm1 =	vmand vm2, vm1;
	v0 =	vsel vm7, v44, v0;
	(xrf1) =	vsort.ascd.msk.f32 $0xffff, v22, v7;
	vm4 =	vgt.f32 v60, v61;
	v22, _, _ =	vpop (xrf2)  }
0xdd: {  	p0 =	slt.u32 s25, $0x7C;
	v57 =	vld.idx.msk [tilespmem:v43+s2+$0x0], $0xffff;
	vm5 =	vlt.s32 v35, v37;
	vm3 =	veq.f32 v60, v61;
	v25 =	vmov v36;
	v49, v48, _ =	vpop (xrf1)  }
.Ltmp0:
0xde: {  	vm2 =	vmand vm3, vm5;
	vm3 =	vmor vm6, vm1;
	v36 =	vbroadcast v22, $0xF;
	(xrf1) =	vsort.dscd.msk.f32 $0xffff, v55, v26;
	v26 =	vpop (erf);
	(pc) =	sbr.rel @p0 .LBB2_2-.Ltmp0, $4  }
0xdf: {  	v42 =	vld.idx.msk [tilespmem:v29+s2+$0x0], $0xffff;
	v22 =	vmov v43;
	vm1 =	vmor vm4, vm2;
	(xrf1) =	vsort.dscd.msk.f32 $0xffff, v0, v1;
	v26 =	vnsel vm0, $0x0, v26;
	v43, v29, _ =	vpop (xrf1)  }
0xe0: {  	vm2 =	vlt.s32 v40, v33;
	vm4 =	veq.f32 v39, v32;
	v56 =	vsel vm3, v56, v58;
	(xrf2) =	vadd.scan.msk.f32 $0xffff, v26;
	v46, _, _ =	vpop (xrf2)  }
0xe1: {  	v44 =	vor.u32 s28, v4;
	(xrf1) =	vsort.dscd.msk.f32 $0xffff, v31, v5;
	v31 =	vsel vm3, v52, v59;
	v52 =	vsel vm1, v60, v61;
	v55, v54, _ =	vpop (xrf1)  }
0xe2: {  	s25 =	sadd.s32 $0x4, s25;
	vm2 =	vmand vm4, vm2;
	vm3 =	vgt.f32 v39, v32;
	(xrf1) =	vsort.dscd.msk.f32 $0xffff, v57, v63;
	v38 =	vpop (erf);
	vm4 =	veq.f32 v55, v49  }
0xe3: {  	vm5 =	vlt.s32 v54, v48  }
0xe4: {  	vm6 =	vgt.f32 v55, v49;
	vm4 =	vmand vm4, vm5  }
0xe5: {  	v2 =	vld [tilespmem:$0x1FFE0];
	vm4 =	vmor vm6, vm4  }
0xe6: {  	v1 =	vsel vm4, v54, v48;
	_ =	sdelay $0x1  }
0xe7: {  	(xrf1) =	vsort.dscd.msk.f32 $0xffff, v56, v31;
	v59, v58, _ =	vpop (xrf1);
	v0 =	vsel vm4, v55, v49  }
0xe8: {  	v35 =	vsel vm1, v35, v37;
	v31 =	vld [tilespmem:$0x1FFF0];
	(xrf1) =	vsort.ascd.msk.f32 $0xffff, v0, v1;
	v1, v61, _ =	vpop (xrf1)  }
0xe9: {  	v60 =	vor.u32 s29, v2;
	vm9 =	veq.f32 v1, v59;
	vm10 =	vlt.s32 v61, v58  }
0xea: {  	vm1 =	vmor vm3, vm2;
	[tilespmem:$0x1FFC0] =	vst v60;
	vm2 =	vgt.f32 v1, v59;
	vm3 =	vmand vm9, vm10  }
0xeb: {  	v33 =	vsel vm1, v40, v33;
	v32 =	vsel vm1, v39, v32;
	v62 =	vld.idx.msk [tilespmem:v24+s2+$0x0], $0xffff;
	vm1 =	vmor vm2, vm3  }
0xec: {  	(xrf1) =	vsort.ascd.msk.f32 $0xffff, v52, v35;
	v0 =	vld.idx.msk [tilespmem:v53+s2+$0x0], $0xffff;
	v1 =	vsel vm1, v1, v59  }
0xed: {  	v47 =	vld.idx.msk [tilespmem:v47+s2+$0x0], $0xffff;
	(xrf1) =	vsort.ascd.msk.f32 $0xffff, v42, v31  }
0xee: {  	v40 =	vld.idx.msk [tilespmem:v51+s2+$0x0], $0xffff;
	(xrf1) =	vsort.dscd.msk.f32 $0xffff, v32, v33;
	v55 =	vsel vm1, v61, v58  }
0xef: {  	v57 =	vor.u32 s28, v2;
	v2 =	vlaneseq.u32;
	v63 =	vld.idx.msk [tilespmem:v60+s2+$0x0], $0xffff;
	(xrf1) =	vsort.dscd.msk.f32 $0xffff, v1, v55;
	v1, v42, _ =	vpop (xrf1)  }
0xf0: {  	v56 =	vor.u32 s28, v6;
	v48 =	vld.idx.msk [tilespmem:v50+s2+$0x0], $0xffff;
	(xrf1) =	vsort.dscd.msk.f32 $0xffff, v62, v2;
	v50, v37, _ =	vpop (xrf1)  }
0xf1: {  	[tilespmem:$0x1FFD0] =	vst v57;
	(xrf1) =	vsort.ascd.msk.f32 $0xffff, v0, v7;
	v0, v59, _ =	vpop (xrf1)  }
0xf2: {  	v58 =	vor.u32 s29, v6;
	v44 =	vld.idx.msk [tilespmem:v44+s2+$0x0], $0xffff;
	[tilespmem:$0x1FFB0] =	vst v59  }
0xf3: {  	(xrf1) =	vsort.dscd.msk.f32 $0xffff, v47, v5;
	v62, v61, _ =	vpop (xrf1);
	v60 =	vld.idx.msk [tilespmem:v41+s2+$0x0], $0xffff  }
0xf4: {  	(xrf1) =	vsort.dscd.msk.f32 $0xffff, v63, v2;
	vm1 =	veq.f32 v62, v1;
	vm2 =	vlt.s32 v61, v42  }
0xf5: {  	v63 =	vld.idx.msk [tilespmem:v56+s2+$0x0], $0xffff;
	v53, v39, _ =	vpop (xrf1);
	(xrf1) =	vsort.ascd.msk.f32 $0xffff, v40, v31;
	vm3 =	vgt.f32 v62, v1;
	vm1 =	vmand vm1, vm2  }
0xf6: {  	v32 =	vld.idx.msk [tilespmem:v57+s2+$0x0], $0xffff;
	v41, v40, _ =	vpop (xrf1);
	(xrf1) =	vsort.ascd.msk.f32 $0xffff, v48, v31;
	vm1 =	vmor vm3, vm1  }
0xf7: {  	v48 =	vld.idx.msk [tilespmem:v58+s2+$0x0], $0xffff;
	v33, v55, _ =	vpop (xrf1);
	(xrf1) =	vsort.dscd.msk.f32 $0xffff, v44, v5;
	v1 =	vsel vm1, v62, v1  }
0xf8: {  	v42 =	vsel vm1, v61, v42;
	(xrf1) =	vsort.ascd.msk.f32 $0xffff, v60, v31;
	v60, v61, _ =	vpop (xrf1)  }
0xf9: {  	v62 =	vld.idx.msk [tilespmem:v45+s2+$0x0], $0xffff;
	(xrf1) =	vsort.dscd.msk.f32 $0xffff, v1, v42;
	vm1 =	veq.f32 v33, v60;
	vm2 =	vlt.s32 v55, v61  }
0xfa: {  	v1, _, _ =	vpop (xrf2);
	vm3 =	vgt.f32 v33, v60;
	(xrf1) =	vsort.ascd.msk.f32 $0xffff, v63, v7;
	vm1 =	vmand vm1, vm2  }
0xfb: {  	v42, v56, _ =	vpop (xrf1);
	(xrf1) =	vsort.dscd.msk.f32 $0xffff, v32, v2;
	vm1 =	vmor vm3, vm1  }
0xfc: {  	v45, v44, _ =	vpop (xrf1);
	v63 =	vsel vm1, v33, v60;
	v31 =	vsel vm1, v55, v61;
	(xrf1) =	vsort.ascd.msk.f32 $0xffff, v48, v7  }
0xfd: {  	v48, v49, _ =	vpop (xrf1);
	(xrf1) =	vsort.dscd.msk.f32 $0xffff, v63, v31  }
0xfe: {  	v43 =	vmul.f32 $1.442695020e+00, v43;
	v47, v35, _ =	vpop (xrf1);
	(xrf1) =	vsort.dscd.msk.f32 $0xffff, v62, v5  }
0xff: {  	v46 =	vbroadcast v46, $0xF;
	v51, v52, _ =	vpop (xrf1)  }
0x100: {  	(erf) = vpow2.f32 v43;
	v1 =	vbroadcast v1, $0xF;
	v32, v54, _ =	vpop (xrf1)  }
0x101: {  	(erf) = vrcp.f32 v36;
	v0 =	vmul.f32 $1.442695020e+00, v0;
	v33, v31, _ =	vpop (xrf1)  }
0x102: {  	(erf) = vrcp.f32 v34;
	v57, v58, _ =	vpop (xrf1)  }
0x103: {  	(erf) = vrcp.f32 v46;
	v46, v59, _ =	vpop (xrf1)  }
0x104: {  	(erf) = vrcp.f32 v1;
	vm1 =	veq.f32 v33, v32;
	vm2 =	vlt.s32 v31, v54;
	v1, v60, _ =	vpop (xrf1)  }
0x105: {  	(erf) = vpow2.f32 v0;
	vm3 =	vgt.f32 v33, v32;
	vm1 =	vmand vm1, vm2;
	v0, v61, _ =	vpop (xrf1)  }
0x106: {  	vm11 =	vlt.s32 v49, v56;
	v47 =	vmul.f32 $1.442695020e+00, v47;
	(xrf1) =	vsort.ascd.msk.f32 $0xffff, v25, v27;
	vm1 =	vmor vm3, vm1;
	v62, v63, _ =	vpop (xrf1)  }
0x107: {  	vm2 =	veq.f32 v48, v42;
	vm3 =	vgt.f32 v48, v42;
	v36 =	vsel vm1, v33, v32;
	v33, v34, _ =	vpop (xrf1)  }
0x108: {  	vm12 =	veq.f32 v51, v46;
	v43 =	vsel vm1, v31, v54;
	vm1 =	vmand vm2, vm11;
	v54, v55, _ =	vpop (xrf1)  }
0x109: {  	(xrf1) =	vsort.dscd.msk.f32 $0xffff, v28, v30;
	vm2 =	vgt.f32 v51, v46;
	vm1 =	vmor vm3, vm1;
	vm3 =	vlt.s32 v52, v59;
	v31, v32, _ =	vpop (xrf1)  }
0x10a: {  	vm13 =	veq.f32 v57, v1;
	v27 =	vsel vm1, v48, v42;
	vm3 =	vmand vm12, vm3;
	v42, v48, _ =	vpop (xrf1)  }
0x10b: {  	v28 =	vsel vm1, v49, v56;
	vm1 =	vmor vm2, vm3;
	vm2 =	vlt.s32 v58, v60;
	v49, v25, _ =	vpop (xrf1)  }
0x10c: {  	(xrf1) =	vsort.ascd.msk.f32 $0xffff, v36, v43;
	vm3 =	vgt.f32 v57, v1;
	v30 =	vsel vm1, v52, v59;
	vm2 =	vmand vm13, vm2;
	v52, v56, _ =	vpop (xrf1)  }
0x10d: {  	vm2 =	vmor vm3, vm2;
	vm3 =	veq.f32 v52, v42;
	vm14 =	vlt.s32 v56, v48  }
0x10e: {  	(xrf1) =	vsort.dscd.msk.f32 $0xffff, v27, v28;
	v46 =	vsel vm1, v51, v46;
	vm1 =	vgt.f32 v52, v42;
	vm3 =	vmand vm3, vm14  }
0x10f: {  	(xrf1) =	vsort.dscd.msk.f32 $0xffff, v46, v30;
	v51 =	vsel vm2, v58, v60;
	v1 =	vsel vm2, v57, v1;
	vm1 =	vmor vm1, vm3  }
0x110: {  	(xrf1) =	vsort.dscd.msk.f32 $0xffff, v1, v51;
	v1 =	vsel vm1, v52, v42;
	v57 =	vsel vm1, v56, v48  }
0x111: {  	(erf) = vpow2.f32 v47;
	(xrf1) =	vsort.ascd.msk.f32 $0xffff, v1, v57  }
0x112: {  	v27 =	vnsel vm0, $0x0, v38;
	vm15 =	vlt.s32 v61, v55;
	vm9 =	veq.f32 v0, v54;
	v58 =	vpop (erf)  }
0x113: {  	vm10 =	vgt.f32 v0, v54;
	vm2 =	vlt.s32 v39, v37;
	vm4 =	vmand vm9, vm15;
	v42 =	vpop (erf)  }
0x114: {  	vm11 =	vlt.s32 v32, v63;
	vm12 =	veq.f32 v31, v62;
	vm1 =	veq.f32 v53, v50;
	v47, v48, _ =	vpop (xrf1)  }
0x115: {  	vm13 =	vgt.f32 v31, v62;
	vm3 =	vgt.f32 v53, v50;
	vm1 =	vmand vm1, vm2;
	v36 =	vpop (erf)  }
0x116: {  	v28 =	vnsel vm0, $0x0, v58;
	vm4 =	vmor vm10, vm4;
	vm1 =	vmor vm3, vm1;
	v38 =	vpop (erf)  }
0x117: {  	vm5 =	vmand vm12, vm11;
	v0 =	vsel vm4, v0, v54;
	v1 =	vsel vm1, v53, v50;
	v50, v51, _ =	vpop (xrf1)  }
0x118: {  	(xrf2) =	vadd.scan.msk.f32 $0xffff, v27;
	vm5 =	vmor vm13, vm5;
	v43 =	vpop (erf);
	vm7 =	veq.f32 v50, v47;
	vm14 =	vlt.s32 v51, v48  }
0x119: {  	(xrf2) =	vadd.scan.msk.f32 $0xffff, v28;
	v53 =	vsel vm4, v61, v55;
	v59 =	vpop (erf);
	vm15 =	vgt.f32 v50, v47;
	vm4 =	vmand vm7, vm14  }
0x11a: {  	vm9 =	vlt.s32 v40, v44;
	v32 =	vsel vm5, v32, v63;
	v60, v61, _ =	vpop (xrf1);
	vm4 =	vmor vm15, vm4  }
0x11b: {  	v33 =	vmul.f32 $1.442695020e+00, v33;
	v31 =	vsel vm5, v31, v62;
	(xrf1) =	vsort.ascd.msk.f32 $0xffff, v0, v53;
	v52 =	vpop (erf);
	v50 =	vsel vm4, v50, v47  }
0x11c: {  	vm3 =	veq.f32 v41, v45;
	v30 =	vnsel vm0, $0x0, v59;
	v56, v46, _ =	vpop (xrf1);
	(xrf1) =	vsort.dscd.msk.f32 $0xffff, v31, v32;
	v48 =	vsel vm4, v51, v48  }
0x11d: {  	vm2 =	vgt.f32 v41, v45;
	vm3 =	vmand vm3, vm9;
	(xrf2) =	vadd.scan.msk.f32 $0xffff, v30;
	v0, v53, _ =	vpop (xrf1)  }
0x11e: {  	(erf) = vpow2.f32 v33;
	vm2 =	vmor vm2, vm3;
	v47 =	vnsel vm0, $0x0, v52;
	(xrf1) =	vsort.dscd.msk.f32 $0xffff, v50, v48;
	v31, v32, _ =	vpop (xrf1)  }
0x11f: {  	vm3 =	veq.f32 v0, v60;
	vm10 =	vgt.f32 v0, v60;
	vm11 =	vlt.s32 v53, v61;
	v48, v50, _ =	vpop (xrf1)  }
0x120: {  	(xrf2) =	vadd.scan.msk.f32 $0xffff, v47;
	vm3 =	vmand vm3, vm11;
	vm12 =	veq.f32 v31, v48;
	vm13 =	vlt.s32 v32, v50  }
0x121: {  	vm3 =	vmor vm10, vm3;
	vm14 =	vgt.f32 v31, v48;
	vm5 =	vmand vm12, vm13  }
0x122: {  	v63, _, _ =	vpop (xrf2);
	v0 =	vsel vm3, v0, v60;
	v62 =	vsel vm3, v53, v61;
	vm3 =	vmor vm14, vm5  }
0x123: {  	v59, _, _ =	vpop (xrf2);
	v60 =	vmul.f32 $1.442695020e+00, v49;
	(xrf1) =	vsort.dscd.msk.f32 $0xffff, v0, v62;
	v0 =	vsel vm3, v31, v48;
	v55 =	vsel vm3, v32, v50  }
0x124: {  	v57 =	vsel vm1, v39, v37;
	v61 =	vbroadcast v59, $0xF;
	(xrf1) =	vsort.dscd.msk.f32 $0xffff, v0, v55;
	v0 =	vsel vm2, v40, v44  }
0x125: {  	(erf) = vpow2.f32 v60;
	(xrf1) =	vsort.ascd.msk.f32 $0xffff, v1, v57;
	v1 =	vbroadcast v63, $0xF  }
0x126: {  	v58 =	vsel vm2, v41, v45;
	(erf) = vrcp.f32 v61  }
0x127: {  	(xrf1) =	vsort.dscd.msk.f32 $0xffff, v58, v0;
	v0, _, _ =	vpop (xrf2);
	(erf) = vrcp.f32 v1  }
0x128: {  	v0 =	vbroadcast v0, $0xF  }
0x129: {  	v32, v33, _ =	vpop (xrf1)  }
0x12a: {  	v62, _, _ =	vpop (xrf2)  }
0x12b: {  	v31 =	vbroadcast v62, $0xF;
	v1, v63, _ =	vpop (xrf1);
	(erf) = vrcp.f32 v0  }
0x12c: {  	v55 =	vmul.f32 $1.442695020e+00, v56;
	v0, v40, _ =	vpop (xrf1)  }
0x12d: {  	v56 =	vpop (erf);
	(erf) = vrcp.f32 v31;
	v0 =	vmul.f32 $1.442695020e+00, v0  }
0x12e: {  	v57 =	vpop (erf);
	(erf) = vpow2.f32 v55  }
0x12f: {  	v39 =	vpop (erf)  }
0x130: {  	v53 =	vpop (erf)  }
0x131: {  	(erf) = vpow2.f32 v0;
	v0, v44, _ =	vpop (xrf1)  }
0x132: {  	v58, v48, _ =	vpop (xrf1)  }
0x133: {  	v60, v59, _ =	vpop (xrf1)  }
0x134: {  	vm1 =	veq.f32 v1, v32;
	vm3 =	vlt.s32 v63, v33;
	v54 =	vpop (erf)  }
0x135: {  	vm2 =	vgt.f32 v1, v32;
	vm1 =	vmand vm1, vm3;
	v61, v62, _ =	vpop (xrf1)  }
0x136: {  	v41 =	vnsel vm0, $0x0, v56;
	v31 =	vnsel vm0, $0x0, v57;
	vm1 =	vmor vm2, vm1;
	v55 =	vpop (erf)  }
0x137: {  	(xrf2) =	vadd.scan.msk.f32 $0xffff, v41;
	v63 =	vsel vm1, v63, v33;
	vm3 =	veq.f32 v61, v60;
	vm15 =	vlt.s32 v62, v59;
	v37 =	vpop (erf)  }
0x138: {  	(xrf2) =	vadd.scan.msk.f32 $0xffff, v31;
	vm2 =	vgt.f32 v61, v60;
	vm3 =	vmand vm3, vm15;
	v33 =	vnsel vm0, $0x0, v37  }
0x139: {  	v1 =	vsel vm1, v1, v32;
	vm1 =	vmor vm2, vm3;
	(xrf2) =	vadd.scan.msk.f32 $0xffff, v33  }
0x13a: {  	(xrf1) =	vsort.dscd.msk.f32 $0xffff, v1, v63;
	v1 =	vsel vm1, v61, v60;
	v51 =	vsel vm1, v62, v59  }
0x13b: {  	v52 =	vpop (erf);
	(xrf1) =	vsort.dscd.msk.f32 $0xffff, v1, v51  }
0x13c: {  	v1 =	vnsel vm0, $0x0, v52  }
0x13d: {  	(xrf2) =	vadd.scan.msk.f32 $0xffff, v1;
	_ =	sdelay $0x3  }
0x13e: {  	v56, _, _ =	vpop (xrf2);
	v0 =	vmul.f32 $1.442695020e+00, v0  }
0x13f: {  	v57, _, _ =	vpop (xrf2)  }
0x140: {  	v45 =	vmul.f32 $1.442695020e+00, v58;
	(erf) = vpow2.f32 v0;
	v58, _, _ =	vpop (xrf2)  }
0x141: {  	v0 =	vbroadcast v57, $0xF;
	v37 =	vbroadcast v58, $0xF;
	_ =	sdelay $0x1  }
0x142: {  	[tilespmem:v14+s22+$0x0] =	vst.idx.msk $0xff, v29;
	v32 =	vbroadcast v56, $0xF;
	(erf) = vpow2.f32 v45  }
0x143: {  	v2 =	vld [tilespmem:$0x1FFB0];
	(erf) = vrcp.f32 v0;
	v59, _, _ =	vpop (xrf2)  }
0x144: {  	(erf) = vrcp.f32 v32;
	v0, v49, _ =	vpop (xrf1);
	v45 =	vbroadcast v59, $0xF  }
0x145: {  	v0 =	vmul.f32 $1.442695020e+00, v0;
	(erf) = vrcp.f32 v37;
	v60, v37, _ =	vpop (xrf1)  }
0x146: {  	(erf) = vrcp.f32 v45;
	v32 =	vmul.f32 $1.442695020e+00, v60  }
0x147: {  	[tilespmem:v12+s22+$0x0] =	vst.idx.msk $0xff, v35;
	(erf) = vpow2.f32 v0  }
0x148: {  	[tilespmem:v15+s22+$0x0] =	vst.idx.msk $0xff, v2;
	(erf) = vpow2.f32 v32  }
0x149: {  	[tilespmem:v18+s22+$0x0] =	vst.idx.msk $0xff, v34;
	v20 =	vmul.f32 v42, v20  }
0x14a: {  	[tilespmem:v17+s22+$0x0] =	vst.idx.msk $0xff, v25;
	v21 =	vmul.f32 v36, v21;
	v0 =	vpop (erf)  }
0x14b: {  	[tilespmem:v8+s23+$0x0] =	vst.idx.msk $0xff, v20;
	v8 =	vmul.f32 v38, v23;
	v61 =	vpop (erf)  }
0x14c: {  	v38 =	vmul.f32 v43, v26;
	[tilespmem:v9+s23+$0x0] =	vst.idx.msk $0xff, v21;
	v45 =	vpop (erf)  }
0x14d: {  	[tilespmem:v10+s23+$0x0] =	vst.idx.msk $0xff, v8;
	v50 =	vpop (erf)  }
0x14e: {  	[tilespmem:v11+s23+$0x0] =	vst.idx.msk $0xff, v38;
	v43 =	vmul.f32 v39, v28;
	v0 =	vnsel vm0, $0x0, v0;
	v51 =	vpop (erf)  }
0x14f: {  	[tilespmem:v19+s22+$0x0] =	vst.idx.msk $0xff, v46;
	v32 =	vnsel vm0, $0x0, v61;
	(xrf2) =	vadd.scan.msk.f32 $0xffff, v0;
	v52 =	vpop (erf)  }
0x150: {  	[tilespmem:v14+s23+$0x0] =	vst.idx.msk $0xff, v43;
	(xrf2) =	vadd.scan.msk.f32 $0xffff, v32;
	v62 =	vpop (erf)  }
0x151: {  	[tilespmem:v16+s22+$0x0] =	vst.idx.msk $0xff, v40;
	v53 =	vmul.f32 v53, v27;
	v56 =	vnsel vm0, $0x0, v62;
	v63 =	vpop (erf)  }
0x152: {  	[tilespmem:v24+s22+$0x0] =	vst.idx.msk $0xff, v44;
	v57 =	vmul.f32 v54, v30;
	(xrf2) =	vadd.scan.msk.f32 $0xffff, v56;
	v29 =	vnsel vm0, $0x0, v63  }
0x153: {  	[tilespmem:v13+s23+$0x0] =	vst.idx.msk $0xff, v53;
	v58 =	vmul.f32 v55, v47;
	(xrf2) =	vadd.scan.msk.f32 $0xffff, v29  }
0x154: {  	[tilespmem:v15+s23+$0x0] =	vst.idx.msk $0xff, v57  }
0x155: {  	[tilespmem:v12+s23+$0x0] =	vst.idx.msk $0xff, v58  }
0x156: {  	v2 =	vld [tilespmem:$0x1FFC0];
	_ =	sdelay $0x2  }
0x157: {  	v8, _, _ =	vpop (xrf2)  }
0x158: {  	v42, _, _ =	vpop (xrf2)  }
0x159: {  	v9 =	vbroadcast v42, $0xF  }
0x15a: {  	v8 =	vbroadcast v8, $0xF;
	v59, _, _ =	vpop (xrf2)  }
0x15b: {  	(erf) = vrcp.f32 v9;
	v60 =	vbroadcast v59, $0xF;
	v61, _, _ =	vpop (xrf2)  }
0x15c: {  	[tilespmem:v2+s22+$0x0] =	vst.idx.msk $0xff, v48;
	(erf) = vrcp.f32 v8;
	v62 =	vbroadcast v61, $0xF  }
0x15d: {  	v10 =	vld [tilespmem:$0x1FFD0];
	(erf) = vrcp.f32 v60  }
0x15e: {  	v8 =	vmul.f32 v45, v31;
	(erf) = vrcp.f32 v62;
	_ =	sdelay $0x1  }
0x15f: {  	[tilespmem:v17+s23+$0x0] =	vst.idx.msk $0xff, v8;
	v8 =	vmul.f32 v51, v33  }
0x160: {  	v1 =	vmul.f32 v52, v1  }
0x161: {  	[tilespmem:v22+s22+$0x0] =	vst.idx.msk $0xff, v37  }
0x162: {  	[tilespmem:v16+s23+$0x0] =	vst.idx.msk $0xff, v1  }
0x163: {  	v63 =	vmul.f32 v50, v41;
	[tilespmem:v19+s23+$0x0] =	vst.idx.msk $0xff, v8;
	v8 =	vpop (erf)  }
0x164: {  	[tilespmem:v10+s22+$0x0] =	vst.idx.msk $0xff, v49;
	v1 =	vmul.f32 v8, v32;
	v8 =	vpop (erf)  }
0x165: {  	[tilespmem:v18+s23+$0x0] =	vst.idx.msk $0xff, v63;
	v0 =	vmul.f32 v8, v0;
	v8 =	vpop (erf)  }
0x166: {  	[tilespmem:v2+s23+$0x0] =	vst.idx.msk $0xff, v1;
	v1 =	vmul.f32 v8, v56;
	v8 =	vpop (erf)  }
0x167: {  	[tilespmem:v24+s23+$0x0] =	vst.idx.msk $0xff, v0;
	v8 =	vmul.f32 v8, v29  }
0x168: {  	[tilespmem:v10+s23+$0x0] =	vst.idx.msk $0xff, v1  }
0x169: {  	[tilespmem:v22+s23+$0x0] =	vst.idx.msk $0xff, v8  }
0x16a: {  	[hbm4b:s4+s2] =	stream.linear.scatter [tilespmem:s22], [sflag:$0x1], $0x400, $0x38;
	[tilespmem:$0x5000] =	vst v63  }
0x16b: {  	s24 =	sadd.s32 $0x1, s24;
	_ =	swait.ge [sflag:s21], $0x400  }
0x16c: {  	p0 =	sne.s32 s24, s6;
	[sflag:s21] =	ssyncset.done $0x0  }
.Ltmp1:
0x16d: {  	[sflag:s21] =	ssyncadd.s32 $0xFFFFFC00;
	(pc) =	sbr.rel @p0 .LBB2_1-.Ltmp1, $4  }
0x16e: {  	[hbm4b:s5+s2] =	stream.linear.scatter [tilespmem:s23], [sflag:$0x1], $0x400, $0x38;
	[tilespmem:$0x5000] =	vst v63  }
0x16f: {  	_ =	swait.ge [sflag:s21], $0x400  }
0x170: {  	[sflag:s21] =	ssyncset.done $0x0  }
0x171: {  	v2 =	vmov v3;
	[sflag:s21] =	ssyncadd.s32 $0xFFFFFC00  }
0x172: {  	_ =	sfence.sel $0x180000  }
0x173: {  	[bflag:$0x0] =	sbarrier.arrive $0xFFFF  }
0x174: {  	p0 =	sne.s32 s0, $0x0;
	_ =	strace $0x9000004D  }
0x175: {  	s0 =	sadd.s32 @!p0 $0x100000, s1;
	[bflag:$0x2] =	sbarrier.arrive $0xFFFF  }
0x176: {  	[sflag:s0] =	ssyncadd.tile.s32 @!p0 $0x1;
	_ =	shalt  }
.Lfunc_end2:
_tile_overlayer_lowered:
.L_overlay_start_2:
0x177: {  	(tag) =	ssettag $0x2  }
0x178: {  	s0 =	rddreg [dreg:$0x0];
	s2 =	stileid.u32  }
0x179: {  	s1 =	rddreg [dreg:$0x1];
	p0 =	sne.s32 s2, $0x0  }
0x17a: {  	s3 =	rddreg [dreg:$0x2];
	[bflag:$0x3] =	sbarrier.arrive $0xFFFF;
	s2 =	simm.s32 @!p0 $0x1C01  }
0x17b: {  	[timem:s3], [sflag:s2] =	dma.local @!p0 [hbm:s0], s1  }
0x17c: {  	s0 =	simm.s32 @!p0 $0x1  }
0x17d: {  	_ =	swait.ge @!p0 [sflag:s0], s1  }
0x17e: {  	s1 =	ssub.s32 @!p0 $0x0, s1;
	[sflag:s0] =	ssyncset.done @!p0 $0x0  }
0x17f: {  	[sflag:s0] =	ssyncadd.s32 @!p0 s1  }
0x180: {  	[bflag:$0x3] =	sbarrier.arrive $0xFFFF  }
0x181: {  	_ =	shalt  }

// kernel: kernel.16.cloned.1.call-start
scs
__scs_entry_jumppad:
0x0: {  	(pc) =	sbr.rel $0x88, $3  }
0x1: {  	(tag) =	ssettag $0x0;
	lr =	simm.s32 $0x1  }
0x2: {  	[smem:$0x3F9F] =	sst lr;
	_ =	strace $0xD0000000  }
0x3: {  	_ = 	snop  }
0x4: {  	_ = 	snop  }
0x5: {  	_ = 	snop  }
0x6: {  	_ = 	snop  }
0x7: {  	_ = 	snop  }
__scs_overlays_trampoline_lowered:
0x8: {  	[smem:$0x3FAE] =	sst s0  }
0x9: {  	[smem:$0x3FAF] =	sst s1  }
0xa: {  	[smem:$0x3FB0] =	sst s2  }
0xb: {  	[smem:$0x3FB1] =	sst s3  }
0xc: {  	[smem:$0x3FB2] =	sst s4  }
0xd: {  	[smem:$0x3FB3] =	sst s5  }
0xe: {  	[smem:$0x3FB4] =	sst s6  }
0xf: {  	[smem:$0x3FB5] =	sst s7  }
0x10: {  	[smem:$0x3FB6] =	sst s8  }
0x11: {  	[smem:$0x3FB7] =	sst s9;
	s0 =	simm.s32 @!p0 $0x0  }
0x12: {  	s1 =	sld [smem:$0x3F9D];
	s0 =	simm.s32 @p0 $0x1  }
0x13: {  	[smem:$0x3FB8] =	sst s0;
	s0 =	simm.s32 @!p1 $0x0  }
0x14: {  	s2 =	sld [smem:$0x3F9C];
	s0 =	simm.s32 @p1 $0x1  }
0x15: {  	[smem:$0x3FB9] =	sst s0;
	s0 =	simm.s32 @!p2 $0x0  }
0x16: {  	s3 =	sld [smem:$0x3FDB];
	s0 =	simm.s32 @p2 $0x1  }
0x17: {  	s4 =	simm.s32 $0x1BF5;
	[smem:$0x3FBB] =	sst s0  }
0x18: {  	s0 =	sld [smem:$0x3F9E];
	_ =	swait.ge [sflag:s4], $0x0  }
0x19: {  	s7 =	sld [smem:$0x3F9F]  }
0x1a: {  	s8 =	sadd.s32 $0xFFFFE003, lr  }
0x1b: {  	s9 =	sadd.s32 $0xFFFFFEF7, lr;
	s5 =	simm.s32 $0xFFFFFFFF;
	p2 =	slt.u32 s8, $0xFFFFF086  }
0x1c: {  	p1 =	slt.u32 s9, $0xF7A;
	s5 =	simm.s32 @!p2 $0x0  }
0x1d: {  	s5 =	simm.s32 @p1 $0x1;
	p0 =	seq.s32 s7, s2  }
0x1e: {  	s7 =	smul.u32 @!p0 $0xF7A, s2;
	p2 =	seq.s32 @!p0 s5, $0x0  }
0x1f: {  	s9 =	smul.u32 $0xF7A, s1;
	s8 =	simm.s32 @!p0 $0x1BF5;
	p2 =	por !p2, p0  }
0x20: {  	[sflag:s8] =	ssyncset.s32 @!p0 $0xFFFFF086;
	s6 =	sadd.s32 @!p0 s3, s7;
	s7 =	simm.s32 @!p0 $0x108  }
0x21: {  	s3 =	sadd.s32 s3, s9;
	s6 =	sadd.s32 @!p0 $0x88, s6;
	s7 =	simm.s32 @p2 $0x1082  }
0x22: {  	[simem:s7], [sflag:s8] =	dma.local @!p0 [hbm:s6], $0xF7A  }
0x23: {  	s9 =	sor.u32 $0xD0000000, s2;
	s6 =	simm.s32 $0x108;
	_ =	swait.ge @!p0 [sflag:s8], $0x0  }
0x24: {  	s3 =	sadd.s32 $0x88, s3;
	s6 =	simm.s32 @!p1 $0x1082;
	[sflag:s4] =	ssyncset.s32 $0xFFFFF086  }
0x25: {  	[simem:s6], [sflag:s4] =	dma.local [hbm:s3], $0xF7A  }
0x26: {  	[smem:$0x3F9F] =	sst s1;
	(tag) =	ssettag s2;
	_ =	strace s9  }
0x27: {  	s1 =	sld [smem:$0x3FAF]  }
0x28: {  	s2 =	sld [smem:$0x3FB0]  }
0x29: {  	s4 =	sld [smem:$0x3FB2]  }
0x2a: {  	p0 =	seq.s32 s5, $0x0;
	s5 =	sld [smem:$0x3FB3]  }
0x2b: {  	s6 =	sld [smem:$0x3FB4]  }
0x2c: {  	s7 =	sld [smem:$0x3FB5]  }
0x2d: {  	s3 =	simm.s32 $0x108;
	s8 =	sld [smem:$0x3FB6]  }
0x2e: {  	s3 =	simm.s32 @!p0 $0x1082;
	s9 =	sld [smem:$0x3FB7]  }
0x2f: {  	lr =	sadd.s32 s0, s3;
	s0 =	sld [smem:$0x3FAE]  }
0x30: {  	s3 =	sld [smem:$0x3FB1]  }
0x31: {  	[smem:$0x3FBA] =	sst s10  }
0x32: {  	s10 =	sld [smem:$0x3FB8];
	_ =	sdelay $0x3  }
0x33: {  	p0 =	seq.s32 s10, $0x1;
	s10 =	sld [smem:$0x3FBA];
	_ =	sdelay $0x3  }
0x34: {  	[smem:$0x3FBA] =	sst s10  }
0x35: {  	s10 =	sld [smem:$0x3FB9];
	_ =	sdelay $0x3  }
0x36: {  	p1 =	seq.s32 s10, $0x1;
	s10 =	sld [smem:$0x3FBA];
	_ =	sdelay $0x3  }
0x37: {  	[smem:$0x3FBA] =	sst s10  }
0x38: {  	s10 =	sld [smem:$0x3FBB]  }
0x39: {  	_ = 	snop;
	(pc) =	sbr.ind lr, $3  }
0x3a: {  	_ = 	snop  }
0x3b: {  	_ = 	snop  }
0x3c: {  	p2 =	seq.s32 s10, $0x1;
	s10 =	sld [smem:$0x3FBA]  }
0x3d: {  	_ =	shalt  }
0x3e: {  	_ =	shalt  }
0x3f: {  	_ =	shalt  }
0x40: {  	_ =	shalt  }
0x41: {  	_ =	shalt  }
0x42: {  	_ =	shalt  }
0x43: {  	_ =	shalt  }
0x44: {  	_ =	shalt  }
0x45: {  	_ =	shalt  }
0x46: {  	_ =	shalt  }
0x47: {  	_ =	shalt  }
0x48: {  	_ =	shalt  }
0x49: {  	_ =	shalt  }
0x4a: {  	_ =	shalt  }
0x4b: {  	_ =	shalt  }
0x4c: {  	_ =	shalt  }
0x4d: {  	_ =	shalt  }
0x4e: {  	_ =	shalt  }
0x4f: {  	_ =	shalt  }
0x50: {  	_ =	shalt  }
0x51: {  	_ =	shalt  }
0x52: {  	_ =	shalt  }
0x53: {  	_ =	shalt  }
0x54: {  	_ =	shalt  }
0x55: {  	_ =	shalt  }
0x56: {  	_ =	shalt  }
0x57: {  	_ =	shalt  }
0x58: {  	_ =	shalt  }
0x59: {  	_ =	shalt  }
0x5a: {  	_ =	shalt  }
0x5b: {  	_ =	shalt  }
0x5c: {  	_ =	shalt  }
0x5d: {  	_ =	shalt  }
0x5e: {  	_ =	shalt  }
0x5f: {  	_ =	shalt  }
0x60: {  	_ =	shalt  }
0x61: {  	_ =	shalt  }
0x62: {  	_ =	shalt  }
0x63: {  	_ =	shalt  }
0x64: {  	_ =	shalt  }
0x65: {  	_ =	shalt  }
0x66: {  	_ =	shalt  }
0x67: {  	_ =	shalt  }
0x68: {  	_ =	shalt  }
0x69: {  	_ =	shalt  }
0x6a: {  	_ =	shalt  }
0x6b: {  	_ =	shalt  }
0x6c: {  	_ =	shalt  }
0x6d: {  	_ =	shalt  }
0x6e: {  	_ =	shalt  }
0x6f: {  	_ =	shalt  }
0x70: {  	_ =	shalt  }
0x71: {  	_ =	shalt  }
0x72: {  	_ =	shalt  }
0x73: {  	_ =	shalt  }
0x74: {  	_ =	shalt  }
0x75: {  	_ =	shalt  }
0x76: {  	_ =	shalt  }
0x77: {  	_ =	shalt  }
0x78: {  	_ =	shalt  }
0x79: {  	_ =	shalt  }
0x7a: {  	_ =	shalt  }
0x7b: {  	_ =	shalt  }
0x7c: {  	_ =	shalt  }
0x7d: {  	_ =	shalt  }
0x7e: {  	_ =	shalt  }
0x7f: {  	_ =	shalt  }
0x80: {  	_ =	shalt  }
0x81: {  	_ =	shalt  }
0x82: {  	_ =	shalt  }
0x83: {  	_ =	shalt  }
0x84: {  	_ =	shalt  }
0x85: {  	_ =	shalt  }
0x86: {  	_ =	shalt  }
0x87: {  	_ =	shalt  }
.Lfunc_end0:
.L_simem_size_0:
called_computation.2_lowered:
.L_overlay_start_0:
0x88: {  	s2 =	sld [smem:$0x3FD9]  }
0x89: {  	s3 =	sld [smem:$0x3FFE];
	_ =	sdelay $0x1  }
0x8a: {  	s1 =	srdreg.scid  }
0x8b: {  	s0 =	sand.u32 $0x1, s1  }
0x8c: {  	s17 =	sshll.u32 s0, $0xA;
	s2 =	sadd.s32 s3, s2  }
0x8d: {  	s2 =	sadd.s32 s2, s17  }
0x8e: {  	[smem:$0x3FC6] =	sst s2  }
0x8f: {  	_ = 	snop  }
0x90: {  	(tm) =	ssettm $0x1  }
0x91: {  	s18 =	sld [smem:$0x3FFB];
	_ =	sdelay $0x3  }
0x92: {  	_ =	strace s18  }
0x93: {  	s2 =	sld [smem:$0x3FFC];
	_ =	sdelay $0x3  }
0x94: {  	_ =	strace s2  }
0x95: {  	s2 =	sld [smem:$0x3FFD];
	_ =	sdelay $0x3  }
0x96: {  	_ =	strace s2  }
0x97: {  	_ =	strace $0x8FFFFFFF  }
0x98: {  	s19 =	sld [smem:$0x3FDB];
	_ =	sdelay $0x1  }
0x99: {  	s20 =	simm.s32 $_scs_section_size  }
0x9a: {  	s4 =	simm.s32 $_size__tile_overlayer_lowered;
	s5 =	simm.s32 $_tile_overlayer_lowered  }
0x9b: {  	s6 =	simm.s32 $0x1BFF;
	s21 =	sshll.u32 s5, $0x1;
	s3 =	sadd.s32 s20, s19  }
0x9c: {  	s22 =	simm.s32 $0x0;
	s4 =	sshll.u32 s4, $0x1;
	s5 =	sadd.s32 s21, s3  }
0x9d: {  	[timem:s22], [sflag:s6] =	dma.local [hbm:s5], s4  }
0x9e: {  	_ =	swait.ge [sflag:s6], s4  }
0x9f: {  	s4 =	ssub.s32 $0x0, s4;
	[sflag:s6] =	ssyncset.done $0x0  }
0xa0: {  	[sflag:s6] =	ssyncadd.s32 s4;
	_ =	sdelay $0x1  }
0xa1: {  	s23 =	simm.s32 $0x1B8B  }
0xa2: {  	_ =	swait.ge [sflag:s23], $0x1  }
0xa3: {  	[sflag:s23] =	ssyncset.done $0x0  }
0xa4: {  	[sflag:s23] =	ssyncadd.s32 $0xFFFFFFFF  }
0xa5: {  	s4 =	sld [smem:$0x0]  }
0xa6: {  	s5 =	sand.u32 $0xFFFFFFFE, s1  }
0xa7: {  	p0 =	sne.s32 s1, s5  }
0xa8: {  	s5 =	sshll.u32 @p0 s5, $0xE  }
0xa9: {  	s5 =	sadd.s32 @p0 $0x11B8D, s5;
	s6 =	sshll.u32 @p0 s4, $0x11  }
0xaa: {  	s5 =	sor.u32 @p0 s6, s5  }
0xab: {  	[sflag:s5] =	ssyncadd.remote.s32 @p0 $0x1;
	_ =	sdelay $0x1  }
0xac: {  	s5 =	simm.s32 @p0 $0x1B8D  }
0xad: {  	_ =	swait.eq @p0 [sflag:s5], $0x1  }
0xae: {  	[sflag:s5] =	ssyncadd.s32 @p0 $0xFFFFFFFF  }
0xaf: {  	s6 =	sshll.u32 @!p0 s1, $0xE  }
0xb0: {  	s6 =	sor.u32 @!p0 $0x4000, s6;
	s5 =	simm.s32 @!p0 $0x1B8D  }
0xb1: {  	s4 =	sshll.u32 @!p0 s4, $0x11;
	s6 =	sadd.s32 @!p0 $0x11B8D, s6;
	_ =	swait.eq @!p0 [sflag:s5], $0x1  }
0xb2: {  	s4 =	sor.u32 @!p0 s4, s6;
	[sflag:s5] =	ssyncadd.s32 @!p0 $0xFFFFFFFF  }
0xb3: {  	s25 =	simm.s32 $0x1B8E;
	s24 =	sld [smem:$0x3FFE];
	[sflag:s4] =	ssyncadd.remote.s32 @!p0 $0x1  }
0xb4: {  	s26 =	simm.s32 $execute0_lowered;
	[smem:$0x3FD2] =	sst s25  }
0xb5: {  	s5 =	sshll.u32 s26, $0x1;
	_ =	strace $0x80000049;
	[dreg:$0x1] =	wrdreg $0xFFFFFFFF  }
0xb6: {  	s28 =	simm.s32 $_size_execute0_lowered;
	s3 =	sadd.s32 s3, s5;
	[dreg:$0x0] =	wrdreg $0x0  }
0xb7: {  	s5 =	sshll.u32 s28, $0x1;
	[dreg:$0x2] =	wrdreg s3  }
0xb8: {  	[dreg:$0x3] =	wrdreg s5  }
0xb9: {  	[dreg:$0x4] =	wrdreg $0xC0  }
0xba: {  	_ =	task [dreg:s22], $0x5FFFF  }
0xbb: {  	[dreg:$0x1] =	wrdreg $0xFFFFFFFF  }
0xbc: {  	[dreg:$0x0] =	wrdreg $0x60  }
0xbd: {  	[dreg:$0x2] =	wrdreg s24  }
0xbe: {  	[dreg:$0x3] =	wrdreg $0xB  }
0xbf: {  	_ =	task.clear_ibuf [dreg:s22], $0x4FFFF;
	_ =	strace $0x90000049  }
0xc0: {  	s29 =	simm.s32 $0xB;
	_ =	strace $0x8000004B  }
0xc1: {  	_ =	swait.ge [sflag:s29], $0x1  }
0xc2: {  	[sflag:s29] =	ssyncadd.s32 $0xFFFFFFFF  }
0xc3: {  	_ =	strace $0x9000004B  }
0xc4: {  	_ =	sfence  }
0xc5: {  	s30 =	sld [smem:$0x0];
	_ =	sdelay $0x2  }
0xc6: {  	s31 =	sshll.u32 s1, $0xD;
	s1 =	sshrl.u32 s1, $0x2  }
0xc7: {  	s4 =	sand.u32 $0x4000, s31;
	s1 =	sadd.s32 s1, s30  }
0xc8: {  	s0 =	sor.u32 s4, s0;
	s1 =	sshll.u32 s1, $0x11  }
0xc9: {  	s0 =	sor.u32 s1, s0  }
0xca: {  	s0 =	sadd.s32 $0x8F2B, s0  }
0xcb: {  	[sflag:s0] =	ssyncadd.remote.s32 $0x1  }
0xcc: {  	_ =	sfence.sel $0xFFFF  }
0xcd: {  	[dreg:$0x0] =	wrdreg $0xFFFFFFFF;
	(pc) =	sbr.abs _section_cstart, $3  }
0xce: {  	[dreg:$0x1] =	wrdreg $0xFFFFFFFF  }
0xcf: {  	_ =	task.clear_ibuf [dreg:s22], $0x2FFFF;
	_ =	strace $0x9FFFFFFF  }
0xd0: {  	(tm) =	ssettm $0x7FFFFFFF  }
0xd1: {  	_ =	shalt  }
tec
execute0_lowered:
.L_overlay_start_1:
0x0: {  	(tag) =	ssettag $0x1  }
0x1: {  	v0 =	vimm.s32 $0xB80;
	vm14 =	vcmask $0x300;
	vm13 =	vcmask $0x704  }
0x2: {  	vm12 =	vcmask $0xB08;
	vm11 =	vcmask $0xF0C;
	vm10 =	vcmask $0x1310  }
0x3: {  	vm9 =	vcmask $0x1714;
	vm8 =	vcmask $0x1B18;
	vm7 =	vcmask $0x1F1C  }
0x4: {  	vm6 =	vcmask $0x2320;
	vm5 =	vcmask $0x2724;
	vm4 =	vcmask $0x2B28  }
0x5: {  	vm3 =	vcmask $0x2F2C;
	vm2 =	vcmask $0x3330;
	vm0 =	vcmask $0x3734  }
0x6: {  	vm1 =	vcmask $0x3B38;
	v1 =	vimm.s32 $0x1B80;
	v3 =	vimm.s32 $0x2B80  }
0x7: {  	v4 =	vimm.s32 $0x3B80;
	v0 =	vsel vm14, $0x0, v0;
	v2 =	vsel vm14, $0x1000, v1  }
0x8: {  	v3 =	vsel vm14, $0x2000, v3;
	v4 =	vsel vm14, $0x3000, v4;
	v0 =	vsel vm13, $0x80, v0  }
0x9: {  	v2 =	vsel vm13, $0x1080, v2;
	v3 =	vsel vm13, $0x2080, v3;
	v4 =	vsel vm13, $0x3080, v4  }
0xa: {  	v0 =	vsel vm12, $0x100, v0;
	v2 =	vsel vm12, $0x1100, v2;
	v3 =	vsel vm12, $0x2100, v3  }
0xb: {  	v4 =	vsel vm12, $0x3100, v4;
	v0 =	vsel vm11, $0x180, v0;
	v2 =	vsel vm11, $0x1180, v2  }
0xc: {  	v3 =	vsel vm11, $0x2180, v3;
	v4 =	vsel vm11, $0x3180, v4;
	v0 =	vsel vm10, $0x200, v0  }
0xd: {  	v2 =	vsel vm10, $0x1200, v2;
	v3 =	vsel vm10, $0x2200, v3;
	v4 =	vsel vm10, $0x3200, v4  }
0xe: {  	v0 =	vsel vm9, $0x280, v0;
	v2 =	vsel vm9, $0x1280, v2;
	v3 =	vsel vm9, $0x2280, v3  }
0xf: {  	v4 =	vsel vm9, $0x3280, v4;
	v0 =	vsel vm8, $0x300, v0;
	v2 =	vsel vm8, $0x1300, v2  }
0x10: {  	s1 =	srdreg.scid;
	v3 =	vsel vm8, $0x2300, v3;
	v4 =	vsel vm8, $0x3300, v4;
	v0 =	vsel vm7, $0x380, v0  }
0x11: {  	s3 =	rddreg [dreg:$0x0];
	s0 =	stileid.u32;
	s2 =	simm.s32 $0x0;
	v2 =	vsel vm7, $0x1380, v2;
	v3 =	vsel vm7, $0x2380, v3;
	v4 =	vsel vm7, $0x3380, v4  }
0x12: {  	s14 =	simm.s32 $0x800;
	s15 =	simm.s32 $0x1000;
	s16 =	simm.s32 $0x1800;
	v0 =	vsel vm6, $0x800, v0;
	v2 =	vsel vm6, $0x1800, v2;
	v3 =	vsel vm6, $0x2800, v3  }
0x13: {  	s17 =	simm.s32 $0x2000;
	s18 =	simm.s32 $0x2800;
	s19 =	simm.s32 $0x3000;
	v4 =	vsel vm6, $0x3800, v4;
	v0 =	vsel vm5, $0x880, v0;
	v2 =	vsel vm5, $0x1880, v2  }
0x14: {  	s20 =	simm.s32 $0x3800;
	s21 =	simm.s32 $0x1;
	s4 =	sand.u32 $0x1, s1;
	v3 =	vsel vm5, $0x2880, v3;
	v4 =	vsel vm5, $0x3880, v4;
	v0 =	vsel vm4, $0x900, v0  }
0x15: {  	s22 =	simm.s32 $0x4000;
	s5 =	sshll.u32 s0, $0x8;
	s6 =	sshll.u32 s4, $0x7;
	v2 =	vsel vm4, $0x1900, v2;
	v3 =	vsel vm4, $0x2900, v3;
	v4 =	vsel vm4, $0x3900, v4  }
0x16: {  	s23 =	simm.s32 $0x4800;
	s4 =	ssub.s32 $0x2, s4;
	s5 =	sor.u32 s6, s5;
	v0 =	vsel vm3, $0x980, v0;
	v2 =	vsel vm3, $0x1980, v2;
	v3 =	vsel vm3, $0x2980, v3  }
0x17: {  	s24 =	simm.s32 $0x0;
	s30 =	sshrl.u32 s4, $0x1;
	s13 =	sadd.s32 s5, s3;
	v4 =	vsel vm3, $0x3980, v4;
	v0 =	vsel vm2, $0xA00, v0;
	v2 =	vsel vm2, $0x1A00, v2  }
0x18: {  	[smem:$0x7FF] =	sst s2;
	s31 =	ssub.s32 s4, s30;
	s3 =	sadd.s32 $0xD000, s13;
	v5 =	vsel vm2, $0x2A00, v3;
	v6 =	vsel vm2, $0x3A00, v4;
	v0 =	vsel vm0, $0xA80, v0  }
0x19: {  	s4 =	sadd.s32 $0x15000, s13;
	s5 =	sadd.s32 $0x16000, s13;
	s7 =	sadd.s32 $0xE000, s13;
	v2 =	vsel vm0, $0x1A80, v2;
	v5 =	vsel vm0, $0x2A80, v5;
	v0 =	vsel vm1, $0xB00, v0  }
0x1a: {  	s8 =	sadd.s32 $0xF000, s13;
	s9 =	sadd.s32 $0x10000, s13;
	s10 =	sadd.s32 $0x11000, s13;
	v6 =	vsel vm0, $0x3A80, v6;
	vm0 =	vmmov $0xff;
	[tilespmem:$0x1FFE0] =	vst v0;
	v0 =	vlaneseq.u32  }
0x1b: {  	s11 =	sadd.s32 $0x12000, s13;
	s12 =	sadd.s32 $0x13000, s13;
	s13 =	sadd.s32 $0x14000, s13;
	v2 =	vsel vm1, $0x1B00, v2;
	v4 =	vsel vm1, $0x2B00, v5;
	v1 =	vor.u32 $0x10, v0  }
0x1c: {  	s1 =	rddreg [dreg:$0x1];
	s6 =	smax.u32 s31, $0x1;
	v6 =	vsel vm1, $0x3B00, v6;
	_ =	strace $0x8000004A;
	v5 =	vor.u32 $0x20, v0;
	v7 =	vor.u32 $0x30, v0;
	[tilespmem:$0x1FFF0] =	vst v1  }
.LBB2_1:
0x1d: {  	[tilespmem:s2], [sflag:$0x1] =	stream.linear.gather [hbm4b:s3+s2], $0x400, $0x38;
	[tilespmem:$0x5000] =	vst v63  }
0x1e: {  	_ = 	snop  }
0x1f: {  	[tilespmem:s14], [sflag:$0x1] =	stream.linear.gather [hbm4b:s7+s2], $0x400, $0x38;
	[tilespmem:$0x5000] =	vst v63  }
0x20: {  	_ = 	snop  }
0x21: {  	[tilespmem:s15], [sflag:$0x1] =	stream.linear.gather [hbm4b:s8+s2], $0x400, $0x38;
	[tilespmem:$0x5000] =	vst v63  }
0x22: {  	_ = 	snop  }
0x23: {  	[tilespmem:s16], [sflag:$0x1] =	stream.linear.gather [hbm4b:s9+s2], $0x400, $0x38;
	[tilespmem:$0x5000] =	vst v63  }
0x24: {  	_ = 	snop  }
0x25: {  	[tilespmem:s17], [sflag:$0x1] =	stream.linear.gather [hbm4b:s10+s2], $0x400, $0x38;
	[tilespmem:$0x5000] =	vst v63  }
0x26: {  	_ = 	snop  }
0x27: {  	[tilespmem:s18], [sflag:$0x1] =	stream.linear.gather [hbm4b:s11+s2], $0x400, $0x38;
	[tilespmem:$0x5000] =	vst v63  }
0x28: {  	_ = 	snop  }
0x29: {  	[tilespmem:s19], [sflag:$0x1] =	stream.linear.gather [hbm4b:s12+s2], $0x400, $0x38;
	[tilespmem:$0x5000] =	vst v63  }
0x2a: {  	_ = 	snop  }
0x2b: {  	[tilespmem:s20], [sflag:$0x1] =	stream.linear.gather [hbm4b:s13+s2], $0x400, $0x38;
	[tilespmem:$0x5000] =	vst v63  }
0x2c: {  	_ =	swait.ge [sflag:s21], $0x2000  }
0x2d: {  	v0 =	vld [tilespmem:$0x1FFE0];
	_ =	sdelay $0x2  }
0x2e: {  	v8 =	vor.u32 s2, v6  }
0x2f: {  	v10 =	vor.u32 s2, v4  }
0x30: {  	v11 =	vor.u32 s2, v0  }
0x31: {  	v12 =	vor.u32 s2, v2;
	s25 =	simm.s32 $0x1;
	[sflag:s21] =	ssyncset.done $0x0  }
0x32: {  	v3 =	vld [tilespmem:$0x1FFF0];
	[sflag:s21] =	ssyncadd.s32 $0xFFFFE000;
	v9 =	vor.u32 s25, v0  }
0x33: {  	v14 =	vor.u32 s25, v6;
	v13 =	vld.idx.msk [tilespmem:v8+s2+$0x0], $0xffff  }
0x34: {  	v10 =	vld.idx.msk [tilespmem:v10+s2+$0x0], $0xffff  }
0x35: {  	s26 =	simm.s32 $0x2;
	v15 =	vor.u32 s25, v4;
	v16 =	vld.idx.msk [tilespmem:v11+s2+$0x0], $0xffff  }
0x36: {  	v12 =	vld.idx.msk [tilespmem:v12+s2+$0x0], $0xffff;
	v8 =	vor.u32 s26, v0  }
0x37: {  	v17 =	vor.u32 s25, v2;
	v19 =	vld.idx.msk [tilespmem:v9+s2+$0x0], $0xffff  }
0x38: {  	v14 =	vld.idx.msk [tilespmem:v14+s2+$0x0], $0xffff;
	(xrf1) =	vsort.ascd.msk.f32 $0xffff, v13, v7  }
0x39: {  	v1 =	vlaneseq.u32;
	(xrf1) =	vsort.dscd.msk.f32 $0xffff, v10, v5  }
0x3a: {  	s31 =	simm.s32 $0x3;
	v18 =	vor.u32 s26, v2;
	v10 =	vld.idx.msk [tilespmem:v15+s2+$0x0], $0xffff;
	(xrf1) =	vsort.dscd.msk.f32 $0xffff, v16, v1  }
0x3b: {  	v13 =	vor.u32 s31, v4;
	v16 =	vld.idx.msk [tilespmem:v8+s2+$0x0], $0xffff;
	(xrf1) =	vsort.ascd.msk.f32 $0xffff, v12, v3  }
0x3c: {  	v20 =	vor.u32 s31, v2;
	v17 =	vld.idx.msk [tilespmem:v17+s2+$0x0], $0xffff;
	(xrf1) =	vsort.dscd.msk.f32 $0xffff, v19, v1  }
0x3d: {  	v15 =	vor.u32 s31, v6;
	(xrf1) =	vsort.ascd.msk.f32 $0xffff, v14, v7;
	_ =	sdelay $0x1  }
0x3e: {  	v12 =	vld.idx.msk [tilespmem:v18+s2+$0x0], $0xffff;
	(xrf1) =	vsort.dscd.msk.f32 $0xffff, v10, v5;
	v10 =	vor.u32 s31, v0  }
0x3f: {  	v13 =	vld.idx.msk [tilespmem:v13+s2+$0x0], $0xffff;
	(xrf1) =	vsort.dscd.msk.f32 $0xffff, v16, v1;
	v16 =	vor.u32 s26, v6  }
0x40: {  	v14 =	vld.idx.msk [tilespmem:v20+s2+$0x0], $0xffff;
	(xrf1) =	vsort.ascd.msk.f32 $0xffff, v17, v3;
	v17 =	vor.u32 s26, v4  }
0x41: {  	v15 =	vld.idx.msk [tilespmem:v15+s2+$0x0], $0xffff;
	_ =	sdelay $0x1  }
0x42: {  	(xrf1) =	vsort.ascd.msk.f32 $0xffff, v12, v3;
	v12 =	vld.idx.msk [tilespmem:v10+s2+$0x0], $0xffff  }
0x43: {  	(xrf1) =	vsort.dscd.msk.f32 $0xffff, v13, v5;
	v13 =	vld.idx.msk [tilespmem:v16+s2+$0x0], $0xffff  }
0x44: {  	v28, v22, _ =	vpop (xrf1);
	(xrf1) =	vsort.ascd.msk.f32 $0xffff, v14, v3;
	v14 =	vld.idx.msk [tilespmem:v17+s2+$0x0], $0xffff  }
0x45: {  	v29, v25, _ =	vpop (xrf1);
	(xrf1) =	vsort.ascd.msk.f32 $0xffff, v15, v7  }
0x46: {  	v18, v16, _ =	vpop (xrf1)  }
0x47: {  	v24, v17, _ =	vpop (xrf1);
	(xrf1) =	vsort.dscd.msk.f32 $0xffff, v12, v1  }
0x48: {  	v15, v19, _ =	vpop (xrf1);
	(xrf1) =	vsort.ascd.msk.f32 $0xffff, v13, v7  }
0x49: {  	s26 =	simm.s32 $0x4;
	v13, v20, _ =	vpop (xrf1);
	(xrf1) =	vsort.dscd.msk.f32 $0xffff, v14, v5  }
0x4a: {  	v14 =	vor.u32 s26, v6  }
0x4b: {  	v21, v23, _ =	vpop (xrf1)  }
0x4c: {  	vm1 =	veq.f32 v21, v13;
	vm2 =	vlt.s32 v23, v20  }
0x4d: {  	v26, v27, _ =	vpop (xrf1);
	vm3 =	vgt.f32 v21, v13;
	vm1 =	vmand vm1, vm2  }
0x4e: {  	v36 =	vor.u32 s26, v4;
	v12 =	vor.u32 s26, v0;
	v30, v31, _ =	vpop (xrf1);
	vm1 =	vmor vm3, vm1  }
0x4f: {  	vm2 =	veq.f32 v15, v30;
	vm4 =	vlt.s32 v19, v31;
	v13 =	vsel vm1, v21, v13;
	v14 =	vld.idx.msk [tilespmem:v14+s2+$0x0], $0xffff  }
0x50: {  	s30 =	simm.s32 $0x5;
	v32, v33, _ =	vpop (xrf1);
	v20 =	vsel vm1, v23, v20;
	vm1 =	vgt.f32 v15, v30;
	vm2 =	vmand vm2, vm4  }
0x51: {  	v40 =	vor.u32 s30, v4;
	v21, v34, _ =	vpop (xrf1);
	vm2 =	vmor vm1, vm2  }
0x52: {  	v37 =	vor.u32 s26, v2;
	vm3 =	veq.f32 v26, v32;
	v23, v35, _ =	vpop (xrf1);
	v19 =	vsel vm2, v19, v31  }
0x53: {  	vm1 =	vlt.s32 v27, v33;
	v38, v39, _ =	vpop (xrf1);
	(xrf1) =	vsort.ascd.msk.f32 $0xffff, v13, v20;
	v15 =	vsel vm2, v15, v30;
	v20 =	vld.idx.msk [tilespmem:v12+s2+$0x0], $0xffff  }
0x54: {  	v41 =	vor.u32 s30, v6;
	vm5 =	vgt.f32 v26, v32;
	vm1 =	vmand vm3, vm1;
	(xrf1) =	vsort.ascd.msk.f32 $0xffff, v14, v7;
	v14 =	vld.idx.msk [tilespmem:v36+s2+$0x0], $0xffff  }
0x55: {  	v13 =	vor.u32 s30, v0;
	vm6 =	vlt.s32 v34, v39;
	vm7 =	veq.f32 v21, v38;
	(xrf1) =	vsort.dscd.msk.f32 $0xffff, v15, v19;
	v30, v31, _ =	vpop (xrf1)  }
0x56: {  	vm4 =	vgt.f32 v21, v38;
	vm5 =	vmor vm5, vm1;
	vm3 =	vmand vm7, vm6;
	v15, v19, _ =	vpop (xrf1)  }
0x57: {  	vm1 =	vmor vm4, vm3;
	vm2 =	vlt.s32 v31, v35;
	vm3 =	veq.f32 v30, v23;
	v44, v45, _ =	vpop (xrf1)  }
0x58: {  	s31 =	simm.s32 $0x6;
	v48 =	vld.idx.msk [tilespmem:v37+s2+$0x0], $0xffff;
	v27 =	vsel vm5, v27, v33;
	vm2 =	vmand vm3, vm2;
	vm3 =	veq.f32 v44, v15  }
0x59: {  	vm4 =	vlt.s32 v45, v19;
	(xrf1) =	vsort.dscd.msk.f32 $0xffff, v14, v5;
	vm6 =	vgt.f32 v44, v15;
	v14 =	vor.u32 s31, v0  }
0x5a: {  	vm3 =	vmand vm3, vm4;
	(xrf1) =	vsort.dscd.msk.f32 $0xffff, v20, v1;
	v20 =	vsel vm1, v21, v38;
	v21 =	vsel vm5, v26, v32  }
0x5b: {  	v63 =	vor.u32 s30, v2;
	v42 =	vor.u32 s31, v2;
	vm3 =	vmor vm6, vm3;
	(xrf1) =	vsort.dscd.msk.f32 $0xffff, v21, v27  }
0x5c: {  	s28 =	simm.s32 $0x7;
	v26 =	vld.idx.msk [tilespmem:v13+s2+$0x0], $0xffff;
	v15 =	vsel vm3, v44, v15;
	v19 =	vsel vm3, v45, v19;
	vm3 =	vgt.f32 v30, v23  }
0x5d: {  	v43 =	vor.u32 s28, v4;
	v21 =	vld.idx.msk [tilespmem:v41+s2+$0x0], $0xffff;
	v27 =	vsel vm1, v34, v39;
	(xrf1) =	vsort.ascd.msk.f32 $0xffff, v15, v19;
	vm1 =	vmor vm3, vm2  }
0x5e: {  	v49 =	vld.idx.msk [tilespmem:v40+s2+$0x0], $0xffff;
	v15 =	vor.u32 s28, v2;
	(xrf1) =	vsort.ascd.msk.f32 $0xffff, v20, v27;
	v19 =	vsel vm1, v31, v35  }
0x5f: {  	v20 =	vld.idx.msk [tilespmem:v14+s2+$0x0], $0xffff;
	v23 =	vsel vm1, v30, v23;
	(xrf1) =	vsort.ascd.msk.f32 $0xffff, v48, v3  }
0x60: {  	v27 =	vld.idx.msk [tilespmem:v63+s2+$0x0], $0xffff;
	(xrf1) =	vsort.dscd.msk.f32 $0xffff, v23, v19  }
0x61: {  	v30 =	vld.idx.msk [tilespmem:v42+s2+$0x0], $0xffff;
	v31, v50, _ =	vpop (xrf1);
	(xrf1) =	vsort.dscd.msk.f32 $0xffff, v26, v1  }
0x62: {  	v26 =	vld.idx.msk [tilespmem:v43+s2+$0x0], $0xffff;
	(xrf1) =	vsort.ascd.msk.f32 $0xffff, v21, v7;
	v23, v19, _ =	vpop (xrf1)  }
0x63: {  	v51 =	vld.idx.msk [tilespmem:v15+s2+$0x0], $0xffff;
	(xrf1) =	vsort.dscd.msk.f32 $0xffff, v49, v5;
	v53, v52, _ =	vpop (xrf1)  }
0x64: {  	v21 =	vor.u32 s28, v6;
	(xrf1) =	vsort.dscd.msk.f32 $0xffff, v20, v1;
	vm1 =	veq.f32 v53, v31;
	vm2 =	vlt.s32 v52, v50  }
0x65: {  	vm3 =	vgt.f32 v53, v31;
	(xrf1) =	vsort.ascd.msk.f32 $0xffff, v27, v3;
	vm1 =	vmand vm1, vm2  }
0x66: {  	v15 =	vor.u32 s28, v0;
	(xrf1) =	vsort.ascd.msk.f32 $0xffff, v30, v3;
	vm1 =	vmor vm3, vm1  }
0x67: {  	vm2 =	vlt.s32 v25, v22;
	v30 =	vor.u32 s31, v6;
	(xrf1) =	vsort.dscd.msk.f32 $0xffff, v26, v5;
	v31 =	vsel vm1, v53, v31  }
0x68: {  	v27, v26, _ =	vpop (xrf1);
	v55 =	vsel vm1, v52, v50;
	vm1 =	veq.f32 v29, v28;
	(xrf1) =	vsort.ascd.msk.f32 $0xffff, v51, v3  }
0x69: {  	v56 =	vor.u32 s31, v4;
	vm3 =	vgt.f32 v29, v28;
	v54 =	vld.idx.msk [tilespmem:v21+s2+$0x0], $0xffff;
	v21, v20, _ =	vpop (xrf1);
	vm1 =	vmand vm1, vm2  }
0x6a: {  	(xrf1) =	vsort.dscd.msk.f32 $0xffff, v31, v55;
	vm1 =	vmor vm3, vm1;
	v31, v32, _ =	vpop (xrf1)  }
0x6b: {  	v57 =	vld.idx.msk [tilespmem:v15+s2+$0x0], $0xffff;
	vm2 =	veq.f32 v18, v24;
	vm3 =	vlt.s32 v16, v17;
	v28 =	vsel vm1, v29, v28;
	v59, v58, _ =	vpop (xrf1)  }
0x6c: {  	v60 =	vsel vm1, v25, v22;
	vm1 =	vgt.f32 v18, v24;
	vm2 =	vmand vm2, vm3;
	v29 =	vld.idx.msk [tilespmem:v30+s2+$0x0], $0xffff;
	v30, v38, _ =	vpop (xrf1)  }
0x6d: {  	s26 =	simm.s32 $0x8;
	vm1 =	vmor vm1, vm2;
	vm2 =	veq.f32 v31, v59;
	vm3 =	vlt.s32 v32, v58;
	v25, v22, _ =	vpop (xrf1)  }
0x6e: {  	v33 =	vld.idx.msk [tilespmem:v56+s2+$0x0], $0xffff;
	v49 =	vor.u32 s26, v4;
	vm4 =	vgt.f32 v31, v59;
	vm2 =	vmand vm2, vm3;
	v62, v61, _ =	vpop (xrf1)  }
0x6f: {  	s28 =	simm.s32 $0x9;
	(xrf1) =	vsort.ascd.msk.f32 $0xffff, v54, v7;
	v18 =	vsel vm1, v18, v24;
	v17 =	vsel vm1, v16, v17;
	vm2 =	vmor vm4, vm2;
	v63, v52, _ =	vpop (xrf1)  }
0x70: {  	v39 =	vor.u32 s28, v2;
	s31 =	simm.s32 $0xA;
	(xrf1) =	vsort.dscd.msk.f32 $0xffff, v57, v1;
	v16 =	vsel vm2, v31, v59;
	v31 =	vsel vm2, v32, v58;
	v24, v53, _ =	vpop (xrf1)  }
0x71: {  	v50 =	vor.u32 s31, v2;
	vm1 =	veq.f32 v27, v23;
	vm2 =	vlt.s32 v26, v19;
	(xrf1) =	vsort.ascd.msk.f32 $0xffff, v29, v7;
	v55, v54, _ =	vpop (xrf1)  }
0x72: {  	s30 =	simm.s32 $0xB;
	vm3 =	veq.f32 v62, v30;
	vm7 =	vlt.s32 v61, v38;
	v29 =	vor.u32 s26, v6;
	(xrf1) =	vsort.dscd.msk.f32 $0xffff, v16, v31;
	v56, v43, _ =	vpop (xrf1)  }
0x73: {  	v51 =	vor.u32 s30, v4;
	vm4 =	veq.f32 v55, v24;
	vm5 =	vlt.s32 v54, v53;
	v31, v57, _ =	vpop (xrf1);
	(xrf1) =	vsort.dscd.msk.f32 $0xffff, v33, v5  }
0x74: {  	vm3 =	vmand vm3, vm7;
	vm6 =	vgt.f32 v55, v24;
	vm4 =	vmand vm4, vm5;
	v59, v58, _ =	vpop (xrf1)  }
0x75: {  	v16 =	vor.u32 s26, v0;
	vm5 =	vgt.f32 v62, v30;
	vm4 =	vmor vm6, vm4;
	v46, v47, _ =	vpop (xrf1)  }
0x76: {  	vm6 =	veq.f32 v63, v31;
	vm3 =	vmor vm5, vm3;
	vm7 =	vlt.s32 v52, v57;
	v35, v48, _ =	vpop (xrf1);
	(xrf1) =	vsort.ascd.msk.f32 $0xffff, v28, v60  }
0x77: {  	v29 =	vld.idx.msk [tilespmem:v29+s2+$0x0], $0xffff;
	v32 =	vsel vm4, v55, v24;
	v34 =	vsel vm4, v54, v53;
	(xrf1) =	vsort.dscd.msk.f32 $0xffff, v18, v17  }
0x78: {  	vm4 =	vgt.f32 v63, v31;
	vm5 =	veq.f32 v56, v59;
	vm6 =	vmand vm6, vm7  }
0x79: {  	vm4 =	vmor vm4, vm6;
	vm6 =	vlt.s32 v43, v58;
	v28, v24, _ =	vpop (xrf1);
	v17 =	vsel vm3, v62, v30  }
0x7a: {  	v30 =	vor.u32 s26, v2;
	v18 =	vsel vm3, v61, v38;
	v28 =	vmul.f32 $1.442695020e+00, v28  }
0x7b: {  	vm3 =	vgt.f32 v56, v59;
	vm5 =	vmand vm5, vm6;
	v62 =	vor.u32 s28, v4;
	(xrf1) =	vsort.ascd.msk.f32 $0xffff, v32, v34  }
0x7c: {  	vm5 =	vmor vm3, vm5;
	(erf) = vpow2.f32 v28;
	(xrf1) =	vsort.ascd.msk.f32 $0xffff, v29, v7;
	v28 =	vld.idx.msk [tilespmem:v49+s2+$0x0], $0xffff;
	v29 =	vsel vm4, v52, v57  }
0x7d: {  	v31 =	vsel vm4, v63, v31;
	v63 =	vor.u32 s28, v6;
	v43 =	vsel vm5, v43, v58;
	v32, v34, _ =	vpop (xrf1);
	(xrf1) =	vsort.dscd.msk.f32 $0xffff, v17, v18  }
0x7e: {  	v33 =	vsel vm5, v56, v59;
	vm7 =	vlt.s32 v47, v34;
	vm6 =	veq.f32 v46, v32;
	v17 =	vld.idx.msk [tilespmem:v16+s2+$0x0], $0xffff;
	v36, v38, _ =	vpop (xrf1)  }
0x7f: {  	v18 =	vor.u32 s28, v0;
	vm6 =	vmand vm6, vm7;
	vm7 =	vgt.f32 v46, v32;
	(xrf1) =	vsort.dscd.msk.f32 $0xffff, v31, v29;
	v60, v61, _ =	vpop (xrf1)  }
0x80: {  	vm4 =	vlt.s32 v38, v48;
	vm3 =	vmor vm7, vm6;
	vm7 =	veq.f32 v36, v35;
	v31, v29, _ =	vpop (xrf1)  }
0x81: {  	v49 =	vor.u32 s30, v2;
	v32 =	vsel vm3, v46, v32;
	vm4 =	vmand vm7, vm4;
	(xrf1) =	vsort.dscd.msk.f32 $0xffff, v28, v5;
	v28, v52, _ =	vpop (xrf1)  }
0x82: {  	v30 =	vld.idx.msk [tilespmem:v30+s2+$0x0], $0xffff;
	v31 =	vmul.f32 $1.442695020e+00, v31;
	vm5 =	veq.f32 v28, v60;
	vm6 =	vlt.s32 v52, v61  }
0x83: {  	v34 =	vsel vm3, v47, v34;
	(xrf1) =	vsort.dscd.msk.f32 $0xffff, v17, v1;
	vm5 =	vmand vm5, vm6;
	vm6 =	vgt.f32 v28, v60  }
0x84: {  	v17 =	vor.u32 s31, v0;
	(xrf1) =	vsort.dscd.msk.f32 $0xffff, v33, v43;
	(erf) = vpow2.f32 v31;
	vm5 =	vmor vm6, vm5;
	v56, v55, _ =	vpop (xrf1)  }
0x85: {  	vm6 =	vgt.f32 v36, v35;
	v28 =	vsel vm5, v28, v60;
	v57 =	vsel vm5, v52, v61;
	v58, v59, _ =	vpop (xrf1);
	v60 =	vld.idx.msk [tilespmem:v18+s2+$0x0], $0xffff  }
0x86: {  	v61 =	vld.idx.msk [tilespmem:v62+s2+$0x0], $0xffff;
	(xrf1) =	vsort.ascd.msk.f32 $0xffff, v28, v57;
	vm3 =	veq.f32 v58, v56;
	vm5 =	vlt.s32 v59, v55  }
0x87: {  	vm4 =	vmor vm6, vm4;
	v28 =	vld.idx.msk [tilespmem:v63+s2+$0x0], $0xffff;
	vm6 =	vgt.f32 v58, v56;
	(xrf1) =	vsort.ascd.msk.f32 $0xffff, v32, v34;
	vm3 =	vmand vm3, vm5  }
0x88: {  	v62 =	vsel vm4, v38, v48;
	v63 =	vsel vm4, v36, v35;
	(xrf1) =	vsort.ascd.msk.f32 $0xffff, v30, v3;
	vm3 =	vmor vm6, vm3  }
0x89: {  	v44 =	vld.idx.msk [tilespmem:v17+s2+$0x0], $0xffff;
	v30, v31, _ =	vpop (xrf1);
	v37 =	vsel vm3, v58, v56;
	v46 =	vsel vm3, v59, v55;
	(xrf1) =	vsort.dscd.msk.f32 $0xffff, v63, v62  }
0x8a: {  	vm1 =	vmand vm1, vm2;
	v47 =	vld.idx.msk [tilespmem:v39+s2+$0x0], $0xffff;
	v35, v36, _ =	vpop (xrf1);
	vm3 =	vgt.f32 v27, v23;
	(xrf1) =	vsort.dscd.msk.f32 $0xffff, v37, v46  }
0x8b: {  	v50 =	vld.idx.msk [tilespmem:v50+s2+$0x0], $0xffff;
	v48, v39, _ =	vpop (xrf1);
	vm1 =	vmor vm3, vm1;
	(xrf1) =	vsort.dscd.msk.f32 $0xffff, v60, v1  }
0x8c: {  	v34 =	vmul.f32 $1.442695020e+00, v48;
	v41 =	vsel vm1, v27, v23;
	v23 =	vld.idx.msk [tilespmem:v51+s2+$0x0], $0xffff;
	(xrf1) =	vsort.ascd.msk.f32 $0xffff, v28, v7  }
0x8d: {  	vm2 =	vgt.f32 v21, v25;
	v52 =	vor.u32 s30, v6;
	v53, v54, _ =	vpop (xrf1);
	v28 =	vld.idx.msk [tilespmem:v49+s2+$0x0], $0xffff;
	(xrf1) =	vsort.dscd.msk.f32 $0xffff, v61, v5  }
0x8e: {  	v27 =	vpop (erf);
	vm4 =	veq.f32 v53, v30;
	vm5 =	vlt.s32 v54, v31;
	(erf) = vpow2.f32 v34;
	(xrf1) =	vsort.dscd.msk.f32 $0xffff, v44, v1  }
0x8f: {  	v55 =	vor.u32 s31, v6;
	vm6 =	vgt.f32 v53, v30;
	vm4 =	vmand vm4, vm5;
	(xrf1) =	vsort.ascd.msk.f32 $0xffff, v47, v3  }
0x90: {  	vm3 =	vlt.s32 v20, v22;
	v26 =	vsel vm1, v26, v19;
	v56, v57, _ =	vpop (xrf1);
	vm4 =	vmor vm6, vm4;
	(xrf1) =	vsort.ascd.msk.f32 $0xffff, v50, v3  }
0x91: {  	vm1 =	veq.f32 v21, v25;
	v19 =	vor.u32 s30, v0;
	v40, v44, _ =	vpop (xrf1);
	(xrf1) =	vsort.dscd.msk.f32 $0xffff, v23, v5;
	v23 =	vsel vm4, v53, v30  }
0x92: {  	v58 =	vld.idx.msk [tilespmem:v52+s2+$0x0], $0xffff;
	v59 =	vpop (erf);
	vm1 =	vmand vm1, vm3;
	vm5 =	veq.f32 v56, v35;
	vm7 =	vlt.s32 v57, v36  }
0x93: {  	vm1 =	vmor vm2, vm1;
	vm2 =	vgt.f32 v56, v35;
	v30 =	vsel vm4, v54, v31;
	v31, v60, _ =	vpop (xrf1);
	(xrf1) =	vsort.ascd.msk.f32 $0xffff, v28, v3  }
0x94: {  	v45 =	vsel vm1, v21, v25;
	v21 =	vnsel vm0, $0x0, v27;
	vm3 =	vmand vm5, vm7;
	(xrf1) =	vsort.dscd.msk.f32 $0xffff, v23, v30;
	v23, v28, _ =	vpop (xrf1)  }
0x95: {  	s30 =	simm.s32 $0xC;
	(xrf2) =	vadd.scan.msk.f32 $0xffff, v21;
	vm2 =	vmor vm2, vm3;
	v30 =	vor.u32 s31, v4;
	v38, v46, _ =	vpop (xrf1)  }
0x96: {  	[tilespmem:v8+s22+$0x0] =	vst.idx.msk $0xff, v29;
	v29 =	vor.u32 s30, v4;
	v61 =	vld.idx.msk [tilespmem:v55+s2+$0x0], $0xffff;
	v55 =	vor.u32 s30, v2;
	v25 =	vsel vm2, v56, v35;
	v35, v42, _ =	vpop (xrf1)  }
0x97: {  	v47 =	vsel vm1, v20, v22;
	v22 =	vld.idx.msk [tilespmem:v19+s2+$0x0], $0xffff;
	vm1 =	veq.f32 v31, v23;
	vm3 =	vlt.s32 v60, v28;
	v33 =	vpop (erf)  }
0x98: {  	v27 =	vsel vm2, v57, v36;
	(xrf1) =	vsort.ascd.msk.f32 $0xffff, v58, v7;
	vm2 =	vgt.f32 v31, v23;
	vm1 =	vmand vm1, vm3;
	v36, v43, _ =	vpop (xrf1)  }
0x99: {  	v20 =	vnsel vm0, $0x0, v59;
	vm3 =	veq.f32 v40, v35;
	vm1 =	vmor vm2, vm1;
	v62, v48, _ =	vpop (xrf1)  }
0x9a: {  	vm2 =	vlt.s32 v44, v42;
	vm4 =	vgt.f32 v40, v35;
	v49 =	vld.idx.msk [tilespmem:v30+s2+$0x0], $0xffff;
	v23 =	vsel vm1, v31, v23;
	v31, v50, _ =	vpop (xrf1)  }
0x9b: {  	(xrf2) =	vadd.scan.msk.f32 $0xffff, v20;
	vm2 =	vmand vm3, vm2;
	v30 =	vsel vm1, v60, v28;
	vm1 =	veq.f32 v36, v38;
	v63, v51, _ =	vpop (xrf1)  }
0x9c: {  	vm3 =	vgt.f32 v36, v38;
	(xrf1) =	vsort.dscd.msk.f32 $0xffff, v22, v1;
	v60 =	vmul.f32 $1.442695020e+00, v62;
	vm2 =	vmor vm4, vm2;
	v62, v53, _ =	vpop (xrf1)  }
0x9d: {  	v22 =	vor.u32 s30, v0;
	(xrf1) =	vsort.ascd.msk.f32 $0xffff, v61, v7;
	v61 =	vor.u32 s30, v6;
	v28 =	vsel vm2, v40, v35;
	v56, v57, _ =	vpop (xrf1)  }
0x9e: {  	(xrf1) =	vsort.dscd.msk.f32 $0xffff, v23, v30;
	v30 =	vsel vm2, v44, v42;
	vm2 =	vlt.s32 v43, v46;
	v23 =	vnsel vm0, $0x0, v33;
	v54, v40, _ =	vpop (xrf1)  }
0x9f: {  	(erf) = vpow2.f32 v60;
	vm4 =	veq.f32 v62, v63;
	vm5 =	vlt.s32 v53, v51;
	(xrf1) =	vsort.dscd.msk.f32 $0xffff, v49, v5;
	v49, _, _ =	vpop (xrf2)  }
0xa0: {  	vm6 =	vgt.f32 v62, v63;
	vm1 =	vmand vm1, vm2;
	vm4 =	vmand vm4, vm5;
	v58, v59, _ =	vpop (xrf1)  }
0xa1: {  	[tilespmem:v9+s22+$0x0] =	vst.idx.msk $0xff, v24;
	vm1 =	vmor vm3, vm1;
	vm4 =	vmor vm6, vm4;
	vm5 =	veq.f32 v31, v54;
	v52, v35, _ =	vpop (xrf1)  }
0xa2: {  	[tilespmem:v10+s22+$0x0] =	vst.idx.msk $0xff, v39;
	vm2 =	vgt.f32 v31, v54;
	v38 =	vsel vm1, v36, v38;
	v34 =	vbroadcast v49, $0xF;
	v32, v33, _ =	vpop (xrf1)  }
0xa3: {  	(xrf2) =	vadd.scan.msk.f32 $0xffff, v23;
	v43 =	vsel vm1, v43, v46;
	v42 =	vsel vm4, v62, v63;
	v24 =	vsel vm4, v53, v51;
	v63, v44, _ =	vpop (xrf1)  }
0xa4: {  	s31 =	simm.s32 $0xD;
	vm3 =	veq.f32 v56, v58;
	v51 =	vld.idx.msk [tilespmem:v61+s2+$0x0], $0xffff;
	vm4 =	vlt.s32 v50, v40;
	v39 =	vmul.f32 $1.442695020e+00, v63  }
0xa5: {  	v3 =	vmovc v2;
	[tilespmem:v11+s22+$0x0] =	vst.idx.msk $0xff, v48;
	vm6 =	vgt.f32 v56, v58;
	v53 =	vor.u32 s31, v6;
	vm1 =	vmand vm5, vm4  }
0xa6: {  	v46 =	vld.idx.msk [tilespmem:v29+s2+$0x0], $0xffff;
	vm2 =	vmor vm2, vm1;
	vm1 =	vlt.s32 v57, v59;
	v60, v37, _ =	vpop (xrf1);
	(xrf1) =	vsort.ascd.msk.f32 $0xffff, v41, v26;
	(erf) = vpow2.f32 v39  }
0xa7: {  	s29 =	simm.s32 $0xE;
	s28 =	simm.s32 $0xF;
	v29 =	vsel vm2, v50, v40;
	vm1 =	vmand vm3, vm1;
	[tilespmem:v13+s22+$0x0] =	vst.idx.msk $0xff, v44;
	(xrf1) =	vsort.dscd.msk.f32 $0xffff, v45, v47  }
0xa8: {  	v31 =	vsel vm2, v31, v54;
	v50 =	vor.u32 s29, v2;
	v44 =	vor.u32 s28, v4;
	v26 =	vpop (erf);
	(xrf1) =	vsort.ascd.msk.f32 $0xffff, v42, v24  }
0xa9: {  	vm3 =	vmor vm6, vm1;
	v41 =	vor.u32 s28, v2;
	vm4 =	vgt.f32 v52, v60;
	v24, _, _ =	vpop (xrf2);
	(xrf1) =	vsort.ascd.msk.f32 $0xffff, v51, v7  }
0xaa: {  	v61 =	vld.idx.msk [tilespmem:v22+s2+$0x0], $0xffff;
	vm5 =	vlt.s32 v35, v37;
	vm7 =	veq.f32 v52, v60;
	v47 =	vor.u32 s31, v4;
	v39, v40, _ =	vpop (xrf1)  }
0xab: {  	v45 =	vor.u32 s29, v4;
	v56 =	vsel vm3, v56, v58;
	vm5 =	vmand vm7, vm5;
	v49, v48, _ =	vpop (xrf1);
	(xrf1) =	vsort.dscd.msk.f32 $0xffff, v38, v43  }
0xac: {  	v26 =	vnsel vm0, $0x0, v26;
	vm1 =	vmor vm4, vm5;
	v36 =	vbroadcast v24, $0xF;
	(xrf1) =	vsort.dscd.msk.f32 $0xffff, v31, v29;
	v43, v29, _ =	vpop (xrf1)  }
0xad: {  	v42 =	vld.idx.msk [tilespmem:v55+s2+$0x0], $0xffff;
	v51 =	vor.u32 s31, v2;
	v24 =	vor.u32 s31, v0;
	v52 =	vsel vm1, v52, v60;
	(xrf1) =	vsort.dscd.msk.f32 $0xffff, v46, v5;
	v46, _, _ =	vpop (xrf2)  }
0xae: {  	(xrf2) =	vadd.scan.msk.f32 $0xffff, v26;
	vm2 =	vlt.s32 v40, v33;
	vm4 =	veq.f32 v39, v32;
	v31 =	vsel vm3, v57, v59;
	v55, v54, _ =	vpop (xrf1)  }
0xaf: {  	s25 =	simm.s32 $0x10;
	vm2 =	vmand vm4, vm2;
	vm3 =	vgt.f32 v39, v32;
	(xrf1) =	vsort.dscd.msk.f32 $0xffff, v61, v1;
	vm4 =	veq.f32 v55, v49;
	v38 =	vpop (erf)  }
.LBB2_2:
0xb0: {  	_ =	sdelay $0x1  }
0xb1: {  	v43 =	vmul.f32 $1.442695020e+00, v43  }
0xb2: {  	vm6 =	vlt.s32 v54, v48;
	v2 =	vld [tilespmem:$0x1FFE0]  }
0xb3: {  	v51 =	vld.idx.msk [tilespmem:v51+s2+$0x0], $0xffff;
	vm5 =	vgt.f32 v55, v49;
	v57, v58, _ =	vpop (xrf1);
	vm4 =	vmand vm4, vm6;
	(erf) = vpow2.f32 v43  }
0xb4: {  	v53 =	vld.idx.msk [tilespmem:v53+s2+$0x0], $0xffff;
	v38 =	vnsel vm0, $0x0, v38;
	[tilespmem:v14+s22+$0x0] =	vst.idx.msk $0xff, v29;
	vm4 =	vmor vm5, vm4;
	v60, v61, _ =	vpop (xrf1)  }
0xb5: {  	v48 =	vsel vm4, v54, v48;
	v1, v0, _ =	vpop (xrf1);
	(xrf1) =	vsort.dscd.msk.f32 $0xffff, v56, v31;
	v31 =	vld.idx.msk [tilespmem:v45+s2+$0x0], $0xffff;
	v45 =	vsel vm4, v55, v49  }
0xb6: {  	v62 =	vld.idx.msk [tilespmem:v24+s2+$0x0], $0xffff;
	v63 =	vor.u32 s29, v6;
	vm2 =	vmor vm3, vm2;
	v37 =	vsel vm1, v35, v37;
	v49, v54, _ =	vpop (xrf1);
	(xrf1) =	vsort.ascd.msk.f32 $0xffff, v45, v48  }
0xb7: {  	v46 =	vbroadcast v46, $0xF;
	v33 =	vsel vm2, v40, v33;
	v59 =	vor.u32 s29, v2;
	(xrf1) =	vsort.ascd.msk.f32 $0xffff, v52, v37;
	v52 =	vld [tilespmem:$0x1FFF0]  }
0xb8: {  	v47 =	vld.idx.msk [tilespmem:v47+s2+$0x0], $0xffff;
	v29 =	vmovc v30;
	v32 =	vsel vm2, v39, v32;
	(erf) = vrcp.f32 v36;
	vm5 =	veq.f32 v60, v57  }
0xb9: {  	v30 =	vmovc v9;
	v41 =	vld.idx.msk [tilespmem:v41+s2+$0x0], $0xffff;
	vm3 =	vgt.f32 v60, v57;
	(erf) = vrcp.f32 v34;
	vm4 =	vlt.s32 v61, v58  }
0xba: {  	v34 =	vld.idx.msk [tilespmem:v44+s2+$0x0], $0xffff;
	v35 =	vor.u32 s28, v2;
	v55 =	vor.u32 s28, v6;
	vm1 =	vmand vm5, vm4;
	v9, _, _ =	vpop (xrf2)  }
0xbb: {  	v40 =	vld.idx.msk [tilespmem:v63+s2+$0x0], $0xffff;
	(erf) = vrcp.f32 v46;
	vm1 =	vmor vm3, vm1;
	v48, v37, _ =	vpop (xrf1);
	v56 =	vbroadcast v9, $0xF  }
0xbc: {  	v43 =	vld.idx.msk [tilespmem:v59+s2+$0x0], $0xffff;
	v9 =	vmov v13;
	v13 =	vmov v18;
	v36 =	vmul.f32 $1.442695020e+00, v48;
	v18 =	vpop (erf);
	(xrf1) =	vsort.ascd.msk.f32 $0xffff, v42, v52  }
0xbd: {  	v60 =	vsel vm1, v60, v57;
	v63 =	vsel vm1, v61, v58;
	(erf) = vrcp.f32 v56;
	v42, v44, _ =	vpop (xrf1);
	(xrf1) =	vsort.dscd.msk.f32 $0xffff, v32, v33  }
0xbe: {  	v50 =	vld.idx.msk [tilespmem:v50+s2+$0x0], $0xffff;
	(erf) = vpow2.f32 v36;
	vm1 =	veq.f32 v42, v1;
	v58, v57, _ =	vpop (xrf1);
	(xrf1) =	vsort.dscd.msk.f32 $0xffff, v60, v63;
	v63 =	vlaneseq.u32  }
0xbf: {  	v46 =	vld.idx.msk [tilespmem:v55+s2+$0x0], $0xffff;
	vm2 =	vgt.f32 v42, v1;
	vm3 =	vlt.s32 v44, v0;
	v45, v48, _ =	vpop (xrf1);
	(xrf1) =	vsort.dscd.msk.f32 $0xffff, v62, v63  }
0xc0: {  	v32 =	vld.idx.msk [tilespmem:v35+s2+$0x0], $0xffff;
	[tilespmem:v15+s22+$0x0] =	vst.idx.msk $0xff, v37;
	vm4 =	veq.f32 v58, v49;
	(xrf1) =	vsort.ascd.msk.f32 $0xffff, v53, v7  }
0xc1: {  	vm1 =	vmand vm1, vm3;
	vm3 =	vgt.f32 v58, v49;
	vm5 =	vlt.s32 v57, v54;
	(xrf1) =	vsort.dscd.msk.f32 $0xffff, v47, v5  }
0xc2: {  	vm1 =	vmor vm2, vm1;
	v62 =	vnsel vm0, $0x0, v18;
	v18 =	vmov v24;
	v47 =	vpop (erf);
	(xrf1) =	vsort.dscd.msk.f32 $0xffff, v43, v63  }
0xc3: {  	v1 =	vsel vm1, v42, v1;
	v0 =	vsel vm1, v44, v0;
	vm1 =	vmand vm4, vm5;
	v53, v55, _ =	vpop (xrf1);
	(xrf1) =	vsort.ascd.msk.f32 $0xffff, v51, v52  }
0xc4: {  	s26 =	smov.u32 s25;
	vm1 =	vmor vm3, vm1;
	v37 =	vmul.f32 v47, v20;
	v20 =	vmov v62;
	v56 =	vpop (erf);
	(xrf1) =	vsort.ascd.msk.f32 $0xffff, v50, v52  }
0xc5: {  	s30 =	sadd.s32 $0x1, s26;
	v36 =	vsel vm1, v58, v49;
	v24 =	vsel vm1, v57, v54;
	v43 =	vor.u32 s26, v2;
	v58 =	vpop (erf);
	(xrf1) =	vsort.dscd.msk.f32 $0xffff, v34, v5  }
0xc6: {  	v62 =	vor.u32 s26, v6;
	v54 =	vor.u32 s26, v4;
	v47 =	vor.u32 s30, v4;
	v61 =	vpop (erf);
	(xrf1) =	vsort.ascd.msk.f32 $0xffff, v41, v52  }
0xc7: {  	v57 =	vmul.f32 v56, v21;
	v21 =	vmov v38;
	v33 =	vmul.f32 v61, v26;
	v26 =	vpop (erf);
	(xrf1) =	vsort.dscd.msk.f32 $0xffff, v1, v0  }
0xc8: {  	v51 =	vor.u32 s30, v3;
	[tilespmem:v8+s23+$0x0] =	vst.idx.msk $0xff, v37;
	v8 =	vmov v14;
	v60 =	vmul.f32 v58, v23;
	v0, v1, _ =	vpop (xrf1)  }
0xc9: {  	v14 =	vmov v17;
	v17 =	vmov v59;
	(xrf2) =	vadd.scan.msk.f32 $0xffff, v21;
	[tilespmem:v30+s23+$0x0] =	vst.idx.msk $0xff, v57;
	v34, v38, _ =	vpop (xrf1)  }
0xca: {  	[tilespmem:v10+s23+$0x0] =	vst.idx.msk $0xff, v60;
	v10 =	vmov v15;
	vm1 =	veq.f32 v53, v0;
	vm2 =	vlt.s32 v55, v1;
	v23, v30, _ =	vpop (xrf1)  }
0xcb: {  	v15 =	vmov v19;
	[tilespmem:v11+s23+$0x0] =	vst.idx.msk $0xff, v33;
	vm3 =	vgt.f32 v53, v0;
	vm1 =	vmand vm1, vm2;
	v37, v41, _ =	vpop (xrf1)  }
0xcc: {  	(xrf1) =	vsort.ascd.msk.f32 $0xffff, v46, v7;
	vm1 =	vmor vm3, vm1;
	vm2 =	veq.f32 v45, v23;
	vm4 =	vlt.s32 v48, v30;
	v11, v19, _ =	vpop (xrf1)  }
0xcd: {  	(xrf1) =	vsort.dscd.msk.f32 $0xffff, v32, v63;
	vm3 =	vgt.f32 v45, v23;
	v1 =	vsel vm1, v55, v1;
	vm2 =	vmand vm2, vm4;
	v44, v42, _ =	vpop (xrf1)  }
0xce: {  	v0 =	vsel vm1, v53, v0;
	v53 =	vor.u32 s30, v6;
	vm3 =	vmor vm3, vm2;
	v49, v50, _ =	vpop (xrf1)  }
0xcf: {  	vm1 =	veq.f32 v37, v34;
	(xrf1) =	vsort.ascd.msk.f32 $0xffff, v40, v7;
	v32 =	vmul.f32 $1.442695020e+00, v11;
	v46 =	vsel vm3, v45, v23;
	v23, v45, _ =	vpop (xrf1)  }
0xd0: {  	[tilespmem:v12+s22+$0x0] =	vst.idx.msk $0xff, v19;
	vm2 =	vgt.f32 v37, v34;
	v19 =	vmov v35;
	v11 =	vmov v12;
	v56, v52, _ =	vpop (xrf1)  }
0xd1: {  	v30 =	vsel vm3, v48, v30;
	vm3 =	vlt.s32 v41, v38;
	(erf) = vpow2.f32 v32;
	(xrf1) =	vsort.dscd.msk.f32 $0xffff, v0, v1;
	v0, v1, _ =	vpop (xrf1)  }
0xd2: {  	(xrf2) =	vadd.scan.msk.f32 $0xffff, v20;
	vm1 =	vmand vm1, vm3;
	vm4 =	veq.f32 v23, v49;
	vm5 =	vlt.s32 v45, v50;
	v58, v59, _ =	vpop (xrf1)  }
0xd3: {  	vm6 =	vgt.f32 v23, v49;
	vm1 =	vmor vm2, vm1;
	vm4 =	vmand vm4, vm5;
	(xrf1) =	vsort.dscd.msk.f32 $0xffff, v31, v5;
	v60, v35, _ =	vpop (xrf1)  }
0xd4: {  	v55 =	vsel vm1, v37, v34;
	vm4 =	vmor vm6, vm4;
	vm5 =	veq.f32 v44, v0;
	v32, v33, _ =	vpop (xrf1);
	(xrf1) =	vsort.ascd.msk.f32 $0xffff, v25, v27  }
0xd5: {  	vm3 =	vgt.f32 v44, v0;
	v31 =	vsel vm4, v23, v49;
	v23 =	vnsel vm0, $0x0, v26;
	v25, v27, _ =	vpop (xrf1);
	(xrf1) =	vsort.dscd.msk.f32 $0xffff, v28, v29  }
0xd6: {  	s29 =	sadd.s32 $0x2, s26;
	v26 =	vsel vm4, v45, v50;
	vm2 =	veq.f32 v56, v58;
	vm4 =	vlt.s32 v42, v1;
	v28, _, _ =	vpop (xrf2);
	(xrf2) =	vadd.scan.msk.f32 $0xffff, v23  }
0xd7: {  	v12 =	vmovc v16;
	v16 =	vmovc v22;
	v22 =	vld.idx.msk [tilespmem:v62+s2+$0x0], $0xffff;
	vm6 =	vgt.f32 v56, v58;
	v45 =	vor.u32 s29, v4;
	v25 =	vmul.f32 $1.442695020e+00, v25  }
0xd8: {  	v50 =	vor.u32 s29, v3;
	v29 =	vor.u32 s26, v3;
	(xrf1) =	vsort.ascd.msk.f32 $0xffff, v31, v26;
	v34 =	vbroadcast v28, $0xF  }
0xd9: {  	s28 =	sadd.s32 $0x3, s26;
	v26 =	vsel vm1, v41, v38;
	vm1 =	vmand vm5, vm4;
	[tilespmem:v13+s22+$0x0] =	vst.idx.msk $0xff, v27;
	v27 =	vmovc v24;
	(erf) = vpow2.f32 v25  }
0xda: {  	v24 =	vor.u32 s30, v2;
	v41 =	vor.u32 s28, v3;
	vm7 =	vmor vm3, vm1;
	v61, v37, _ =	vpop (xrf1)  }
0xdb: {  	v31 =	vld.idx.msk [tilespmem:v54+s2+$0x0], $0xffff;
	v28 =	vmov v46;
	vm1 =	vlt.s32 v52, v59;
	v1 =	vsel vm7, v42, v1;
	v39, v40, _ =	vpop (xrf1)  }
0xdc: {  	vm1 =	vmand vm2, vm1;
	v0 =	vsel vm7, v44, v0;
	(xrf1) =	vsort.ascd.msk.f32 $0xffff, v22, v7;
	vm4 =	vgt.f32 v60, v61;
	v22, _, _ =	vpop (xrf2)  }
0xdd: {  	p0 =	slt.u32 s25, $0x7C;
	v57 =	vld.idx.msk [tilespmem:v43+s2+$0x0], $0xffff;
	vm5 =	vlt.s32 v35, v37;
	vm3 =	veq.f32 v60, v61;
	v25 =	vmov v36;
	v49, v48, _ =	vpop (xrf1)  }
.Ltmp0:
0xde: {  	vm2 =	vmand vm3, vm5;
	vm3 =	vmor vm6, vm1;
	v36 =	vbroadcast v22, $0xF;
	(xrf1) =	vsort.dscd.msk.f32 $0xffff, v55, v26;
	v26 =	vpop (erf);
	(pc) =	sbr.rel @p0 .LBB2_2-.Ltmp0, $4  }
0xdf: {  	v42 =	vld.idx.msk [tilespmem:v29+s2+$0x0], $0xffff;
	v22 =	vmov v43;
	vm1 =	vmor vm4, vm2;
	(xrf1) =	vsort.dscd.msk.f32 $0xffff, v0, v1;
	v26 =	vnsel vm0, $0x0, v26;
	v43, v29, _ =	vpop (xrf1)  }
0xe0: {  	vm2 =	vlt.s32 v40, v33;
	vm4 =	veq.f32 v39, v32;
	v56 =	vsel vm3, v56, v58;
	(xrf2) =	vadd.scan.msk.f32 $0xffff, v26;
	v46, _, _ =	vpop (xrf2)  }
0xe1: {  	v44 =	vor.u32 s28, v4;
	(xrf1) =	vsort.dscd.msk.f32 $0xffff, v31, v5;
	v31 =	vsel vm3, v52, v59;
	v52 =	vsel vm1, v60, v61;
	v55, v54, _ =	vpop (xrf1)  }
0xe2: {  	s25 =	sadd.s32 $0x4, s25;
	vm2 =	vmand vm4, vm2;
	vm3 =	vgt.f32 v39, v32;
	(xrf1) =	vsort.dscd.msk.f32 $0xffff, v57, v63;
	v38 =	vpop (erf);
	vm4 =	veq.f32 v55, v49  }
0xe3: {  	vm5 =	vlt.s32 v54, v48  }
0xe4: {  	vm6 =	vgt.f32 v55, v49;
	vm4 =	vmand vm4, vm5  }
0xe5: {  	v2 =	vld [tilespmem:$0x1FFE0];
	vm4 =	vmor vm6, vm4  }
0xe6: {  	v1 =	vsel vm4, v54, v48;
	_ =	sdelay $0x1  }
0xe7: {  	(xrf1) =	vsort.dscd.msk.f32 $0xffff, v56, v31;
	v59, v58, _ =	vpop (xrf1);
	v0 =	vsel vm4, v55, v49  }
0xe8: {  	v35 =	vsel vm1, v35, v37;
	v31 =	vld [tilespmem:$0x1FFF0];
	(xrf1) =	vsort.ascd.msk.f32 $0xffff, v0, v1;
	v1, v61, _ =	vpop (xrf1)  }
0xe9: {  	v60 =	vor.u32 s29, v2;
	vm9 =	veq.f32 v1, v59;
	vm10 =	vlt.s32 v61, v58  }
0xea: {  	vm1 =	vmor vm3, vm2;
	[tilespmem:$0x1FFC0] =	vst v60;
	vm2 =	vgt.f32 v1, v59;
	vm3 =	vmand vm9, vm10  }
0xeb: {  	v33 =	vsel vm1, v40, v33;
	v32 =	vsel vm1, v39, v32;
	v62 =	vld.idx.msk [tilespmem:v24+s2+$0x0], $0xffff;
	vm1 =	vmor vm2, vm3  }
0xec: {  	(xrf1) =	vsort.ascd.msk.f32 $0xffff, v52, v35;
	v0 =	vld.idx.msk [tilespmem:v53+s2+$0x0], $0xffff;
	v1 =	vsel vm1, v1, v59  }
0xed: {  	v47 =	vld.idx.msk [tilespmem:v47+s2+$0x0], $0xffff;
	(xrf1) =	vsort.ascd.msk.f32 $0xffff, v42, v31  }
0xee: {  	v40 =	vld.idx.msk [tilespmem:v51+s2+$0x0], $0xffff;
	(xrf1) =	vsort.dscd.msk.f32 $0xffff, v32, v33;
	v55 =	vsel vm1, v61, v58  }
0xef: {  	v57 =	vor.u32 s28, v2;
	v2 =	vlaneseq.u32;
	v63 =	vld.idx.msk [tilespmem:v60+s2+$0x0], $0xffff;
	(xrf1) =	vsort.dscd.msk.f32 $0xffff, v1, v55;
	v1, v42, _ =	vpop (xrf1)  }
0xf0: {  	v56 =	vor.u32 s28, v6;
	v48 =	vld.idx.msk [tilespmem:v50+s2+$0x0], $0xffff;
	(xrf1) =	vsort.dscd.msk.f32 $0xffff, v62, v2;
	v50, v37, _ =	vpop (xrf1)  }
0xf1: {  	[tilespmem:$0x1FFD0] =	vst v57;
	(xrf1) =	vsort.ascd.msk.f32 $0xffff, v0, v7;
	v0, v59, _ =	vpop (xrf1)  }
0xf2: {  	v58 =	vor.u32 s29, v6;
	v44 =	vld.idx.msk [tilespmem:v44+s2+$0x0], $0xffff;
	[tilespmem:$0x1FFB0] =	vst v59  }
0xf3: {  	(xrf1) =	vsort.dscd.msk.f32 $0xffff, v47, v5;
	v62, v61, _ =	vpop (xrf1);
	v60 =	vld.idx.msk [tilespmem:v41+s2+$0x0], $0xffff  }
0xf4: {  	(xrf1) =	vsort.dscd.msk.f32 $0xffff, v63, v2;
	vm1 =	veq.f32 v62, v1;
	vm2 =	vlt.s32 v61, v42  }
0xf5: {  	v63 =	vld.idx.msk [tilespmem:v56+s2+$0x0], $0xffff;
	v53, v39, _ =	vpop (xrf1);
	(xrf1) =	vsort.ascd.msk.f32 $0xffff, v40, v31;
	vm3 =	vgt.f32 v62, v1;
	vm1 =	vmand vm1, vm2  }
0xf6: {  	v32 =	vld.idx.msk [tilespmem:v57+s2+$0x0], $0xffff;
	v41, v40, _ =	vpop (xrf1);
	(xrf1) =	vsort.ascd.msk.f32 $0xffff, v48, v31;
	vm1 =	vmor vm3, vm1  }
0xf7: {  	v48 =	vld.idx.msk [tilespmem:v58+s2+$0x0], $0xffff;
	v33, v55, _ =	vpop (xrf1);
	(xrf1) =	vsort.dscd.msk.f32 $0xffff, v44, v5;
	v1 =	vsel vm1, v62, v1  }
0xf8: {  	v42 =	vsel vm1, v61, v42;
	(xrf1) =	vsort.ascd.msk.f32 $0xffff, v60, v31;
	v60, v61, _ =	vpop (xrf1)  }
0xf9: {  	v62 =	vld.idx.msk [tilespmem:v45+s2+$0x0], $0xffff;
	(xrf1) =	vsort.dscd.msk.f32 $0xffff, v1, v42;
	vm1 =	veq.f32 v33, v60;
	vm2 =	vlt.s32 v55, v61  }
0xfa: {  	v1, _, _ =	vpop (xrf2);
	vm3 =	vgt.f32 v33, v60;
	(xrf1) =	vsort.ascd.msk.f32 $0xffff, v63, v7;
	vm1 =	vmand vm1, vm2  }
0xfb: {  	v42, v56, _ =	vpop (xrf1);
	(xrf1) =	vsort.dscd.msk.f32 $0xffff, v32, v2;
	vm1 =	vmor vm3, vm1  }
0xfc: {  	v45, v44, _ =	vpop (xrf1);
	v63 =	vsel vm1, v33, v60;
	v31 =	vsel vm1, v55, v61;
	(xrf1) =	vsort.ascd.msk.f32 $0xffff, v48, v7  }
0xfd: {  	v48, v49, _ =	vpop (xrf1);
	(xrf1) =	vsort.dscd.msk.f32 $0xffff, v63, v31  }
0xfe: {  	v43 =	vmul.f32 $1.442695020e+00, v43;
	v47, v35, _ =	vpop (xrf1);
	(xrf1) =	vsort.dscd.msk.f32 $0xffff, v62, v5  }
0xff: {  	v46 =	vbroadcast v46, $0xF;
	v51, v52, _ =	vpop (xrf1)  }
0x100: {  	(erf) = vpow2.f32 v43;
	v1 =	vbroadcast v1, $0xF;
	v32, v54, _ =	vpop (xrf1)  }
0x101: {  	(erf) = vrcp.f32 v36;
	v0 =	vmul.f32 $1.442695020e+00, v0;
	v33, v31, _ =	vpop (xrf1)  }
0x102: {  	(erf) = vrcp.f32 v34;
	v57, v58, _ =	vpop (xrf1)  }
0x103: {  	(erf) = vrcp.f32 v46;
	v46, v59, _ =	vpop (xrf1)  }
0x104: {  	(erf) = vrcp.f32 v1;
	vm1 =	veq.f32 v33, v32;
	vm2 =	vlt.s32 v31, v54;
	v1, v60, _ =	vpop (xrf1)  }
0x105: {  	(erf) = vpow2.f32 v0;
	vm3 =	vgt.f32 v33, v32;
	vm1 =	vmand vm1, vm2;
	v0, v61, _ =	vpop (xrf1)  }
0x106: {  	vm11 =	vlt.s32 v49, v56;
	v47 =	vmul.f32 $1.442695020e+00, v47;
	(xrf1) =	vsort.ascd.msk.f32 $0xffff, v25, v27;
	vm1 =	vmor vm3, vm1;
	v62, v63, _ =	vpop (xrf1)  }
0x107: {  	vm2 =	veq.f32 v48, v42;
	vm3 =	vgt.f32 v48, v42;
	v36 =	vsel vm1, v33, v32;
	v33, v34, _ =	vpop (xrf1)  }
0x108: {  	vm12 =	veq.f32 v51, v46;
	v43 =	vsel vm1, v31, v54;
	vm1 =	vmand vm2, vm11;
	v54, v55, _ =	vpop (xrf1)  }
0x109: {  	(xrf1) =	vsort.dscd.msk.f32 $0xffff, v28, v30;
	vm2 =	vgt.f32 v51, v46;
	vm1 =	vmor vm3, vm1;
	vm3 =	vlt.s32 v52, v59;
	v31, v32, _ =	vpop (xrf1)  }
0x10a: {  	vm13 =	veq.f32 v57, v1;
	v27 =	vsel vm1, v48, v42;
	vm3 =	vmand vm12, vm3;
	v42, v48, _ =	vpop (xrf1)  }
0x10b: {  	v28 =	vsel vm1, v49, v56;
	vm1 =	vmor vm2, vm3;
	vm2 =	vlt.s32 v58, v60;
	v49, v25, _ =	vpop (xrf1)  }
0x10c: {  	(xrf1) =	vsort.ascd.msk.f32 $0xffff, v36, v43;
	vm3 =	vgt.f32 v57, v1;
	v30 =	vsel vm1, v52, v59;
	vm2 =	vmand vm13, vm2;
	v52, v56, _ =	vpop (xrf1)  }
0x10d: {  	vm2 =	vmor vm3, vm2;
	vm3 =	veq.f32 v52, v42;
	vm14 =	vlt.s32 v56, v48  }
0x10e: {  	(xrf1) =	vsort.dscd.msk.f32 $0xffff, v27, v28;
	v46 =	vsel vm1, v51, v46;
	vm1 =	vgt.f32 v52, v42;
	vm3 =	vmand vm3, vm14  }
0x10f: {  	(xrf1) =	vsort.dscd.msk.f32 $0xffff, v46, v30;
	v51 =	vsel vm2, v58, v60;
	v1 =	vsel vm2, v57, v1;
	vm1 =	vmor vm1, vm3  }
0x110: {  	(xrf1) =	vsort.dscd.msk.f32 $0xffff, v1, v51;
	v1 =	vsel vm1, v52, v42;
	v57 =	vsel vm1, v56, v48  }
0x111: {  	(erf) = vpow2.f32 v47;
	(xrf1) =	vsort.ascd.msk.f32 $0xffff, v1, v57  }
0x112: {  	v27 =	vnsel vm0, $0x0, v38;
	vm15 =	vlt.s32 v61, v55;
	vm9 =	veq.f32 v0, v54;
	v58 =	vpop (erf)  }
0x113: {  	vm10 =	vgt.f32 v0, v54;
	vm2 =	vlt.s32 v39, v37;
	vm4 =	vmand vm9, vm15;
	v42 =	vpop (erf)  }
0x114: {  	vm11 =	vlt.s32 v32, v63;
	vm12 =	veq.f32 v31, v62;
	vm1 =	veq.f32 v53, v50;
	v47, v48, _ =	vpop (xrf1)  }
0x115: {  	vm13 =	vgt.f32 v31, v62;
	vm3 =	vgt.f32 v53, v50;
	vm1 =	vmand vm1, vm2;
	v36 =	vpop (erf)  }
0x116: {  	v28 =	vnsel vm0, $0x0, v58;
	vm4 =	vmor vm10, vm4;
	vm1 =	vmor vm3, vm1;
	v38 =	vpop (erf)  }
0x117: {  	vm5 =	vmand vm12, vm11;
	v0 =	vsel vm4, v0, v54;
	v1 =	vsel vm1, v53, v50;
	v50, v51, _ =	vpop (xrf1)  }
0x118: {  	(xrf2) =	vadd.scan.msk.f32 $0xffff, v27;
	vm5 =	vmor vm13, vm5;
	v43 =	vpop (erf);
	vm7 =	veq.f32 v50, v47;
	vm14 =	vlt.s32 v51, v48  }
0x119: {  	(xrf2) =	vadd.scan.msk.f32 $0xffff, v28;
	v53 =	vsel vm4, v61, v55;
	v59 =	vpop (erf);
	vm15 =	vgt.f32 v50, v47;
	vm4 =	vmand vm7, vm14  }
0x11a: {  	vm9 =	vlt.s32 v40, v44;
	v32 =	vsel vm5, v32, v63;
	v60, v61, _ =	vpop (xrf1);
	vm4 =	vmor vm15, vm4  }
0x11b: {  	v33 =	vmul.f32 $1.442695020e+00, v33;
	v31 =	vsel vm5, v31, v62;
	(xrf1) =	vsort.ascd.msk.f32 $0xffff, v0, v53;
	v52 =	vpop (erf);
	v50 =	vsel vm4, v50, v47  }
0x11c: {  	vm3 =	veq.f32 v41, v45;
	v30 =	vnsel vm0, $0x0, v59;
	v56, v46, _ =	vpop (xrf1);
	(xrf1) =	vsort.dscd.msk.f32 $0xffff, v31, v32;
	v48 =	vsel vm4, v51, v48  }
0x11d: {  	vm2 =	vgt.f32 v41, v45;
	vm3 =	vmand vm3, vm9;
	(xrf2) =	vadd.scan.msk.f32 $0xffff, v30;
	v0, v53, _ =	vpop (xrf1)  }
0x11e: {  	(erf) = vpow2.f32 v33;
	vm2 =	vmor vm2, vm3;
	v47 =	vnsel vm0, $0x0, v52;
	(xrf1) =	vsort.dscd.msk.f32 $0xffff, v50, v48;
	v31, v32, _ =	vpop (xrf1)  }
0x11f: {  	vm3 =	veq.f32 v0, v60;
	vm10 =	vgt.f32 v0, v60;
	vm11 =	vlt.s32 v53, v61;
	v48, v50, _ =	vpop (xrf1)  }
0x120: {  	(xrf2) =	vadd.scan.msk.f32 $0xffff, v47;
	vm3 =	vmand vm3, vm11;
	vm12 =	veq.f32 v31, v48;
	vm13 =	vlt.s32 v32, v50  }
0x121: {  	vm3 =	vmor vm10, vm3;
	vm14 =	vgt.f32 v31, v48;
	vm5 =	vmand vm12, vm13  }
0x122: {  	v63, _, _ =	vpop (xrf2);
	v0 =	vsel vm3, v0, v60;
	v62 =	vsel vm3, v53, v61;
	vm3 =	vmor vm14, vm5  }
0x123: {  	v59, _, _ =	vpop (xrf2);
	v60 =	vmul.f32 $1.442695020e+00, v49;
	(xrf1) =	vsort.dscd.msk.f32 $0xffff, v0, v62;
	v0 =	vsel vm3, v31, v48;
	v55 =	vsel vm3, v32, v50  }
0x124: {  	v57 =	vsel vm1, v39, v37;
	v61 =	vbroadcast v59, $0xF;
	(xrf1) =	vsort.dscd.msk.f32 $0xffff, v0, v55;
	v0 =	vsel vm2, v40, v44  }
0x125: {  	(erf) = vpow2.f32 v60;
	(xrf1) =	vsort.ascd.msk.f32 $0xffff, v1, v57;
	v1 =	vbroadcast v63, $0xF  }
0x126: {  	v58 =	vsel vm2, v41, v45;
	(erf) = vrcp.f32 v61  }
0x127: {  	(xrf1) =	vsort.dscd.msk.f32 $0xffff, v58, v0;
	v0, _, _ =	vpop (xrf2);
	(erf) = vrcp.f32 v1  }
0x128: {  	v0 =	vbroadcast v0, $0xF  }
0x129: {  	v32, v33, _ =	vpop (xrf1)  }
0x12a: {  	v62, _, _ =	vpop (xrf2)  }
0x12b: {  	v31 =	vbroadcast v62, $0xF;
	v1, v63, _ =	vpop (xrf1);
	(erf) = vrcp.f32 v0  }
0x12c: {  	v55 =	vmul.f32 $1.442695020e+00, v56;
	v0, v40, _ =	vpop (xrf1)  }
0x12d: {  	v56 =	vpop (erf);
	(erf) = vrcp.f32 v31;
	v0 =	vmul.f32 $1.442695020e+00, v0  }
0x12e: {  	v57 =	vpop (erf);
	(erf) = vpow2.f32 v55  }
0x12f: {  	v39 =	vpop (erf)  }
0x130: {  	v53 =	vpop (erf)  }
0x131: {  	(erf) = vpow2.f32 v0;
	v0, v44, _ =	vpop (xrf1)  }
0x132: {  	v58, v48, _ =	vpop (xrf1)  }
0x133: {  	v60, v59, _ =	vpop (xrf1)  }
0x134: {  	vm1 =	veq.f32 v1, v32;
	vm3 =	vlt.s32 v63, v33;
	v54 =	vpop (erf)  }
0x135: {  	vm2 =	vgt.f32 v1, v32;
	vm1 =	vmand vm1, vm3;
	v61, v62, _ =	vpop (xrf1)  }
0x136: {  	v41 =	vnsel vm0, $0x0, v56;
	v31 =	vnsel vm0, $0x0, v57;
	vm1 =	vmor vm2, vm1;
	v55 =	vpop (erf)  }
0x137: {  	(xrf2) =	vadd.scan.msk.f32 $0xffff, v41;
	v63 =	vsel vm1, v63, v33;
	vm3 =	veq.f32 v61, v60;
	vm15 =	vlt.s32 v62, v59;
	v37 =	vpop (erf)  }
0x138: {  	(xrf2) =	vadd.scan.msk.f32 $0xffff, v31;
	vm2 =	vgt.f32 v61, v60;
	vm3 =	vmand vm3, vm15;
	v33 =	vnsel vm0, $0x0, v37  }
0x139: {  	v1 =	vsel vm1, v1, v32;
	vm1 =	vmor vm2, vm3;
	(xrf2) =	vadd.scan.msk.f32 $0xffff, v33  }
0x13a: {  	(xrf1) =	vsort.dscd.msk.f32 $0xffff, v1, v63;
	v1 =	vsel vm1, v61, v60;
	v51 =	vsel vm1, v62, v59  }
0x13b: {  	v52 =	vpop (erf);
	(xrf1) =	vsort.dscd.msk.f32 $0xffff, v1, v51  }
0x13c: {  	v1 =	vnsel vm0, $0x0, v52  }
0x13d: {  	(xrf2) =	vadd.scan.msk.f32 $0xffff, v1;
	_ =	sdelay $0x3  }
0x13e: {  	v56, _, _ =	vpop (xrf2);
	v0 =	vmul.f32 $1.442695020e+00, v0  }
0x13f: {  	v57, _, _ =	vpop (xrf2)  }
0x140: {  	v45 =	vmul.f32 $1.442695020e+00, v58;
	(erf) = vpow2.f32 v0;
	v58, _, _ =	vpop (xrf2)  }
0x141: {  	v0 =	vbroadcast v57, $0xF;
	v37 =	vbroadcast v58, $0xF;
	_ =	sdelay $0x1  }
0x142: {  	[tilespmem:v14+s22+$0x0] =	vst.idx.msk $0xff, v29;
	v32 =	vbroadcast v56, $0xF;
	(erf) = vpow2.f32 v45  }
0x143: {  	v2 =	vld [tilespmem:$0x1FFB0];
	(erf) = vrcp.f32 v0;
	v59, _, _ =	vpop (xrf2)  }
0x144: {  	(erf) = vrcp.f32 v32;
	v0, v49, _ =	vpop (xrf1);
	v45 =	vbroadcast v59, $0xF  }
0x145: {  	v0 =	vmul.f32 $1.442695020e+00, v0;
	(erf) = vrcp.f32 v37;
	v60, v37, _ =	vpop (xrf1)  }
0x146: {  	(erf) = vrcp.f32 v45;
	v32 =	vmul.f32 $1.442695020e+00, v60  }
0x147: {  	[tilespmem:v12+s22+$0x0] =	vst.idx.msk $0xff, v35;
	(erf) = vpow2.f32 v0  }
0x148: {  	[tilespmem:v15+s22+$0x0] =	vst.idx.msk $0xff, v2;
	(erf) = vpow2.f32 v32  }
0x149: {  	[tilespmem:v18+s22+$0x0] =	vst.idx.msk $0xff, v34;
	v20 =	vmul.f32 v42, v20  }
0x14a: {  	[tilespmem:v17+s22+$0x0] =	vst.idx.msk $0xff, v25;
	v21 =	vmul.f32 v36, v21;
	v0 =	vpop (erf)  }
0x14b: {  	[tilespmem:v8+s23+$0x0] =	vst.idx.msk $0xff, v20;
	v8 =	vmul.f32 v38, v23;
	v61 =	vpop (erf)  }
0x14c: {  	v38 =	vmul.f32 v43, v26;
	[tilespmem:v9+s23+$0x0] =	vst.idx.msk $0xff, v21;
	v45 =	vpop (erf)  }
0x14d: {  	[tilespmem:v10+s23+$0x0] =	vst.idx.msk $0xff, v8;
	v50 =	vpop (erf)  }
0x14e: {  	[tilespmem:v11+s23+$0x0] =	vst.idx.msk $0xff, v38;
	v43 =	vmul.f32 v39, v28;
	v0 =	vnsel vm0, $0x0, v0;
	v51 =	vpop (erf)  }
0x14f: {  	[tilespmem:v19+s22+$0x0] =	vst.idx.msk $0xff, v46;
	v32 =	vnsel vm0, $0x0, v61;
	(xrf2) =	vadd.scan.msk.f32 $0xffff, v0;
	v52 =	vpop (erf)  }
0x150: {  	[tilespmem:v14+s23+$0x0] =	vst.idx.msk $0xff, v43;
	(xrf2) =	vadd.scan.msk.f32 $0xffff, v32;
	v62 =	vpop (erf)  }
0x151: {  	[tilespmem:v16+s22+$0x0] =	vst.idx.msk $0xff, v40;
	v53 =	vmul.f32 v53, v27;
	v56 =	vnsel vm0, $0x0, v62;
	v63 =	vpop (erf)  }
0x152: {  	[tilespmem:v24+s22+$0x0] =	vst.idx.msk $0xff, v44;
	v57 =	vmul.f32 v54, v30;
	(xrf2) =	vadd.scan.msk.f32 $0xffff, v56;
	v29 =	vnsel vm0, $0x0, v63  }
0x153: {  	[tilespmem:v13+s23+$0x0] =	vst.idx.msk $0xff, v53;
	v58 =	vmul.f32 v55, v47;
	(xrf2) =	vadd.scan.msk.f32 $0xffff, v29  }
0x154: {  	[tilespmem:v15+s23+$0x0] =	vst.idx.msk $0xff, v57  }
0x155: {  	[tilespmem:v12+s23+$0x0] =	vst.idx.msk $0xff, v58  }
0x156: {  	v2 =	vld [tilespmem:$0x1FFC0];
	_ =	sdelay $0x2  }
0x157: {  	v8, _, _ =	vpop (xrf2)  }
0x158: {  	v42, _, _ =	vpop (xrf2)  }
0x159: {  	v9 =	vbroadcast v42, $0xF  }
0x15a: {  	v8 =	vbroadcast v8, $0xF;
	v59, _, _ =	vpop (xrf2)  }
0x15b: {  	(erf) = vrcp.f32 v9;
	v60 =	vbroadcast v59, $0xF;
	v61, _, _ =	vpop (xrf2)  }
0x15c: {  	[tilespmem:v2+s22+$0x0] =	vst.idx.msk $0xff, v48;
	(erf) = vrcp.f32 v8;
	v62 =	vbroadcast v61, $0xF  }
0x15d: {  	v10 =	vld [tilespmem:$0x1FFD0];
	(erf) = vrcp.f32 v60  }
0x15e: {  	v8 =	vmul.f32 v45, v31;
	(erf) = vrcp.f32 v62;
	_ =	sdelay $0x1  }
0x15f: {  	[tilespmem:v17+s23+$0x0] =	vst.idx.msk $0xff, v8;
	v8 =	vmul.f32 v51, v33  }
0x160: {  	v1 =	vmul.f32 v52, v1  }
0x161: {  	[tilespmem:v22+s22+$0x0] =	vst.idx.msk $0xff, v37  }
0x162: {  	[tilespmem:v16+s23+$0x0] =	vst.idx.msk $0xff, v1  }
0x163: {  	v63 =	vmul.f32 v50, v41;
	[tilespmem:v19+s23+$0x0] =	vst.idx.msk $0xff, v8;
	v8 =	vpop (erf)  }
0x164: {  	[tilespmem:v10+s22+$0x0] =	vst.idx.msk $0xff, v49;
	v1 =	vmul.f32 v8, v32;
	v8 =	vpop (erf)  }
0x165: {  	[tilespmem:v18+s23+$0x0] =	vst.idx.msk $0xff, v63;
	v0 =	vmul.f32 v8, v0;
	v8 =	vpop (erf)  }
0x166: {  	[tilespmem:v2+s23+$0x0] =	vst.idx.msk $0xff, v1;
	v1 =	vmul.f32 v8, v56;
	v8 =	vpop (erf)  }
0x167: {  	[tilespmem:v24+s23+$0x0] =	vst.idx.msk $0xff, v0;
	v8 =	vmul.f32 v8, v29  }
0x168: {  	[tilespmem:v10+s23+$0x0] =	vst.idx.msk $0xff, v1  }
0x169: {  	[tilespmem:v22+s23+$0x0] =	vst.idx.msk $0xff, v8  }
0x16a: {  	[hbm4b:s4+s2] =	stream.linear.scatter [tilespmem:s22], [sflag:$0x1], $0x400, $0x38;
	[tilespmem:$0x5000] =	vst v63  }
0x16b: {  	s24 =	sadd.s32 $0x1, s24;
	_ =	swait.ge [sflag:s21], $0x400  }
0x16c: {  	p0 =	sne.s32 s24, s6;
	[sflag:s21] =	ssyncset.done $0x0  }
.Ltmp1:
0x16d: {  	[sflag:s21] =	ssyncadd.s32 $0xFFFFFC00;
	(pc) =	sbr.rel @p0 .LBB2_1-.Ltmp1, $4  }
0x16e: {  	[hbm4b:s5+s2] =	stream.linear.scatter [tilespmem:s23], [sflag:$0x1], $0x400, $0x38;
	[tilespmem:$0x5000] =	vst v63  }
0x16f: {  	_ =	swait.ge [sflag:s21], $0x400  }
0x170: {  	[sflag:s21] =	ssyncset.done $0x0  }
0x171: {  	v2 =	vmov v3;
	[sflag:s21] =	ssyncadd.s32 $0xFFFFFC00  }
0x172: {  	_ =	sfence.sel $0x180000  }
0x173: {  	[bflag:$0x0] =	sbarrier.arrive $0xFFFF  }
0x174: {  	p0 =	sne.s32 s0, $0x0;
	_ =	strace $0x9000004A  }
0x175: {  	s0 =	sadd.s32 @!p0 $0x100000, s1;
	[bflag:$0x2] =	sbarrier.arrive $0xFFFF  }
0x176: {  	[sflag:s0] =	ssyncadd.tile.s32 @!p0 $0x1;
	_ =	shalt  }
.Lfunc_end2:
_tile_overlayer_lowered:
.L_overlay_start_2:
0x177: {  	(tag) =	ssettag $0x2  }
0x178: {  	s0 =	rddreg [dreg:$0x0];
	s2 =	stileid.u32  }
0x179: {  	s1 =	rddreg [dreg:$0x1];
	p0 =	sne.s32 s2, $0x0  }
0x17a: {  	s3 =	rddreg [dreg:$0x2];
	[bflag:$0x3] =	sbarrier.arrive $0xFFFF;
	s2 =	simm.s32 @!p0 $0x1C01  }
0x17b: {  	[timem:s3], [sflag:s2] =	dma.local @!p0 [hbm:s0], s1  }
0x17c: {  	s0 =	simm.s32 @!p0 $0x1  }
0x17d: {  	_ =	swait.ge @!p0 [sflag:s0], s1  }
0x17e: {  	s1 =	ssub.s32 @!p0 $0x0, s1;
	[sflag:s0] =	ssyncset.done @!p0 $0x0  }
0x17f: {  	[sflag:s0] =	ssyncadd.s32 @!p0 s1  }
0x180: {  	[bflag:$0x3] =	sbarrier.arrive $0xFFFF  }
0x181: {  	_ =	shalt  }

// kernel: kernel.19.cloned.1.call-start
scs
__scs_entry_jumppad:
0x0: {  	(pc) =	sbr.rel $0x88, $3  }
0x1: {  	(tag) =	ssettag $0x0;
	lr =	simm.s32 $0x1  }
0x2: {  	[smem:$0x3F9F] =	sst lr;
	_ =	strace $0xD0000000  }
0x3: {  	_ = 	snop  }
0x4: {  	_ = 	snop  }
0x5: {  	_ = 	snop  }
0x6: {  	_ = 	snop  }
0x7: {  	_ = 	snop  }
__scs_overlays_trampoline_lowered:
0x8: {  	[smem:$0x3FAE] =	sst s0  }
0x9: {  	[smem:$0x3FAF] =	sst s1  }
0xa: {  	[smem:$0x3FB0] =	sst s2  }
0xb: {  	[smem:$0x3FB1] =	sst s3  }
0xc: {  	[smem:$0x3FB2] =	sst s4  }
0xd: {  	[smem:$0x3FB3] =	sst s5  }
0xe: {  	[smem:$0x3FB4] =	sst s6  }
0xf: {  	[smem:$0x3FB5] =	sst s7  }
0x10: {  	[smem:$0x3FB6] =	sst s8  }
0x11: {  	[smem:$0x3FB7] =	sst s9;
	s0 =	simm.s32 @!p0 $0x0  }
0x12: {  	s1 =	sld [smem:$0x3F9D];
	s0 =	simm.s32 @p0 $0x1  }
0x13: {  	[smem:$0x3FB8] =	sst s0;
	s0 =	simm.s32 @!p1 $0x0  }
0x14: {  	s2 =	sld [smem:$0x3F9C];
	s0 =	simm.s32 @p1 $0x1  }
0x15: {  	[smem:$0x3FB9] =	sst s0;
	s0 =	simm.s32 @!p2 $0x0  }
0x16: {  	s3 =	sld [smem:$0x3FDB];
	s0 =	simm.s32 @p2 $0x1  }
0x17: {  	s4 =	simm.s32 $0x1BF5;
	[smem:$0x3FBB] =	sst s0  }
0x18: {  	s0 =	sld [smem:$0x3F9E];
	_ =	swait.ge [sflag:s4], $0x0  }
0x19: {  	s7 =	sld [smem:$0x3F9F]  }
0x1a: {  	s8 =	sadd.s32 $0xFFFFE003, lr  }
0x1b: {  	s9 =	sadd.s32 $0xFFFFFEF7, lr;
	s5 =	simm.s32 $0xFFFFFFFF;
	p2 =	slt.u32 s8, $0xFFFFF086  }
0x1c: {  	p1 =	slt.u32 s9, $0xF7A;
	s5 =	simm.s32 @!p2 $0x0  }
0x1d: {  	s5 =	simm.s32 @p1 $0x1;
	p0 =	seq.s32 s7, s2  }
0x1e: {  	s7 =	smul.u32 @!p0 $0xF7A, s2;
	p2 =	seq.s32 @!p0 s5, $0x0  }
0x1f: {  	s9 =	smul.u32 $0xF7A, s1;
	s8 =	simm.s32 @!p0 $0x1BF5;
	p2 =	por !p2, p0  }
0x20: {  	[sflag:s8] =	ssyncset.s32 @!p0 $0xFFFFF086;
	s6 =	sadd.s32 @!p0 s3, s7;
	s7 =	simm.s32 @!p0 $0x108  }
0x21: {  	s3 =	sadd.s32 s3, s9;
	s6 =	sadd.s32 @!p0 $0x88, s6;
	s7 =	simm.s32 @p2 $0x1082  }
0x22: {  	[simem:s7], [sflag:s8] =	dma.local @!p0 [hbm:s6], $0xF7A  }
0x23: {  	s9 =	sor.u32 $0xD0000000, s2;
	s6 =	simm.s32 $0x108;
	_ =	swait.ge @!p0 [sflag:s8], $0x0  }
0x24: {  	s3 =	sadd.s32 $0x88, s3;
	s6 =	simm.s32 @!p1 $0x1082;
	[sflag:s4] =	ssyncset.s32 $0xFFFFF086  }
0x25: {  	[simem:s6], [sflag:s4] =	dma.local [hbm:s3], $0xF7A  }
0x26: {  	[smem:$0x3F9F] =	sst s1;
	(tag) =	ssettag s2;
	_ =	strace s9  }
0x27: {  	s1 =	sld [smem:$0x3FAF]  }
0x28: {  	s2 =	sld [smem:$0x3FB0]  }
0x29: {  	s4 =	sld [smem:$0x3FB2]  }
0x2a: {  	p0 =	seq.s32 s5, $0x0;
	s5 =	sld [smem:$0x3FB3]  }
0x2b: {  	s6 =	sld [smem:$0x3FB4]  }
0x2c: {  	s7 =	sld [smem:$0x3FB5]  }
0x2d: {  	s3 =	simm.s32 $0x108;
	s8 =	sld [smem:$0x3FB6]  }
0x2e: {  	s3 =	simm.s32 @!p0 $0x1082;
	s9 =	sld [smem:$0x3FB7]  }
0x2f: {  	lr =	sadd.s32 s0, s3;
	s0 =	sld [smem:$0x3FAE]  }
0x30: {  	s3 =	sld [smem:$0x3FB1]  }
0x31: {  	[smem:$0x3FBA] =	sst s10  }
0x32: {  	s10 =	sld [smem:$0x3FB8];
	_ =	sdelay $0x3  }
0x33: {  	p0 =	seq.s32 s10, $0x1;
	s10 =	sld [smem:$0x3FBA];
	_ =	sdelay $0x3  }
0x34: {  	[smem:$0x3FBA] =	sst s10  }
0x35: {  	s10 =	sld [smem:$0x3FB9];
	_ =	sdelay $0x3  }
0x36: {  	p1 =	seq.s32 s10, $0x1;
	s10 =	sld [smem:$0x3FBA];
	_ =	sdelay $0x3  }
0x37: {  	[smem:$0x3FBA] =	sst s10  }
0x38: {  	s10 =	sld [smem:$0x3FBB]  }
0x39: {  	_ = 	snop;
	(pc) =	sbr.ind lr, $3  }
0x3a: {  	_ = 	snop  }
0x3b: {  	_ = 	snop  }
0x3c: {  	p2 =	seq.s32 s10, $0x1;
	s10 =	sld [smem:$0x3FBA]  }
0x3d: {  	_ =	shalt  }
0x3e: {  	_ =	shalt  }
0x3f: {  	_ =	shalt  }
0x40: {  	_ =	shalt  }
0x41: {  	_ =	shalt  }
0x42: {  	_ =	shalt  }
0x43: {  	_ =	shalt  }
0x44: {  	_ =	shalt  }
0x45: {  	_ =	shalt  }
0x46: {  	_ =	shalt  }
0x47: {  	_ =	shalt  }
0x48: {  	_ =	shalt  }
0x49: {  	_ =	shalt  }
0x4a: {  	_ =	shalt  }
0x4b: {  	_ =	shalt  }
0x4c: {  	_ =	shalt  }
0x4d: {  	_ =	shalt  }
0x4e: {  	_ =	shalt  }
0x4f: {  	_ =	shalt  }
0x50: {  	_ =	shalt  }
0x51: {  	_ =	shalt  }
0x52: {  	_ =	shalt  }
0x53: {  	_ =	shalt  }
0x54: {  	_ =	shalt  }
0x55: {  	_ =	shalt  }
0x56: {  	_ =	shalt  }
0x57: {  	_ =	shalt  }
0x58: {  	_ =	shalt  }
0x59: {  	_ =	shalt  }
0x5a: {  	_ =	shalt  }
0x5b: {  	_ =	shalt  }
0x5c: {  	_ =	shalt  }
0x5d: {  	_ =	shalt  }
0x5e: {  	_ =	shalt  }
0x5f: {  	_ =	shalt  }
0x60: {  	_ =	shalt  }
0x61: {  	_ =	shalt  }
0x62: {  	_ =	shalt  }
0x63: {  	_ =	shalt  }
0x64: {  	_ =	shalt  }
0x65: {  	_ =	shalt  }
0x66: {  	_ =	shalt  }
0x67: {  	_ =	shalt  }
0x68: {  	_ =	shalt  }
0x69: {  	_ =	shalt  }
0x6a: {  	_ =	shalt  }
0x6b: {  	_ =	shalt  }
0x6c: {  	_ =	shalt  }
0x6d: {  	_ =	shalt  }
0x6e: {  	_ =	shalt  }
0x6f: {  	_ =	shalt  }
0x70: {  	_ =	shalt  }
0x71: {  	_ =	shalt  }
0x72: {  	_ =	shalt  }
0x73: {  	_ =	shalt  }
0x74: {  	_ =	shalt  }
0x75: {  	_ =	shalt  }
0x76: {  	_ =	shalt  }
0x77: {  	_ =	shalt  }
0x78: {  	_ =	shalt  }
0x79: {  	_ =	shalt  }
0x7a: {  	_ =	shalt  }
0x7b: {  	_ =	shalt  }
0x7c: {  	_ =	shalt  }
0x7d: {  	_ =	shalt  }
0x7e: {  	_ =	shalt  }
0x7f: {  	_ =	shalt  }
0x80: {  	_ =	shalt  }
0x81: {  	_ =	shalt  }
0x82: {  	_ =	shalt  }
0x83: {  	_ =	shalt  }
0x84: {  	_ =	shalt  }
0x85: {  	_ =	shalt  }
0x86: {  	_ =	shalt  }
0x87: {  	_ =	shalt  }
.Lfunc_end0:
.L_simem_size_0:
called_computation.3_lowered:
.L_overlay_start_0:
0x88: {  	s2 =	sld [smem:$0x3FD9]  }
0x89: {  	s3 =	sld [smem:$0x3FFE];
	_ =	sdelay $0x1  }
0x8a: {  	s1 =	srdreg.scid  }
0x8b: {  	s0 =	sand.u32 $0x1, s1  }
0x8c: {  	s16 =	sshll.u32 s0, $0xA;
	s2 =	sadd.s32 s3, s2  }
0x8d: {  	s2 =	sadd.s32 s2, s16  }
0x8e: {  	[smem:$0x3FC6] =	sst s2  }
0x8f: {  	_ = 	snop  }
0x90: {  	(tm) =	ssettm $0x1  }
0x91: {  	s17 =	sld [smem:$0x3FFB];
	_ =	sdelay $0x3  }
0x92: {  	_ =	strace s17  }
0x93: {  	s2 =	sld [smem:$0x3FFC];
	_ =	sdelay $0x3  }
0x94: {  	_ =	strace s2  }
0x95: {  	s2 =	sld [smem:$0x3FFD];
	_ =	sdelay $0x3  }
0x96: {  	_ =	strace s2  }
0x97: {  	_ =	strace $0x8FFFFFFF  }
0x98: {  	s18 =	sld [smem:$0x3FDB];
	_ =	sdelay $0x1  }
0x99: {  	s19 =	simm.s32 $_scs_section_size  }
0x9a: {  	s4 =	simm.s32 $_size__tile_overlayer_lowered;
	s5 =	simm.s32 $_tile_overlayer_lowered  }
0x9b: {  	s22 =	simm.s32 $0x1BFF;
	s21 =	sshll.u32 s5, $0x1;
	s2 =	sadd.s32 s19, s18  }
0x9c: {  	s6 =	simm.s32 $0x0;
	s20 =	sshll.u32 s4, $0x1;
	s4 =	sadd.s32 s21, s2  }
0x9d: {  	[timem:s6], [sflag:s22] =	dma.local [hbm:s4], s20  }
0x9e: {  	_ =	swait.ge [sflag:s22], s20  }
0x9f: {  	s3 =	ssub.s32 $0x0, s20;
	[sflag:s22] =	ssyncset.done $0x0  }
0xa0: {  	[sflag:s22] =	ssyncadd.s32 s3;
	_ =	sdelay $0x1  }
0xa1: {  	s23 =	simm.s32 $0x1B8B  }
0xa2: {  	_ =	swait.ge [sflag:s23], $0x1  }
0xa3: {  	[sflag:s23] =	ssyncset.done $0x0  }
0xa4: {  	s25 =	simm.s32 $0x1B8E;
	s24 =	sld [smem:$0x3FFE];
	[sflag:s23] =	ssyncadd.s32 $0xFFFFFFFF  }
0xa5: {  	s26 =	simm.s32 $execute0_lowered;
	[smem:$0x3FD2] =	sst s25  }
0xa6: {  	s4 =	sshll.u32 s26, $0x1;
	_ =	strace $0x80000046;
	[dreg:$0x1] =	wrdreg $0xFFFFFFFF  }
0xa7: {  	s28 =	simm.s32 $_size_execute0_lowered;
	s2 =	sadd.s32 s2, s4;
	[dreg:$0x0] =	wrdreg $0x0  }
0xa8: {  	s4 =	sshll.u32 s28, $0x1;
	[dreg:$0x2] =	wrdreg s2  }
0xa9: {  	[dreg:$0x3] =	wrdreg s4  }
0xaa: {  	[dreg:$0x4] =	wrdreg $0xC0  }
0xab: {  	_ =	task [dreg:s6], $0x5FFFF  }
0xac: {  	[dreg:$0x1] =	wrdreg $0xFFFFFFFF  }
0xad: {  	[dreg:$0x0] =	wrdreg $0x60  }
0xae: {  	[dreg:$0x2] =	wrdreg s24  }
0xaf: {  	[dreg:$0x3] =	wrdreg $0xC  }
0xb0: {  	_ =	task.clear_ibuf [dreg:s6], $0x4FFFF;
	_ =	strace $0x90000046  }
0xb1: {  	s29 =	simm.s32 $0xC;
	_ =	strace $0x80000048  }
0xb2: {  	_ =	swait.ge [sflag:s29], $0x1  }
0xb3: {  	[sflag:s29] =	ssyncadd.s32 $0xFFFFFFFF  }
0xb4: {  	_ =	strace $0x90000048  }
0xb5: {  	_ =	sfence  }
0xb6: {  	s30 =	sld [smem:$0x0];
	_ =	sdelay $0x2  }
0xb7: {  	s31 =	sshll.u32 s1, $0xD;
	s1 =	sshrl.u32 s1, $0x2  }
0xb8: {  	s3 =	sand.u32 $0x4000, s31;
	s1 =	sadd.s32 s1, s30  }
0xb9: {  	s0 =	sor.u32 s3, s0;
	s1 =	sshll.u32 s1, $0x11  }
0xba: {  	s0 =	sor.u32 s1, s0  }
0xbb: {  	s0 =	sadd.s32 $0x8F2B, s0  }
0xbc: {  	[sflag:s0] =	ssyncadd.remote.s32 $0x1  }
0xbd: {  	_ =	sfence.sel $0xFFFF  }
0xbe: {  	[dreg:$0x0] =	wrdreg $0xFFFFFFFF;
	(pc) =	sbr.abs _section_cstart, $3  }
0xbf: {  	[dreg:$0x1] =	wrdreg $0xFFFFFFFF  }
0xc0: {  	_ =	task.clear_ibuf [dreg:s6], $0x2FFFF;
	_ =	strace $0x9FFFFFFF  }
0xc1: {  	(tm) =	ssettm $0x7FFFFFFF  }
tec
execute0_lowered:
.L_overlay_start_1:
0x0: {  	(tag) =	ssettag $0x1  }
0x1: {  	v0 =	vimm.s32 $0xB80;
	vm14 =	vcmask $0x300;
	vm13 =	vcmask $0x704  }
0x2: {  	vm12 =	vcmask $0xB08;
	vm11 =	vcmask $0xF0C;
	vm10 =	vcmask $0x1310  }
0x3: {  	vm9 =	vcmask $0x1714;
	vm8 =	vcmask $0x1B18;
	vm7 =	vcmask $0x1F1C  }
0x4: {  	vm6 =	vcmask $0x2320;
	vm5 =	vcmask $0x2724;
	vm4 =	vcmask $0x2B28  }
0x5: {  	vm3 =	vcmask $0x2F2C;
	vm2 =	vcmask $0x3330;
	vm0 =	vcmask $0x3734  }
0x6: {  	vm1 =	vcmask $0x3B38;
	v1 =	vimm.s32 $0x1B80;
	v3 =	vimm.s32 $0x2B80  }
0x7: {  	v4 =	vimm.s32 $0x3B80;
	v0 =	vsel vm14, $0x0, v0;
	v2 =	vsel vm14, $0x1000, v1  }
0x8: {  	v3 =	vsel vm14, $0x2000, v3;
	v4 =	vsel vm14, $0x3000, v4;
	v0 =	vsel vm13, $0x80, v0  }
0x9: {  	v2 =	vsel vm13, $0x1080, v2;
	v3 =	vsel vm13, $0x2080, v3;
	v4 =	vsel vm13, $0x3080, v4  }
0xa: {  	v0 =	vsel vm12, $0x100, v0;
	v2 =	vsel vm12, $0x1100, v2;
	v3 =	vsel vm12, $0x2100, v3  }
0xb: {  	v4 =	vsel vm12, $0x3100, v4;
	v0 =	vsel vm11, $0x180, v0;
	v2 =	vsel vm11, $0x1180, v2  }
0xc: {  	v3 =	vsel vm11, $0x2180, v3;
	v4 =	vsel vm11, $0x3180, v4;
	v0 =	vsel vm10, $0x200, v0  }
0xd: {  	v2 =	vsel vm10, $0x1200, v2;
	v3 =	vsel vm10, $0x2200, v3;
	v4 =	vsel vm10, $0x3200, v4  }
0xe: {  	v0 =	vsel vm9, $0x280, v0;
	v2 =	vsel vm9, $0x1280, v2;
	v3 =	vsel vm9, $0x2280, v3  }
0xf: {  	v4 =	vsel vm9, $0x3280, v4;
	v0 =	vsel vm8, $0x300, v0;
	v2 =	vsel vm8, $0x1300, v2  }
0x10: {  	s1 =	srdreg.scid;
	v3 =	vsel vm8, $0x2300, v3;
	v4 =	vsel vm8, $0x3300, v4;
	v0 =	vsel vm7, $0x380, v0  }
0x11: {  	s3 =	rddreg [dreg:$0x0];
	s0 =	stileid.u32;
	s2 =	simm.s32 $0x0;
	v2 =	vsel vm7, $0x1380, v2;
	v3 =	vsel vm7, $0x2380, v3;
	v4 =	vsel vm7, $0x3380, v4  }
0x12: {  	s14 =	simm.s32 $0x800;
	s15 =	simm.s32 $0x1000;
	s16 =	simm.s32 $0x1800;
	v0 =	vsel vm6, $0x800, v0;
	v2 =	vsel vm6, $0x1800, v2;
	v3 =	vsel vm6, $0x2800, v3  }
0x13: {  	s17 =	simm.s32 $0x2000;
	s18 =	simm.s32 $0x2800;
	s19 =	simm.s32 $0x3000;
	v4 =	vsel vm6, $0x3800, v4;
	v0 =	vsel vm5, $0x880, v0;
	v2 =	vsel vm5, $0x1880, v2  }
0x14: {  	s20 =	simm.s32 $0x3800;
	s21 =	simm.s32 $0x1;
	s4 =	sand.u32 $0x1, s1;
	v3 =	vsel vm5, $0x2880, v3;
	v4 =	vsel vm5, $0x3880, v4;
	v0 =	vsel vm4, $0x900, v0  }
0x15: {  	s22 =	simm.s32 $0x4000;
	s5 =	sshll.u32 s0, $0x8;
	s6 =	sshll.u32 s4, $0x7;
	v2 =	vsel vm4, $0x1900, v2;
	v3 =	vsel vm4, $0x2900, v3;
	v4 =	vsel vm4, $0x3900, v4  }
0x16: {  	s23 =	simm.s32 $0x4800;
	s4 =	ssub.s32 $0x2, s4;
	s5 =	sor.u32 s6, s5;
	v0 =	vsel vm3, $0x980, v0;
	v2 =	vsel vm3, $0x1980, v2;
	v3 =	vsel vm3, $0x2980, v3  }
0x17: {  	s24 =	simm.s32 $0x0;
	s30 =	sshrl.u32 s4, $0x1;
	s13 =	sadd.s32 s5, s3;
	v4 =	vsel vm3, $0x3980, v4;
	v0 =	vsel vm2, $0xA00, v0;
	v2 =	vsel vm2, $0x1A00, v2  }
0x18: {  	[smem:$0x7FF] =	sst s2;
	s31 =	ssub.s32 s4, s30;
	s3 =	sadd.s32 $0x3000, s13;
	v5 =	vsel vm2, $0x2A00, v3;
	v6 =	vsel vm2, $0x3A00, v4;
	v0 =	vsel vm0, $0xA80, v0  }
0x19: {  	s4 =	sadd.s32 $0xB000, s13;
	s5 =	sadd.s32 $0xC000, s13;
	s7 =	sadd.s32 $0x4000, s13;
	v2 =	vsel vm0, $0x1A80, v2;
	v5 =	vsel vm0, $0x2A80, v5;
	v0 =	vsel vm1, $0xB00, v0  }
0x1a: {  	s8 =	sadd.s32 $0x5000, s13;
	s9 =	sadd.s32 $0x6000, s13;
	s10 =	sadd.s32 $0x7000, s13;
	v6 =	vsel vm0, $0x3A80, v6;
	vm0 =	vmmov $0xff;
	[tilespmem:$0x1FFE0] =	vst v0;
	v0 =	vlaneseq.u32  }
0x1b: {  	s11 =	sadd.s32 $0x8000, s13;
	s12 =	sadd.s32 $0x9000, s13;
	s13 =	sadd.s32 $0xA000, s13;
	v2 =	vsel vm1, $0x1B00, v2;
	v4 =	vsel vm1, $0x2B00, v5;
	v1 =	vor.u32 $0x10, v0  }
0x1c: {  	s1 =	rddreg [dreg:$0x1];
	s6 =	smax.u32 s31, $0x1;
	v6 =	vsel vm1, $0x3B00, v6;
	_ =	strace $0x80000047;
	v5 =	vor.u32 $0x20, v0;
	v7 =	vor.u32 $0x30, v0;
	[tilespmem:$0x1FFF0] =	vst v1  }
.LBB2_1:
0x1d: {  	[tilespmem:s2], [sflag:$0x1] =	stream.linear.gather [hbm4b:s3+s2], $0x400, $0x38;
	[tilespmem:$0x5000] =	vst v63  }
0x1e: {  	_ = 	snop  }
0x1f: {  	[tilespmem:s14], [sflag:$0x1] =	stream.linear.gather [hbm4b:s7+s2], $0x400, $0x38;
	[tilespmem:$0x5000] =	vst v63  }
0x20: {  	_ = 	snop  }
0x21: {  	[tilespmem:s15], [sflag:$0x1] =	stream.linear.gather [hbm4b:s8+s2], $0x400, $0x38;
	[tilespmem:$0x5000] =	vst v63  }
0x22: {  	_ = 	snop  }
0x23: {  	[tilespmem:s16], [sflag:$0x1] =	stream.linear.gather [hbm4b:s9+s2], $0x400, $0x38;
	[tilespmem:$0x5000] =	vst v63  }
0x24: {  	_ = 	snop  }
0x25: {  	[tilespmem:s17], [sflag:$0x1] =	stream.linear.gather [hbm4b:s10+s2], $0x400, $0x38;
	[tilespmem:$0x5000] =	vst v63  }
0x26: {  	_ = 	snop  }
0x27: {  	[tilespmem:s18], [sflag:$0x1] =	stream.linear.gather [hbm4b:s11+s2], $0x400, $0x38;
	[tilespmem:$0x5000] =	vst v63  }
0x28: {  	_ = 	snop  }
0x29: {  	[tilespmem:s19], [sflag:$0x1] =	stream.linear.gather [hbm4b:s12+s2], $0x400, $0x38;
	[tilespmem:$0x5000] =	vst v63  }
0x2a: {  	_ = 	snop  }
0x2b: {  	[tilespmem:s20], [sflag:$0x1] =	stream.linear.gather [hbm4b:s13+s2], $0x400, $0x38;
	[tilespmem:$0x5000] =	vst v63  }
0x2c: {  	_ =	swait.ge [sflag:s21], $0x2000  }
0x2d: {  	v0 =	vld [tilespmem:$0x1FFE0];
	_ =	sdelay $0x2  }
0x2e: {  	v8 =	vor.u32 s2, v6  }
0x2f: {  	v10 =	vor.u32 s2, v4  }
0x30: {  	v11 =	vor.u32 s2, v0  }
0x31: {  	v12 =	vor.u32 s2, v2;
	s25 =	simm.s32 $0x1;
	[sflag:s21] =	ssyncset.done $0x0  }
0x32: {  	v3 =	vld [tilespmem:$0x1FFF0];
	[sflag:s21] =	ssyncadd.s32 $0xFFFFE000;
	v9 =	vor.u32 s25, v0  }
0x33: {  	v14 =	vor.u32 s25, v6;
	v13 =	vld.idx.msk [tilespmem:v8+s2+$0x0], $0xffff  }
0x34: {  	v10 =	vld.idx.msk [tilespmem:v10+s2+$0x0], $0xffff  }
0x35: {  	s26 =	simm.s32 $0x2;
	v15 =	vor.u32 s25, v4;
	v16 =	vld.idx.msk [tilespmem:v11+s2+$0x0], $0xffff  }
0x36: {  	v12 =	vld.idx.msk [tilespmem:v12+s2+$0x0], $0xffff;
	v8 =	vor.u32 s26, v0  }
0x37: {  	v17 =	vor.u32 s25, v2;
	v19 =	vld.idx.msk [tilespmem:v9+s2+$0x0], $0xffff  }
0x38: {  	v14 =	vld.idx.msk [tilespmem:v14+s2+$0x0], $0xffff;
	(xrf1) =	vsort.ascd.msk.f32 $0xffff, v13, v7  }
0x39: {  	v1 =	vlaneseq.u32;
	(xrf1) =	vsort.dscd.msk.f32 $0xffff, v10, v5  }
0x3a: {  	s31 =	simm.s32 $0x3;
	v18 =	vor.u32 s26, v2;
	v10 =	vld.idx.msk [tilespmem:v15+s2+$0x0], $0xffff;
	(xrf1) =	vsort.dscd.msk.f32 $0xffff, v16, v1  }
0x3b: {  	v13 =	vor.u32 s31, v4;
	v16 =	vld.idx.msk [tilespmem:v8+s2+$0x0], $0xffff;
	(xrf1) =	vsort.ascd.msk.f32 $0xffff, v12, v3  }
0x3c: {  	v20 =	vor.u32 s31, v2;
	v17 =	vld.idx.msk [tilespmem:v17+s2+$0x0], $0xffff;
	(xrf1) =	vsort.dscd.msk.f32 $0xffff, v19, v1  }
0x3d: {  	v15 =	vor.u32 s31, v6;
	(xrf1) =	vsort.ascd.msk.f32 $0xffff, v14, v7;
	_ =	sdelay $0x1  }
0x3e: {  	v12 =	vld.idx.msk [tilespmem:v18+s2+$0x0], $0xffff;
	(xrf1) =	vsort.dscd.msk.f32 $0xffff, v10, v5;
	v10 =	vor.u32 s31, v0  }
0x3f: {  	v13 =	vld.idx.msk [tilespmem:v13+s2+$0x0], $0xffff;
	(xrf1) =	vsort.dscd.msk.f32 $0xffff, v16, v1;
	v16 =	vor.u32 s26, v6  }
0x40: {  	v14 =	vld.idx.msk [tilespmem:v20+s2+$0x0], $0xffff;
	(xrf1) =	vsort.ascd.msk.f32 $0xffff, v17, v3;
	v17 =	vor.u32 s26, v4  }
0x41: {  	v15 =	vld.idx.msk [tilespmem:v15+s2+$0x0], $0xffff;
	_ =	sdelay $0x1  }
0x42: {  	(xrf1) =	vsort.ascd.msk.f32 $0xffff, v12, v3;
	v12 =	vld.idx.msk [tilespmem:v10+s2+$0x0], $0xffff  }
0x43: {  	(xrf1) =	vsort.dscd.msk.f32 $0xffff, v13, v5;
	v13 =	vld.idx.msk [tilespmem:v16+s2+$0x0], $0xffff  }
0x44: {  	v28, v22, _ =	vpop (xrf1);
	(xrf1) =	vsort.ascd.msk.f32 $0xffff, v14, v3;
	v14 =	vld.idx.msk [tilespmem:v17+s2+$0x0], $0xffff  }
0x45: {  	v29, v25, _ =	vpop (xrf1);
	(xrf1) =	vsort.ascd.msk.f32 $0xffff, v15, v7  }
0x46: {  	v18, v16, _ =	vpop (xrf1)  }
0x47: {  	v24, v17, _ =	vpop (xrf1);
	(xrf1) =	vsort.dscd.msk.f32 $0xffff, v12, v1  }
0x48: {  	v15, v19, _ =	vpop (xrf1);
	(xrf1) =	vsort.ascd.msk.f32 $0xffff, v13, v7  }
0x49: {  	s26 =	simm.s32 $0x4;
	v13, v20, _ =	vpop (xrf1);
	(xrf1) =	vsort.dscd.msk.f32 $0xffff, v14, v5  }
0x4a: {  	v14 =	vor.u32 s26, v6  }
0x4b: {  	v21, v23, _ =	vpop (xrf1)  }
0x4c: {  	vm1 =	veq.f32 v21, v13;
	vm2 =	vlt.s32 v23, v20  }
0x4d: {  	v26, v27, _ =	vpop (xrf1);
	vm3 =	vgt.f32 v21, v13;
	vm1 =	vmand vm1, vm2  }
0x4e: {  	v36 =	vor.u32 s26, v4;
	v12 =	vor.u32 s26, v0;
	v30, v31, _ =	vpop (xrf1);
	vm1 =	vmor vm3, vm1  }
0x4f: {  	vm2 =	veq.f32 v15, v30;
	vm4 =	vlt.s32 v19, v31;
	v13 =	vsel vm1, v21, v13;
	v14 =	vld.idx.msk [tilespmem:v14+s2+$0x0], $0xffff  }
0x50: {  	s30 =	simm.s32 $0x5;
	v32, v33, _ =	vpop (xrf1);
	v20 =	vsel vm1, v23, v20;
	vm1 =	vgt.f32 v15, v30;
	vm2 =	vmand vm2, vm4  }
0x51: {  	v40 =	vor.u32 s30, v4;
	v21, v34, _ =	vpop (xrf1);
	vm2 =	vmor vm1, vm2  }
0x52: {  	v37 =	vor.u32 s26, v2;
	vm3 =	veq.f32 v26, v32;
	v23, v35, _ =	vpop (xrf1);
	v19 =	vsel vm2, v19, v31  }
0x53: {  	vm1 =	vlt.s32 v27, v33;
	v38, v39, _ =	vpop (xrf1);
	(xrf1) =	vsort.ascd.msk.f32 $0xffff, v13, v20;
	v15 =	vsel vm2, v15, v30;
	v20 =	vld.idx.msk [tilespmem:v12+s2+$0x0], $0xffff  }
0x54: {  	v41 =	vor.u32 s30, v6;
	vm5 =	vgt.f32 v26, v32;
	vm1 =	vmand vm3, vm1;
	(xrf1) =	vsort.ascd.msk.f32 $0xffff, v14, v7;
	v14 =	vld.idx.msk [tilespmem:v36+s2+$0x0], $0xffff  }
0x55: {  	v13 =	vor.u32 s30, v0;
	vm6 =	vlt.s32 v34, v39;
	vm7 =	veq.f32 v21, v38;
	(xrf1) =	vsort.dscd.msk.f32 $0xffff, v15, v19;
	v30, v31, _ =	vpop (xrf1)  }
0x56: {  	vm4 =	vgt.f32 v21, v38;
	vm5 =	vmor vm5, vm1;
	vm3 =	vmand vm7, vm6;
	v15, v19, _ =	vpop (xrf1)  }
0x57: {  	vm1 =	vmor vm4, vm3;
	vm2 =	vlt.s32 v31, v35;
	vm3 =	veq.f32 v30, v23;
	v44, v45, _ =	vpop (xrf1)  }
0x58: {  	s31 =	simm.s32 $0x6;
	v48 =	vld.idx.msk [tilespmem:v37+s2+$0x0], $0xffff;
	v27 =	vsel vm5, v27, v33;
	vm2 =	vmand vm3, vm2;
	vm3 =	veq.f32 v44, v15  }
0x59: {  	vm4 =	vlt.s32 v45, v19;
	(xrf1) =	vsort.dscd.msk.f32 $0xffff, v14, v5;
	vm6 =	vgt.f32 v44, v15;
	v14 =	vor.u32 s31, v0  }
0x5a: {  	vm3 =	vmand vm3, vm4;
	(xrf1) =	vsort.dscd.msk.f32 $0xffff, v20, v1;
	v20 =	vsel vm1, v21, v38;
	v21 =	vsel vm5, v26, v32  }
0x5b: {  	v63 =	vor.u32 s30, v2;
	v42 =	vor.u32 s31, v2;
	vm3 =	vmor vm6, vm3;
	(xrf1) =	vsort.dscd.msk.f32 $0xffff, v21, v27  }
0x5c: {  	s28 =	simm.s32 $0x7;
	v26 =	vld.idx.msk [tilespmem:v13+s2+$0x0], $0xffff;
	v15 =	vsel vm3, v44, v15;
	v19 =	vsel vm3, v45, v19;
	vm3 =	vgt.f32 v30, v23  }
0x5d: {  	v43 =	vor.u32 s28, v4;
	v21 =	vld.idx.msk [tilespmem:v41+s2+$0x0], $0xffff;
	v27 =	vsel vm1, v34, v39;
	(xrf1) =	vsort.ascd.msk.f32 $0xffff, v15, v19;
	vm1 =	vmor vm3, vm2  }
0x5e: {  	v49 =	vld.idx.msk [tilespmem:v40+s2+$0x0], $0xffff;
	v15 =	vor.u32 s28, v2;
	(xrf1) =	vsort.ascd.msk.f32 $0xffff, v20, v27;
	v19 =	vsel vm1, v31, v35  }
0x5f: {  	v20 =	vld.idx.msk [tilespmem:v14+s2+$0x0], $0xffff;
	v23 =	vsel vm1, v30, v23;
	(xrf1) =	vsort.ascd.msk.f32 $0xffff, v48, v3  }
0x60: {  	v27 =	vld.idx.msk [tilespmem:v63+s2+$0x0], $0xffff;
	(xrf1) =	vsort.dscd.msk.f32 $0xffff, v23, v19  }
0x61: {  	v30 =	vld.idx.msk [tilespmem:v42+s2+$0x0], $0xffff;
	v31, v50, _ =	vpop (xrf1);
	(xrf1) =	vsort.dscd.msk.f32 $0xffff, v26, v1  }
0x62: {  	v26 =	vld.idx.msk [tilespmem:v43+s2+$0x0], $0xffff;
	(xrf1) =	vsort.ascd.msk.f32 $0xffff, v21, v7;
	v23, v19, _ =	vpop (xrf1)  }
0x63: {  	v51 =	vld.idx.msk [tilespmem:v15+s2+$0x0], $0xffff;
	(xrf1) =	vsort.dscd.msk.f32 $0xffff, v49, v5;
	v53, v52, _ =	vpop (xrf1)  }
0x64: {  	v21 =	vor.u32 s28, v6;
	(xrf1) =	vsort.dscd.msk.f32 $0xffff, v20, v1;
	vm1 =	veq.f32 v53, v31;
	vm2 =	vlt.s32 v52, v50  }
0x65: {  	vm3 =	vgt.f32 v53, v31;
	(xrf1) =	vsort.ascd.msk.f32 $0xffff, v27, v3;
	vm1 =	vmand vm1, vm2  }
0x66: {  	v15 =	vor.u32 s28, v0;
	(xrf1) =	vsort.ascd.msk.f32 $0xffff, v30, v3;
	vm1 =	vmor vm3, vm1  }
0x67: {  	vm2 =	vlt.s32 v25, v22;
	v30 =	vor.u32 s31, v6;
	(xrf1) =	vsort.dscd.msk.f32 $0xffff, v26, v5;
	v31 =	vsel vm1, v53, v31  }
0x68: {  	v27, v26, _ =	vpop (xrf1);
	v55 =	vsel vm1, v52, v50;
	vm1 =	veq.f32 v29, v28;
	(xrf1) =	vsort.ascd.msk.f32 $0xffff, v51, v3  }
0x69: {  	v56 =	vor.u32 s31, v4;
	vm3 =	vgt.f32 v29, v28;
	v54 =	vld.idx.msk [tilespmem:v21+s2+$0x0], $0xffff;
	v21, v20, _ =	vpop (xrf1);
	vm1 =	vmand vm1, vm2  }
0x6a: {  	(xrf1) =	vsort.dscd.msk.f32 $0xffff, v31, v55;
	vm1 =	vmor vm3, vm1;
	v31, v32, _ =	vpop (xrf1)  }
0x6b: {  	v57 =	vld.idx.msk [tilespmem:v15+s2+$0x0], $0xffff;
	vm2 =	veq.f32 v18, v24;
	vm3 =	vlt.s32 v16, v17;
	v28 =	vsel vm1, v29, v28;
	v59, v58, _ =	vpop (xrf1)  }
0x6c: {  	v60 =	vsel vm1, v25, v22;
	vm1 =	vgt.f32 v18, v24;
	vm2 =	vmand vm2, vm3;
	v29 =	vld.idx.msk [tilespmem:v30+s2+$0x0], $0xffff;
	v30, v38, _ =	vpop (xrf1)  }
0x6d: {  	s26 =	simm.s32 $0x8;
	vm1 =	vmor vm1, vm2;
	vm2 =	veq.f32 v31, v59;
	vm3 =	vlt.s32 v32, v58;
	v25, v22, _ =	vpop (xrf1)  }
0x6e: {  	v33 =	vld.idx.msk [tilespmem:v56+s2+$0x0], $0xffff;
	v49 =	vor.u32 s26, v4;
	vm4 =	vgt.f32 v31, v59;
	vm2 =	vmand vm2, vm3;
	v62, v61, _ =	vpop (xrf1)  }
0x6f: {  	s28 =	simm.s32 $0x9;
	(xrf1) =	vsort.ascd.msk.f32 $0xffff, v54, v7;
	v18 =	vsel vm1, v18, v24;
	v17 =	vsel vm1, v16, v17;
	vm2 =	vmor vm4, vm2;
	v63, v52, _ =	vpop (xrf1)  }
0x70: {  	v39 =	vor.u32 s28, v2;
	s31 =	simm.s32 $0xA;
	(xrf1) =	vsort.dscd.msk.f32 $0xffff, v57, v1;
	v16 =	vsel vm2, v31, v59;
	v31 =	vsel vm2, v32, v58;
	v24, v53, _ =	vpop (xrf1)  }
0x71: {  	v50 =	vor.u32 s31, v2;
	vm1 =	veq.f32 v27, v23;
	vm2 =	vlt.s32 v26, v19;
	(xrf1) =	vsort.ascd.msk.f32 $0xffff, v29, v7;
	v55, v54, _ =	vpop (xrf1)  }
0x72: {  	s30 =	simm.s32 $0xB;
	vm3 =	veq.f32 v62, v30;
	vm7 =	vlt.s32 v61, v38;
	v29 =	vor.u32 s26, v6;
	(xrf1) =	vsort.dscd.msk.f32 $0xffff, v16, v31;
	v56, v43, _ =	vpop (xrf1)  }
0x73: {  	v51 =	vor.u32 s30, v4;
	vm4 =	veq.f32 v55, v24;
	vm5 =	vlt.s32 v54, v53;
	v31, v57, _ =	vpop (xrf1);
	(xrf1) =	vsort.dscd.msk.f32 $0xffff, v33, v5  }
0x74: {  	vm3 =	vmand vm3, vm7;
	vm6 =	vgt.f32 v55, v24;
	vm4 =	vmand vm4, vm5;
	v59, v58, _ =	vpop (xrf1)  }
0x75: {  	v16 =	vor.u32 s26, v0;
	vm5 =	vgt.f32 v62, v30;
	vm4 =	vmor vm6, vm4;
	v46, v47, _ =	vpop (xrf1)  }
0x76: {  	vm6 =	veq.f32 v63, v31;
	vm3 =	vmor vm5, vm3;
	vm7 =	vlt.s32 v52, v57;
	v35, v48, _ =	vpop (xrf1);
	(xrf1) =	vsort.ascd.msk.f32 $0xffff, v28, v60  }
0x77: {  	v29 =	vld.idx.msk [tilespmem:v29+s2+$0x0], $0xffff;
	v32 =	vsel vm4, v55, v24;
	v34 =	vsel vm4, v54, v53;
	(xrf1) =	vsort.dscd.msk.f32 $0xffff, v18, v17  }
0x78: {  	vm4 =	vgt.f32 v63, v31;
	vm5 =	veq.f32 v56, v59;
	vm6 =	vmand vm6, vm7  }
0x79: {  	vm4 =	vmor vm4, vm6;
	vm6 =	vlt.s32 v43, v58;
	v28, v24, _ =	vpop (xrf1);
	v17 =	vsel vm3, v62, v30  }
0x7a: {  	v30 =	vor.u32 s26, v2;
	v18 =	vsel vm3, v61, v38;
	v28 =	vmul.f32 $1.442695020e+00, v28  }
0x7b: {  	vm3 =	vgt.f32 v56, v59;
	vm5 =	vmand vm5, vm6;
	v62 =	vor.u32 s28, v4;
	(xrf1) =	vsort.ascd.msk.f32 $0xffff, v32, v34  }
0x7c: {  	vm5 =	vmor vm3, vm5;
	(erf) = vpow2.f32 v28;
	(xrf1) =	vsort.ascd.msk.f32 $0xffff, v29, v7;
	v28 =	vld.idx.msk [tilespmem:v49+s2+$0x0], $0xffff;
	v29 =	vsel vm4, v52, v57  }
0x7d: {  	v31 =	vsel vm4, v63, v31;
	v63 =	vor.u32 s28, v6;
	v43 =	vsel vm5, v43, v58;
	v32, v34, _ =	vpop (xrf1);
	(xrf1) =	vsort.dscd.msk.f32 $0xffff, v17, v18  }
0x7e: {  	v33 =	vsel vm5, v56, v59;
	vm7 =	vlt.s32 v47, v34;
	vm6 =	veq.f32 v46, v32;
	v17 =	vld.idx.msk [tilespmem:v16+s2+$0x0], $0xffff;
	v36, v38, _ =	vpop (xrf1)  }
0x7f: {  	v18 =	vor.u32 s28, v0;
	vm6 =	vmand vm6, vm7;
	vm7 =	vgt.f32 v46, v32;
	(xrf1) =	vsort.dscd.msk.f32 $0xffff, v31, v29;
	v60, v61, _ =	vpop (xrf1)  }
0x80: {  	vm4 =	vlt.s32 v38, v48;
	vm3 =	vmor vm7, vm6;
	vm7 =	veq.f32 v36, v35;
	v31, v29, _ =	vpop (xrf1)  }
0x81: {  	v49 =	vor.u32 s30, v2;
	v32 =	vsel vm3, v46, v32;
	vm4 =	vmand vm7, vm4;
	(xrf1) =	vsort.dscd.msk.f32 $0xffff, v28, v5;
	v28, v52, _ =	vpop (xrf1)  }
0x82: {  	v30 =	vld.idx.msk [tilespmem:v30+s2+$0x0], $0xffff;
	v31 =	vmul.f32 $1.442695020e+00, v31;
	vm5 =	veq.f32 v28, v60;
	vm6 =	vlt.s32 v52, v61  }
0x83: {  	v34 =	vsel vm3, v47, v34;
	(xrf1) =	vsort.dscd.msk.f32 $0xffff, v17, v1;
	vm5 =	vmand vm5, vm6;
	vm6 =	vgt.f32 v28, v60  }
0x84: {  	v17 =	vor.u32 s31, v0;
	(xrf1) =	vsort.dscd.msk.f32 $0xffff, v33, v43;
	(erf) = vpow2.f32 v31;
	vm5 =	vmor vm6, vm5;
	v56, v55, _ =	vpop (xrf1)  }
0x85: {  	vm6 =	vgt.f32 v36, v35;
	v28 =	vsel vm5, v28, v60;
	v57 =	vsel vm5, v52, v61;
	v58, v59, _ =	vpop (xrf1);
	v60 =	vld.idx.msk [tilespmem:v18+s2+$0x0], $0xffff  }
0x86: {  	v61 =	vld.idx.msk [tilespmem:v62+s2+$0x0], $0xffff;
	(xrf1) =	vsort.ascd.msk.f32 $0xffff, v28, v57;
	vm3 =	veq.f32 v58, v56;
	vm5 =	vlt.s32 v59, v55  }
0x87: {  	vm4 =	vmor vm6, vm4;
	v28 =	vld.idx.msk [tilespmem:v63+s2+$0x0], $0xffff;
	vm6 =	vgt.f32 v58, v56;
	(xrf1) =	vsort.ascd.msk.f32 $0xffff, v32, v34;
	vm3 =	vmand vm3, vm5  }
0x88: {  	v62 =	vsel vm4, v38, v48;
	v63 =	vsel vm4, v36, v35;
	(xrf1) =	vsort.ascd.msk.f32 $0xffff, v30, v3;
	vm3 =	vmor vm6, vm3  }
0x89: {  	v44 =	vld.idx.msk [tilespmem:v17+s2+$0x0], $0xffff;
	v30, v31, _ =	vpop (xrf1);
	v37 =	vsel vm3, v58, v56;
	v46 =	vsel vm3, v59, v55;
	(xrf1) =	vsort.dscd.msk.f32 $0xffff, v63, v62  }
0x8a: {  	vm1 =	vmand vm1, vm2;
	v47 =	vld.idx.msk [tilespmem:v39+s2+$0x0], $0xffff;
	v35, v36, _ =	vpop (xrf1);
	vm3 =	vgt.f32 v27, v23;
	(xrf1) =	vsort.dscd.msk.f32 $0xffff, v37, v46  }
0x8b: {  	v50 =	vld.idx.msk [tilespmem:v50+s2+$0x0], $0xffff;
	v48, v39, _ =	vpop (xrf1);
	vm1 =	vmor vm3, vm1;
	(xrf1) =	vsort.dscd.msk.f32 $0xffff, v60, v1  }
0x8c: {  	v34 =	vmul.f32 $1.442695020e+00, v48;
	v41 =	vsel vm1, v27, v23;
	v23 =	vld.idx.msk [tilespmem:v51+s2+$0x0], $0xffff;
	(xrf1) =	vsort.ascd.msk.f32 $0xffff, v28, v7  }
0x8d: {  	vm2 =	vgt.f32 v21, v25;
	v52 =	vor.u32 s30, v6;
	v53, v54, _ =	vpop (xrf1);
	v28 =	vld.idx.msk [tilespmem:v49+s2+$0x0], $0xffff;
	(xrf1) =	vsort.dscd.msk.f32 $0xffff, v61, v5  }
0x8e: {  	v27 =	vpop (erf);
	vm4 =	veq.f32 v53, v30;
	vm5 =	vlt.s32 v54, v31;
	(erf) = vpow2.f32 v34;
	(xrf1) =	vsort.dscd.msk.f32 $0xffff, v44, v1  }
0x8f: {  	v55 =	vor.u32 s31, v6;
	vm6 =	vgt.f32 v53, v30;
	vm4 =	vmand vm4, vm5;
	(xrf1) =	vsort.ascd.msk.f32 $0xffff, v47, v3  }
0x90: {  	vm3 =	vlt.s32 v20, v22;
	v26 =	vsel vm1, v26, v19;
	v56, v57, _ =	vpop (xrf1);
	vm4 =	vmor vm6, vm4;
	(xrf1) =	vsort.ascd.msk.f32 $0xffff, v50, v3  }
0x91: {  	vm1 =	veq.f32 v21, v25;
	v19 =	vor.u32 s30, v0;
	v40, v44, _ =	vpop (xrf1);
	(xrf1) =	vsort.dscd.msk.f32 $0xffff, v23, v5;
	v23 =	vsel vm4, v53, v30  }
0x92: {  	v58 =	vld.idx.msk [tilespmem:v52+s2+$0x0], $0xffff;
	v59 =	vpop (erf);
	vm1 =	vmand vm1, vm3;
	vm5 =	veq.f32 v56, v35;
	vm7 =	vlt.s32 v57, v36  }
0x93: {  	vm1 =	vmor vm2, vm1;
	vm2 =	vgt.f32 v56, v35;
	v30 =	vsel vm4, v54, v31;
	v31, v60, _ =	vpop (xrf1);
	(xrf1) =	vsort.ascd.msk.f32 $0xffff, v28, v3  }
0x94: {  	v45 =	vsel vm1, v21, v25;
	v21 =	vnsel vm0, $0x0, v27;
	vm3 =	vmand vm5, vm7;
	(xrf1) =	vsort.dscd.msk.f32 $0xffff, v23, v30;
	v23, v28, _ =	vpop (xrf1)  }
0x95: {  	s30 =	simm.s32 $0xC;
	(xrf2) =	vadd.scan.msk.f32 $0xffff, v21;
	vm2 =	vmor vm2, vm3;
	v30 =	vor.u32 s31, v4;
	v38, v46, _ =	vpop (xrf1)  }
0x96: {  	[tilespmem:v8+s22+$0x0] =	vst.idx.msk $0xff, v29;
	v29 =	vor.u32 s30, v4;
	v61 =	vld.idx.msk [tilespmem:v55+s2+$0x0], $0xffff;
	v55 =	vor.u32 s30, v2;
	v25 =	vsel vm2, v56, v35;
	v35, v42, _ =	vpop (xrf1)  }
0x97: {  	v47 =	vsel vm1, v20, v22;
	v22 =	vld.idx.msk [tilespmem:v19+s2+$0x0], $0xffff;
	vm1 =	veq.f32 v31, v23;
	vm3 =	vlt.s32 v60, v28;
	v33 =	vpop (erf)  }
0x98: {  	v27 =	vsel vm2, v57, v36;
	(xrf1) =	vsort.ascd.msk.f32 $0xffff, v58, v7;
	vm2 =	vgt.f32 v31, v23;
	vm1 =	vmand vm1, vm3;
	v36, v43, _ =	vpop (xrf1)  }
0x99: {  	v20 =	vnsel vm0, $0x0, v59;
	vm3 =	veq.f32 v40, v35;
	vm1 =	vmor vm2, vm1;
	v62, v48, _ =	vpop (xrf1)  }
0x9a: {  	vm2 =	vlt.s32 v44, v42;
	vm4 =	vgt.f32 v40, v35;
	v49 =	vld.idx.msk [tilespmem:v30+s2+$0x0], $0xffff;
	v23 =	vsel vm1, v31, v23;
	v31, v50, _ =	vpop (xrf1)  }
0x9b: {  	(xrf2) =	vadd.scan.msk.f32 $0xffff, v20;
	vm2 =	vmand vm3, vm2;
	v30 =	vsel vm1, v60, v28;
	vm1 =	veq.f32 v36, v38;
	v63, v51, _ =	vpop (xrf1)  }
0x9c: {  	vm3 =	vgt.f32 v36, v38;
	(xrf1) =	vsort.dscd.msk.f32 $0xffff, v22, v1;
	v60 =	vmul.f32 $1.442695020e+00, v62;
	vm2 =	vmor vm4, vm2;
	v62, v53, _ =	vpop (xrf1)  }
0x9d: {  	v22 =	vor.u32 s30, v0;
	(xrf1) =	vsort.ascd.msk.f32 $0xffff, v61, v7;
	v61 =	vor.u32 s30, v6;
	v28 =	vsel vm2, v40, v35;
	v56, v57, _ =	vpop (xrf1)  }
0x9e: {  	(xrf1) =	vsort.dscd.msk.f32 $0xffff, v23, v30;
	v30 =	vsel vm2, v44, v42;
	vm2 =	vlt.s32 v43, v46;
	v23 =	vnsel vm0, $0x0, v33;
	v54, v40, _ =	vpop (xrf1)  }
0x9f: {  	(erf) = vpow2.f32 v60;
	vm4 =	veq.f32 v62, v63;
	vm5 =	vlt.s32 v53, v51;
	(xrf1) =	vsort.dscd.msk.f32 $0xffff, v49, v5;
	v49, _, _ =	vpop (xrf2)  }
0xa0: {  	vm6 =	vgt.f32 v62, v63;
	vm1 =	vmand vm1, vm2;
	vm4 =	vmand vm4, vm5;
	v58, v59, _ =	vpop (xrf1)  }
0xa1: {  	[tilespmem:v9+s22+$0x0] =	vst.idx.msk $0xff, v24;
	vm1 =	vmor vm3, vm1;
	vm4 =	vmor vm6, vm4;
	vm5 =	veq.f32 v31, v54;
	v52, v35, _ =	vpop (xrf1)  }
0xa2: {  	[tilespmem:v10+s22+$0x0] =	vst.idx.msk $0xff, v39;
	vm2 =	vgt.f32 v31, v54;
	v38 =	vsel vm1, v36, v38;
	v34 =	vbroadcast v49, $0xF;
	v32, v33, _ =	vpop (xrf1)  }
0xa3: {  	(xrf2) =	vadd.scan.msk.f32 $0xffff, v23;
	v43 =	vsel vm1, v43, v46;
	v42 =	vsel vm4, v62, v63;
	v24 =	vsel vm4, v53, v51;
	v63, v44, _ =	vpop (xrf1)  }
0xa4: {  	s31 =	simm.s32 $0xD;
	vm3 =	veq.f32 v56, v58;
	v51 =	vld.idx.msk [tilespmem:v61+s2+$0x0], $0xffff;
	vm4 =	vlt.s32 v50, v40;
	v39 =	vmul.f32 $1.442695020e+00, v63  }
0xa5: {  	v3 =	vmovc v2;
	[tilespmem:v11+s22+$0x0] =	vst.idx.msk $0xff, v48;
	vm6 =	vgt.f32 v56, v58;
	v53 =	vor.u32 s31, v6;
	vm1 =	vmand vm5, vm4  }
0xa6: {  	v46 =	vld.idx.msk [tilespmem:v29+s2+$0x0], $0xffff;
	vm2 =	vmor vm2, vm1;
	vm1 =	vlt.s32 v57, v59;
	v60, v37, _ =	vpop (xrf1);
	(xrf1) =	vsort.ascd.msk.f32 $0xffff, v41, v26;
	(erf) = vpow2.f32 v39  }
0xa7: {  	s29 =	simm.s32 $0xE;
	s28 =	simm.s32 $0xF;
	v29 =	vsel vm2, v50, v40;
	vm1 =	vmand vm3, vm1;
	[tilespmem:v13+s22+$0x0] =	vst.idx.msk $0xff, v44;
	(xrf1) =	vsort.dscd.msk.f32 $0xffff, v45, v47  }
0xa8: {  	v31 =	vsel vm2, v31, v54;
	v50 =	vor.u32 s29, v2;
	v44 =	vor.u32 s28, v4;
	v26 =	vpop (erf);
	(xrf1) =	vsort.ascd.msk.f32 $0xffff, v42, v24  }
0xa9: {  	vm3 =	vmor vm6, vm1;
	v41 =	vor.u32 s28, v2;
	vm4 =	vgt.f32 v52, v60;
	v24, _, _ =	vpop (xrf2);
	(xrf1) =	vsort.ascd.msk.f32 $0xffff, v51, v7  }
0xaa: {  	v61 =	vld.idx.msk [tilespmem:v22+s2+$0x0], $0xffff;
	vm5 =	vlt.s32 v35, v37;
	vm7 =	veq.f32 v52, v60;
	v47 =	vor.u32 s31, v4;
	v39, v40, _ =	vpop (xrf1)  }
0xab: {  	v45 =	vor.u32 s29, v4;
	v56 =	vsel vm3, v56, v58;
	vm5 =	vmand vm7, vm5;
	v49, v48, _ =	vpop (xrf1);
	(xrf1) =	vsort.dscd.msk.f32 $0xffff, v38, v43  }
0xac: {  	v26 =	vnsel vm0, $0x0, v26;
	vm1 =	vmor vm4, vm5;
	v36 =	vbroadcast v24, $0xF;
	(xrf1) =	vsort.dscd.msk.f32 $0xffff, v31, v29;
	v43, v29, _ =	vpop (xrf1)  }
0xad: {  	v42 =	vld.idx.msk [tilespmem:v55+s2+$0x0], $0xffff;
	v51 =	vor.u32 s31, v2;
	v24 =	vor.u32 s31, v0;
	v52 =	vsel vm1, v52, v60;
	(xrf1) =	vsort.dscd.msk.f32 $0xffff, v46, v5;
	v46, _, _ =	vpop (xrf2)  }
0xae: {  	(xrf2) =	vadd.scan.msk.f32 $0xffff, v26;
	vm2 =	vlt.s32 v40, v33;
	vm4 =	veq.f32 v39, v32;
	v31 =	vsel vm3, v57, v59;
	v55, v54, _ =	vpop (xrf1)  }
0xaf: {  	s25 =	simm.s32 $0x10;
	vm2 =	vmand vm4, vm2;
	vm3 =	vgt.f32 v39, v32;
	(xrf1) =	vsort.dscd.msk.f32 $0xffff, v61, v1;
	vm4 =	veq.f32 v55, v49;
	v38 =	vpop (erf)  }
.LBB2_2:
0xb0: {  	_ =	sdelay $0x1  }
0xb1: {  	v43 =	vmul.f32 $1.442695020e+00, v43  }
0xb2: {  	vm6 =	vlt.s32 v54, v48;
	v2 =	vld [tilespmem:$0x1FFE0]  }
0xb3: {  	v51 =	vld.idx.msk [tilespmem:v51+s2+$0x0], $0xffff;
	vm5 =	vgt.f32 v55, v49;
	v57, v58, _ =	vpop (xrf1);
	vm4 =	vmand vm4, vm6;
	(erf) = vpow2.f32 v43  }
0xb4: {  	v53 =	vld.idx.msk [tilespmem:v53+s2+$0x0], $0xffff;
	v38 =	vnsel vm0, $0x0, v38;
	[tilespmem:v14+s22+$0x0] =	vst.idx.msk $0xff, v29;
	vm4 =	vmor vm5, vm4;
	v60, v61, _ =	vpop (xrf1)  }
0xb5: {  	v48 =	vsel vm4, v54, v48;
	v1, v0, _ =	vpop (xrf1);
	(xrf1) =	vsort.dscd.msk.f32 $0xffff, v56, v31;
	v31 =	vld.idx.msk [tilespmem:v45+s2+$0x0], $0xffff;
	v45 =	vsel vm4, v55, v49  }
0xb6: {  	v62 =	vld.idx.msk [tilespmem:v24+s2+$0x0], $0xffff;
	v63 =	vor.u32 s29, v6;
	vm2 =	vmor vm3, vm2;
	v37 =	vsel vm1, v35, v37;
	v49, v54, _ =	vpop (xrf1);
	(xrf1) =	vsort.ascd.msk.f32 $0xffff, v45, v48  }
0xb7: {  	v46 =	vbroadcast v46, $0xF;
	v33 =	vsel vm2, v40, v33;
	v59 =	vor.u32 s29, v2;
	(xrf1) =	vsort.ascd.msk.f32 $0xffff, v52, v37;
	v52 =	vld [tilespmem:$0x1FFF0]  }
0xb8: {  	v47 =	vld.idx.msk [tilespmem:v47+s2+$0x0], $0xffff;
	v29 =	vmovc v30;
	v32 =	vsel vm2, v39, v32;
	(erf) = vrcp.f32 v36;
	vm5 =	veq.f32 v60, v57  }
0xb9: {  	v30 =	vmovc v9;
	v41 =	vld.idx.msk [tilespmem:v41+s2+$0x0], $0xffff;
	vm3 =	vgt.f32 v60, v57;
	(erf) = vrcp.f32 v34;
	vm4 =	vlt.s32 v61, v58  }
0xba: {  	v34 =	vld.idx.msk [tilespmem:v44+s2+$0x0], $0xffff;
	v35 =	vor.u32 s28, v2;
	v55 =	vor.u32 s28, v6;
	vm1 =	vmand vm5, vm4;
	v9, _, _ =	vpop (xrf2)  }
0xbb: {  	v40 =	vld.idx.msk [tilespmem:v63+s2+$0x0], $0xffff;
	(erf) = vrcp.f32 v46;
	vm1 =	vmor vm3, vm1;
	v48, v37, _ =	vpop (xrf1);
	v56 =	vbroadcast v9, $0xF  }
0xbc: {  	v43 =	vld.idx.msk [tilespmem:v59+s2+$0x0], $0xffff;
	v9 =	vmov v13;
	v13 =	vmov v18;
	v36 =	vmul.f32 $1.442695020e+00, v48;
	v18 =	vpop (erf);
	(xrf1) =	vsort.ascd.msk.f32 $0xffff, v42, v52  }
0xbd: {  	v60 =	vsel vm1, v60, v57;
	v63 =	vsel vm1, v61, v58;
	(erf) = vrcp.f32 v56;
	v42, v44, _ =	vpop (xrf1);
	(xrf1) =	vsort.dscd.msk.f32 $0xffff, v32, v33  }
0xbe: {  	v50 =	vld.idx.msk [tilespmem:v50+s2+$0x0], $0xffff;
	(erf) = vpow2.f32 v36;
	vm1 =	veq.f32 v42, v1;
	v58, v57, _ =	vpop (xrf1);
	(xrf1) =	vsort.dscd.msk.f32 $0xffff, v60, v63;
	v63 =	vlaneseq.u32  }
0xbf: {  	v46 =	vld.idx.msk [tilespmem:v55+s2+$0x0], $0xffff;
	vm2 =	vgt.f32 v42, v1;
	vm3 =	vlt.s32 v44, v0;
	v45, v48, _ =	vpop (xrf1);
	(xrf1) =	vsort.dscd.msk.f32 $0xffff, v62, v63  }
0xc0: {  	v32 =	vld.idx.msk [tilespmem:v35+s2+$0x0], $0xffff;
	[tilespmem:v15+s22+$0x0] =	vst.idx.msk $0xff, v37;
	vm4 =	veq.f32 v58, v49;
	(xrf1) =	vsort.ascd.msk.f32 $0xffff, v53, v7  }
0xc1: {  	vm1 =	vmand vm1, vm3;
	vm3 =	vgt.f32 v58, v49;
	vm5 =	vlt.s32 v57, v54;
	(xrf1) =	vsort.dscd.msk.f32 $0xffff, v47, v5  }
0xc2: {  	vm1 =	vmor vm2, vm1;
	v62 =	vnsel vm0, $0x0, v18;
	v18 =	vmov v24;
	v47 =	vpop (erf);
	(xrf1) =	vsort.dscd.msk.f32 $0xffff, v43, v63  }
0xc3: {  	v1 =	vsel vm1, v42, v1;
	v0 =	vsel vm1, v44, v0;
	vm1 =	vmand vm4, vm5;
	v53, v55, _ =	vpop (xrf1);
	(xrf1) =	vsort.ascd.msk.f32 $0xffff, v51, v52  }
0xc4: {  	s26 =	smov.u32 s25;
	vm1 =	vmor vm3, vm1;
	v37 =	vmul.f32 v47, v20;
	v20 =	vmov v62;
	v56 =	vpop (erf);
	(xrf1) =	vsort.ascd.msk.f32 $0xffff, v50, v52  }
0xc5: {  	s30 =	sadd.s32 $0x1, s26;
	v36 =	vsel vm1, v58, v49;
	v24 =	vsel vm1, v57, v54;
	v43 =	vor.u32 s26, v2;
	v58 =	vpop (erf);
	(xrf1) =	vsort.dscd.msk.f32 $0xffff, v34, v5  }
0xc6: {  	v62 =	vor.u32 s26, v6;
	v54 =	vor.u32 s26, v4;
	v47 =	vor.u32 s30, v4;
	v61 =	vpop (erf);
	(xrf1) =	vsort.ascd.msk.f32 $0xffff, v41, v52  }
0xc7: {  	v57 =	vmul.f32 v56, v21;
	v21 =	vmov v38;
	v33 =	vmul.f32 v61, v26;
	v26 =	vpop (erf);
	(xrf1) =	vsort.dscd.msk.f32 $0xffff, v1, v0  }
0xc8: {  	v51 =	vor.u32 s30, v3;
	[tilespmem:v8+s23+$0x0] =	vst.idx.msk $0xff, v37;
	v8 =	vmov v14;
	v60 =	vmul.f32 v58, v23;
	v0, v1, _ =	vpop (xrf1)  }
0xc9: {  	v14 =	vmov v17;
	v17 =	vmov v59;
	(xrf2) =	vadd.scan.msk.f32 $0xffff, v21;
	[tilespmem:v30+s23+$0x0] =	vst.idx.msk $0xff, v57;
	v34, v38, _ =	vpop (xrf1)  }
0xca: {  	[tilespmem:v10+s23+$0x0] =	vst.idx.msk $0xff, v60;
	v10 =	vmov v15;
	vm1 =	veq.f32 v53, v0;
	vm2 =	vlt.s32 v55, v1;
	v23, v30, _ =	vpop (xrf1)  }
0xcb: {  	v15 =	vmov v19;
	[tilespmem:v11+s23+$0x0] =	vst.idx.msk $0xff, v33;
	vm3 =	vgt.f32 v53, v0;
	vm1 =	vmand vm1, vm2;
	v37, v41, _ =	vpop (xrf1)  }
0xcc: {  	(xrf1) =	vsort.ascd.msk.f32 $0xffff, v46, v7;
	vm1 =	vmor vm3, vm1;
	vm2 =	veq.f32 v45, v23;
	vm4 =	vlt.s32 v48, v30;
	v11, v19, _ =	vpop (xrf1)  }
0xcd: {  	(xrf1) =	vsort.dscd.msk.f32 $0xffff, v32, v63;
	vm3 =	vgt.f32 v45, v23;
	v1 =	vsel vm1, v55, v1;
	vm2 =	vmand vm2, vm4;
	v44, v42, _ =	vpop (xrf1)  }
0xce: {  	v0 =	vsel vm1, v53, v0;
	v53 =	vor.u32 s30, v6;
	vm3 =	vmor vm3, vm2;
	v49, v50, _ =	vpop (xrf1)  }
0xcf: {  	vm1 =	veq.f32 v37, v34;
	(xrf1) =	vsort.ascd.msk.f32 $0xffff, v40, v7;
	v32 =	vmul.f32 $1.442695020e+00, v11;
	v46 =	vsel vm3, v45, v23;
	v23, v45, _ =	vpop (xrf1)  }
0xd0: {  	[tilespmem:v12+s22+$0x0] =	vst.idx.msk $0xff, v19;
	vm2 =	vgt.f32 v37, v34;
	v19 =	vmov v35;
	v11 =	vmov v12;
	v56, v52, _ =	vpop (xrf1)  }
0xd1: {  	v30 =	vsel vm3, v48, v30;
	vm3 =	vlt.s32 v41, v38;
	(erf) = vpow2.f32 v32;
	(xrf1) =	vsort.dscd.msk.f32 $0xffff, v0, v1;
	v0, v1, _ =	vpop (xrf1)  }
0xd2: {  	(xrf2) =	vadd.scan.msk.f32 $0xffff, v20;
	vm1 =	vmand vm1, vm3;
	vm4 =	veq.f32 v23, v49;
	vm5 =	vlt.s32 v45, v50;
	v58, v59, _ =	vpop (xrf1)  }
0xd3: {  	vm6 =	vgt.f32 v23, v49;
	vm1 =	vmor vm2, vm1;
	vm4 =	vmand vm4, vm5;
	(xrf1) =	vsort.dscd.msk.f32 $0xffff, v31, v5;
	v60, v35, _ =	vpop (xrf1)  }
0xd4: {  	v55 =	vsel vm1, v37, v34;
	vm4 =	vmor vm6, vm4;
	vm5 =	veq.f32 v44, v0;
	v32, v33, _ =	vpop (xrf1);
	(xrf1) =	vsort.ascd.msk.f32 $0xffff, v25, v27  }
0xd5: {  	vm3 =	vgt.f32 v44, v0;
	v31 =	vsel vm4, v23, v49;
	v23 =	vnsel vm0, $0x0, v26;
	v25, v27, _ =	vpop (xrf1);
	(xrf1) =	vsort.dscd.msk.f32 $0xffff, v28, v29  }
0xd6: {  	s29 =	sadd.s32 $0x2, s26;
	v26 =	vsel vm4, v45, v50;
	vm2 =	veq.f32 v56, v58;
	vm4 =	vlt.s32 v42, v1;
	v28, _, _ =	vpop (xrf2);
	(xrf2) =	vadd.scan.msk.f32 $0xffff, v23  }
0xd7: {  	v12 =	vmovc v16;
	v16 =	vmovc v22;
	v22 =	vld.idx.msk [tilespmem:v62+s2+$0x0], $0xffff;
	vm6 =	vgt.f32 v56, v58;
	v45 =	vor.u32 s29, v4;
	v25 =	vmul.f32 $1.442695020e+00, v25  }
0xd8: {  	v50 =	vor.u32 s29, v3;
	v29 =	vor.u32 s26, v3;
	(xrf1) =	vsort.ascd.msk.f32 $0xffff, v31, v26;
	v34 =	vbroadcast v28, $0xF  }
0xd9: {  	s28 =	sadd.s32 $0x3, s26;
	v26 =	vsel vm1, v41, v38;
	vm1 =	vmand vm5, vm4;
	[tilespmem:v13+s22+$0x0] =	vst.idx.msk $0xff, v27;
	v27 =	vmovc v24;
	(erf) = vpow2.f32 v25  }
0xda: {  	v24 =	vor.u32 s30, v2;
	v41 =	vor.u32 s28, v3;
	vm7 =	vmor vm3, vm1;
	v61, v37, _ =	vpop (xrf1)  }
0xdb: {  	v31 =	vld.idx.msk [tilespmem:v54+s2+$0x0], $0xffff;
	v28 =	vmov v46;
	vm1 =	vlt.s32 v52, v59;
	v1 =	vsel vm7, v42, v1;
	v39, v40, _ =	vpop (xrf1)  }
0xdc: {  	vm1 =	vmand vm2, vm1;
	v0 =	vsel vm7, v44, v0;
	(xrf1) =	vsort.ascd.msk.f32 $0xffff, v22, v7;
	vm4 =	vgt.f32 v60, v61;
	v22, _, _ =	vpop (xrf2)  }
0xdd: {  	p0 =	slt.u32 s25, $0x7C;
	v57 =	vld.idx.msk [tilespmem:v43+s2+$0x0], $0xffff;
	vm5 =	vlt.s32 v35, v37;
	vm3 =	veq.f32 v60, v61;
	v25 =	vmov v36;
	v49, v48, _ =	vpop (xrf1)  }
.Ltmp0:
0xde: {  	vm2 =	vmand vm3, vm5;
	vm3 =	vmor vm6, vm1;
	v36 =	vbroadcast v22, $0xF;
	(xrf1) =	vsort.dscd.msk.f32 $0xffff, v55, v26;
	v26 =	vpop (erf);
	(pc) =	sbr.rel @p0 .LBB2_2-.Ltmp0, $4  }
0xdf: {  	v42 =	vld.idx.msk [tilespmem:v29+s2+$0x0], $0xffff;
	v22 =	vmov v43;
	vm1 =	vmor vm4, vm2;
	(xrf1) =	vsort.dscd.msk.f32 $0xffff, v0, v1;
	v26 =	vnsel vm0, $0x0, v26;
	v43, v29, _ =	vpop (xrf1)  }
0xe0: {  	vm2 =	vlt.s32 v40, v33;
	vm4 =	veq.f32 v39, v32;
	v56 =	vsel vm3, v56, v58;
	(xrf2) =	vadd.scan.msk.f32 $0xffff, v26;
	v46, _, _ =	vpop (xrf2)  }
0xe1: {  	v44 =	vor.u32 s28, v4;
	(xrf1) =	vsort.dscd.msk.f32 $0xffff, v31, v5;
	v31 =	vsel vm3, v52, v59;
	v52 =	vsel vm1, v60, v61;
	v55, v54, _ =	vpop (xrf1)  }
0xe2: {  	s25 =	sadd.s32 $0x4, s25;
	vm2 =	vmand vm4, vm2;
	vm3 =	vgt.f32 v39, v32;
	(xrf1) =	vsort.dscd.msk.f32 $0xffff, v57, v63;
	v38 =	vpop (erf);
	vm4 =	veq.f32 v55, v49  }
0xe3: {  	vm5 =	vlt.s32 v54, v48  }
0xe4: {  	vm6 =	vgt.f32 v55, v49;
	vm4 =	vmand vm4, vm5  }
0xe5: {  	v2 =	vld [tilespmem:$0x1FFE0];
	vm4 =	vmor vm6, vm4  }
0xe6: {  	v1 =	vsel vm4, v54, v48;
	_ =	sdelay $0x1  }
0xe7: {  	(xrf1) =	vsort.dscd.msk.f32 $0xffff, v56, v31;
	v59, v58, _ =	vpop (xrf1);
	v0 =	vsel vm4, v55, v49  }
0xe8: {  	v35 =	vsel vm1, v35, v37;
	v31 =	vld [tilespmem:$0x1FFF0];
	(xrf1) =	vsort.ascd.msk.f32 $0xffff, v0, v1;
	v1, v61, _ =	vpop (xrf1)  }
0xe9: {  	v60 =	vor.u32 s29, v2;
	vm9 =	veq.f32 v1, v59;
	vm10 =	vlt.s32 v61, v58  }
0xea: {  	vm1 =	vmor vm3, vm2;
	[tilespmem:$0x1FFC0] =	vst v60;
	vm2 =	vgt.f32 v1, v59;
	vm3 =	vmand vm9, vm10  }
0xeb: {  	v33 =	vsel vm1, v40, v33;
	v32 =	vsel vm1, v39, v32;
	v62 =	vld.idx.msk [tilespmem:v24+s2+$0x0], $0xffff;
	vm1 =	vmor vm2, vm3  }
0xec: {  	(xrf1) =	vsort.ascd.msk.f32 $0xffff, v52, v35;
	v0 =	vld.idx.msk [tilespmem:v53+s2+$0x0], $0xffff;
	v1 =	vsel vm1, v1, v59  }
0xed: {  	v47 =	vld.idx.msk [tilespmem:v47+s2+$0x0], $0xffff;
	(xrf1) =	vsort.ascd.msk.f32 $0xffff, v42, v31  }
0xee: {  	v40 =	vld.idx.msk [tilespmem:v51+s2+$0x0], $0xffff;
	(xrf1) =	vsort.dscd.msk.f32 $0xffff, v32, v33;
	v55 =	vsel vm1, v61, v58  }
0xef: {  	v57 =	vor.u32 s28, v2;
	v2 =	vlaneseq.u32;
	v63 =	vld.idx.msk [tilespmem:v60+s2+$0x0], $0xffff;
	(xrf1) =	vsort.dscd.msk.f32 $0xffff, v1, v55;
	v1, v42, _ =	vpop (xrf1)  }
0xf0: {  	v56 =	vor.u32 s28, v6;
	v48 =	vld.idx.msk [tilespmem:v50+s2+$0x0], $0xffff;
	(xrf1) =	vsort.dscd.msk.f32 $0xffff, v62, v2;
	v50, v37, _ =	vpop (xrf1)  }
0xf1: {  	[tilespmem:$0x1FFD0] =	vst v57;
	(xrf1) =	vsort.ascd.msk.f32 $0xffff, v0, v7;
	v0, v59, _ =	vpop (xrf1)  }
0xf2: {  	v58 =	vor.u32 s29, v6;
	v44 =	vld.idx.msk [tilespmem:v44+s2+$0x0], $0xffff;
	[tilespmem:$0x1FFB0] =	vst v59  }
0xf3: {  	(xrf1) =	vsort.dscd.msk.f32 $0xffff, v47, v5;
	v62, v61, _ =	vpop (xrf1);
	v60 =	vld.idx.msk [tilespmem:v41+s2+$0x0], $0xffff  }
0xf4: {  	(xrf1) =	vsort.dscd.msk.f32 $0xffff, v63, v2;
	vm1 =	veq.f32 v62, v1;
	vm2 =	vlt.s32 v61, v42  }
0xf5: {  	v63 =	vld.idx.msk [tilespmem:v56+s2+$0x0], $0xffff;
	v53, v39, _ =	vpop (xrf1);
	(xrf1) =	vsort.ascd.msk.f32 $0xffff, v40, v31;
	vm3 =	vgt.f32 v62, v1;
	vm1 =	vmand vm1, vm2  }
0xf6: {  	v32 =	vld.idx.msk [tilespmem:v57+s2+$0x0], $0xffff;
	v41, v40, _ =	vpop (xrf1);
	(xrf1) =	vsort.ascd.msk.f32 $0xffff, v48, v31;
	vm1 =	vmor vm3, vm1  }
0xf7: {  	v48 =	vld.idx.msk [tilespmem:v58+s2+$0x0], $0xffff;
	v33, v55, _ =	vpop (xrf1);
	(xrf1) =	vsort.dscd.msk.f32 $0xffff, v44, v5;
	v1 =	vsel vm1, v62, v1  }
0xf8: {  	v42 =	vsel vm1, v61, v42;
	(xrf1) =	vsort.ascd.msk.f32 $0xffff, v60, v31;
	v60, v61, _ =	vpop (xrf1)  }
0xf9: {  	v62 =	vld.idx.msk [tilespmem:v45+s2+$0x0], $0xffff;
	(xrf1) =	vsort.dscd.msk.f32 $0xffff, v1, v42;
	vm1 =	veq.f32 v33, v60;
	vm2 =	vlt.s32 v55, v61  }
0xfa: {  	v1, _, _ =	vpop (xrf2);
	vm3 =	vgt.f32 v33, v60;
	(xrf1) =	vsort.ascd.msk.f32 $0xffff, v63, v7;
	vm1 =	vmand vm1, vm2  }
0xfb: {  	v42, v56, _ =	vpop (xrf1);
	(xrf1) =	vsort.dscd.msk.f32 $0xffff, v32, v2;
	vm1 =	vmor vm3, vm1  }
0xfc: {  	v45, v44, _ =	vpop (xrf1);
	v63 =	vsel vm1, v33, v60;
	v31 =	vsel vm1, v55, v61;
	(xrf1) =	vsort.ascd.msk.f32 $0xffff, v48, v7  }
0xfd: {  	v48, v49, _ =	vpop (xrf1);
	(xrf1) =	vsort.dscd.msk.f32 $0xffff, v63, v31  }
0xfe: {  	v43 =	vmul.f32 $1.442695020e+00, v43;
	v47, v35, _ =	vpop (xrf1);
	(xrf1) =	vsort.dscd.msk.f32 $0xffff, v62, v5  }
0xff: {  	v46 =	vbroadcast v46, $0xF;
	v51, v52, _ =	vpop (xrf1)  }
0x100: {  	(erf) = vpow2.f32 v43;
	v1 =	vbroadcast v1, $0xF;
	v32, v54, _ =	vpop (xrf1)  }
0x101: {  	(erf) = vrcp.f32 v36;
	v0 =	vmul.f32 $1.442695020e+00, v0;
	v33, v31, _ =	vpop (xrf1)  }
0x102: {  	(erf) = vrcp.f32 v34;
	v57, v58, _ =	vpop (xrf1)  }
0x103: {  	(erf) = vrcp.f32 v46;
	v46, v59, _ =	vpop (xrf1)  }
0x104: {  	(erf) = vrcp.f32 v1;
	vm1 =	veq.f32 v33, v32;
	vm2 =	vlt.s32 v31, v54;
	v1, v60, _ =	vpop (xrf1)  }
0x105: {  	(erf) = vpow2.f32 v0;
	vm3 =	vgt.f32 v33, v32;
	vm1 =	vmand vm1, vm2;
	v0, v61, _ =	vpop (xrf1)  }
0x106: {  	vm11 =	vlt.s32 v49, v56;
	v47 =	vmul.f32 $1.442695020e+00, v47;
	(xrf1) =	vsort.ascd.msk.f32 $0xffff, v25, v27;
	vm1 =	vmor vm3, vm1;
	v62, v63, _ =	vpop (xrf1)  }
0x107: {  	vm2 =	veq.f32 v48, v42;
	vm3 =	vgt.f32 v48, v42;
	v36 =	vsel vm1, v33, v32;
	v33, v34, _ =	vpop (xrf1)  }
0x108: {  	vm12 =	veq.f32 v51, v46;
	v43 =	vsel vm1, v31, v54;
	vm1 =	vmand vm2, vm11;
	v54, v55, _ =	vpop (xrf1)  }
0x109: {  	(xrf1) =	vsort.dscd.msk.f32 $0xffff, v28, v30;
	vm2 =	vgt.f32 v51, v46;
	vm1 =	vmor vm3, vm1;
	vm3 =	vlt.s32 v52, v59;
	v31, v32, _ =	vpop (xrf1)  }
0x10a: {  	vm13 =	veq.f32 v57, v1;
	v27 =	vsel vm1, v48, v42;
	vm3 =	vmand vm12, vm3;
	v42, v48, _ =	vpop (xrf1)  }
0x10b: {  	v28 =	vsel vm1, v49, v56;
	vm1 =	vmor vm2, vm3;
	vm2 =	vlt.s32 v58, v60;
	v49, v25, _ =	vpop (xrf1)  }
0x10c: {  	(xrf1) =	vsort.ascd.msk.f32 $0xffff, v36, v43;
	vm3 =	vgt.f32 v57, v1;
	v30 =	vsel vm1, v52, v59;
	vm2 =	vmand vm13, vm2;
	v52, v56, _ =	vpop (xrf1)  }
0x10d: {  	vm2 =	vmor vm3, vm2;
	vm3 =	veq.f32 v52, v42;
	vm14 =	vlt.s32 v56, v48  }
0x10e: {  	(xrf1) =	vsort.dscd.msk.f32 $0xffff, v27, v28;
	v46 =	vsel vm1, v51, v46;
	vm1 =	vgt.f32 v52, v42;
	vm3 =	vmand vm3, vm14  }
0x10f: {  	(xrf1) =	vsort.dscd.msk.f32 $0xffff, v46, v30;
	v51 =	vsel vm2, v58, v60;
	v1 =	vsel vm2, v57, v1;
	vm1 =	vmor vm1, vm3  }
0x110: {  	(xrf1) =	vsort.dscd.msk.f32 $0xffff, v1, v51;
	v1 =	vsel vm1, v52, v42;
	v57 =	vsel vm1, v56, v48  }
0x111: {  	(erf) = vpow2.f32 v47;
	(xrf1) =	vsort.ascd.msk.f32 $0xffff, v1, v57  }
0x112: {  	v27 =	vnsel vm0, $0x0, v38;
	vm15 =	vlt.s32 v61, v55;
	vm9 =	veq.f32 v0, v54;
	v58 =	vpop (erf)  }
0x113: {  	vm10 =	vgt.f32 v0, v54;
	vm2 =	vlt.s32 v39, v37;
	vm4 =	vmand vm9, vm15;
	v42 =	vpop (erf)  }
0x114: {  	vm11 =	vlt.s32 v32, v63;
	vm12 =	veq.f32 v31, v62;
	vm1 =	veq.f32 v53, v50;
	v47, v48, _ =	vpop (xrf1)  }
0x115: {  	vm13 =	vgt.f32 v31, v62;
	vm3 =	vgt.f32 v53, v50;
	vm1 =	vmand vm1, vm2;
	v36 =	vpop (erf)  }
0x116: {  	v28 =	vnsel vm0, $0x0, v58;
	vm4 =	vmor vm10, vm4;
	vm1 =	vmor vm3, vm1;
	v38 =	vpop (erf)  }
0x117: {  	vm5 =	vmand vm12, vm11;
	v0 =	vsel vm4, v0, v54;
	v1 =	vsel vm1, v53, v50;
	v50, v51, _ =	vpop (xrf1)  }
0x118: {  	(xrf2) =	vadd.scan.msk.f32 $0xffff, v27;
	vm5 =	vmor vm13, vm5;
	v43 =	vpop (erf);
	vm7 =	veq.f32 v50, v47;
	vm14 =	vlt.s32 v51, v48  }
0x119: {  	(xrf2) =	vadd.scan.msk.f32 $0xffff, v28;
	v53 =	vsel vm4, v61, v55;
	v59 =	vpop (erf);
	vm15 =	vgt.f32 v50, v47;
	vm4 =	vmand vm7, vm14  }
0x11a: {  	vm9 =	vlt.s32 v40, v44;
	v32 =	vsel vm5, v32, v63;
	v60, v61, _ =	vpop (xrf1);
	vm4 =	vmor vm15, vm4  }
0x11b: {  	v33 =	vmul.f32 $1.442695020e+00, v33;
	v31 =	vsel vm5, v31, v62;
	(xrf1) =	vsort.ascd.msk.f32 $0xffff, v0, v53;
	v52 =	vpop (erf);
	v50 =	vsel vm4, v50, v47  }
0x11c: {  	vm3 =	veq.f32 v41, v45;
	v30 =	vnsel vm0, $0x0, v59;
	v56, v46, _ =	vpop (xrf1);
	(xrf1) =	vsort.dscd.msk.f32 $0xffff, v31, v32;
	v48 =	vsel vm4, v51, v48  }
0x11d: {  	vm2 =	vgt.f32 v41, v45;
	vm3 =	vmand vm3, vm9;
	(xrf2) =	vadd.scan.msk.f32 $0xffff, v30;
	v0, v53, _ =	vpop (xrf1)  }
0x11e: {  	(erf) = vpow2.f32 v33;
	vm2 =	vmor vm2, vm3;
	v47 =	vnsel vm0, $0x0, v52;
	(xrf1) =	vsort.dscd.msk.f32 $0xffff, v50, v48;
	v31, v32, _ =	vpop (xrf1)  }
0x11f: {  	vm3 =	veq.f32 v0, v60;
	vm10 =	vgt.f32 v0, v60;
	vm11 =	vlt.s32 v53, v61;
	v48, v50, _ =	vpop (xrf1)  }
0x120: {  	(xrf2) =	vadd.scan.msk.f32 $0xffff, v47;
	vm3 =	vmand vm3, vm11;
	vm12 =	veq.f32 v31, v48;
	vm13 =	vlt.s32 v32, v50  }
0x121: {  	vm3 =	vmor vm10, vm3;
	vm14 =	vgt.f32 v31, v48;
	vm5 =	vmand vm12, vm13  }
0x122: {  	v63, _, _ =	vpop (xrf2);
	v0 =	vsel vm3, v0, v60;
	v62 =	vsel vm3, v53, v61;
	vm3 =	vmor vm14, vm5  }
0x123: {  	v59, _, _ =	vpop (xrf2);
	v60 =	vmul.f32 $1.442695020e+00, v49;
	(xrf1) =	vsort.dscd.msk.f32 $0xffff, v0, v62;
	v0 =	vsel vm3, v31, v48;
	v55 =	vsel vm3, v32, v50  }
0x124: {  	v57 =	vsel vm1, v39, v37;
	v61 =	vbroadcast v59, $0xF;
	(xrf1) =	vsort.dscd.msk.f32 $0xffff, v0, v55;
	v0 =	vsel vm2, v40, v44  }
0x125: {  	(erf) = vpow2.f32 v60;
	(xrf1) =	vsort.ascd.msk.f32 $0xffff, v1, v57;
	v1 =	vbroadcast v63, $0xF  }
0x126: {  	v58 =	vsel vm2, v41, v45;
	(erf) = vrcp.f32 v61  }
0x127: {  	(xrf1) =	vsort.dscd.msk.f32 $0xffff, v58, v0;
	v0, _, _ =	vpop (xrf2);
	(erf) = vrcp.f32 v1  }
0x128: {  	v0 =	vbroadcast v0, $0xF  }
0x129: {  	v32, v33, _ =	vpop (xrf1)  }
0x12a: {  	v62, _, _ =	vpop (xrf2)  }
0x12b: {  	v31 =	vbroadcast v62, $0xF;
	v1, v63, _ =	vpop (xrf1);
	(erf) = vrcp.f32 v0  }
0x12c: {  	v55 =	vmul.f32 $1.442695020e+00, v56;
	v0, v40, _ =	vpop (xrf1)  }
0x12d: {  	v56 =	vpop (erf);
	(erf) = vrcp.f32 v31;
	v0 =	vmul.f32 $1.442695020e+00, v0  }
0x12e: {  	v57 =	vpop (erf);
	(erf) = vpow2.f32 v55  }
0x12f: {  	v39 =	vpop (erf)  }
0x130: {  	v53 =	vpop (erf)  }
0x131: {  	(erf) = vpow2.f32 v0;
	v0, v44, _ =	vpop (xrf1)  }
0x132: {  	v58, v48, _ =	vpop (xrf1)  }
0x133: {  	v60, v59, _ =	vpop (xrf1)  }
0x134: {  	vm1 =	veq.f32 v1, v32;
	vm3 =	vlt.s32 v63, v33;
	v54 =	vpop (erf)  }
0x135: {  	vm2 =	vgt.f32 v1, v32;
	vm1 =	vmand vm1, vm3;
	v61, v62, _ =	vpop (xrf1)  }
0x136: {  	v41 =	vnsel vm0, $0x0, v56;
	v31 =	vnsel vm0, $0x0, v57;
	vm1 =	vmor vm2, vm1;
	v55 =	vpop (erf)  }
0x137: {  	(xrf2) =	vadd.scan.msk.f32 $0xffff, v41;
	v63 =	vsel vm1, v63, v33;
	vm3 =	veq.f32 v61, v60;
	vm15 =	vlt.s32 v62, v59;
	v37 =	vpop (erf)  }
0x138: {  	(xrf2) =	vadd.scan.msk.f32 $0xffff, v31;
	vm2 =	vgt.f32 v61, v60;
	vm3 =	vmand vm3, vm15;
	v33 =	vnsel vm0, $0x0, v37  }
0x139: {  	v1 =	vsel vm1, v1, v32;
	vm1 =	vmor vm2, vm3;
	(xrf2) =	vadd.scan.msk.f32 $0xffff, v33  }
0x13a: {  	(xrf1) =	vsort.dscd.msk.f32 $0xffff, v1, v63;
	v1 =	vsel vm1, v61, v60;
	v51 =	vsel vm1, v62, v59  }
0x13b: {  	v52 =	vpop (erf);
	(xrf1) =	vsort.dscd.msk.f32 $0xffff, v1, v51  }
0x13c: {  	v1 =	vnsel vm0, $0x0, v52  }
0x13d: {  	(xrf2) =	vadd.scan.msk.f32 $0xffff, v1;
	_ =	sdelay $0x3  }
0x13e: {  	v56, _, _ =	vpop (xrf2);
	v0 =	vmul.f32 $1.442695020e+00, v0  }
0x13f: {  	v57, _, _ =	vpop (xrf2)  }
0x140: {  	v45 =	vmul.f32 $1.442695020e+00, v58;
	(erf) = vpow2.f32 v0;
	v58, _, _ =	vpop (xrf2)  }
0x141: {  	v0 =	vbroadcast v57, $0xF;
	v37 =	vbroadcast v58, $0xF;
	_ =	sdelay $0x1  }
0x142: {  	[tilespmem:v14+s22+$0x0] =	vst.idx.msk $0xff, v29;
	v32 =	vbroadcast v56, $0xF;
	(erf) = vpow2.f32 v45  }
0x143: {  	v2 =	vld [tilespmem:$0x1FFB0];
	(erf) = vrcp.f32 v0;
	v59, _, _ =	vpop (xrf2)  }
0x144: {  	(erf) = vrcp.f32 v32;
	v0, v49, _ =	vpop (xrf1);
	v45 =	vbroadcast v59, $0xF  }
0x145: {  	v0 =	vmul.f32 $1.442695020e+00, v0;
	(erf) = vrcp.f32 v37;
	v60, v37, _ =	vpop (xrf1)  }
0x146: {  	(erf) = vrcp.f32 v45;
	v32 =	vmul.f32 $1.442695020e+00, v60  }
0x147: {  	[tilespmem:v12+s22+$0x0] =	vst.idx.msk $0xff, v35;
	(erf) = vpow2.f32 v0  }
0x148: {  	[tilespmem:v15+s22+$0x0] =	vst.idx.msk $0xff, v2;
	(erf) = vpow2.f32 v32  }
0x149: {  	[tilespmem:v18+s22+$0x0] =	vst.idx.msk $0xff, v34;
	v20 =	vmul.f32 v42, v20  }
0x14a: {  	[tilespmem:v17+s22+$0x0] =	vst.idx.msk $0xff, v25;
	v21 =	vmul.f32 v36, v21;
	v0 =	vpop (erf)  }
0x14b: {  	[tilespmem:v8+s23+$0x0] =	vst.idx.msk $0xff, v20;
	v8 =	vmul.f32 v38, v23;
	v61 =	vpop (erf)  }
0x14c: {  	v38 =	vmul.f32 v43, v26;
	[tilespmem:v9+s23+$0x0] =	vst.idx.msk $0xff, v21;
	v45 =	vpop (erf)  }
0x14d: {  	[tilespmem:v10+s23+$0x0] =	vst.idx.msk $0xff, v8;
	v50 =	vpop (erf)  }
0x14e: {  	[tilespmem:v11+s23+$0x0] =	vst.idx.msk $0xff, v38;
	v43 =	vmul.f32 v39, v28;
	v0 =	vnsel vm0, $0x0, v0;
	v51 =	vpop (erf)  }
0x14f: {  	[tilespmem:v19+s22+$0x0] =	vst.idx.msk $0xff, v46;
	v32 =	vnsel vm0, $0x0, v61;
	(xrf2) =	vadd.scan.msk.f32 $0xffff, v0;
	v52 =	vpop (erf)  }
0x150: {  	[tilespmem:v14+s23+$0x0] =	vst.idx.msk $0xff, v43;
	(xrf2) =	vadd.scan.msk.f32 $0xffff, v32;
	v62 =	vpop (erf)  }
0x151: {  	[tilespmem:v16+s22+$0x0] =	vst.idx.msk $0xff, v40;
	v53 =	vmul.f32 v53, v27;
	v56 =	vnsel vm0, $0x0, v62;
	v63 =	vpop (erf)  }
0x152: {  	[tilespmem:v24+s22+$0x0] =	vst.idx.msk $0xff, v44;
	v57 =	vmul.f32 v54, v30;
	(xrf2) =	vadd.scan.msk.f32 $0xffff, v56;
	v29 =	vnsel vm0, $0x0, v63  }
0x153: {  	[tilespmem:v13+s23+$0x0] =	vst.idx.msk $0xff, v53;
	v58 =	vmul.f32 v55, v47;
	(xrf2) =	vadd.scan.msk.f32 $0xffff, v29  }
0x154: {  	[tilespmem:v15+s23+$0x0] =	vst.idx.msk $0xff, v57  }
0x155: {  	[tilespmem:v12+s23+$0x0] =	vst.idx.msk $0xff, v58  }
0x156: {  	v2 =	vld [tilespmem:$0x1FFC0];
	_ =	sdelay $0x2  }
0x157: {  	v8, _, _ =	vpop (xrf2)  }
0x158: {  	v42, _, _ =	vpop (xrf2)  }
0x159: {  	v9 =	vbroadcast v42, $0xF  }
0x15a: {  	v8 =	vbroadcast v8, $0xF;
	v59, _, _ =	vpop (xrf2)  }
0x15b: {  	(erf) = vrcp.f32 v9;
	v60 =	vbroadcast v59, $0xF;
	v61, _, _ =	vpop (xrf2)  }
0x15c: {  	[tilespmem:v2+s22+$0x0] =	vst.idx.msk $0xff, v48;
	(erf) = vrcp.f32 v8;
	v62 =	vbroadcast v61, $0xF  }
0x15d: {  	v10 =	vld [tilespmem:$0x1FFD0];
	(erf) = vrcp.f32 v60  }
0x15e: {  	v8 =	vmul.f32 v45, v31;
	(erf) = vrcp.f32 v62;
	_ =	sdelay $0x1  }
0x15f: {  	[tilespmem:v17+s23+$0x0] =	vst.idx.msk $0xff, v8;
	v8 =	vmul.f32 v51, v33  }
0x160: {  	v1 =	vmul.f32 v52, v1  }
0x161: {  	[tilespmem:v22+s22+$0x0] =	vst.idx.msk $0xff, v37  }
0x162: {  	[tilespmem:v16+s23+$0x0] =	vst.idx.msk $0xff, v1  }
0x163: {  	v63 =	vmul.f32 v50, v41;
	[tilespmem:v19+s23+$0x0] =	vst.idx.msk $0xff, v8;
	v8 =	vpop (erf)  }
0x164: {  	[tilespmem:v10+s22+$0x0] =	vst.idx.msk $0xff, v49;
	v1 =	vmul.f32 v8, v32;
	v8 =	vpop (erf)  }
0x165: {  	[tilespmem:v18+s23+$0x0] =	vst.idx.msk $0xff, v63;
	v0 =	vmul.f32 v8, v0;
	v8 =	vpop (erf)  }
0x166: {  	[tilespmem:v2+s23+$0x0] =	vst.idx.msk $0xff, v1;
	v1 =	vmul.f32 v8, v56;
	v8 =	vpop (erf)  }
0x167: {  	[tilespmem:v24+s23+$0x0] =	vst.idx.msk $0xff, v0;
	v8 =	vmul.f32 v8, v29  }
0x168: {  	[tilespmem:v10+s23+$0x0] =	vst.idx.msk $0xff, v1  }
0x169: {  	[tilespmem:v22+s23+$0x0] =	vst.idx.msk $0xff, v8  }
0x16a: {  	[hbm4b:s4+s2] =	stream.linear.scatter [tilespmem:s22], [sflag:$0x1], $0x400, $0x38;
	[tilespmem:$0x5000] =	vst v63  }
0x16b: {  	s24 =	sadd.s32 $0x1, s24;
	_ =	swait.ge [sflag:s21], $0x400  }
0x16c: {  	p0 =	sne.s32 s24, s6;
	[sflag:s21] =	ssyncset.done $0x0  }
.Ltmp1:
0x16d: {  	[sflag:s21] =	ssyncadd.s32 $0xFFFFFC00;
	(pc) =	sbr.rel @p0 .LBB2_1-.Ltmp1, $4  }
0x16e: {  	[hbm4b:s5+s2] =	stream.linear.scatter [tilespmem:s23], [sflag:$0x1], $0x400, $0x38;
	[tilespmem:$0x5000] =	vst v63  }
0x16f: {  	_ =	swait.ge [sflag:s21], $0x400  }
0x170: {  	[sflag:s21] =	ssyncset.done $0x0  }
0x171: {  	v2 =	vmov v3;
	[sflag:s21] =	ssyncadd.s32 $0xFFFFFC00  }
0x172: {  	_ =	sfence.sel $0x180000  }
0x173: {  	[bflag:$0x0] =	sbarrier.arrive $0xFFFF  }
0x174: {  	p0 =	sne.s32 s0, $0x0;
	_ =	strace $0x90000047  }
0x175: {  	s0 =	sadd.s32 @!p0 $0x100000, s1;
	[bflag:$0x2] =	sbarrier.arrive $0xFFFF  }
0x176: {  	[sflag:s0] =	ssyncadd.tile.s32 @!p0 $0x1;
	_ =	shalt  }
.Lfunc_end2:
_tile_overlayer_lowered:
.L_overlay_start_2:
0x177: {  	(tag) =	ssettag $0x2  }
0x178: {  	s0 =	rddreg [dreg:$0x0];
	s2 =	stileid.u32  }
0x179: {  	s1 =	rddreg [dreg:$0x1];
	p0 =	sne.s32 s2, $0x0  }
0x17a: {  	s3 =	rddreg [dreg:$0x2];
	[bflag:$0x3] =	sbarrier.arrive $0xFFFF;
	s2 =	simm.s32 @!p0 $0x1C01  }
0x17b: {  	[timem:s3], [sflag:s2] =	dma.local @!p0 [hbm:s0], s1  }
0x17c: {  	s0 =	simm.s32 @!p0 $0x1  }
0x17d: {  	_ =	swait.ge @!p0 [sflag:s0], s1  }
0x17e: {  	s1 =	ssub.s32 @!p0 $0x0, s1;
	[sflag:s0] =	ssyncset.done @!p0 $0x0  }
0x17f: {  	[sflag:s0] =	ssyncadd.s32 @!p0 s1  }
0x180: {  	[bflag:$0x3] =	sbarrier.arrive $0xFFFF  }
0x181: {  	_ =	shalt  }

</sc_bundles>
